<compile_context>
chip_gen: v7x
topology: tpu7x:2x2x1
jax: 0.10.2.dev20260603
libtpu: 0.0.44.dev20260713+nightly
codegen_flags: <defaults>
</compile_context>

<pallas_src>
import functools

import jax
import jax.numpy as jnp
import numpy as np
from jax import lax
from jax.experimental import pallas as pl
from jax.experimental.pallas import tpu as pltpu
from jax.experimental.pallas import tpu_sc as plsc

_NC = 80
_NA = 3
_B = 16
_NT = 320
_NCAND = 5120
_CPAD = 88
_HWS = ((80, 80), (40, 40), (20, 20))
_STRIDES = np.array([8.0, 16.0, 32.0], dtype=np.float32)
_ANCH = (np.array(
    [[10, 13, 16, 30, 33, 23],
     [30, 61, 62, 45, 59, 119],
     [116, 90, 156, 198, 373, 326]], dtype=np.float32)
    .reshape(3, 3, 2) / _STRIDES.reshape(3, 1, 1))
_BAL = (4.0, 1.0, 0.4)
_KEYBASE = (0, 0, 81920)
_DUMPBASE = (307200, 76800, 101120)
_SBUF = 312320
_EPL = _CPAD * _NCAND
_EPT = _EPL // 32


def _prep_kernel(tT_ref, meta_ref, idx_ref, keys_ref):
    r = lax.broadcasted_iota(jnp.int32, (16, _NT), 0)
    o = r // 3
    a = r % 3
    valid = jnp.where(r < 15, 1.0, 0.0).astype(jnp.float32)
    bf = tT_ref[0:1, :]
    clsf = tT_ref[1:2, :]
    for l in range(3):
        H, W = _HWS[l]
        xx = tT_ref[2:3, :] * float(W) + jnp.zeros((16, _NT), jnp.float32)
        yy = tT_ref[3:4, :] * float(H) + jnp.zeros((16, _NT), jnp.float32)
        ww = tT_ref[4:5, :] * float(W) + jnp.zeros((16, _NT), jnp.float32)
        hh = tT_ref[5:6, :] * float(H) + jnp.zeros((16, _NT), jnp.float32)
        aw = jnp.where(a == 0, float(_ANCH[l, 0, 0]),
             jnp.where(a == 1, float(_ANCH[l, 1, 0]), float(_ANCH[l, 2, 0])))
        ah = jnp.where(a == 0, float(_ANCH[l, 0, 1]),
             jnp.where(a == 1, float(_ANCH[l, 1, 1]), float(_ANCH[l, 2, 1])))
        rw = ww / aw
        rh = hh / ah
        mr = jnp.maximum(jnp.maximum(rw, 1.0 / rw), jnp.maximum(rh, 1.0 / rh))
        mself = jnp.where(mr < 4.0, 1.0, 0.0)
        remx = xx - jnp.floor(xx)
        remy = yy - jnp.floor(yy)
        one = jnp.ones((16, _NT), jnp.float32)
        zero = jnp.zeros((16, _NT), jnp.float32)
        lxc = jnp.where(remx < 0.5, one, zero) * jnp.where(xx > 1.0, one, zero)
        lyc = jnp.where(remy < 0.5, one, zero) * jnp.where(yy > 1.0, one, zero)
        gxc = (jnp.where(remx > 0.5, one, zero)
               * jnp.where(xx < float(W) - 1.0, one, zero))
        gyc = (jnp.where(remy > 0.5, one, zero)
               * jnp.where(yy < float(H) - 1.0, one, zero))
        cond = jnp.where(o == 0, one,
               jnp.where(o == 1, lxc,
               jnp.where(o == 2, lyc,
               jnp.where(o == 3, gxc, gyc))))
        maskf = mself * cond * valid
        offx = jnp.where(o == 1, 0.5, jnp.where(o == 3, -0.5, 0.0))
        offy = jnp.where(o == 2, 0.5, jnp.where(o == 4, -0.5, 0.0))
        gridx = jnp.clip((xx - offx).astype(jnp.int32), 0, W - 1)
        gridy = jnp.clip((yy - offy).astype(jnp.int32), 0, H - 1)
        bi = bf.astype(jnp.int32) + jnp.zeros((16, _NT), jnp.int32)
        meta_ref[l, 0] = maskf
        meta_ref[l, 1] = xx - gridx.astype(jnp.float32)
        meta_ref[l, 2] = yy - gridy.astype(jnp.float32)
        meta_ref[l, 3] = ww
        meta_ref[l, 4] = hh
        meta_ref[l, 5] = aw + jnp.zeros((16, _NT), jnp.float32)
        meta_ref[l, 6] = ah + jnp.zeros((16, _NT), jnp.float32)
        meta_ref[l, 7] = clsf + jnp.zeros((16, _NT), jnp.float32)
        base = ((bi * H + gridy) * W + gridx) * 255 + a * 85
        cix = lax.broadcasted_iota(jnp.int32, (_CPAD, 16, _NT), 0)
        cm = jnp.where(cix < 85, cix, cix - 85)
        idx_ref[l] = base[None, :, :] + cm
        flat = r * _NT + lax.broadcasted_iota(jnp.int32, (16, _NT), 1)
        pos = ((bi * 3 + a) * H + gridy) * W + gridx + _KEYBASE[l]
        keys_ref[l] = jnp.where(maskf > 0.0, pos, _DUMPBASE[l] + flat)


def _dense_kernel(p0_ref, p1_ref, p2_ref, out_ref):
    i = pl.program_id(0)

    @pl.when(i == 0)
    def _():
        for l in range(3):
            out_ref[l] = 0.0

    for l, ref in enumerate((p0_ref, p1_ref, p2_ref)):
        s = 0.0
        for ch in (4, 89, 174):
            x = ref[:, ch:ch + 1]
            s += jnp.sum(jnp.maximum(x, 0.0)
                         + jnp.log1p(jnp.exp(-jnp.abs(x))))
        out_ref[l] += s


def _sc_body(pf0, pf1, pf2, idx_hbm, keys_hbm, gath_hbm, win_hbm,
             idxv, gbuf, kv, idv, wv, sbuf, sem):
    c = lax.axis_index("c")
    s = lax.axis_index("s")
    wid = s * 2 + c
    for l, pf in enumerate((pf0, pf1, pf2)):
        pltpu.sync_copy(
            idx_hbm.at[pl.ds(l * _EPL + wid * _EPT, _EPT)], idxv)
        pltpu.async_copy(pf.at[idxv], gbuf, sem).wait()
        pltpu.sync_copy(
            gbuf, gath_hbm.at[pl.ds(l * _EPL + wid * _EPT, _EPT)])
    for q in range(4):
        for k in range(5):
            idv[q, pl.ds(k * 16, 16)] = (
                s * 320 + q * 80 + k * 16 + lax.iota(jnp.int32, 16))
    my_layers = ((0,), (1, 2))
    for ci in range(2):
        @pl.when(c == ci)
        def _():
            for l in my_layers[ci]:
                for j in range(4):
                    pltpu.sync_copy(
                        keys_hbm.at[pl.ds(l * _NCAND + s * 320 + j * 80, 80)],
                        kv.at[j])
                for j in range(4):
                    pltpu.sync_copy(idv.at[j], sbuf.at[kv.at[j]])
    plsc.subcore_barrier()
    for ci in range(2):
        @pl.when(c == ci)
        def _():
            for l in my_layers[ci]:
                for j in range(4):
                    pltpu.sync_copy(
                        keys_hbm.at[pl.ds(l * _NCAND + s * 320 + j * 80, 80)],
                        kv.at[j])
                for j in range(4):
                    pltpu.sync_copy(sbuf.at[kv.at[j]], wv.at[j])
                for j in range(4):
                    pltpu.sync_copy(
                        wv.at[j],
                        win_hbm.at[pl.ds(l * _NCAND + s * 320 + j * 80, 80)])


_sc_gather = functools.partial(
    pl.kernel,
    out_type=(jax.ShapeDtypeStruct((3 * _EPL,), jnp.float32),
              jax.ShapeDtypeStruct((3 * _NCAND,), jnp.int32)),
    mesh=plsc.VectorSubcoreMesh(core_axis_name="c", subcore_axis_name="s"),
    scratch_types=(
        pltpu.VMEM((_EPT,), jnp.int32),
        pltpu.VMEM((_EPT,), jnp.float32),
        pltpu.VMEM((4, 80), jnp.int32),
        pltpu.VMEM((4, 80), jnp.int32),
        pltpu.VMEM((4, 80), jnp.int32),
        pltpu.VMEM_SHARED((_SBUF,), jnp.int32),
        pltpu.SemaphoreType.DMA,
    ),
)(_sc_body)


def _final_kernel(gath_ref, meta_ref, win_ref, dense_ref, out_ref):
    lbox = 0.0
    lobj = 0.0
    lcls = 0.0
    cid = lax.broadcasted_iota(jnp.int32, (1, _NCAND), 1)
    crow = lax.broadcasted_iota(jnp.int32, (_NC, _NCAND), 0)
    for l in range(3):
        H, W = _HWS[l]
        mask = meta_ref[l, 0:1, :]
        gxr = meta_ref[l, 1:2, :]
        gyr = meta_ref[l, 2:3, :]
        gw = meta_ref[l, 3:4, :]
        gh = meta_ref[l, 4:5, :]
        aw = meta_ref[l, 5:6, :]
        ah = meta_ref[l, 6:7, :]
        clsf = meta_ref[l, 7:8, :]
        px = jax.nn.sigmoid(gath_ref[l, 0:1, :]) * 2.0 - 0.5
        py = jax.nn.sigmoid(gath_ref[l, 1:2, :]) * 2.0 - 0.5
        pw = jnp.square(jax.nn.sigmoid(gath_ref[l, 2:3, :]) * 2.0) * aw
        ph = jnp.square(jax.nn.sigmoid(gath_ref[l, 3:4, :]) * 2.0) * ah
        a_xmin = px - (pw - 1.0) / 2.0
        a_xmax = px + (pw - 1.0) / 2.0
        a_ymin = py - (ph - 1.0) / 2.0
        a_ymax = py + (ph - 1.0) / 2.0
        b_xmin = gxr - (gw - 1.0) / 2.0
        b_xmax = gxr + (gw - 1.0) / 2.0
        b_ymin = gyr - (gh - 1.0) / 2.0
        b_ymax = gyr + (gh - 1.0) / 2.0
        iw = jnp.clip(jnp.minimum(a_xmax, b_xmax)
                      - jnp.maximum(a_xmin, b_xmin) + 1.0, 0.0)
        ih = jnp.clip(jnp.minimum(a_ymax, b_ymax)
                      - jnp.maximum(a_ymin, b_ymin) + 1.0, 0.0)
        inter = iw * ih
        union = pw * ph + gw * gh - inter
        iou = inter / union
        cw = jnp.maximum(a_xmax, b_xmax) - jnp.minimum(a_xmin, b_xmin) + 1.0
        ch = jnp.maximum(a_ymax, b_ymax) - jnp.minimum(a_ymin, b_ymin) + 1.0
        ca = cw * ch
        giou = iou - (ca - union) / ca
        cnt = jnp.sum(mask)
        box_sum = jnp.sum(mask * (1.0 - giou))
        lbox += jnp.where(cnt > 0.0, box_sum / jnp.maximum(cnt, 1.0), 0.0)
        lobj_logit = gath_ref[l, 4:5, :]
        winm = ((win_ref[l:l + 1, :] == cid) & (mask > 0.0)).astype(jnp.float32)
        corr = jnp.sum(winm * lobj_logit * jnp.clip(giou, 0.0))
        lobj += (dense_ref[l] - corr) / float(_B * _NA * H * W) * _BAL[l]
        ocls = gath_ref[l, 5:85, :]
        ct = (crow == clsf.astype(jnp.int32)).astype(jnp.float32)
        bce = (jnp.maximum(ocls, 0.0) - ocls * ct
               + jnp.log1p(jnp.exp(-jnp.abs(ocls))))
        cls_sum = jnp.sum(bce * mask)
        lcls += jnp.where(cnt > 0.0,
                          cls_sum / (jnp.maximum(cnt, 1.0) * float(_NC)), 0.0)
    out_ref[0] = (lbox * 0.05 + lobj * 1.0 + lcls * 0.5) * float(_B)


def kernel(p0, p1, p2, targets):
    tT = targets.T
    pt0 = p0.transpose(0, 2, 3, 1).reshape(16 * 80 * 80, 255)
    pt1 = p1.transpose(0, 2, 3, 1).reshape(16 * 40 * 40, 255)
    pt2 = p2.transpose(0, 2, 3, 1).reshape(16 * 20 * 20, 255)
    meta, idx, keys = pl.pallas_call(
        _prep_kernel,
        out_shape=(
            jax.ShapeDtypeStruct((3, 8, 16, _NT), jnp.float32),
            jax.ShapeDtypeStruct((3, _CPAD, 16, _NT), jnp.int32),
            jax.ShapeDtypeStruct((3, 16, _NT), jnp.int32),
        ),
    )(tT)
    dense = pl.pallas_call(
        _dense_kernel,
        grid=(100,),
        in_specs=[
            pl.BlockSpec((1024, 255), lambda i: (i, 0)),
            pl.BlockSpec((256, 255), lambda i: (i, 0)),
            pl.BlockSpec((64, 255), lambda i: (i, 0)),
        ],
        out_specs=pl.BlockSpec(memory_space=pltpu.SMEM),
        out_shape=jax.ShapeDtypeStruct((3,), jnp.float32),
    )(pt0, pt1, pt2)
    gath, win = _sc_gather(
        pt0.reshape(-1), pt1.reshape(-1), pt2.reshape(-1),
        idx.reshape(-1),
        keys.reshape(-1),
    )
    loss = pl.pallas_call(
        _final_kernel,
        in_specs=[
            pl.BlockSpec((3, _CPAD, _NCAND), lambda: (0, 0, 0)),
            pl.BlockSpec((3, 8, _NCAND), lambda: (0, 0, 0)),
            pl.BlockSpec((3, _NCAND), lambda: (0, 0)),
            pl.BlockSpec(memory_space=pltpu.SMEM),
        ],
        out_specs=pl.BlockSpec(memory_space=pltpu.SMEM),
        out_shape=jax.ShapeDtypeStruct((1,), jnp.float32),
    )(gath.reshape(3, _CPAD, _NCAND), meta.reshape(3, 8, _NCAND),
      win.reshape(3, _NCAND), dense)
    return loss[0]

# --- scband reference (transcript-rebuilt; emitter-appended) ---
"""Pipeline reference for scband-yolo-head-46634754900607 (READ-ONLY COPY).

The authoritative reference and input builder live on the scoring server;
editing this copy changes nothing except your own understanding.
"""

import jax, jax.numpy as jnp
import numpy as np

NUM_CLASSES = 80
NA = 3
STRIDES = np.array([8.0, 16.0, 32.0], dtype=np.float32)
ANCHORS = (np.array([[10, 13, 16, 30, 33, 23], [30, 61, 62, 45, 59, 119], [116, 90, 156, 198, 373, 326]], dtype=np.float32).reshape(3, 3, 2) / STRIDES.reshape(3, 1, 1))
OFFSET_BOUNDARY = np.array([[1.0, 0.0], [0.0, 1.0], [-1.0, 0.0], [0.0, -1.0]], dtype=np.float32)
BALANCE = [4.0, 1.0, 0.4]
ANCHOR_T = 4.0
BOX_WEIGHT = 0.05
OBJ_WEIGHT = 1.0
CLS_WEIGHT = 0.5 * NUM_CLASSES / 80.0


def _bce_with_logits_mean(logits, tgt):
    return jnp.mean(jnp.maximum(logits, 0.0) - logits * tgt + jnp.log1p(jnp.exp(-jnp.abs(logits))))


def _giou(a, b):
    a_xmin = a[:, 0] - (a[:, 2] - 1.0) / 2.0; a_xmax = a[:, 0] + (a[:, 2] - 1.0) / 2.0
    a_ymin = a[:, 1] - (a[:, 3] - 1.0) / 2.0; a_ymax = a[:, 1] + (a[:, 3] - 1.0) / 2.0
    b_xmin = b[:, 0] - (b[:, 2] - 1.0) / 2.0; b_xmax = b[:, 0] + (b[:, 2] - 1.0) / 2.0
    b_ymin = b[:, 1] - (b[:, 3] - 1.0) / 2.0; b_ymax = b[:, 1] + (b[:, 3] - 1.0) / 2.0
    inter_w = jnp.clip(jnp.minimum(a_xmax, b_xmax) - jnp.maximum(a_xmin, b_xmin) + 1.0, 0.0)
    inter_h = jnp.clip(jnp.minimum(a_ymax, b_ymax) - jnp.maximum(a_ymin, b_ymin) + 1.0, 0.0)
    inter_area = inter_w * inter_h
    union = a[:, 2] * a[:, 3] + b[:, 2] * b[:, 3] - inter_area
    iou = inter_area / union
    cw = jnp.maximum(a_xmax, b_xmax) - jnp.minimum(a_xmin, b_xmin) + 1.0
    ch = jnp.maximum(a_ymax, b_ymax) - jnp.minimum(a_ymin, b_ymin) + 1.0
    ca = cw * ch
    return iou - (ca - union) / ca


def _yolo_loss(layers, targets):
    num_target = targets.shape[0]
    loss_box = jnp.float32(0.0); loss_obj = jnp.float32(0.0); loss_cls = jnp.float32(0.0)
    for ilayer, layer in enumerate(layers):
        B = layer.shape[0]
        H, W = layer.shape[-2], layer.shape[-1]
        layer = layer.reshape(B, NA, 5 + NUM_CLASSES, H, W).transpose(0, 1, 3, 4, 2)
        gain = jnp.array([1.0, 1.0, W, H, W, H], dtype=jnp.float32)
        tfs = targets * gain
        anchors = jnp.asarray(ANCHORS[ilayer])
        anchors_wh = anchors.reshape(NA, 1, 2)
        t_wh = tfs[:, 4:6].reshape(1, num_target, 2)
        r = t_wh / anchors_wh
        max_r = jnp.max(jnp.maximum(r, 1.0 / r), axis=2)
        select_mask = max_r < ANCHOR_T
        N = NA * num_target
        msel = select_mask.reshape(N)
        sel_t = jnp.tile(tfs, (NA, 1, 1)).reshape(N, 6)
        obj_pred = layer[..., 4]
        obj_gt = jnp.zeros(obj_pred.shape, dtype=jnp.float32)
        anc_base = jnp.tile(jnp.arange(NA).reshape(NA, 1), (1, num_target)).reshape(N)
        sel_xy = sel_t[:, 2:4]
        rem = sel_xy % 1.0
        less = (rem < 0.5) & (sel_xy > 1.0)
        high = gain[jnp.array([2, 3])] - 1.0
        greater = (rem > 0.5) & (sel_xy < high)
        lx = less[:, 0]; ly = less[:, 1]; gx = greater[:, 0]; gy = greater[:, 1]
        mask5 = jnp.concatenate([msel, msel & lx, msel & ly, msel & gx, msel & gy], axis=0)
        anc_idx = jnp.tile(anc_base, 5)
        sel_t2 = jnp.tile(sel_t, (5, 1))
        z = jnp.zeros((N, 2), dtype=jnp.float32)
        OB = jnp.asarray(OFFSET_BOUNDARY)
        xy_off = jnp.concatenate([z, z + OB[0], z + OB[1], z + OB[2], z + OB[3]], axis=0) * 0.5
        M2 = sel_t2.shape[0]
        cnt = jnp.sum(mask5.astype(jnp.float32))
        maskf = mask5.astype(jnp.float32)
        gt_img = sel_t2[:, 0].astype(jnp.int32)
        gt_cls = sel_t2[:, 1].astype(jnp.int32)
        gt_xy = sel_t2[:, 2:4]
        gt_wh = sel_t2[:, 4:6]
        grid = (gt_xy - xy_off).astype(jnp.int32)
        grid_x = grid[:, 0]; grid_y = grid[:, 1]
        gt_xy = gt_xy - grid.astype(jnp.float32)
        sel_anchors = anchors[anc_idx]
        op = layer[gt_img, anc_idx, grid_y, grid_x]
        op_xy = jax.nn.sigmoid(op[:, 0:2]) * 2.0 - 0.5
        op_wh = jnp.square(jax.nn.sigmoid(op[:, 2:4]) * 2.0) * sel_anchors
        pbox = jnp.concatenate([op_xy, op_wh], axis=1)
        gbox = jnp.concatenate([gt_xy, gt_wh], axis=1)
        gious = _giou(pbox, gbox)
        box_sum = jnp.sum(jnp.where(mask5, 1.0 - gious, 0.0))
        loss_box = loss_box + jnp.where(cnt > 0.0, box_sum / jnp.maximum(cnt, 1.0), 0.0)
        safe_img = jnp.where(mask5, gt_img, -1)
        obj_gt = obj_gt.at[safe_img, anc_idx, grid_y, grid_x].set(jnp.clip(jax.lax.stop_gradient(gious), 0.0), mode='drop')
        if NUM_CLASSES > 1:
            ocls = op[:, 5:]
            ct = jnp.zeros(ocls.shape, dtype=jnp.float32).at[jnp.arange(M2), gt_cls].set(1.0)
            bce = jnp.maximum(ocls, 0.0) - ocls * ct + jnp.log1p(jnp.exp(-jnp.abs(ocls)))
            cls_sum = jnp.sum(bce * maskf[:, None])
            loss_cls = loss_cls + jnp.where(cnt > 0.0, cls_sum / (jnp.maximum(cnt, 1.0) * NUM_CLASSES), 0.0)
        loss_obj = loss_obj + _bce_with_logits_mean(obj_pred, obj_gt) * BALANCE[ilayer]
    num_level = len(layers)
    scale = 3.0 / num_level
    batch_size = layers[0].shape[0]
    loss = loss_box * BOX_WEIGHT * scale + loss_obj * OBJ_WEIGHT * scale + loss_cls * CLS_WEIGHT * scale
    return loss * batch_size


def setup_inputs(seed: int = 0) -> dict:
    key = jax.random.key(seed)
    ks = jax.random.split(key, 7)
    B = 16
    NT = 320
    p0 = jax.random.normal(ks[0], (B, 255, 80, 80), dtype=jnp.float32)
    p1 = jax.random.normal(ks[1], (B, 255, 40, 40), dtype=jnp.float32)
    p2 = jax.random.normal(ks[2], (B, 255, 20, 20), dtype=jnp.float32)
    img = jax.random.randint(ks[3], (NT, 1), 0, B).astype(jnp.float32)
    cls = jax.random.randint(ks[4], (NT, 1), 0, NUM_CLASSES).astype(jnp.float32)
    xy = jax.random.uniform(ks[5], (NT, 2), minval=0.05, maxval=0.95, dtype=jnp.float32)
    wh = jax.random.uniform(ks[6], (NT, 2), minval=0.02, maxval=0.30, dtype=jnp.float32)
    targets = jnp.concatenate([img, cls, xy, wh], axis=1)
    return {"p0": p0, "p1": p1, "p2": p2, "targets": targets}


def reference(p0, p1, p2, targets):
    return _yolo_loss([p0, p1, p2], targets)

if __name__ == "__main__":
    import jax
    _d = setup_inputs()
    print(jax.jit(kernel)(*tuple(_d.values())))

</pallas_src>

<mosaic_0001>
#map = affine_map<(d0, d1) -> (0)>
module attributes {stable_mosaic.version = 14 : i64} {
  func.func @_sc_body(%arg0: i32, %arg1: i32, %arg2: memref<26112000xf32, #tpu.memory_space<hbm>>, %arg3: memref<6528000xf32, #tpu.memory_space<hbm>>, %arg4: memref<1632000xf32, #tpu.memory_space<hbm>>, %arg5: memref<1351680xi32, #tpu.memory_space<hbm>>, %arg6: memref<15360xi32, #tpu.memory_space<hbm>>, %arg7: memref<1351680xf32, #tpu.memory_space<hbm>>, %arg8: memref<15360xi32, #tpu.memory_space<hbm>>, %arg9: memref<14080xi32, #tpu.memory_space<vmem>>, %arg10: memref<14080xf32, #tpu.memory_space<vmem>>, %arg11: memref<4x80xi32, #tpu.memory_space<vmem>>, %arg12: memref<4x80xi32, #tpu.memory_space<vmem>>, %arg13: memref<4x80xi32, #tpu.memory_space<vmem>>, %arg14: memref<312320xi32, #tpu.memory_space<vmem_shared>>, %arg15: memref<!tpu.dma_semaphore, #tpu.memory_space<semaphore_mem>>) attributes {dimension_semantics = [#tpu.dimension_semantics<core_parallel>, #tpu.dimension_semantics<subcore_parallel>], iteration_bounds = array<i64: 2, 16>, scalar_prefetch = 0 : i64, scratch_operands = 7 : i64, tpu.core_type = #tpu.core_type<sc_vector_subcore>, window_params = [{transform_indices = #map}, {transform_indices = #map}, {transform_indices = #map}, {transform_indices = #map}, {transform_indices = #map}, {transform_indices = #map}, {transform_indices = #map}]} {
    %mul3A = arith.constant 2 : i32
    %mul3A_0 = arith.muli %arg1, %mul3A : i32
    %add3A = arith.addi %mul3A_0, %arg0 : i32
    %mul3A_1 = arith.constant 14080 : i32
    %mul3A_2 = arith.muli %add3A, %mul3A_1 : i32
    %add3A_3 = arith.constant 0 : i32
    %add3A_4 = arith.addi %add3A_3, %mul3A_2 : i32
    "tpu.region"() ({
      %run_scoped3A = tpu.sem_alloc : memref<!tpu.dma_semaphore, #tpu.memory_space<semaphore_mem>>
      %dma_start3A_350 = tpu.memref_slice %arg5[%add3A_4] : memref<1351680xi32, #tpu.memory_space<hbm>> -> memref<14080xi32, #tpu.memory_space<hbm>>
      %dma_start3A_351 = tpu.memref_slice %arg5[%add3A_4] : memref<1351680xi32, #tpu.memory_space<hbm>> -> memref<14080xi32, #tpu.memory_space<hbm>>
      tpu.enqueue_dma source(%dma_start3A_351 : memref<14080xi32, #tpu.memory_space<hbm>>) target(%arg9 : memref<14080xi32, #tpu.memory_space<vmem>>) target_semaphore(%run_scoped3A : memref<!tpu.dma_semaphore, #tpu.memory_space<semaphore_mem>>)
      %dma_wait3A_352 = tpu.memref_slice %arg5[%add3A_4] : memref<1351680xi32, #tpu.memory_space<hbm>> -> memref<14080xi32, #tpu.memory_space<hbm>>
      %dma_wait3A_353 = tpu.memref_slice %arg5[%add3A_4] : memref<1351680xi32, #tpu.memory_space<hbm>> -> memref<14080xi32, #tpu.memory_space<hbm>>
      tpu.wait_dma2 semaphore(%run_scoped3A : memref<!tpu.dma_semaphore, #tpu.memory_space<semaphore_mem>>) src(%dma_wait3A_353 : memref<14080xi32, #tpu.memory_space<hbm>>) dst(%arg9 : memref<14080xi32, #tpu.memory_space<vmem>>)
      tpu.yield
    }) : () -> ()
    %dma_start3A = arith.constant 0 : i32
    %dma_start3A_5 = tpu.memref_slice %arg2[%dma_start3A] : memref<26112000xf32, #tpu.memory_space<hbm>> -> memref<26112000xf32, #tpu.memory_space<hbm>>
    tpu.enqueue_indirect_dma source(%dma_start3A_5 : memref<26112000xf32, #tpu.memory_space<hbm>>) target(%arg10 : memref<14080xf32, #tpu.memory_space<vmem>>) offsets(%arg9 : memref<14080xi32, #tpu.memory_space<vmem>>) semaphore(%arg15 : memref<!tpu.dma_semaphore, #tpu.memory_space<semaphore_mem>>)
    %dma_wait3A = arith.constant 0 : i32
    %dma_wait3A_6 = tpu.memref_slice %arg2[%dma_wait3A] : memref<26112000xf32, #tpu.memory_space<hbm>> -> memref<26112000xf32, #tpu.memory_space<hbm>>
    tpu.wait_indirect_dma semaphore(%arg15 : memref<!tpu.dma_semaphore, #tpu.memory_space<semaphore_mem>>) src(%dma_wait3A_6 : memref<26112000xf32, #tpu.memory_space<hbm>>) dst(%arg10 : memref<14080xf32, #tpu.memory_space<vmem>>)
    %mul3A_7 = arith.constant 14080 : i32
    %mul3A_8 = arith.muli %add3A, %mul3A_7 : i32
    %add3A_9 = arith.constant 0 : i32
    %add3A_10 = arith.addi %add3A_9, %mul3A_8 : i32
    "tpu.region"() ({
      %run_scoped3A = tpu.sem_alloc : memref<!tpu.dma_semaphore, #tpu.memory_space<semaphore_mem>>
      %dma_start3A_350 = tpu.memref_slice %arg7[%add3A_10] : memref<1351680xf32, #tpu.memory_space<hbm>> -> memref<14080xf32, #tpu.memory_space<hbm>>
      %dma_start3A_351 = tpu.memref_slice %arg7[%add3A_10] : memref<1351680xf32, #tpu.memory_space<hbm>> -> memref<14080xf32, #tpu.memory_space<hbm>>
      tpu.enqueue_dma source(%arg10 : memref<14080xf32, #tpu.memory_space<vmem>>) target(%dma_start3A_351 : memref<14080xf32, #tpu.memory_space<hbm>>) target_semaphore(%run_scoped3A : memref<!tpu.dma_semaphore, #tpu.memory_space<semaphore_mem>>)
      %dma_wait3A_352 = tpu.memref_slice %arg7[%add3A_10] : memref<1351680xf32, #tpu.memory_space<hbm>> -> memref<14080xf32, #tpu.memory_space<hbm>>
      %dma_wait3A_353 = tpu.memref_slice %arg7[%add3A_10] : memref<1351680xf32, #tpu.memory_space<hbm>> -> memref<14080xf32, #tpu.memory_space<hbm>>
      tpu.wait_dma2 semaphore(%run_scoped3A : memref<!tpu.dma_semaphore, #tpu.memory_space<semaphore_mem>>) src(%arg10 : memref<14080xf32, #tpu.memory_space<vmem>>) dst(%dma_wait3A_353 : memref<14080xf32, #tpu.memory_space<hbm>>)
      tpu.yield
    }) : () -> ()
    %mul3A_11 = arith.constant 14080 : i32
    %mul3A_12 = arith.muli %add3A, %mul3A_11 : i32
    %add3A_13 = arith.constant 450560 : i32
    %add3A_14 = arith.addi %add3A_13, %mul3A_12 : i32
    "tpu.region"() ({
      %run_scoped3A = tpu.sem_alloc : memref<!tpu.dma_semaphore, #tpu.memory_space<semaphore_mem>>
      %dma_start3A_350 = tpu.memref_slice %arg5[%add3A_14] : memref<1351680xi32, #tpu.memory_space<hbm>> -> memref<14080xi32, #tpu.memory_space<hbm>>
      %dma_start3A_351 = tpu.memref_slice %arg5[%add3A_14] : memref<1351680xi32, #tpu.memory_space<hbm>> -> memref<14080xi32, #tpu.memory_space<hbm>>
      tpu.enqueue_dma source(%dma_start3A_351 : memref<14080xi32, #tpu.memory_space<hbm>>) target(%arg9 : memref<14080xi32, #tpu.memory_space<vmem>>) target_semaphore(%run_scoped3A : memref<!tpu.dma_semaphore, #tpu.memory_space<semaphore_mem>>)
      %dma_wait3A_352 = tpu.memref_slice %arg5[%add3A_14] : memref<1351680xi32, #tpu.memory_space<hbm>> -> memref<14080xi32, #tpu.memory_space<hbm>>
      %dma_wait3A_353 = tpu.memref_slice %arg5[%add3A_14] : memref<1351680xi32, #tpu.memory_space<hbm>> -> memref<14080xi32, #tpu.memory_space<hbm>>
      tpu.wait_dma2 semaphore(%run_scoped3A : memref<!tpu.dma_semaphore, #tpu.memory_space<semaphore_mem>>) src(%dma_wait3A_353 : memref<14080xi32, #tpu.memory_space<hbm>>) dst(%arg9 : memref<14080xi32, #tpu.memory_space<vmem>>)
      tpu.yield
    }) : () -> ()
    %dma_start3A_15 = arith.constant 0 : i32
    %dma_start3A_16 = tpu.memref_slice %arg3[%dma_start3A_15] : memref<6528000xf32, #tpu.memory_space<hbm>> -> memref<6528000xf32, #tpu.memory_space<hbm>>
    tpu.enqueue_indirect_dma source(%dma_start3A_16 : memref<6528000xf32, #tpu.memory_space<hbm>>) target(%arg10 : memref<14080xf32, #tpu.memory_space<vmem>>) offsets(%arg9 : memref<14080xi32, #tpu.memory_space<vmem>>) semaphore(%arg15 : memref<!tpu.dma_semaphore, #tpu.memory_space<semaphore_mem>>)
    %dma_wait3A_17 = arith.constant 0 : i32
    %dma_wait3A_18 = tpu.memref_slice %arg3[%dma_wait3A_17] : memref<6528000xf32, #tpu.memory_space<hbm>> -> memref<6528000xf32, #tpu.memory_space<hbm>>
    tpu.wait_indirect_dma semaphore(%arg15 : memref<!tpu.dma_semaphore, #tpu.memory_space<semaphore_mem>>) src(%dma_wait3A_18 : memref<6528000xf32, #tpu.memory_space<hbm>>) dst(%arg10 : memref<14080xf32, #tpu.memory_space<vmem>>)
    %mul3A_19 = arith.constant 14080 : i32
    %mul3A_20 = arith.muli %add3A, %mul3A_19 : i32
    %add3A_21 = arith.constant 450560 : i32
    %add3A_22 = arith.addi %add3A_21, %mul3A_20 : i32
    "tpu.region"() ({
      %run_scoped3A = tpu.sem_alloc : memref<!tpu.dma_semaphore, #tpu.memory_space<semaphore_mem>>
      %dma_start3A_350 = tpu.memref_slice %arg7[%add3A_22] : memref<1351680xf32, #tpu.memory_space<hbm>> -> memref<14080xf32, #tpu.memory_space<hbm>>
      %dma_start3A_351 = tpu.memref_slice %arg7[%add3A_22] : memref<1351680xf32, #tpu.memory_space<hbm>> -> memref<14080xf32, #tpu.memory_space<hbm>>
      tpu.enqueue_dma source(%arg10 : memref<14080xf32, #tpu.memory_space<vmem>>) target(%dma_start3A_351 : memref<14080xf32, #tpu.memory_space<hbm>>) target_semaphore(%run_scoped3A : memref<!tpu.dma_semaphore, #tpu.memory_space<semaphore_mem>>)
      %dma_wait3A_352 = tpu.memref_slice %arg7[%add3A_22] : memref<1351680xf32, #tpu.memory_space<hbm>> -> memref<14080xf32, #tpu.memory_space<hbm>>
      %dma_wait3A_353 = tpu.memref_slice %arg7[%add3A_22] : memref<1351680xf32, #tpu.memory_space<hbm>> -> memref<14080xf32, #tpu.memory_space<hbm>>
      tpu.wait_dma2 semaphore(%run_scoped3A : memref<!tpu.dma_semaphore, #tpu.memory_space<semaphore_mem>>) src(%arg10 : memref<14080xf32, #tpu.memory_space<vmem>>) dst(%dma_wait3A_353 : memref<14080xf32, #tpu.memory_space<hbm>>)
      tpu.yield
    }) : () -> ()
    %mul3A_23 = arith.constant 14080 : i32
    %mul3A_24 = arith.muli %add3A, %mul3A_23 : i32
    %add3A_25 = arith.constant 901120 : i32
    %add3A_26 = arith.addi %add3A_25, %mul3A_24 : i32
    "tpu.region"() ({
      %run_scoped3A = tpu.sem_alloc : memref<!tpu.dma_semaphore, #tpu.memory_space<semaphore_mem>>
      %dma_start3A_350 = tpu.memref_slice %arg5[%add3A_26] : memref<1351680xi32, #tpu.memory_space<hbm>> -> memref<14080xi32, #tpu.memory_space<hbm>>
      %dma_start3A_351 = tpu.memref_slice %arg5[%add3A_26] : memref<1351680xi32, #tpu.memory_space<hbm>> -> memref<14080xi32, #tpu.memory_space<hbm>>
      tpu.enqueue_dma source(%dma_start3A_351 : memref<14080xi32, #tpu.memory_space<hbm>>) target(%arg9 : memref<14080xi32, #tpu.memory_space<vmem>>) target_semaphore(%run_scoped3A : memref<!tpu.dma_semaphore, #tpu.memory_space<semaphore_mem>>)
      %dma_wait3A_352 = tpu.memref_slice %arg5[%add3A_26] : memref<1351680xi32, #tpu.memory_space<hbm>> -> memref<14080xi32, #tpu.memory_space<hbm>>
      %dma_wait3A_353 = tpu.memref_slice %arg5[%add3A_26] : memref<1351680xi32, #tpu.memory_space<hbm>> -> memref<14080xi32, #tpu.memory_space<hbm>>
      tpu.wait_dma2 semaphore(%run_scoped3A : memref<!tpu.dma_semaphore, #tpu.memory_space<semaphore_mem>>) src(%dma_wait3A_353 : memref<14080xi32, #tpu.memory_space<hbm>>) dst(%arg9 : memref<14080xi32, #tpu.memory_space<vmem>>)
      tpu.yield
    }) : () -> ()
    %dma_start3A_27 = arith.constant 0 : i32
    %dma_start3A_28 = tpu.memref_slice %arg4[%dma_start3A_27] : memref<1632000xf32, #tpu.memory_space<hbm>> -> memref<1632000xf32, #tpu.memory_space<hbm>>
    tpu.enqueue_indirect_dma source(%dma_start3A_28 : memref<1632000xf32, #tpu.memory_space<hbm>>) target(%arg10 : memref<14080xf32, #tpu.memory_space<vmem>>) offsets(%arg9 : memref<14080xi32, #tpu.memory_space<vmem>>) semaphore(%arg15 : memref<!tpu.dma_semaphore, #tpu.memory_space<semaphore_mem>>)
    %dma_wait3A_29 = arith.constant 0 : i32
    %dma_wait3A_30 = tpu.memref_slice %arg4[%dma_wait3A_29] : memref<1632000xf32, #tpu.memory_space<hbm>> -> memref<1632000xf32, #tpu.memory_space<hbm>>
    tpu.wait_indirect_dma semaphore(%arg15 : memref<!tpu.dma_semaphore, #tpu.memory_space<semaphore_mem>>) src(%dma_wait3A_30 : memref<1632000xf32, #tpu.memory_space<hbm>>) dst(%arg10 : memref<14080xf32, #tpu.memory_space<vmem>>)
    %mul3A_31 = arith.constant 14080 : i32
    %mul3A_32 = arith.muli %add3A, %mul3A_31 : i32
    %add3A_33 = arith.constant 901120 : i32
    %add3A_34 = arith.addi %add3A_33, %mul3A_32 : i32
    "tpu.region"() ({
      %run_scoped3A = tpu.sem_alloc : memref<!tpu.dma_semaphore, #tpu.memory_space<semaphore_mem>>
      %dma_start3A_350 = tpu.memref_slice %arg7[%add3A_34] : memref<1351680xf32, #tpu.memory_space<hbm>> -> memref<14080xf32, #tpu.memory_space<hbm>>
      %dma_start3A_351 = tpu.memref_slice %arg7[%add3A_34] : memref<1351680xf32, #tpu.memory_space<hbm>> -> memref<14080xf32, #tpu.memory_space<hbm>>
      tpu.enqueue_dma source(%arg10 : memref<14080xf32, #tpu.memory_space<vmem>>) target(%dma_start3A_351 : memref<14080xf32, #tpu.memory_space<hbm>>) target_semaphore(%run_scoped3A : memref<!tpu.dma_semaphore, #tpu.memory_space<semaphore_mem>>)
      %dma_wait3A_352 = tpu.memref_slice %arg7[%add3A_34] : memref<1351680xf32, #tpu.memory_space<hbm>> -> memref<14080xf32, #tpu.memory_space<hbm>>
      %dma_wait3A_353 = tpu.memref_slice %arg7[%add3A_34] : memref<1351680xf32, #tpu.memory_space<hbm>> -> memref<14080xf32, #tpu.memory_space<hbm>>
      tpu.wait_dma2 semaphore(%run_scoped3A : memref<!tpu.dma_semaphore, #tpu.memory_space<semaphore_mem>>) src(%arg10 : memref<14080xf32, #tpu.memory_space<vmem>>) dst(%dma_wait3A_353 : memref<14080xf32, #tpu.memory_space<hbm>>)
      tpu.yield
    }) : () -> ()
    %mul3A_35 = arith.constant 320 : i32
    %mul3A_36 = arith.muli %arg1, %mul3A_35 : i32
    %add3A_37 = arith.constant 0 : i32
    %add3A_38 = arith.addi %mul3A_36, %add3A_37 : i32
    %add3A_39 = arith.constant 0 : i32
    %add3A_40 = arith.addi %add3A_38, %add3A_39 : i32
    %iota3A = tpu.iota {dimensions = array<i32: 0>} : vector<16xi32>
    %add3A_41 = vector.broadcast %add3A_40 : i32 to vector<16xi32>
    %add3A_42 = arith.addi %add3A_41, %iota3A : vector<16xi32>
    %swap3A = arith.constant 0 : i32
    %swap3A_43 = arith.index_cast %swap3A : i32 to index
    %swap3A_44 = arith.constant 0 : index
    %swap3A_45 = tpu.vector_load %arg12[%swap3A_43, %swap3A_44] {strides = array<i32>} : memref<4x80xi32, #tpu.memory_space<vmem>>, vector<1x16xi32>,
    %swap3A_46 = vector.shape_cast %swap3A_45 : vector<1x16xi32> to vector<16xi32>
    %swap3A_47 = vector.shape_cast %add3A_42 : vector<16xi32> to vector<1x16xi32>
    tpu.vector_store %arg12[%swap3A_43, %swap3A_44], %swap3A_47 {strides = array<i32>} : memref<4x80xi32, #tpu.memory_space<vmem>>, vector<1x16xi32>,
    %mul3A_48 = arith.constant 320 : i32
    %mul3A_49 = arith.muli %arg1, %mul3A_48 : i32
    %add3A_50 = arith.constant 0 : i32
    %add3A_51 = arith.addi %mul3A_49, %add3A_50 : i32
    %add3A_52 = arith.constant 16 : i32
    %add3A_53 = arith.addi %add3A_51, %add3A_52 : i32
    %iota3A_54 = tpu.iota {dimensions = array<i32: 0>} : vector<16xi32>
    %add3A_55 = vector.broadcast %add3A_53 : i32 to vector<16xi32>
    %add3A_56 = arith.addi %add3A_55, %iota3A_54 : vector<16xi32>
    %swap3A_57 = arith.constant 0 : i32
    %swap3A_58 = arith.index_cast %swap3A_57 : i32 to index
    %swap3A_59 = arith.constant 16 : index
    %swap3A_60 = tpu.vector_load %arg12[%swap3A_58, %swap3A_59] {strides = array<i32>} : memref<4x80xi32, #tpu.memory_space<vmem>>, vector<1x16xi32>,
    %swap3A_61 = vector.shape_cast %swap3A_60 : vector<1x16xi32> to vector<16xi32>
    %swap3A_62 = vector.shape_cast %add3A_56 : vector<16xi32> to vector<1x16xi32>
    tpu.vector_store %arg12[%swap3A_58, %swap3A_59], %swap3A_62 {strides = array<i32>} : memref<4x80xi32, #tpu.memory_space<vmem>>, vector<1x16xi32>,
    %mul3A_63 = arith.constant 320 : i32
    %mul3A_64 = arith.muli %arg1, %mul3A_63 : i32
    %add3A_65 = arith.constant 0 : i32
    %add3A_66 = arith.addi %mul3A_64, %add3A_65 : i32
    %add3A_67 = arith.constant 32 : i32
    %add3A_68 = arith.addi %add3A_66, %add3A_67 : i32
    %iota3A_69 = tpu.iota {dimensions = array<i32: 0>} : vector<16xi32>
    %add3A_70 = vector.broadcast %add3A_68 : i32 to vector<16xi32>
    %add3A_71 = arith.addi %add3A_70, %iota3A_69 : vector<16xi32>
    %swap3A_72 = arith.constant 0 : i32
    %swap3A_73 = arith.index_cast %swap3A_72 : i32 to index
    %swap3A_74 = arith.constant 32 : index
    %swap3A_75 = tpu.vector_load %arg12[%swap3A_73, %swap3A_74] {strides = array<i32>} : memref<4x80xi32, #tpu.memory_space<vmem>>, vector<1x16xi32>,
    %swap3A_76 = vector.shape_cast %swap3A_75 : vector<1x16xi32> to vector<16xi32>
    %swap3A_77 = vector.shape_cast %add3A_71 : vector<16xi32> to vector<1x16xi32>
    tpu.vector_store %arg12[%swap3A_73, %swap3A_74], %swap3A_77 {strides = array<i32>} : memref<4x80xi32, #tpu.memory_space<vmem>>, vector<1x16xi32>,
    %mul3A_78 = arith.constant 320 : i32
    %mul3A_79 = arith.muli %arg1, %mul3A_78 : i32
    %add3A_80 = arith.constant 0 : i32
    %add3A_81 = arith.addi %mul3A_79, %add3A_80 : i32
    %add3A_82 = arith.constant 48 : i32
    %add3A_83 = arith.addi %add3A_81, %add3A_82 : i32
    %iota3A_84 = tpu.iota {dimensions = array<i32: 0>} : vector<16xi32>
    %add3A_85 = vector.broadcast %add3A_83 : i32 to vector<16xi32>
    %add3A_86 = arith.addi %add3A_85, %iota3A_84 : vector<16xi32>
    %swap3A_87 = arith.constant 0 : i32
    %swap3A_88 = arith.index_cast %swap3A_87 : i32 to index
    %swap3A_89 = arith.constant 48 : index
    %swap3A_90 = tpu.vector_load %arg12[%swap3A_88, %swap3A_89] {strides = array<i32>} : memref<4x80xi32, #tpu.memory_space<vmem>>, vector<1x16xi32>,
    %swap3A_91 = vector.shape_cast %swap3A_90 : vector<1x16xi32> to vector<16xi32>
    %swap3A_92 = vector.shape_cast %add3A_86 : vector<16xi32> to vector<1x16xi32>
    tpu.vector_store %arg12[%swap3A_88, %swap3A_89], %swap3A_92 {strides = array<i32>} : memref<4x80xi32, #tpu.memory_space<vmem>>, vector<1x16xi32>,
    %mul3A_93 = arith.constant 320 : i32
    %mul3A_94 = arith.muli %arg1, %mul3A_93 : i32
    %add3A_95 = arith.constant 0 : i32
    %add3A_96 = arith.addi %mul3A_94, %add3A_95 : i32
    %add3A_97 = arith.constant 64 : i32
    %add3A_98 = arith.addi %add3A_96, %add3A_97 : i32
    %iota3A_99 = tpu.iota {dimensions = array<i32: 0>} : vector<16xi32>
    %add3A_100 = vector.broadcast %add3A_98 : i32 to vector<16xi32>
    %add3A_101 = arith.addi %add3A_100, %iota3A_99 : vector<16xi32>
    %swap3A_102 = arith.constant 0 : i32
    %swap3A_103 = arith.index_cast %swap3A_102 : i32 to index
    %swap3A_104 = arith.constant 64 : index
    %swap3A_105 = tpu.vector_load %arg12[%swap3A_103, %swap3A_104] {strides = array<i32>} : memref<4x80xi32, #tpu.memory_space<vmem>>, vector<1x16xi32>,
    %swap3A_106 = vector.shape_cast %swap3A_105 : vector<1x16xi32> to vector<16xi32>
    %swap3A_107 = vector.shape_cast %add3A_101 : vector<16xi32> to vector<1x16xi32>
    tpu.vector_store %arg12[%swap3A_103, %swap3A_104], %swap3A_107 {strides = array<i32>} : memref<4x80xi32, #tpu.memory_space<vmem>>, vector<1x16xi32>,
    %mul3A_108 = arith.constant 320 : i32
    %mul3A_109 = arith.muli %arg1, %mul3A_108 : i32
    %add3A_110 = arith.constant 80 : i32
    %add3A_111 = arith.addi %mul3A_109, %add3A_110 : i32
    %add3A_112 = arith.constant 0 : i32
    %add3A_113 = arith.addi %add3A_111, %add3A_112 : i32
    %iota3A_114 = tpu.iota {dimensions = array<i32: 0>} : vector<16xi32>
    %add3A_115 = vector.broadcast %add3A_113 : i32 to vector<16xi32>
    %add3A_116 = arith.addi %add3A_115, %iota3A_114 : vector<16xi32>
    %swap3A_117 = arith.constant 1 : i32
    %swap3A_118 = arith.index_cast %swap3A_117 : i32 to index
    %swap3A_119 = arith.constant 0 : index
    %swap3A_120 = tpu.vector_load %arg12[%swap3A_118, %swap3A_119] {strides = array<i32>} : memref<4x80xi32, #tpu.memory_space<vmem>>, vector<1x16xi32>,
    %swap3A_121 = vector.shape_cast %swap3A_120 : vector<1x16xi32> to vector<16xi32>
    %swap3A_122 = vector.shape_cast %add3A_116 : vector<16xi32> to vector<1x16xi32>
    tpu.vector_store %arg12[%swap3A_118, %swap3A_119], %swap3A_122 {strides = array<i32>} : memref<4x80xi32, #tpu.memory_space<vmem>>, vector<1x16xi32>,
    %mul3A_123 = arith.constant 320 : i32
    %mul3A_124 = arith.muli %arg1, %mul3A_123 : i32
    %add3A_125 = arith.constant 80 : i32
    %add3A_126 = arith.addi %mul3A_124, %add3A_125 : i32
    %add3A_127 = arith.constant 16 : i32
    %add3A_128 = arith.addi %add3A_126, %add3A_127 : i32
    %iota3A_129 = tpu.iota {dimensions = array<i32: 0>} : vector<16xi32>
    %add3A_130 = vector.broadcast %add3A_128 : i32 to vector<16xi32>
    %add3A_131 = arith.addi %add3A_130, %iota3A_129 : vector<16xi32>
    %swap3A_132 = arith.constant 1 : i32
    %swap3A_133 = arith.index_cast %swap3A_132 : i32 to index
    %swap3A_134 = arith.constant 16 : index
    %swap3A_135 = tpu.vector_load %arg12[%swap3A_133, %swap3A_134] {strides = array<i32>} : memref<4x80xi32, #tpu.memory_space<vmem>>, vector<1x16xi32>,
    %swap3A_136 = vector.shape_cast %swap3A_135 : vector<1x16xi32> to vector<16xi32>
    %swap3A_137 = vector.shape_cast %add3A_131 : vector<16xi32> to vector<1x16xi32>
    tpu.vector_store %arg12[%swap3A_133, %swap3A_134], %swap3A_137 {strides = array<i32>} : memref<4x80xi32, #tpu.memory_space<vmem>>, vector<1x16xi32>,
    %mul3A_138 = arith.constant 320 : i32
    %mul3A_139 = arith.muli %arg1, %mul3A_138 : i32
    %add3A_140 = arith.constant 80 : i32
    %add3A_141 = arith.addi %mul3A_139, %add3A_140 : i32
    %add3A_142 = arith.constant 32 : i32
    %add3A_143 = arith.addi %add3A_141, %add3A_142 : i32
    %iota3A_144 = tpu.iota {dimensions = array<i32: 0>} : vector<16xi32>
    %add3A_145 = vector.broadcast %add3A_143 : i32 to vector<16xi32>
    %add3A_146 = arith.addi %add3A_145, %iota3A_144 : vector<16xi32>
    %swap3A_147 = arith.constant 1 : i32
    %swap3A_148 = arith.index_cast %swap3A_147 : i32 to index
    %swap3A_149 = arith.constant 32 : index
    %swap3A_150 = tpu.vector_load %arg12[%swap3A_148, %swap3A_149] {strides = array<i32>} : memref<4x80xi32, #tpu.memory_space<vmem>>, vector<1x16xi32>,
    %swap3A_151 = vector.shape_cast %swap3A_150 : vector<1x16xi32> to vector<16xi32>
    %swap3A_152 = vector.shape_cast %add3A_146 : vector<16xi32> to vector<1x16xi32>
    tpu.vector_store %arg12[%swap3A_148, %swap3A_149], %swap3A_152 {strides = array<i32>} : memref<4x80xi32, #tpu.memory_space<vmem>>, vector<1x16xi32>,
    %mul3A_153 = arith.constant 320 : i32
    %mul3A_154 = arith.muli %arg1, %mul3A_153 : i32
    %add3A_155 = arith.constant 80 : i32
    %add3A_156 = arith.addi %mul3A_154, %add3A_155 : i32
    %add3A_157 = arith.constant 48 : i32
    %add3A_158 = arith.addi %add3A_156, %add3A_157 : i32
    %iota3A_159 = tpu.iota {dimensions = array<i32: 0>} : vector<16xi32>
    %add3A_160 = vector.broadcast %add3A_158 : i32 to vector<16xi32>
    %add3A_161 = arith.addi %add3A_160, %iota3A_159 : vector<16xi32>
    %swap3A_162 = arith.constant 1 : i32
    %swap3A_163 = arith.index_cast %swap3A_162 : i32 to index
    %swap3A_164 = arith.constant 48 : index
    %swap3A_165 = tpu.vector_load %arg12[%swap3A_163, %swap3A_164] {strides = array<i32>} : memref<4x80xi32, #tpu.memory_space<vmem>>, vector<1x16xi32>,
    %swap3A_166 = vector.shape_cast %swap3A_165 : vector<1x16xi32> to vector<16xi32>
    %swap3A_167 = vector.shape_cast %add3A_161 : vector<16xi32> to vector<1x16xi32>
    tpu.vector_store %arg12[%swap3A_163, %swap3A_164], %swap3A_167 {strides = array<i32>} : memref<4x80xi32, #tpu.memory_space<vmem>>, vector<1x16xi32>,
    %mul3A_168 = arith.constant 320 : i32
    %mul3A_169 = arith.muli %arg1, %mul3A_168 : i32
    %add3A_170 = arith.constant 80 : i32
    %add3A_171 = arith.addi %mul3A_169, %add3A_170 : i32
    %add3A_172 = arith.constant 64 : i32
    %add3A_173 = arith.addi %add3A_171, %add3A_172 : i32
    %iota3A_174 = tpu.iota {dimensions = array<i32: 0>} : vector<16xi32>
    %add3A_175 = vector.broadcast %add3A_173 : i32 to vector<16xi32>
    %add3A_176 = arith.addi %add3A_175, %iota3A_174 : vector<16xi32>
    %swap3A_177 = arith.constant 1 : i32
    %swap3A_178 = arith.index_cast %swap3A_177 : i32 to index
    %swap3A_179 = arith.constant 64 : index
    %swap3A_180 = tpu.vector_load %arg12[%swap3A_178, %swap3A_179] {strides = array<i32>} : memref<4x80xi32, #tpu.memory_space<vmem>>, vector<1x16xi32>,
    %swap3A_181 = vector.shape_cast %swap3A_180 : vector<1x16xi32> to vector<16xi32>
    %swap3A_182 = vector.shape_cast %add3A_176 : vector<16xi32> to vector<1x16xi32>
    tpu.vector_store %arg12[%swap3A_178, %swap3A_179], %swap3A_182 {strides = array<i32>} : memref<4x80xi32, #tpu.memory_space<vmem>>, vector<1x16xi32>,
    %mul3A_183 = arith.constant 320 : i32
    %mul3A_184 = arith.muli %arg1, %mul3A_183 : i32
    %add3A_185 = arith.constant 160 : i32
    %add3A_186 = arith.addi %mul3A_184, %add3A_185 : i32
    %add3A_187 = arith.constant 0 : i32
    %add3A_188 = arith.addi %add3A_186, %add3A_187 : i32
    %iota3A_189 = tpu.iota {dimensions = array<i32: 0>} : vector<16xi32>
    %add3A_190 = vector.broadcast %add3A_188 : i32 to vector<16xi32>
    %add3A_191 = arith.addi %add3A_190, %iota3A_189 : vector<16xi32>
    %swap3A_192 = arith.constant 2 : i32
    %swap3A_193 = arith.index_cast %swap3A_192 : i32 to index
    %swap3A_194 = arith.constant 0 : index
    %swap3A_195 = tpu.vector_load %arg12[%swap3A_193, %swap3A_194] {strides = array<i32>} : memref<4x80xi32, #tpu.memory_space<vmem>>, vector<1x16xi32>,
    %swap3A_196 = vector.shape_cast %swap3A_195 : vector<1x16xi32> to vector<16xi32>
    %swap3A_197 = vector.shape_cast %add3A_191 : vector<16xi32> to vector<1x16xi32>
    tpu.vector_store %arg12[%swap3A_193, %swap3A_194], %swap3A_197 {strides = array<i32>} : memref<4x80xi32, #tpu.memory_space<vmem>>, vector<1x16xi32>,
    %mul3A_198 = arith.constant 320 : i32
    %mul3A_199 = arith.muli %arg1, %mul3A_198 : i32
    %add3A_200 = arith.constant 160 : i32
    %add3A_201 = arith.addi %mul3A_199, %add3A_200 : i32
    %add3A_202 = arith.constant 16 : i32
    %add3A_203 = arith.addi %add3A_201, %add3A_202 : i32
    %iota3A_204 = tpu.iota {dimensions = array<i32: 0>} : vector<16xi32>
    %add3A_205 = vector.broadcast %add3A_203 : i32 to vector<16xi32>
    %add3A_206 = arith.addi %add3A_205, %iota3A_204 : vector<16xi32>
    %swap3A_207 = arith.constant 2 : i32
    %swap3A_208 = arith.index_cast %swap3A_207 : i32 to index
    %swap3A_209 = arith.constant 16 : index
    %swap3A_210 = tpu.vector_load %arg12[%swap3A_208, %swap3A_209] {strides = array<i32>} : memref<4x80xi32, #tpu.memory_space<vmem>>, vector<1x16xi32>,
    %swap3A_211 = vector.shape_cast %swap3A_210 : vector<1x16xi32> to vector<16xi32>
    %swap3A_212 = vector.shape_cast %add3A_206 : vector<16xi32> to vector<1x16xi32>
    tpu.vector_store %arg12[%swap3A_208, %swap3A_209], %swap3A_212 {strides = array<i32>} : memref<4x80xi32, #tpu.memory_space<vmem>>, vector<1x16xi32>,
    %mul3A_213 = arith.constant 320 : i32
    %mul3A_214 = arith.muli %arg1, %mul3A_213 : i32
    %add3A_215 = arith.constant 160 : i32
    %add3A_216 = arith.addi %mul3A_214, %add3A_215 : i32
    %add3A_217 = arith.constant 32 : i32
    %add3A_218 = arith.addi %add3A_216, %add3A_217 : i32
    %iota3A_219 = tpu.iota {dimensions = array<i32: 0>} : vector<16xi32>
    %add3A_220 = vector.broadcast %add3A_218 : i32 to vector<16xi32>
    %add3A_221 = arith.addi %add3A_220, %iota3A_219 : vector<16xi32>
    %swap3A_222 = arith.constant 2 : i32
    %swap3A_223 = arith.index_cast %swap3A_222 : i32 to index
    %swap3A_224 = arith.constant 32 : index
    %swap3A_225 = tpu.vector_load %arg12[%swap3A_223, %swap3A_224] {strides = array<i32>} : memref<4x80xi32, #tpu.memory_space<vmem>>, vector<1x16xi32>,
    %swap3A_226 = vector.shape_cast %swap3A_225 : vector<1x16xi32> to vector<16xi32>
    %swap3A_227 = vector.shape_cast %add3A_221 : vector<16xi32> to vector<1x16xi32>
    tpu.vector_store %arg12[%swap3A_223, %swap3A_224], %swap3A_227 {strides = array<i32>} : memref<4x80xi32, #tpu.memory_space<vmem>>, vector<1x16xi32>,
    %mul3A_228 = arith.constant 320 : i32
    %mul3A_229 = arith.muli %arg1, %mul3A_228 : i32
    %add3A_230 = arith.constant 160 : i32
    %add3A_231 = arith.addi %mul3A_229, %add3A_230 : i32
    %add3A_232 = arith.constant 48 : i32
    %add3A_233 = arith.addi %add3A_231, %add3A_232 : i32
    %iota3A_234 = tpu.iota {dimensions = array<i32: 0>} : vector<16xi32>
    %add3A_235 = vector.broadcast %add3A_233 : i32 to vector<16xi32>
    %add3A_236 = arith.addi %add3A_235, %iota3A_234 : vector<16xi32>
    %swap3A_237 = arith.constant 2 : i32
    %swap3A_238 = arith.index_cast %swap3A_237 : i32 to index
    %swap3A_239 = arith.constant 48 : index
    %swap3A_240 = tpu.vector_load %arg12[%swap3A_238, %swap3A_239] {strides = array<i32>} : memref<4x80xi32, #tpu.memory_space<vmem>>, vector<1x16xi32>,
    %swap3A_241 = vector.shape_cast %swap3A_240 : vector<1x16xi32> to vector<16xi32>
    %swap3A_242 = vector.shape_cast %add3A_236 : vector<16xi32> to vector<1x16xi32>
    tpu.vector_store %arg12[%swap3A_238, %swap3A_239], %swap3A_242 {strides = array<i32>} : memref<4x80xi32, #tpu.memory_space<vmem>>, vector<1x16xi32>,
    %mul3A_243 = arith.constant 320 : i32
    %mul3A_244 = arith.muli %arg1, %mul3A_243 : i32
    %add3A_245 = arith.constant 160 : i32
    %add3A_246 = arith.addi %mul3A_244, %add3A_245 : i32
    %add3A_247 = arith.constant 64 : i32
    %add3A_248 = arith.addi %add3A_246, %add3A_247 : i32
    %iota3A_249 = tpu.iota {dimensions = array<i32: 0>} : vector<16xi32>
    %add3A_250 = vector.broadcast %add3A_248 : i32 to vector<16xi32>
    %add3A_251 = arith.addi %add3A_250, %iota3A_249 : vector<16xi32>
    %swap3A_252 = arith.constant 2 : i32
    %swap3A_253 = arith.index_cast %swap3A_252 : i32 to index
    %swap3A_254 = arith.constant 64 : index
    %swap3A_255 = tpu.vector_load %arg12[%swap3A_253, %swap3A_254] {strides = array<i32>} : memref<4x80xi32, #tpu.memory_space<vmem>>, vector<1x16xi32>,
    %swap3A_256 = vector.shape_cast %swap3A_255 : vector<1x16xi32> to vector<16xi32>
    %swap3A_257 = vector.shape_cast %add3A_251 : vector<16xi32> to vector<1x16xi32>
    tpu.vector_store %arg12[%swap3A_253, %swap3A_254], %swap3A_257 {strides = array<i32>} : memref<4x80xi32, #tpu.memory_space<vmem>>, vector<1x16xi32>,
    %mul3A_258 = arith.constant 320 : i32
    %mul3A_259 = arith.muli %arg1, %mul3A_258 : i32
    %add3A_260 = arith.constant 240 : i32
    %add3A_261 = arith.addi %mul3A_259, %add3A_260 : i32
    %add3A_262 = arith.constant 0 : i32
    %add3A_263 = arith.addi %add3A_261, %add3A_262 : i32
    %iota3A_264 = tpu.iota {dimensions = array<i32: 0>} : vector<16xi32>
    %add3A_265 = vector.broadcast %add3A_263 : i32 to vector<16xi32>
    %add3A_266 = arith.addi %add3A_265, %iota3A_264 : vector<16xi32>
    %swap3A_267 = arith.constant 3 : i32
    %swap3A_268 = arith.index_cast %swap3A_267 : i32 to index
    %swap3A_269 = arith.constant 0 : index
    %swap3A_270 = tpu.vector_load %arg12[%swap3A_268, %swap3A_269] {strides = array<i32>} : memref<4x80xi32, #tpu.memory_space<vmem>>, vector<1x16xi32>,
    %swap3A_271 = vector.shape_cast %swap3A_270 : vector<1x16xi32> to vector<16xi32>
    %swap3A_272 = vector.shape_cast %add3A_266 : vector<16xi32> to vector<1x16xi32>
    tpu.vector_store %arg12[%swap3A_268, %swap3A_269], %swap3A_272 {strides = array<i32>} : memref<4x80xi32, #tpu.memory_space<vmem>>, vector<1x16xi32>,
    %mul3A_273 = arith.constant 320 : i32
    %mul3A_274 = arith.muli %arg1, %mul3A_273 : i32
    %add3A_275 = arith.constant 240 : i32
    %add3A_276 = arith.addi %mul3A_274, %add3A_275 : i32
    %add3A_277 = arith.constant 16 : i32
    %add3A_278 = arith.addi %add3A_276, %add3A_277 : i32
    %iota3A_279 = tpu.iota {dimensions = array<i32: 0>} : vector<16xi32>
    %add3A_280 = vector.broadcast %add3A_278 : i32 to vector<16xi32>
    %add3A_281 = arith.addi %add3A_280, %iota3A_279 : vector<16xi32>
    %swap3A_282 = arith.constant 3 : i32
    %swap3A_283 = arith.index_cast %swap3A_282 : i32 to index
    %swap3A_284 = arith.constant 16 : index
    %swap3A_285 = tpu.vector_load %arg12[%swap3A_283, %swap3A_284] {strides = array<i32>} : memref<4x80xi32, #tpu.memory_space<vmem>>, vector<1x16xi32>,
    %swap3A_286 = vector.shape_cast %swap3A_285 : vector<1x16xi32> to vector<16xi32>
    %swap3A_287 = vector.shape_cast %add3A_281 : vector<16xi32> to vector<1x16xi32>
    tpu.vector_store %arg12[%swap3A_283, %swap3A_284], %swap3A_287 {strides = array<i32>} : memref<4x80xi32, #tpu.memory_space<vmem>>, vector<1x16xi32>,
    %mul3A_288 = arith.constant 320 : i32
    %mul3A_289 = arith.muli %arg1, %mul3A_288 : i32
    %add3A_290 = arith.constant 240 : i32
    %add3A_291 = arith.addi %mul3A_289, %add3A_290 : i32
    %add3A_292 = arith.constant 32 : i32
    %add3A_293 = arith.addi %add3A_291, %add3A_292 : i32
    %iota3A_294 = tpu.iota {dimensions = array<i32: 0>} : vector<16xi32>
    %add3A_295 = vector.broadcast %add3A_293 : i32 to vector<16xi32>
    %add3A_296 = arith.addi %add3A_295, %iota3A_294 : vector<16xi32>
    %swap3A_297 = arith.constant 3 : i32
    %swap3A_298 = arith.index_cast %swap3A_297 : i32 to index
    %swap3A_299 = arith.constant 32 : index
    %swap3A_300 = tpu.vector_load %arg12[%swap3A_298, %swap3A_299] {strides = array<i32>} : memref<4x80xi32, #tpu.memory_space<vmem>>, vector<1x16xi32>,
    %swap3A_301 = vector.shape_cast %swap3A_300 : vector<1x16xi32> to vector<16xi32>
    %swap3A_302 = vector.shape_cast %add3A_296 : vector<16xi32> to vector<1x16xi32>
    tpu.vector_store %arg12[%swap3A_298, %swap3A_299], %swap3A_302 {strides = array<i32>} : memref<4x80xi32, #tpu.memory_space<vmem>>, vector<1x16xi32>,
    %mul3A_303 = arith.constant 320 : i32
    %mul3A_304 = arith.muli %arg1, %mul3A_303 : i32
    %add3A_305 = arith.constant 240 : i32
    %add3A_306 = arith.addi %mul3A_304, %add3A_305 : i32
    %add3A_307 = arith.constant 48 : i32
    %add3A_308 = arith.addi %add3A_306, %add3A_307 : i32
    %iota3A_309 = tpu.iota {dimensions = array<i32: 0>} : vector<16xi32>
    %add3A_310 = vector.broadcast %add3A_308 : i32 to vector<16xi32>
    %add3A_311 = arith.addi %add3A_310, %iota3A_309 : vector<16xi32>
    %swap3A_312 = arith.constant 3 : i32
    %swap3A_313 = arith.index_cast %swap3A_312 : i32 to index
    %swap3A_314 = arith.constant 48 : index
    %swap3A_315 = tpu.vector_load %arg12[%swap3A_313, %swap3A_314] {strides = array<i32>} : memref<4x80xi32, #tpu.memory_space<vmem>>, vector<1x16xi32>,
    %swap3A_316 = vector.shape_cast %swap3A_315 : vector<1x16xi32> to vector<16xi32>
    %swap3A_317 = vector.shape_cast %add3A_311 : vector<16xi32> to vector<1x16xi32>
    tpu.vector_store %arg12[%swap3A_313, %swap3A_314], %swap3A_317 {strides = array<i32>} : memref<4x80xi32, #tpu.memory_space<vmem>>, vector<1x16xi32>,
    %mul3A_318 = arith.constant 320 : i32
    %mul3A_319 = arith.muli %arg1, %mul3A_318 : i32
    %add3A_320 = arith.constant 240 : i32
    %add3A_321 = arith.addi %mul3A_319, %add3A_320 : i32
    %add3A_322 = arith.constant 64 : i32
    %add3A_323 = arith.addi %add3A_321, %add3A_322 : i32
    %iota3A_324 = tpu.iota {dimensions = array<i32: 0>} : vector<16xi32>
    %add3A_325 = vector.broadcast %add3A_323 : i32 to vector<16xi32>
    %add3A_326 = arith.addi %add3A_325, %iota3A_324 : vector<16xi32>
    %swap3A_327 = arith.constant 3 : i32
    %swap3A_328 = arith.index_cast %swap3A_327 : i32 to index
    %swap3A_329 = arith.constant 64 : index
    %swap3A_330 = tpu.vector_load %arg12[%swap3A_328, %swap3A_329] {strides = array<i32>} : memref<4x80xi32, #tpu.memory_space<vmem>>, vector<1x16xi32>,
    %swap3A_331 = vector.shape_cast %swap3A_330 : vector<1x16xi32> to vector<16xi32>
    %swap3A_332 = vector.shape_cast %add3A_326 : vector<16xi32> to vector<1x16xi32>
    tpu.vector_store %arg12[%swap3A_328, %swap3A_329], %swap3A_332 {strides = array<i32>} : memref<4x80xi32, #tpu.memory_space<vmem>>, vector<1x16xi32>,
    %eq3A = arith.constant 0 : i32
    %eq3A_333 = arith.cmpi eq, %arg0, %eq3A : i32
    %convert_element_type3A = arith.extui %eq3A_333 : i1 to i32
    %cond3A = arith.constant 0 : i32
    %cond3A_334 = arith.cmpi ne, %convert_element_type3A, %cond3A : i32
    scf.if %cond3A_334 {
      %mul3A_350 = arith.constant 320 : i32
      %mul3A_351 = arith.muli %arg1, %mul3A_350 : i32
      %add3A_352 = arith.constant 0 : i32
      %add3A_353 = arith.addi %add3A_352, %mul3A_351 : i32
      %add3A_354 = arith.constant 0 : i32
      %add3A_355 = arith.addi %add3A_353, %add3A_354 : i32
      %run_scoped3A = arith.constant 0 : i32
      "tpu.region"() ({
        %run_scoped3A_385 = tpu.sem_alloc : memref<!tpu.dma_semaphore, #tpu.memory_space<semaphore_mem>>
        %dma_start3A_386 = arith.constant 0 : i32
        %dma_start3A_387 = tpu.memref_slice %arg11[%run_scoped3A, %dma_start3A_386] : memref<4x80xi32, #tpu.memory_space<vmem>> -> memref<1x80xi32, #tpu.memory_space<vmem>>
        %dma_start3A_388 = tpu.memref_squeeze %dma_start3A_387 : memref<1x80xi32, #tpu.memory_space<vmem>> -> memref<80xi32, #tpu.memory_space<vmem>>
        %dma_start3A_389 = tpu.memref_slice %arg6[%add3A_355] : memref<15360xi32, #tpu.memory_space<hbm>> -> memref<80xi32, #tpu.memory_space<hbm>>
        %dma_start3A_390 = arith.constant 0 : i32
        %dma_start3A_391 = tpu.memref_slice %arg11[%run_scoped3A, %dma_start3A_390] : memref<4x80xi32, #tpu.memory_space<vmem>> -> memref<1x80xi32, #tpu.memory_space<vmem>>
        %dma_start3A_392 = tpu.memref_squeeze %dma_start3A_391 : memref<1x80xi32, #tpu.memory_space<vmem>> -> memref<80xi32, #tpu.memory_space<vmem>>
        %dma_start3A_393 = tpu.memref_slice %arg6[%add3A_355] : memref<15360xi32, #tpu.memory_space<hbm>> -> memref<80xi32, #tpu.memory_space<hbm>>
        tpu.enqueue_dma source(%dma_start3A_393 : memref<80xi32, #tpu.memory_space<hbm>>) target(%dma_start3A_392 : memref<80xi32, #tpu.memory_space<vmem>>) target_semaphore(%run_scoped3A_385 : memref<!tpu.dma_semaphore, #tpu.memory_space<semaphore_mem>>)
        %dma_wait3A_394 = arith.constant 0 : i32
        %dma_wait3A_395 = tpu.memref_slice %arg11[%run_scoped3A, %dma_wait3A_394] : memref<4x80xi32, #tpu.memory_space<vmem>> -> memref<1x80xi32, #tpu.memory_space<vmem>>
        %dma_wait3A_396 = tpu.memref_squeeze %dma_wait3A_395 : memref<1x80xi32, #tpu.memory_space<vmem>> -> memref<80xi32, #tpu.memory_space<vmem>>
        %dma_wait3A_397 = tpu.memref_slice %arg6[%add3A_355] : memref<15360xi32, #tpu.memory_space<hbm>> -> memref<80xi32, #tpu.memory_space<hbm>>
        %dma_wait3A_398 = arith.constant 0 : i32
        %dma_wait3A_399 = tpu.memref_slice %arg11[%run_scoped3A, %dma_wait3A_398] : memref<4x80xi32, #tpu.memory_space<vmem>> -> memref<1x80xi32, #tpu.memory_space<vmem>>
        %dma_wait3A_400 = tpu.memref_squeeze %dma_wait3A_399 : memref<1x80xi32, #tpu.memory_space<vmem>> -> memref<80xi32, #tpu.memory_space<vmem>>
        %dma_wait3A_401 = tpu.memref_slice %arg6[%add3A_355] : memref<15360xi32, #tpu.memory_space<hbm>> -> memref<80xi32, #tpu.memory_space<hbm>>
        tpu.wait_dma2 semaphore(%run_scoped3A_385 : memref<!tpu.dma_semaphore, #tpu.memory_space<semaphore_mem>>) src(%dma_wait3A_401 : memref<80xi32, #tpu.memory_space<hbm>>) dst(%dma_wait3A_400 : memref<80xi32, #tpu.memory_space<vmem>>)
        tpu.yield
      }) : () -> ()
      %mul3A_356 = arith.constant 320 : i32
      %mul3A_357 = arith.muli %arg1, %mul3A_356 : i32
      %add3A_358 = arith.constant 0 : i32
      %add3A_359 = arith.addi %add3A_358, %mul3A_357 : i32
      %add3A_360 = arith.constant 80 : i32
      %add3A_361 = arith.addi %add3A_359, %add3A_360 : i32
      %run_scoped3A_362 = arith.constant 1 : i32
      "tpu.region"() ({
        %run_scoped3A_385 = tpu.sem_alloc : memref<!tpu.dma_semaphore, #tpu.memory_space<semaphore_mem>>
        %dma_start3A_386 = arith.constant 0 : i32
        %dma_start3A_387 = tpu.memref_slice %arg11[%run_scoped3A_362, %dma_start3A_386] : memref<4x80xi32, #tpu.memory_space<vmem>> -> memref<1x80xi32, #tpu.memory_space<vmem>>
        %dma_start3A_388 = tpu.memref_squeeze %dma_start3A_387 : memref<1x80xi32, #tpu.memory_space<vmem>> -> memref<80xi32, #tpu.memory_space<vmem>>
        %dma_start3A_389 = tpu.memref_slice %arg6[%add3A_361] : memref<15360xi32, #tpu.memory_space<hbm>> -> memref<80xi32, #tpu.memory_space<hbm>>
        %dma_start3A_390 = arith.constant 0 : i32
        %dma_start3A_391 = tpu.memref_slice %arg11[%run_scoped3A_362, %dma_start3A_390] : memref<4x80xi32, #tpu.memory_space<vmem>> -> memref<1x80xi32, #tpu.memory_space<vmem>>
        %dma_start3A_392 = tpu.memref_squeeze %dma_start3A_391 : memref<1x80xi32, #tpu.memory_space<vmem>> -> memref<80xi32, #tpu.memory_space<vmem>>
        %dma_start3A_393 = tpu.memref_slice %arg6[%add3A_361] : memref<15360xi32, #tpu.memory_space<hbm>> -> memref<80xi32, #tpu.memory_space<hbm>>
        tpu.enqueue_dma source(%dma_start3A_393 : memref<80xi32, #tpu.memory_space<hbm>>) target(%dma_start3A_392 : memref<80xi32, #tpu.memory_space<vmem>>) target_semaphore(%run_scoped3A_385 : memref<!tpu.dma_semaphore, #tpu.memory_space<semaphore_mem>>)
        %dma_wait3A_394 = arith.constant 0 : i32
        %dma_wait3A_395 = tpu.memref_slice %arg11[%run_scoped3A_362, %dma_wait3A_394] : memref<4x80xi32, #tpu.memory_space<vmem>> -> memref<1x80xi32, #tpu.memory_space<vmem>>
        %dma_wait3A_396 = tpu.memref_squeeze %dma_wait3A_395 : memref<1x80xi32, #tpu.memory_space<vmem>> -> memref<80xi32, #tpu.memory_space<vmem>>
        %dma_wait3A_397 = tpu.memref_slice %arg6[%add3A_361] : memref<15360xi32, #tpu.memory_space<hbm>> -> memref<80xi32, #tpu.memory_space<hbm>>
        %dma_wait3A_398 = arith.constant 0 : i32
        %dma_wait3A_399 = tpu.memref_slice %arg11[%run_scoped3A_362, %dma_wait3A_398] : memref<4x80xi32, #tpu.memory_space<vmem>> -> memref<1x80xi32, #tpu.memory_space<vmem>>
        %dma_wait3A_400 = tpu.memref_squeeze %dma_wait3A_399 : memref<1x80xi32, #tpu.memory_space<vmem>> -> memref<80xi32, #tpu.memory_space<vmem>>
        %dma_wait3A_401 = tpu.memref_slice %arg6[%add3A_361] : memref<15360xi32, #tpu.memory_space<hbm>> -> memref<80xi32, #tpu.memory_space<hbm>>
        tpu.wait_dma2 semaphore(%run_scoped3A_385 : memref<!tpu.dma_semaphore, #tpu.memory_space<semaphore_mem>>) src(%dma_wait3A_401 : memref<80xi32, #tpu.memory_space<hbm>>) dst(%dma_wait3A_400 : memref<80xi32, #tpu.memory_space<vmem>>)
        tpu.yield
      }) : () -> ()
      %mul3A_363 = arith.constant 320 : i32
      %mul3A_364 = arith.muli %arg1, %mul3A_363 : i32
      %add3A_365 = arith.constant 0 : i32
      %add3A_366 = arith.addi %add3A_365, %mul3A_364 : i32
      %add3A_367 = arith.constant 160 : i32
      %add3A_368 = arith.addi %add3A_366, %add3A_367 : i32
      %run_scoped3A_369 = arith.constant 2 : i32
      "tpu.region"() ({
        %run_scoped3A_385 = tpu.sem_alloc : memref<!tpu.dma_semaphore, #tpu.memory_space<semaphore_mem>>
        %dma_start3A_386 = arith.constant 0 : i32
        %dma_start3A_387 = tpu.memref_slice %arg11[%run_scoped3A_369, %dma_start3A_386] : memref<4x80xi32, #tpu.memory_space<vmem>> -> memref<1x80xi32, #tpu.memory_space<vmem>>
        %dma_start3A_388 = tpu.memref_squeeze %dma_start3A_387 : memref<1x80xi32, #tpu.memory_space<vmem>> -> memref<80xi32, #tpu.memory_space<vmem>>
        %dma_start3A_389 = tpu.memref_slice %arg6[%add3A_368] : memref<15360xi32, #tpu.memory_space<hbm>> -> memref<80xi32, #tpu.memory_space<hbm>>
        %dma_start3A_390 = arith.constant 0 : i32
        %dma_start3A_391 = tpu.memref_slice %arg11[%run_scoped3A_369, %dma_start3A_390] : memref<4x80xi32, #tpu.memory_space<vmem>> -> memref<1x80xi32, #tpu.memory_space<vmem>>
        %dma_start3A_392 = tpu.memref_squeeze %dma_start3A_391 : memref<1x80xi32, #tpu.memory_space<vmem>> -> memref<80xi32, #tpu.memory_space<vmem>>
        %dma_start3A_393 = tpu.memref_slice %arg6[%add3A_368] : memref<15360xi32, #tpu.memory_space<hbm>> -> memref<80xi32, #tpu.memory_space<hbm>>
        tpu.enqueue_dma source(%dma_start3A_393 : memref<80xi32, #tpu.memory_space<hbm>>) target(%dma_start3A_392 : memref<80xi32, #tpu.memory_space<vmem>>) target_semaphore(%run_scoped3A_385 : memref<!tpu.dma_semaphore, #tpu.memory_space<semaphore_mem>>)
        %dma_wait3A_394 = arith.constant 0 : i32
        %dma_wait3A_395 = tpu.memref_slice %arg11[%run_scoped3A_369, %dma_wait3A_394] : memref<4x80xi32, #tpu.memory_space<vmem>> -> memref<1x80xi32, #tpu.memory_space<vmem>>
        %dma_wait3A_396 = tpu.memref_squeeze %dma_wait3A_395 : memref<1x80xi32, #tpu.memory_space<vmem>> -> memref<80xi32, #tpu.memory_space<vmem>>
        %dma_wait3A_397 = tpu.memref_slice %arg6[%add3A_368] : memref<15360xi32, #tpu.memory_space<hbm>> -> memref<80xi32, #tpu.memory_space<hbm>>
        %dma_wait3A_398 = arith.constant 0 : i32
        %dma_wait3A_399 = tpu.memref_slice %arg11[%run_scoped3A_369, %dma_wait3A_398] : memref<4x80xi32, #tpu.memory_space<vmem>> -> memref<1x80xi32, #tpu.memory_space<vmem>>
        %dma_wait3A_400 = tpu.memref_squeeze %dma_wait3A_399 : memref<1x80xi32, #tpu.memory_space<vmem>> -> memref<80xi32, #tpu.memory_space<vmem>>
        %dma_wait3A_401 = tpu.memref_slice %arg6[%add3A_368] : memref<15360xi32, #tpu.memory_space<hbm>> -> memref<80xi32, #tpu.memory_space<hbm>>
        tpu.wait_dma2 semaphore(%run_scoped3A_385 : memref<!tpu.dma_semaphore, #tpu.memory_space<semaphore_mem>>) src(%dma_wait3A_401 : memref<80xi32, #tpu.memory_space<hbm>>) dst(%dma_wait3A_400 : memref<80xi32, #tpu.memory_space<vmem>>)
        tpu.yield
      }) : () -> ()
      %mul3A_370 = arith.constant 320 : i32
      %mul3A_371 = arith.muli %arg1, %mul3A_370 : i32
      %add3A_372 = arith.constant 0 : i32
      %add3A_373 = arith.addi %add3A_372, %mul3A_371 : i32
      %add3A_374 = arith.constant 240 : i32
      %add3A_375 = arith.addi %add3A_373, %add3A_374 : i32
      %run_scoped3A_376 = arith.constant 3 : i32
      "tpu.region"() ({
        %run_scoped3A_385 = tpu.sem_alloc : memref<!tpu.dma_semaphore, #tpu.memory_space<semaphore_mem>>
        %dma_start3A_386 = arith.constant 0 : i32
        %dma_start3A_387 = tpu.memref_slice %arg11[%run_scoped3A_376, %dma_start3A_386] : memref<4x80xi32, #tpu.memory_space<vmem>> -> memref<1x80xi32, #tpu.memory_space<vmem>>
        %dma_start3A_388 = tpu.memref_squeeze %dma_start3A_387 : memref<1x80xi32, #tpu.memory_space<vmem>> -> memref<80xi32, #tpu.memory_space<vmem>>
        %dma_start3A_389 = tpu.memref_slice %arg6[%add3A_375] : memref<15360xi32, #tpu.memory_space<hbm>> -> memref<80xi32, #tpu.memory_space<hbm>>
        %dma_start3A_390 = arith.constant 0 : i32
        %dma_start3A_391 = tpu.memref_slice %arg11[%run_scoped3A_376, %dma_start3A_390] : memref<4x80xi32, #tpu.memory_space<vmem>> -> memref<1x80xi32, #tpu.memory_space<vmem>>
        %dma_start3A_392 = tpu.memref_squeeze %dma_start3A_391 : memref<1x80xi32, #tpu.memory_space<vmem>> -> memref<80xi32, #tpu.memory_space<vmem>>
        %dma_start3A_393 = tpu.memref_slice %arg6[%add3A_375] : memref<15360xi32, #tpu.memory_space<hbm>> -> memref<80xi32, #tpu.memory_space<hbm>>
        tpu.enqueue_dma source(%dma_start3A_393 : memref<80xi32, #tpu.memory_space<hbm>>) target(%dma_start3A_392 : memref<80xi32, #tpu.memory_space<vmem>>) target_semaphore(%run_scoped3A_385 : memref<!tpu.dma_semaphore, #tpu.memory_space<semaphore_mem>>)
        %dma_wait3A_394 = arith.constant 0 : i32
        %dma_wait3A_395 = tpu.memref_slice %arg11[%run_scoped3A_376, %dma_wait3A_394] : memref<4x80xi32, #tpu.memory_space<vmem>> -> memref<1x80xi32, #tpu.memory_space<vmem>>
        %dma_wait3A_396 = tpu.memref_squeeze %dma_wait3A_395 : memref<1x80xi32, #tpu.memory_space<vmem>> -> memref<80xi32, #tpu.memory_space<vmem>>
        %dma_wait3A_397 = tpu.memref_slice %arg6[%add3A_375] : memref<15360xi32, #tpu.memory_space<hbm>> -> memref<80xi32, #tpu.memory_space<hbm>>
        %dma_wait3A_398 = arith.constant 0 : i32
        %dma_wait3A_399 = tpu.memref_slice %arg11[%run_scoped3A_376, %dma_wait3A_398] : memref<4x80xi32, #tpu.memory_space<vmem>> -> memref<1x80xi32, #tpu.memory_space<vmem>>
        %dma_wait3A_400 = tpu.memref_squeeze %dma_wait3A_399 : memref<1x80xi32, #tpu.memory_space<vmem>> -> memref<80xi32, #tpu.memory_space<vmem>>
        %dma_wait3A_401 = tpu.memref_slice %arg6[%add3A_375] : memref<15360xi32, #tpu.memory_space<hbm>> -> memref<80xi32, #tpu.memory_space<hbm>>
        tpu.wait_dma2 semaphore(%run_scoped3A_385 : memref<!tpu.dma_semaphore, #tpu.memory_space<semaphore_mem>>) src(%dma_wait3A_401 : memref<80xi32, #tpu.memory_space<hbm>>) dst(%dma_wait3A_400 : memref<80xi32, #tpu.memory_space<vmem>>)
        tpu.yield
      }) : () -> ()
      %run_scoped3A_377 = arith.constant 0 : i32
      %run_scoped3A_378 = arith.constant 0 : i32
      "tpu.region"() ({
        %run_scoped3A_385 = tpu.sem_alloc : memref<!tpu.dma_semaphore, #tpu.memory_space<semaphore_mem>>
        %dma_start3A_386 = arith.constant 0 : i32
        %dma_start3A_387 = tpu.memref_slice %arg12[%run_scoped3A_377, %dma_start3A_386] : memref<4x80xi32, #tpu.memory_space<vmem>> -> memref<1x80xi32, #tpu.memory_space<vmem>>
        %dma_start3A_388 = tpu.memref_squeeze %dma_start3A_387 : memref<1x80xi32, #tpu.memory_space<vmem>> -> memref<80xi32, #tpu.memory_space<vmem>>
        %dma_start3A_389 = arith.constant 0 : i32
        %dma_start3A_390 = tpu.memref_slice %arg11[%run_scoped3A_378, %dma_start3A_389] : memref<4x80xi32, #tpu.memory_space<vmem>> -> memref<1x80xi32, #tpu.memory_space<vmem>>
        %dma_start3A_391 = tpu.memref_squeeze %dma_start3A_390 : memref<1x80xi32, #tpu.memory_space<vmem>> -> memref<80xi32, #tpu.memory_space<vmem>>
        %dma_start3A_392 = arith.constant 0 : i32
        %dma_start3A_393 = tpu.memref_slice %arg14[%dma_start3A_392] : memref<312320xi32, #tpu.memory_space<vmem_shared>> -> memref<312320xi32, #tpu.memory_space<vmem_shared>>
        tpu.enqueue_indirect_dma source(%dma_start3A_388 : memref<80xi32, #tpu.memory_space<vmem>>) target(%dma_start3A_393 : memref<312320xi32, #tpu.memory_space<vmem_shared>>) offsets(%dma_start3A_391 : memref<80xi32, #tpu.memory_space<vmem>>) semaphore(%run_scoped3A_385 : memref<!tpu.dma_semaphore, #tpu.memory_space<semaphore_mem>>)
        %dma_wait3A_394 = arith.constant 0 : i32
        %dma_wait3A_395 = tpu.memref_slice %arg12[%run_scoped3A_377, %dma_wait3A_394] : memref<4x80xi32, #tpu.memory_space<vmem>> -> memref<1x80xi32, #tpu.memory_space<vmem>>
        %dma_wait3A_396 = tpu.memref_squeeze %dma_wait3A_395 : memref<1x80xi32, #tpu.memory_space<vmem>> -> memref<80xi32, #tpu.memory_space<vmem>>
        %dma_wait3A_397 = arith.constant 0 : i32
        %dma_wait3A_398 = tpu.memref_slice %arg11[%run_scoped3A_378, %dma_wait3A_397] : memref<4x80xi32, #tpu.memory_space<vmem>> -> memref<1x80xi32, #tpu.memory_space<vmem>>
        %dma_wait3A_399 = tpu.memref_squeeze %dma_wait3A_398 : memref<1x80xi32, #tpu.memory_space<vmem>> -> memref<80xi32, #tpu.memory_space<vmem>>
        %dma_wait3A_400 = arith.constant 0 : i32
        %dma_wait3A_401 = tpu.memref_slice %arg14[%dma_wait3A_400] : memref<312320xi32, #tpu.memory_space<vmem_shared>> -> memref<312320xi32, #tpu.memory_space<vmem_shared>>
        tpu.wait_indirect_dma semaphore(%run_scoped3A_385 : memref<!tpu.dma_semaphore, #tpu.memory_space<semaphore_mem>>) src(%dma_wait3A_396 : memref<80xi32, #tpu.memory_space<vmem>>) dst(%dma_wait3A_401 : memref<312320xi32, #tpu.memory_space<vmem_shared>>)
        tpu.yield
      }) : () -> ()
      %run_scoped3A_379 = arith.constant 1 : i32
      %run_scoped3A_380 = arith.constant 1 : i32
      "tpu.region"() ({
        %run_scoped3A_385 = tpu.sem_alloc : memref<!tpu.dma_semaphore, #tpu.memory_space<semaphore_mem>>
        %dma_start3A_386 = arith.constant 0 : i32
        %dma_start3A_387 = tpu.memref_slice %arg12[%run_scoped3A_379, %dma_start3A_386] : memref<4x80xi32, #tpu.memory_space<vmem>> -> memref<1x80xi32, #tpu.memory_space<vmem>>
        %dma_start3A_388 = tpu.memref_squeeze %dma_start3A_387 : memref<1x80xi32, #tpu.memory_space<vmem>> -> memref<80xi32, #tpu.memory_space<vmem>>
        %dma_start3A_389 = arith.constant 0 : i32
        %dma_start3A_390 = tpu.memref_slice %arg11[%run_scoped3A_380, %dma_start3A_389] : memref<4x80xi32, #tpu.memory_space<vmem>> -> memref<1x80xi32, #tpu.memory_space<vmem>>
        %dma_start3A_391 = tpu.memref_squeeze %dma_start3A_390 : memref<1x80xi32, #tpu.memory_space<vmem>> -> memref<80xi32, #tpu.memory_space<vmem>>
        %dma_start3A_392 = arith.constant 0 : i32
        %dma_start3A_393 = tpu.memref_slice %arg14[%dma_start3A_392] : memref<312320xi32, #tpu.memory_space<vmem_shared>> -> memref<312320xi32, #tpu.memory_space<vmem_shared>>
        tpu.enqueue_indirect_dma source(%dma_start3A_388 : memref<80xi32, #tpu.memory_space<vmem>>) target(%dma_start3A_393 : memref<312320xi32, #tpu.memory_space<vmem_shared>>) offsets(%dma_start3A_391 : memref<80xi32, #tpu.memory_space<vmem>>) semaphore(%run_scoped3A_385 : memref<!tpu.dma_semaphore, #tpu.memory_space<semaphore_mem>>)
        %dma_wait3A_394 = arith.constant 0 : i32
        %dma_wait3A_395 = tpu.memref_slice %arg12[%run_scoped3A_379, %dma_wait3A_394] : memref<4x80xi32, #tpu.memory_space<vmem>> -> memref<1x80xi32, #tpu.memory_space<vmem>>
        %dma_wait3A_396 = tpu.memref_squeeze %dma_wait3A_395 : memref<1x80xi32, #tpu.memory_space<vmem>> -> memref<80xi32, #tpu.memory_space<vmem>>
        %dma_wait3A_397 = arith.constant 0 : i32
        %dma_wait3A_398 = tpu.memref_slice %arg11[%run_scoped3A_380, %dma_wait3A_397] : memref<4x80xi32, #tpu.memory_space<vmem>> -> memref<1x80xi32, #tpu.memory_space<vmem>>
        %dma_wait3A_399 = tpu.memref_squeeze %dma_wait3A_398 : memref<1x80xi32, #tpu.memory_space<vmem>> -> memref<80xi32, #tpu.memory_space<vmem>>
        %dma_wait3A_400 = arith.constant 0 : i32
        %dma_wait3A_401 = tpu.memref_slice %arg14[%dma_wait3A_400] : memref<312320xi32, #tpu.memory_space<vmem_shared>> -> memref<312320xi32, #tpu.memory_space<vmem_shared>>
        tpu.wait_indirect_dma semaphore(%run_scoped3A_385 : memref<!tpu.dma_semaphore, #tpu.memory_space<semaphore_mem>>) src(%dma_wait3A_396 : memref<80xi32, #tpu.memory_space<vmem>>) dst(%dma_wait3A_401 : memref<312320xi32, #tpu.memory_space<vmem_shared>>)
        tpu.yield
      }) : () -> ()
      %run_scoped3A_381 = arith.constant 2 : i32
      %run_scoped3A_382 = arith.constant 2 : i32
      "tpu.region"() ({
        %run_scoped3A_385 = tpu.sem_alloc : memref<!tpu.dma_semaphore, #tpu.memory_space<semaphore_mem>>
        %dma_start3A_386 = arith.constant 0 : i32
        %dma_start3A_387 = tpu.memref_slice %arg12[%run_scoped3A_381, %dma_start3A_386] : memref<4x80xi32, #tpu.memory_space<vmem>> -> memref<1x80xi32, #tpu.memory_space<vmem>>
        %dma_start3A_388 = tpu.memref_squeeze %dma_start3A_387 : memref<1x80xi32, #tpu.memory_space<vmem>> -> memref<80xi32, #tpu.memory_space<vmem>>
        %dma_start3A_389 = arith.constant 0 : i32
        %dma_start3A_390 = tpu.memref_slice %arg11[%run_scoped3A_382, %dma_start3A_389] : memref<4x80xi32, #tpu.memory_space<vmem>> -> memref<1x80xi32, #tpu.memory_space<vmem>>
        %dma_start3A_391 = tpu.memref_squeeze %dma_start3A_390 : memref<1x80xi32, #tpu.memory_space<vmem>> -> memref<80xi32, #tpu.memory_space<vmem>>
        %dma_start3A_392 = arith.constant 0 : i32
        %dma_start3A_393 = tpu.memref_slice %arg14[%dma_start3A_392] : memref<312320xi32, #tpu.memory_space<vmem_shared>> -> memref<312320xi32, #tpu.memory_space<vmem_shared>>
        tpu.enqueue_indirect_dma source(%dma_start3A_388 : memref<80xi32, #tpu.memory_space<vmem>>) target(%dma_start3A_393 : memref<312320xi32, #tpu.memory_space<vmem_shared>>) offsets(%dma_start3A_391 : memref<80xi32, #tpu.memory_space<vmem>>) semaphore(%run_scoped3A_385 : memref<!tpu.dma_semaphore, #tpu.memory_space<semaphore_mem>>)
        %dma_wait3A_394 = arith.constant 0 : i32
        %dma_wait3A_395 = tpu.memref_slice %arg12[%run_scoped3A_381, %dma_wait3A_394] : memref<4x80xi32, #tpu.memory_space<vmem>> -> memref<1x80xi32, #tpu.memory_space<vmem>>
        %dma_wait3A_396 = tpu.memref_squeeze %dma_wait3A_395 : memref<1x80xi32, #tpu.memory_space<vmem>> -> memref<80xi32, #tpu.memory_space<vmem>>
        %dma_wait3A_397 = arith.constant 0 : i32
        %dma_wait3A_398 = tpu.memref_slice %arg11[%run_scoped3A_382, %dma_wait3A_397] : memref<4x80xi32, #tpu.memory_space<vmem>> -> memref<1x80xi32, #tpu.memory_space<vmem>>
        %dma_wait3A_399 = tpu.memref_squeeze %dma_wait3A_398 : memref<1x80xi32, #tpu.memory_space<vmem>> -> memref<80xi32, #tpu.memory_space<vmem>>
        %dma_wait3A_400 = arith.constant 0 : i32
        %dma_wait3A_401 = tpu.memref_slice %arg14[%dma_wait3A_400] : memref<312320xi32, #tpu.memory_space<vmem_shared>> -> memref<312320xi32, #tpu.memory_space<vmem_shared>>
        tpu.wait_indirect_dma semaphore(%run_scoped3A_385 : memref<!tpu.dma_semaphore, #tpu.memory_space<semaphore_mem>>) src(%dma_wait3A_396 : memref<80xi32, #tpu.memory_space<vmem>>) dst(%dma_wait3A_401 : memref<312320xi32, #tpu.memory_space<vmem_shared>>)
        tpu.yield
      }) : () -> ()
      %run_scoped3A_383 = arith.constant 3 : i32
      %run_scoped3A_384 = arith.constant 3 : i32
      "tpu.region"() ({
        %run_scoped3A_385 = tpu.sem_alloc : memref<!tpu.dma_semaphore, #tpu.memory_space<semaphore_mem>>
        %dma_start3A_386 = arith.constant 0 : i32
        %dma_start3A_387 = tpu.memref_slice %arg12[%run_scoped3A_383, %dma_start3A_386] : memref<4x80xi32, #tpu.memory_space<vmem>> -> memref<1x80xi32, #tpu.memory_space<vmem>>
        %dma_start3A_388 = tpu.memref_squeeze %dma_start3A_387 : memref<1x80xi32, #tpu.memory_space<vmem>> -> memref<80xi32, #tpu.memory_space<vmem>>
        %dma_start3A_389 = arith.constant 0 : i32
        %dma_start3A_390 = tpu.memref_slice %arg11[%run_scoped3A_384, %dma_start3A_389] : memref<4x80xi32, #tpu.memory_space<vmem>> -> memref<1x80xi32, #tpu.memory_space<vmem>>
        %dma_start3A_391 = tpu.memref_squeeze %dma_start3A_390 : memref<1x80xi32, #tpu.memory_space<vmem>> -> memref<80xi32, #tpu.memory_space<vmem>>
        %dma_start3A_392 = arith.constant 0 : i32
        %dma_start3A_393 = tpu.memref_slice %arg14[%dma_start3A_392] : memref<312320xi32, #tpu.memory_space<vmem_shared>> -> memref<312320xi32, #tpu.memory_space<vmem_shared>>
        tpu.enqueue_indirect_dma source(%dma_start3A_388 : memref<80xi32, #tpu.memory_space<vmem>>) target(%dma_start3A_393 : memref<312320xi32, #tpu.memory_space<vmem_shared>>) offsets(%dma_start3A_391 : memref<80xi32, #tpu.memory_space<vmem>>) semaphore(%run_scoped3A_385 : memref<!tpu.dma_semaphore, #tpu.memory_space<semaphore_mem>>)
        %dma_wait3A_394 = arith.constant 0 : i32
        %dma_wait3A_395 = tpu.memref_slice %arg12[%run_scoped3A_383, %dma_wait3A_394] : memref<4x80xi32, #tpu.memory_space<vmem>> -> memref<1x80xi32, #tpu.memory_space<vmem>>
        %dma_wait3A_396 = tpu.memref_squeeze %dma_wait3A_395 : memref<1x80xi32, #tpu.memory_space<vmem>> -> memref<80xi32, #tpu.memory_space<vmem>>
        %dma_wait3A_397 = arith.constant 0 : i32
        %dma_wait3A_398 = tpu.memref_slice %arg11[%run_scoped3A_384, %dma_wait3A_397] : memref<4x80xi32, #tpu.memory_space<vmem>> -> memref<1x80xi32, #tpu.memory_space<vmem>>
        %dma_wait3A_399 = tpu.memref_squeeze %dma_wait3A_398 : memref<1x80xi32, #tpu.memory_space<vmem>> -> memref<80xi32, #tpu.memory_space<vmem>>
        %dma_wait3A_400 = arith.constant 0 : i32
        %dma_wait3A_401 = tpu.memref_slice %arg14[%dma_wait3A_400] : memref<312320xi32, #tpu.memory_space<vmem_shared>> -> memref<312320xi32, #tpu.memory_space<vmem_shared>>
        tpu.wait_indirect_dma semaphore(%run_scoped3A_385 : memref<!tpu.dma_semaphore, #tpu.memory_space<semaphore_mem>>) src(%dma_wait3A_396 : memref<80xi32, #tpu.memory_space<vmem>>) dst(%dma_wait3A_401 : memref<312320xi32, #tpu.memory_space<vmem_shared>>)
        tpu.yield
      }) : () -> ()
    } else {
    }
    %eq3A_335 = arith.constant 1 : i32
    %eq3A_336 = arith.cmpi eq, %arg0, %eq3A_335 : i32
    %convert_element_type3A_337 = arith.extui %eq3A_336 : i1 to i32
    %cond3A_338 = arith.constant 0 : i32
    %cond3A_339 = arith.cmpi ne, %convert_element_type3A_337, %cond3A_338 : i32
    scf.if %cond3A_339 {
      %mul3A_350 = arith.constant 320 : i32
      %mul3A_351 = arith.muli %arg1, %mul3A_350 : i32
      %add3A_352 = arith.constant 5120 : i32
      %add3A_353 = arith.addi %add3A_352, %mul3A_351 : i32
      %add3A_354 = arith.constant 0 : i32
      %add3A_355 = arith.addi %add3A_353, %add3A_354 : i32
      %run_scoped3A = arith.constant 0 : i32
      "tpu.region"() ({
        %run_scoped3A_421 = tpu.sem_alloc : memref<!tpu.dma_semaphore, #tpu.memory_space<semaphore_mem>>
        %dma_start3A_422 = arith.constant 0 : i32
        %dma_start3A_423 = tpu.memref_slice %arg11[%run_scoped3A, %dma_start3A_422] : memref<4x80xi32, #tpu.memory_space<vmem>> -> memref<1x80xi32, #tpu.memory_space<vmem>>
        %dma_start3A_424 = tpu.memref_squeeze %dma_start3A_423 : memref<1x80xi32, #tpu.memory_space<vmem>> -> memref<80xi32, #tpu.memory_space<vmem>>
        %dma_start3A_425 = tpu.memref_slice %arg6[%add3A_355] : memref<15360xi32, #tpu.memory_space<hbm>> -> memref<80xi32, #tpu.memory_space<hbm>>
        %dma_start3A_426 = arith.constant 0 : i32
        %dma_start3A_427 = tpu.memref_slice %arg11[%run_scoped3A, %dma_start3A_426] : memref<4x80xi32, #tpu.memory_space<vmem>> -> memref<1x80xi32, #tpu.memory_space<vmem>>
        %dma_start3A_428 = tpu.memref_squeeze %dma_start3A_427 : memref<1x80xi32, #tpu.memory_space<vmem>> -> memref<80xi32, #tpu.memory_space<vmem>>
        %dma_start3A_429 = tpu.memref_slice %arg6[%add3A_355] : memref<15360xi32, #tpu.memory_space<hbm>> -> memref<80xi32, #tpu.memory_space<hbm>>
        tpu.enqueue_dma source(%dma_start3A_429 : memref<80xi32, #tpu.memory_space<hbm>>) target(%dma_start3A_428 : memref<80xi32, #tpu.memory_space<vmem>>) target_semaphore(%run_scoped3A_421 : memref<!tpu.dma_semaphore, #tpu.memory_space<semaphore_mem>>)
        %dma_wait3A_430 = arith.constant 0 : i32
        %dma_wait3A_431 = tpu.memref_slice %arg11[%run_scoped3A, %dma_wait3A_430] : memref<4x80xi32, #tpu.memory_space<vmem>> -> memref<1x80xi32, #tpu.memory_space<vmem>>
        %dma_wait3A_432 = tpu.memref_squeeze %dma_wait3A_431 : memref<1x80xi32, #tpu.memory_space<vmem>> -> memref<80xi32, #tpu.memory_space<vmem>>
        %dma_wait3A_433 = tpu.memref_slice %arg6[%add3A_355] : memref<15360xi32, #tpu.memory_space<hbm>> -> memref<80xi32, #tpu.memory_space<hbm>>
        %dma_wait3A_434 = arith.constant 0 : i32
        %dma_wait3A_435 = tpu.memref_slice %arg11[%run_scoped3A, %dma_wait3A_434] : memref<4x80xi32, #tpu.memory_space<vmem>> -> memref<1x80xi32, #tpu.memory_space<vmem>>
        %dma_wait3A_436 = tpu.memref_squeeze %dma_wait3A_435 : memref<1x80xi32, #tpu.memory_space<vmem>> -> memref<80xi32, #tpu.memory_space<vmem>>
        %dma_wait3A_437 = tpu.memref_slice %arg6[%add3A_355] : memref<15360xi32, #tpu.memory_space<hbm>> -> memref<80xi32, #tpu.memory_space<hbm>>
        tpu.wait_dma2 semaphore(%run_scoped3A_421 : memref<!tpu.dma_semaphore, #tpu.memory_space<semaphore_mem>>) src(%dma_wait3A_437 : memref<80xi32, #tpu.memory_space<hbm>>) dst(%dma_wait3A_436 : memref<80xi32, #tpu.memory_space<vmem>>)
        tpu.yield
      }) : () -> ()
      %mul3A_356 = arith.constant 320 : i32
      %mul3A_357 = arith.muli %arg1, %mul3A_356 : i32
      %add3A_358 = arith.constant 5120 : i32
      %add3A_359 = arith.addi %add3A_358, %mul3A_357 : i32
      %add3A_360 = arith.constant 80 : i32
      %add3A_361 = arith.addi %add3A_359, %add3A_360 : i32
      %run_scoped3A_362 = arith.constant 1 : i32
      "tpu.region"() ({
        %run_scoped3A_421 = tpu.sem_alloc : memref<!tpu.dma_semaphore, #tpu.memory_space<semaphore_mem>>
        %dma_start3A_422 = arith.constant 0 : i32
        %dma_start3A_423 = tpu.memref_slice %arg11[%run_scoped3A_362, %dma_start3A_422] : memref<4x80xi32, #tpu.memory_space<vmem>> -> memref<1x80xi32, #tpu.memory_space<vmem>>
        %dma_start3A_424 = tpu.memref_squeeze %dma_start3A_423 : memref<1x80xi32, #tpu.memory_space<vmem>> -> memref<80xi32, #tpu.memory_space<vmem>>
        %dma_start3A_425 = tpu.memref_slice %arg6[%add3A_361] : memref<15360xi32, #tpu.memory_space<hbm>> -> memref<80xi32, #tpu.memory_space<hbm>>
        %dma_start3A_426 = arith.constant 0 : i32
        %dma_start3A_427 = tpu.memref_slice %arg11[%run_scoped3A_362, %dma_start3A_426] : memref<4x80xi32, #tpu.memory_space<vmem>> -> memref<1x80xi32, #tpu.memory_space<vmem>>
        %dma_start3A_428 = tpu.memref_squeeze %dma_start3A_427 : memref<1x80xi32, #tpu.memory_space<vmem>> -> memref<80xi32, #tpu.memory_space<vmem>>
        %dma_start3A_429 = tpu.memref_slice %arg6[%add3A_361] : memref<15360xi32, #tpu.memory_space<hbm>> -> memref<80xi32, #tpu.memory_space<hbm>>
        tpu.enqueue_dma source(%dma_start3A_429 : memref<80xi32, #tpu.memory_space<hbm>>) target(%dma_start3A_428 : memref<80xi32, #tpu.memory_space<vmem>>) target_semaphore(%run_scoped3A_421 : memref<!tpu.dma_semaphore, #tpu.memory_space<semaphore_mem>>)
        %dma_wait3A_430 = arith.constant 0 : i32
        %dma_wait3A_431 = tpu.memref_slice %arg11[%run_scoped3A_362, %dma_wait3A_430] : memref<4x80xi32, #tpu.memory_space<vmem>> -> memref<1x80xi32, #tpu.memory_space<vmem>>
        %dma_wait3A_432 = tpu.memref_squeeze %dma_wait3A_431 : memref<1x80xi32, #tpu.memory_space<vmem>> -> memref<80xi32, #tpu.memory_space<vmem>>
        %dma_wait3A_433 = tpu.memref_slice %arg6[%add3A_361] : memref<15360xi32, #tpu.memory_space<hbm>> -> memref<80xi32, #tpu.memory_space<hbm>>
        %dma_wait3A_434 = arith.constant 0 : i32
        %dma_wait3A_435 = tpu.memref_slice %arg11[%run_scoped3A_362, %dma_wait3A_434] : memref<4x80xi32, #tpu.memory_space<vmem>> -> memref<1x80xi32, #tpu.memory_space<vmem>>
        %dma_wait3A_436 = tpu.memref_squeeze %dma_wait3A_435 : memref<1x80xi32, #tpu.memory_space<vmem>> -> memref<80xi32, #tpu.memory_space<vmem>>
        %dma_wait3A_437 = tpu.memref_slice %arg6[%add3A_361] : memref<15360xi32, #tpu.memory_space<hbm>> -> memref<80xi32, #tpu.memory_space<hbm>>
        tpu.wait_dma2 semaphore(%run_scoped3A_421 : memref<!tpu.dma_semaphore, #tpu.memory_space<semaphore_mem>>) src(%dma_wait3A_437 : memref<80xi32, #tpu.memory_space<hbm>>) dst(%dma_wait3A_436 : memref<80xi32, #tpu.memory_space<vmem>>)
        tpu.yield
      }) : () -> ()
      %mul3A_363 = arith.constant 320 : i32
      %mul3A_364 = arith.muli %arg1, %mul3A_363 : i32
      %add3A_365 = arith.constant 5120 : i32
      %add3A_366 = arith.addi %add3A_365, %mul3A_364 : i32
      %add3A_367 = arith.constant 160 : i32
      %add3A_368 = arith.addi %add3A_366, %add3A_367 : i32
      %run_scoped3A_369 = arith.constant 2 : i32
      "tpu.region"() ({
        %run_scoped3A_421 = tpu.sem_alloc : memref<!tpu.dma_semaphore, #tpu.memory_space<semaphore_mem>>
        %dma_start3A_422 = arith.constant 0 : i32
        %dma_start3A_423 = tpu.memref_slice %arg11[%run_scoped3A_369, %dma_start3A_422] : memref<4x80xi32, #tpu.memory_space<vmem>> -> memref<1x80xi32, #tpu.memory_space<vmem>>
        %dma_start3A_424 = tpu.memref_squeeze %dma_start3A_423 : memref<1x80xi32, #tpu.memory_space<vmem>> -> memref<80xi32, #tpu.memory_space<vmem>>
        %dma_start3A_425 = tpu.memref_slice %arg6[%add3A_368] : memref<15360xi32, #tpu.memory_space<hbm>> -> memref<80xi32, #tpu.memory_space<hbm>>
        %dma_start3A_426 = arith.constant 0 : i32
        %dma_start3A_427 = tpu.memref_slice %arg11[%run_scoped3A_369, %dma_start3A_426] : memref<4x80xi32, #tpu.memory_space<vmem>> -> memref<1x80xi32, #tpu.memory_space<vmem>>
        %dma_start3A_428 = tpu.memref_squeeze %dma_start3A_427 : memref<1x80xi32, #tpu.memory_space<vmem>> -> memref<80xi32, #tpu.memory_space<vmem>>
        %dma_start3A_429 = tpu.memref_slice %arg6[%add3A_368] : memref<15360xi32, #tpu.memory_space<hbm>> -> memref<80xi32, #tpu.memory_space<hbm>>
        tpu.enqueue_dma source(%dma_start3A_429 : memref<80xi32, #tpu.memory_space<hbm>>) target(%dma_start3A_428 : memref<80xi32, #tpu.memory_space<vmem>>) target_semaphore(%run_scoped3A_421 : memref<!tpu.dma_semaphore, #tpu.memory_space<semaphore_mem>>)
        %dma_wait3A_430 = arith.constant 0 : i32
        %dma_wait3A_431 = tpu.memref_slice %arg11[%run_scoped3A_369, %dma_wait3A_430] : memref<4x80xi32, #tpu.memory_space<vmem>> -> memref<1x80xi32, #tpu.memory_space<vmem>>
        %dma_wait3A_432 = tpu.memref_squeeze %dma_wait3A_431 : memref<1x80xi32, #tpu.memory_space<vmem>> -> memref<80xi32, #tpu.memory_space<vmem>>
        %dma_wait3A_433 = tpu.memref_slice %arg6[%add3A_368] : memref<15360xi32, #tpu.memory_space<hbm>> -> memref<80xi32, #tpu.memory_space<hbm>>
        %dma_wait3A_434 = arith.constant 0 : i32
        %dma_wait3A_435 = tpu.memref_slice %arg11[%run_scoped3A_369, %dma_wait3A_434] : memref<4x80xi32, #tpu.memory_space<vmem>> -> memref<1x80xi32, #tpu.memory_space<vmem>>
        %dma_wait3A_436 = tpu.memref_squeeze %dma_wait3A_435 : memref<1x80xi32, #tpu.memory_space<vmem>> -> memref<80xi32, #tpu.memory_space<vmem>>
        %dma_wait3A_437 = tpu.memref_slice %arg6[%add3A_368] : memref<15360xi32, #tpu.memory_space<hbm>> -> memref<80xi32, #tpu.memory_space<hbm>>
        tpu.wait_dma2 semaphore(%run_scoped3A_421 : memref<!tpu.dma_semaphore, #tpu.memory_space<semaphore_mem>>) src(%dma_wait3A_437 : memref<80xi32, #tpu.memory_space<hbm>>) dst(%dma_wait3A_436 : memref<80xi32, #tpu.memory_space<vmem>>)
        tpu.yield
      }) : () -> ()
      %mul3A_370 = arith.constant 320 : i32
      %mul3A_371 = arith.muli %arg1, %mul3A_370 : i32
      %add3A_372 = arith.constant 5120 : i32
      %add3A_373 = arith.addi %add3A_372, %mul3A_371 : i32
      %add3A_374 = arith.constant 240 : i32
      %add3A_375 = arith.addi %add3A_373, %add3A_374 : i32
      %run_scoped3A_376 = arith.constant 3 : i32
      "tpu.region"() ({
        %run_scoped3A_421 = tpu.sem_alloc : memref<!tpu.dma_semaphore, #tpu.memory_space<semaphore_mem>>
        %dma_start3A_422 = arith.constant 0 : i32
        %dma_start3A_423 = tpu.memref_slice %arg11[%run_scoped3A_376, %dma_start3A_422] : memref<4x80xi32, #tpu.memory_space<vmem>> -> memref<1x80xi32, #tpu.memory_space<vmem>>
        %dma_start3A_424 = tpu.memref_squeeze %dma_start3A_423 : memref<1x80xi32, #tpu.memory_space<vmem>> -> memref<80xi32, #tpu.memory_space<vmem>>
        %dma_start3A_425 = tpu.memref_slice %arg6[%add3A_375] : memref<15360xi32, #tpu.memory_space<hbm>> -> memref<80xi32, #tpu.memory_space<hbm>>
        %dma_start3A_426 = arith.constant 0 : i32
        %dma_start3A_427 = tpu.memref_slice %arg11[%run_scoped3A_376, %dma_start3A_426] : memref<4x80xi32, #tpu.memory_space<vmem>> -> memref<1x80xi32, #tpu.memory_space<vmem>>
        %dma_start3A_428 = tpu.memref_squeeze %dma_start3A_427 : memref<1x80xi32, #tpu.memory_space<vmem>> -> memref<80xi32, #tpu.memory_space<vmem>>
        %dma_start3A_429 = tpu.memref_slice %arg6[%add3A_375] : memref<15360xi32, #tpu.memory_space<hbm>> -> memref<80xi32, #tpu.memory_space<hbm>>
        tpu.enqueue_dma source(%dma_start3A_429 : memref<80xi32, #tpu.memory_space<hbm>>) target(%dma_start3A_428 : memref<80xi32, #tpu.memory_space<vmem>>) target_semaphore(%run_scoped3A_421 : memref<!tpu.dma_semaphore, #tpu.memory_space<semaphore_mem>>)
        %dma_wait3A_430 = arith.constant 0 : i32
        %dma_wait3A_431 = tpu.memref_slice %arg11[%run_scoped3A_376, %dma_wait3A_430] : memref<4x80xi32, #tpu.memory_space<vmem>> -> memref<1x80xi32, #tpu.memory_space<vmem>>
        %dma_wait3A_432 = tpu.memref_squeeze %dma_wait3A_431 : memref<1x80xi32, #tpu.memory_space<vmem>> -> memref<80xi32, #tpu.memory_space<vmem>>
        %dma_wait3A_433 = tpu.memref_slice %arg6[%add3A_375] : memref<15360xi32, #tpu.memory_space<hbm>> -> memref<80xi32, #tpu.memory_space<hbm>>
        %dma_wait3A_434 = arith.constant 0 : i32
        %dma_wait3A_435 = tpu.memref_slice %arg11[%run_scoped3A_376, %dma_wait3A_434] : memref<4x80xi32, #tpu.memory_space<vmem>> -> memref<1x80xi32, #tpu.memory_space<vmem>>
        %dma_wait3A_436 = tpu.memref_squeeze %dma_wait3A_435 : memref<1x80xi32, #tpu.memory_space<vmem>> -> memref<80xi32, #tpu.memory_space<vmem>>
        %dma_wait3A_437 = tpu.memref_slice %arg6[%add3A_375] : memref<15360xi32, #tpu.memory_space<hbm>> -> memref<80xi32, #tpu.memory_space<hbm>>
        tpu.wait_dma2 semaphore(%run_scoped3A_421 : memref<!tpu.dma_semaphore, #tpu.memory_space<semaphore_mem>>) src(%dma_wait3A_437 : memref<80xi32, #tpu.memory_space<hbm>>) dst(%dma_wait3A_436 : memref<80xi32, #tpu.memory_space<vmem>>)
        tpu.yield
      }) : () -> ()
      %run_scoped3A_377 = arith.constant 0 : i32
      %run_scoped3A_378 = arith.constant 0 : i32
      "tpu.region"() ({
        %run_scoped3A_421 = tpu.sem_alloc : memref<!tpu.dma_semaphore, #tpu.memory_space<semaphore_mem>>
        %dma_start3A_422 = arith.constant 0 : i32
        %dma_start3A_423 = tpu.memref_slice %arg12[%run_scoped3A_377, %dma_start3A_422] : memref<4x80xi32, #tpu.memory_space<vmem>> -> memref<1x80xi32, #tpu.memory_space<vmem>>
        %dma_start3A_424 = tpu.memref_squeeze %dma_start3A_423 : memref<1x80xi32, #tpu.memory_space<vmem>> -> memref<80xi32, #tpu.memory_space<vmem>>
        %dma_start3A_425 = arith.constant 0 : i32
        %dma_start3A_426 = tpu.memref_slice %arg11[%run_scoped3A_378, %dma_start3A_425] : memref<4x80xi32, #tpu.memory_space<vmem>> -> memref<1x80xi32, #tpu.memory_space<vmem>>
        %dma_start3A_427 = tpu.memref_squeeze %dma_start3A_426 : memref<1x80xi32, #tpu.memory_space<vmem>> -> memref<80xi32, #tpu.memory_space<vmem>>
        %dma_start3A_428 = arith.constant 0 : i32
        %dma_start3A_429 = tpu.memref_slice %arg14[%dma_start3A_428] : memref<312320xi32, #tpu.memory_space<vmem_shared>> -> memref<312320xi32, #tpu.memory_space<vmem_shared>>
        tpu.enqueue_indirect_dma source(%dma_start3A_424 : memref<80xi32, #tpu.memory_space<vmem>>) target(%dma_start3A_429 : memref<312320xi32, #tpu.memory_space<vmem_shared>>) offsets(%dma_start3A_427 : memref<80xi32, #tpu.memory_space<vmem>>) semaphore(%run_scoped3A_421 : memref<!tpu.dma_semaphore, #tpu.memory_space<semaphore_mem>>)
        %dma_wait3A_430 = arith.constant 0 : i32
        %dma_wait3A_431 = tpu.memref_slice %arg12[%run_scoped3A_377, %dma_wait3A_430] : memref<4x80xi32, #tpu.memory_space<vmem>> -> memref<1x80xi32, #tpu.memory_space<vmem>>
        %dma_wait3A_432 = tpu.memref_squeeze %dma_wait3A_431 : memref<1x80xi32, #tpu.memory_space<vmem>> -> memref<80xi32, #tpu.memory_space<vmem>>
        %dma_wait3A_433 = arith.constant 0 : i32
        %dma_wait3A_434 = tpu.memref_slice %arg11[%run_scoped3A_378, %dma_wait3A_433] : memref<4x80xi32, #tpu.memory_space<vmem>> -> memref<1x80xi32, #tpu.memory_space<vmem>>
        %dma_wait3A_435 = tpu.memref_squeeze %dma_wait3A_434 : memref<1x80xi32, #tpu.memory_space<vmem>> -> memref<80xi32, #tpu.memory_space<vmem>>
        %dma_wait3A_436 = arith.constant 0 : i32
        %dma_wait3A_437 = tpu.memref_slice %arg14[%dma_wait3A_436] : memref<312320xi32, #tpu.memory_space<vmem_shared>> -> memref<312320xi32, #tpu.memory_space<vmem_shared>>
        tpu.wait_indirect_dma semaphore(%run_scoped3A_421 : memref<!tpu.dma_semaphore, #tpu.memory_space<semaphore_mem>>) src(%dma_wait3A_432 : memref<80xi32, #tpu.memory_space<vmem>>) dst(%dma_wait3A_437 : memref<312320xi32, #tpu.memory_space<vmem_shared>>)
        tpu.yield
      }) : () -> ()
      %run_scoped3A_379 = arith.constant 1 : i32
      %run_scoped3A_380 = arith.constant 1 : i32
      "tpu.region"() ({
        %run_scoped3A_421 = tpu.sem_alloc : memref<!tpu.dma_semaphore, #tpu.memory_space<semaphore_mem>>
        %dma_start3A_422 = arith.constant 0 : i32
        %dma_start3A_423 = tpu.memref_slice %arg12[%run_scoped3A_379, %dma_start3A_422] : memref<4x80xi32, #tpu.memory_space<vmem>> -> memref<1x80xi32, #tpu.memory_space<vmem>>
        %dma_start3A_424 = tpu.memref_squeeze %dma_start3A_423 : memref<1x80xi32, #tpu.memory_space<vmem>> -> memref<80xi32, #tpu.memory_space<vmem>>
        %dma_start3A_425 = arith.constant 0 : i32
        %dma_start3A_426 = tpu.memref_slice %arg11[%run_scoped3A_380, %dma_start3A_425] : memref<4x80xi32, #tpu.memory_space<vmem>> -> memref<1x80xi32, #tpu.memory_space<vmem>>
        %dma_start3A_427 = tpu.memref_squeeze %dma_start3A_426 : memref<1x80xi32, #tpu.memory_space<vmem>> -> memref<80xi32, #tpu.memory_space<vmem>>
        %dma_start3A_428 = arith.constant 0 : i32
        %dma_start3A_429 = tpu.memref_slice %arg14[%dma_start3A_428] : memref<312320xi32, #tpu.memory_space<vmem_shared>> -> memref<312320xi32, #tpu.memory_space<vmem_shared>>
        tpu.enqueue_indirect_dma source(%dma_start3A_424 : memref<80xi32, #tpu.memory_space<vmem>>) target(%dma_start3A_429 : memref<312320xi32, #tpu.memory_space<vmem_shared>>) offsets(%dma_start3A_427 : memref<80xi32, #tpu.memory_space<vmem>>) semaphore(%run_scoped3A_421 : memref<!tpu.dma_semaphore, #tpu.memory_space<semaphore_mem>>)
        %dma_wait3A_430 = arith.constant 0 : i32
        %dma_wait3A_431 = tpu.memref_slice %arg12[%run_scoped3A_379, %dma_wait3A_430] : memref<4x80xi32, #tpu.memory_space<vmem>> -> memref<1x80xi32, #tpu.memory_space<vmem>>
        %dma_wait3A_432 = tpu.memref_squeeze %dma_wait3A_431 : memref<1x80xi32, #tpu.memory_space<vmem>> -> memref<80xi32, #tpu.memory_space<vmem>>
        %dma_wait3A_433 = arith.constant 0 : i32
        %dma_wait3A_434 = tpu.memref_slice %arg11[%run_scoped3A_380, %dma_wait3A_433] : memref<4x80xi32, #tpu.memory_space<vmem>> -> memref<1x80xi32, #tpu.memory_space<vmem>>
        %dma_wait3A_435 = tpu.memref_squeeze %dma_wait3A_434 : memref<1x80xi32, #tpu.memory_space<vmem>> -> memref<80xi32, #tpu.memory_space<vmem>>
        %dma_wait3A_436 = arith.constant 0 : i32
        %dma_wait3A_437 = tpu.memref_slice %arg14[%dma_wait3A_436] : memref<312320xi32, #tpu.memory_space<vmem_shared>> -> memref<312320xi32, #tpu.memory_space<vmem_shared>>
        tpu.wait_indirect_dma semaphore(%run_scoped3A_421 : memref<!tpu.dma_semaphore, #tpu.memory_space<semaphore_mem>>) src(%dma_wait3A_432 : memref<80xi32, #tpu.memory_space<vmem>>) dst(%dma_wait3A_437 : memref<312320xi32, #tpu.memory_space<vmem_shared>>)
        tpu.yield
      }) : () -> ()
      %run_scoped3A_381 = arith.constant 2 : i32
      %run_scoped3A_382 = arith.constant 2 : i32
      "tpu.region"() ({
        %run_scoped3A_421 = tpu.sem_alloc : memref<!tpu.dma_semaphore, #tpu.memory_space<semaphore_mem>>
        %dma_start3A_422 = arith.constant 0 : i32
        %dma_start3A_423 = tpu.memref_slice %arg12[%run_scoped3A_381, %dma_start3A_422] : memref<4x80xi32, #tpu.memory_space<vmem>> -> memref<1x80xi32, #tpu.memory_space<vmem>>
        %dma_start3A_424 = tpu.memref_squeeze %dma_start3A_423 : memref<1x80xi32, #tpu.memory_space<vmem>> -> memref<80xi32, #tpu.memory_space<vmem>>
        %dma_start3A_425 = arith.constant 0 : i32
        %dma_start3A_426 = tpu.memref_slice %arg11[%run_scoped3A_382, %dma_start3A_425] : memref<4x80xi32, #tpu.memory_space<vmem>> -> memref<1x80xi32, #tpu.memory_space<vmem>>
        %dma_start3A_427 = tpu.memref_squeeze %dma_start3A_426 : memref<1x80xi32, #tpu.memory_space<vmem>> -> memref<80xi32, #tpu.memory_space<vmem>>
        %dma_start3A_428 = arith.constant 0 : i32
        %dma_start3A_429 = tpu.memref_slice %arg14[%dma_start3A_428] : memref<312320xi32, #tpu.memory_space<vmem_shared>> -> memref<312320xi32, #tpu.memory_space<vmem_shared>>
        tpu.enqueue_indirect_dma source(%dma_start3A_424 : memref<80xi32, #tpu.memory_space<vmem>>) target(%dma_start3A_429 : memref<312320xi32, #tpu.memory_space<vmem_shared>>) offsets(%dma_start3A_427 : memref<80xi32, #tpu.memory_space<vmem>>) semaphore(%run_scoped3A_421 : memref<!tpu.dma_semaphore, #tpu.memory_space<semaphore_mem>>)
        %dma_wait3A_430 = arith.constant 0 : i32
        %dma_wait3A_431 = tpu.memref_slice %arg12[%run_scoped3A_381, %dma_wait3A_430] : memref<4x80xi32, #tpu.memory_space<vmem>> -> memref<1x80xi32, #tpu.memory_space<vmem>>
        %dma_wait3A_432 = tpu.memref_squeeze %dma_wait3A_431 : memref<1x80xi32, #tpu.memory_space<vmem>> -> memref<80xi32, #tpu.memory_space<vmem>>
        %dma_wait3A_433 = arith.constant 0 : i32
        %dma_wait3A_434 = tpu.memref_slice %arg11[%run_scoped3A_382, %dma_wait3A_433] : memref<4x80xi32, #tpu.memory_space<vmem>> -> memref<1x80xi32, #tpu.memory_space<vmem>>
        %dma_wait3A_435 = tpu.memref_squeeze %dma_wait3A_434 : memref<1x80xi32, #tpu.memory_space<vmem>> -> memref<80xi32, #tpu.memory_space<vmem>>
        %dma_wait3A_436 = arith.constant 0 : i32
        %dma_wait3A_437 = tpu.memref_slice %arg14[%dma_wait3A_436] : memref<312320xi32, #tpu.memory_space<vmem_shared>> -> memref<312320xi32, #tpu.memory_space<vmem_shared>>
        tpu.wait_indirect_dma semaphore(%run_scoped3A_421 : memref<!tpu.dma_semaphore, #tpu.memory_space<semaphore_mem>>) src(%dma_wait3A_432 : memref<80xi32, #tpu.memory_space<vmem>>) dst(%dma_wait3A_437 : memref<312320xi32, #tpu.memory_space<vmem_shared>>)
        tpu.yield
      }) : () -> ()
      %run_scoped3A_383 = arith.constant 3 : i32
      %run_scoped3A_384 = arith.constant 3 : i32
      "tpu.region"() ({
        %run_scoped3A_421 = tpu.sem_alloc : memref<!tpu.dma_semaphore, #tpu.memory_space<semaphore_mem>>
        %dma_start3A_422 = arith.constant 0 : i32
        %dma_start3A_423 = tpu.memref_slice %arg12[%run_scoped3A_383, %dma_start3A_422] : memref<4x80xi32, #tpu.memory_space<vmem>> -> memref<1x80xi32, #tpu.memory_space<vmem>>
        %dma_start3A_424 = tpu.memref_squeeze %dma_start3A_423 : memref<1x80xi32, #tpu.memory_space<vmem>> -> memref<80xi32, #tpu.memory_space<vmem>>
        %dma_start3A_425 = arith.constant 0 : i32
        %dma_start3A_426 = tpu.memref_slice %arg11[%run_scoped3A_384, %dma_start3A_425] : memref<4x80xi32, #tpu.memory_space<vmem>> -> memref<1x80xi32, #tpu.memory_space<vmem>>
        %dma_start3A_427 = tpu.memref_squeeze %dma_start3A_426 : memref<1x80xi32, #tpu.memory_space<vmem>> -> memref<80xi32, #tpu.memory_space<vmem>>
        %dma_start3A_428 = arith.constant 0 : i32
        %dma_start3A_429 = tpu.memref_slice %arg14[%dma_start3A_428] : memref<312320xi32, #tpu.memory_space<vmem_shared>> -> memref<312320xi32, #tpu.memory_space<vmem_shared>>
        tpu.enqueue_indirect_dma source(%dma_start3A_424 : memref<80xi32, #tpu.memory_space<vmem>>) target(%dma_start3A_429 : memref<312320xi32, #tpu.memory_space<vmem_shared>>) offsets(%dma_start3A_427 : memref<80xi32, #tpu.memory_space<vmem>>) semaphore(%run_scoped3A_421 : memref<!tpu.dma_semaphore, #tpu.memory_space<semaphore_mem>>)
        %dma_wait3A_430 = arith.constant 0 : i32
        %dma_wait3A_431 = tpu.memref_slice %arg12[%run_scoped3A_383, %dma_wait3A_430] : memref<4x80xi32, #tpu.memory_space<vmem>> -> memref<1x80xi32, #tpu.memory_space<vmem>>
        %dma_wait3A_432 = tpu.memref_squeeze %dma_wait3A_431 : memref<1x80xi32, #tpu.memory_space<vmem>> -> memref<80xi32, #tpu.memory_space<vmem>>
        %dma_wait3A_433 = arith.constant 0 : i32
        %dma_wait3A_434 = tpu.memref_slice %arg11[%run_scoped3A_384, %dma_wait3A_433] : memref<4x80xi32, #tpu.memory_space<vmem>> -> memref<1x80xi32, #tpu.memory_space<vmem>>
        %dma_wait3A_435 = tpu.memref_squeeze %dma_wait3A_434 : memref<1x80xi32, #tpu.memory_space<vmem>> -> memref<80xi32, #tpu.memory_space<vmem>>
        %dma_wait3A_436 = arith.constant 0 : i32
        %dma_wait3A_437 = tpu.memref_slice %arg14[%dma_wait3A_436] : memref<312320xi32, #tpu.memory_space<vmem_shared>> -> memref<312320xi32, #tpu.memory_space<vmem_shared>>
        tpu.wait_indirect_dma semaphore(%run_scoped3A_421 : memref<!tpu.dma_semaphore, #tpu.memory_space<semaphore_mem>>) src(%dma_wait3A_432 : memref<80xi32, #tpu.memory_space<vmem>>) dst(%dma_wait3A_437 : memref<312320xi32, #tpu.memory_space<vmem_shared>>)
        tpu.yield
      }) : () -> ()
      %mul3A_385 = arith.constant 320 : i32
      %mul3A_386 = arith.muli %arg1, %mul3A_385 : i32
      %add3A_387 = arith.constant 10240 : i32
      %add3A_388 = arith.addi %add3A_387, %mul3A_386 : i32
      %add3A_389 = arith.constant 0 : i32
      %add3A_390 = arith.addi %add3A_388, %add3A_389 : i32
      %run_scoped3A_391 = arith.constant 0 : i32
      "tpu.region"() ({
        %run_scoped3A_421 = tpu.sem_alloc : memref<!tpu.dma_semaphore, #tpu.memory_space<semaphore_mem>>
        %dma_start3A_422 = arith.constant 0 : i32
        %dma_start3A_423 = tpu.memref_slice %arg11[%run_scoped3A_391, %dma_start3A_422] : memref<4x80xi32, #tpu.memory_space<vmem>> -> memref<1x80xi32, #tpu.memory_space<vmem>>
        %dma_start3A_424 = tpu.memref_squeeze %dma_start3A_423 : memref<1x80xi32, #tpu.memory_space<vmem>> -> memref<80xi32, #tpu.memory_space<vmem>>
        %dma_start3A_425 = tpu.memref_slice %arg6[%add3A_390] : memref<15360xi32, #tpu.memory_space<hbm>> -> memref<80xi32, #tpu.memory_space<hbm>>
        %dma_start3A_426 = arith.constant 0 : i32
        %dma_start3A_427 = tpu.memref_slice %arg11[%run_scoped3A_391, %dma_start3A_426] : memref<4x80xi32, #tpu.memory_space<vmem>> -> memref<1x80xi32, #tpu.memory_space<vmem>>
        %dma_start3A_428 = tpu.memref_squeeze %dma_start3A_427 : memref<1x80xi32, #tpu.memory_space<vmem>> -> memref<80xi32, #tpu.memory_space<vmem>>
        %dma_start3A_429 = tpu.memref_slice %arg6[%add3A_390] : memref<15360xi32, #tpu.memory_space<hbm>> -> memref<80xi32, #tpu.memory_space<hbm>>
        tpu.enqueue_dma source(%dma_start3A_429 : memref<80xi32, #tpu.memory_space<hbm>>) target(%dma_start3A_428 : memref<80xi32, #tpu.memory_space<vmem>>) target_semaphore(%run_scoped3A_421 : memref<!tpu.dma_semaphore, #tpu.memory_space<semaphore_mem>>)
        %dma_wait3A_430 = arith.constant 0 : i32
        %dma_wait3A_431 = tpu.memref_slice %arg11[%run_scoped3A_391, %dma_wait3A_430] : memref<4x80xi32, #tpu.memory_space<vmem>> -> memref<1x80xi32, #tpu.memory_space<vmem>>
        %dma_wait3A_432 = tpu.memref_squeeze %dma_wait3A_431 : memref<1x80xi32, #tpu.memory_space<vmem>> -> memref<80xi32, #tpu.memory_space<vmem>>
        %dma_wait3A_433 = tpu.memref_slice %arg6[%add3A_390] : memref<15360xi32, #tpu.memory_space<hbm>> -> memref<80xi32, #tpu.memory_space<hbm>>
        %dma_wait3A_434 = arith.constant 0 : i32
        %dma_wait3A_435 = tpu.memref_slice %arg11[%run_scoped3A_391, %dma_wait3A_434] : memref<4x80xi32, #tpu.memory_space<vmem>> -> memref<1x80xi32, #tpu.memory_space<vmem>>
        %dma_wait3A_436 = tpu.memref_squeeze %dma_wait3A_435 : memref<1x80xi32, #tpu.memory_space<vmem>> -> memref<80xi32, #tpu.memory_space<vmem>>
        %dma_wait3A_437 = tpu.memref_slice %arg6[%add3A_390] : memref<15360xi32, #tpu.memory_space<hbm>> -> memref<80xi32, #tpu.memory_space<hbm>>
        tpu.wait_dma2 semaphore(%run_scoped3A_421 : memref<!tpu.dma_semaphore, #tpu.memory_space<semaphore_mem>>) src(%dma_wait3A_437 : memref<80xi32, #tpu.memory_space<hbm>>) dst(%dma_wait3A_436 : memref<80xi32, #tpu.memory_space<vmem>>)
        tpu.yield
      }) : () -> ()
      %mul3A_392 = arith.constant 320 : i32
      %mul3A_393 = arith.muli %arg1, %mul3A_392 : i32
      %add3A_394 = arith.constant 10240 : i32
      %add3A_395 = arith.addi %add3A_394, %mul3A_393 : i32
      %add3A_396 = arith.constant 80 : i32
      %add3A_397 = arith.addi %add3A_395, %add3A_396 : i32
      %run_scoped3A_398 = arith.constant 1 : i32
      "tpu.region"() ({
        %run_scoped3A_421 = tpu.sem_alloc : memref<!tpu.dma_semaphore, #tpu.memory_space<semaphore_mem>>
        %dma_start3A_422 = arith.constant 0 : i32
        %dma_start3A_423 = tpu.memref_slice %arg11[%run_scoped3A_398, %dma_start3A_422] : memref<4x80xi32, #tpu.memory_space<vmem>> -> memref<1x80xi32, #tpu.memory_space<vmem>>
        %dma_start3A_424 = tpu.memref_squeeze %dma_start3A_423 : memref<1x80xi32, #tpu.memory_space<vmem>> -> memref<80xi32, #tpu.memory_space<vmem>>
        %dma_start3A_425 = tpu.memref_slice %arg6[%add3A_397] : memref<15360xi32, #tpu.memory_space<hbm>> -> memref<80xi32, #tpu.memory_space<hbm>>
        %dma_start3A_426 = arith.constant 0 : i32
        %dma_start3A_427 = tpu.memref_slice %arg11[%run_scoped3A_398, %dma_start3A_426] : memref<4x80xi32, #tpu.memory_space<vmem>> -> memref<1x80xi32, #tpu.memory_space<vmem>>
        %dma_start3A_428 = tpu.memref_squeeze %dma_start3A_427 : memref<1x80xi32, #tpu.memory_space<vmem>> -> memref<80xi32, #tpu.memory_space<vmem>>
        %dma_start3A_429 = tpu.memref_slice %arg6[%add3A_397] : memref<15360xi32, #tpu.memory_space<hbm>> -> memref<80xi32, #tpu.memory_space<hbm>>
        tpu.enqueue_dma source(%dma_start3A_429 : memref<80xi32, #tpu.memory_space<hbm>>) target(%dma_start3A_428 : memref<80xi32, #tpu.memory_space<vmem>>) target_semaphore(%run_scoped3A_421 : memref<!tpu.dma_semaphore, #tpu.memory_space<semaphore_mem>>)
        %dma_wait3A_430 = arith.constant 0 : i32
        %dma_wait3A_431 = tpu.memref_slice %arg11[%run_scoped3A_398, %dma_wait3A_430] : memref<4x80xi32, #tpu.memory_space<vmem>> -> memref<1x80xi32, #tpu.memory_space<vmem>>
        %dma_wait3A_432 = tpu.memref_squeeze %dma_wait3A_431 : memref<1x80xi32, #tpu.memory_space<vmem>> -> memref<80xi32, #tpu.memory_space<vmem>>
        %dma_wait3A_433 = tpu.memref_slice %arg6[%add3A_397] : memref<15360xi32, #tpu.memory_space<hbm>> -> memref<80xi32, #tpu.memory_space<hbm>>
        %dma_wait3A_434 = arith.constant 0 : i32
        %dma_wait3A_435 = tpu.memref_slice %arg11[%run_scoped3A_398, %dma_wait3A_434] : memref<4x80xi32, #tpu.memory_space<vmem>> -> memref<1x80xi32, #tpu.memory_space<vmem>>
        %dma_wait3A_436 = tpu.memref_squeeze %dma_wait3A_435 : memref<1x80xi32, #tpu.memory_space<vmem>> -> memref<80xi32, #tpu.memory_space<vmem>>
        %dma_wait3A_437 = tpu.memref_slice %arg6[%add3A_397] : memref<15360xi32, #tpu.memory_space<hbm>> -> memref<80xi32, #tpu.memory_space<hbm>>
        tpu.wait_dma2 semaphore(%run_scoped3A_421 : memref<!tpu.dma_semaphore, #tpu.memory_space<semaphore_mem>>) src(%dma_wait3A_437 : memref<80xi32, #tpu.memory_space<hbm>>) dst(%dma_wait3A_436 : memref<80xi32, #tpu.memory_space<vmem>>)
        tpu.yield
      }) : () -> ()
      %mul3A_399 = arith.constant 320 : i32
      %mul3A_400 = arith.muli %arg1, %mul3A_399 : i32
      %add3A_401 = arith.constant 10240 : i32
      %add3A_402 = arith.addi %add3A_401, %mul3A_400 : i32
      %add3A_403 = arith.constant 160 : i32
      %add3A_404 = arith.addi %add3A_402, %add3A_403 : i32
      %run_scoped3A_405 = arith.constant 2 : i32
      "tpu.region"() ({
        %run_scoped3A_421 = tpu.sem_alloc : memref<!tpu.dma_semaphore, #tpu.memory_space<semaphore_mem>>
        %dma_start3A_422 = arith.constant 0 : i32
        %dma_start3A_423 = tpu.memref_slice %arg11[%run_scoped3A_405, %dma_start3A_422] : memref<4x80xi32, #tpu.memory_space<vmem>> -> memref<1x80xi32, #tpu.memory_space<vmem>>
        %dma_start3A_424 = tpu.memref_squeeze %dma_start3A_423 : memref<1x80xi32, #tpu.memory_space<vmem>> -> memref<80xi32, #tpu.memory_space<vmem>>
        %dma_start3A_425 = tpu.memref_slice %arg6[%add3A_404] : memref<15360xi32, #tpu.memory_space<hbm>> -> memref<80xi32, #tpu.memory_space<hbm>>
        %dma_start3A_426 = arith.constant 0 : i32
        %dma_start3A_427 = tpu.memref_slice %arg11[%run_scoped3A_405, %dma_start3A_426] : memref<4x80xi32, #tpu.memory_space<vmem>> -> memref<1x80xi32, #tpu.memory_space<vmem>>
        %dma_start3A_428 = tpu.memref_squeeze %dma_start3A_427 : memref<1x80xi32, #tpu.memory_space<vmem>> -> memref<80xi32, #tpu.memory_space<vmem>>
        %dma_start3A_429 = tpu.memref_slice %arg6[%add3A_404] : memref<15360xi32, #tpu.memory_space<hbm>> -> memref<80xi32, #tpu.memory_space<hbm>>
        tpu.enqueue_dma source(%dma_start3A_429 : memref<80xi32, #tpu.memory_space<hbm>>) target(%dma_start3A_428 : memref<80xi32, #tpu.memory_space<vmem>>) target_semaphore(%run_scoped3A_421 : memref<!tpu.dma_semaphore, #tpu.memory_space<semaphore_mem>>)
        %dma_wait3A_430 = arith.constant 0 : i32
        %dma_wait3A_431 = tpu.memref_slice %arg11[%run_scoped3A_405, %dma_wait3A_430] : memref<4x80xi32, #tpu.memory_space<vmem>> -> memref<1x80xi32, #tpu.memory_space<vmem>>
        %dma_wait3A_432 = tpu.memref_squeeze %dma_wait3A_431 : memref<1x80xi32, #tpu.memory_space<vmem>> -> memref<80xi32, #tpu.memory_space<vmem>>
        %dma_wait3A_433 = tpu.memref_slice %arg6[%add3A_404] : memref<15360xi32, #tpu.memory_space<hbm>> -> memref<80xi32, #tpu.memory_space<hbm>>
        %dma_wait3A_434 = arith.constant 0 : i32
        %dma_wait3A_435 = tpu.memref_slice %arg11[%run_scoped3A_405, %dma_wait3A_434] : memref<4x80xi32, #tpu.memory_space<vmem>> -> memref<1x80xi32, #tpu.memory_space<vmem>>
        %dma_wait3A_436 = tpu.memref_squeeze %dma_wait3A_435 : memref<1x80xi32, #tpu.memory_space<vmem>> -> memref<80xi32, #tpu.memory_space<vmem>>
        %dma_wait3A_437 = tpu.memref_slice %arg6[%add3A_404] : memref<15360xi32, #tpu.memory_space<hbm>> -> memref<80xi32, #tpu.memory_space<hbm>>
        tpu.wait_dma2 semaphore(%run_scoped3A_421 : memref<!tpu.dma_semaphore, #tpu.memory_space<semaphore_mem>>) src(%dma_wait3A_437 : memref<80xi32, #tpu.memory_space<hbm>>) dst(%dma_wait3A_436 : memref<80xi32, #tpu.memory_space<vmem>>)
        tpu.yield
      }) : () -> ()
      %mul3A_406 = arith.constant 320 : i32
      %mul3A_407 = arith.muli %arg1, %mul3A_406 : i32
      %add3A_408 = arith.constant 10240 : i32
      %add3A_409 = arith.addi %add3A_408, %mul3A_407 : i32
      %add3A_410 = arith.constant 240 : i32
      %add3A_411 = arith.addi %add3A_409, %add3A_410 : i32
      %run_scoped3A_412 = arith.constant 3 : i32
      "tpu.region"() ({
        %run_scoped3A_421 = tpu.sem_alloc : memref<!tpu.dma_semaphore, #tpu.memory_space<semaphore_mem>>
        %dma_start3A_422 = arith.constant 0 : i32
        %dma_start3A_423 = tpu.memref_slice %arg11[%run_scoped3A_412, %dma_start3A_422] : memref<4x80xi32, #tpu.memory_space<vmem>> -> memref<1x80xi32, #tpu.memory_space<vmem>>
        %dma_start3A_424 = tpu.memref_squeeze %dma_start3A_423 : memref<1x80xi32, #tpu.memory_space<vmem>> -> memref<80xi32, #tpu.memory_space<vmem>>
        %dma_start3A_425 = tpu.memref_slice %arg6[%add3A_411] : memref<15360xi32, #tpu.memory_space<hbm>> -> memref<80xi32, #tpu.memory_space<hbm>>
        %dma_start3A_426 = arith.constant 0 : i32
        %dma_start3A_427 = tpu.memref_slice %arg11[%run_scoped3A_412, %dma_start3A_426] : memref<4x80xi32, #tpu.memory_space<vmem>> -> memref<1x80xi32, #tpu.memory_space<vmem>>
        %dma_start3A_428 = tpu.memref_squeeze %dma_start3A_427 : memref<1x80xi32, #tpu.memory_space<vmem>> -> memref<80xi32, #tpu.memory_space<vmem>>
        %dma_start3A_429 = tpu.memref_slice %arg6[%add3A_411] : memref<15360xi32, #tpu.memory_space<hbm>> -> memref<80xi32, #tpu.memory_space<hbm>>
        tpu.enqueue_dma source(%dma_start3A_429 : memref<80xi32, #tpu.memory_space<hbm>>) target(%dma_start3A_428 : memref<80xi32, #tpu.memory_space<vmem>>) target_semaphore(%run_scoped3A_421 : memref<!tpu.dma_semaphore, #tpu.memory_space<semaphore_mem>>)
        %dma_wait3A_430 = arith.constant 0 : i32
        %dma_wait3A_431 = tpu.memref_slice %arg11[%run_scoped3A_412, %dma_wait3A_430] : memref<4x80xi32, #tpu.memory_space<vmem>> -> memref<1x80xi32, #tpu.memory_space<vmem>>
        %dma_wait3A_432 = tpu.memref_squeeze %dma_wait3A_431 : memref<1x80xi32, #tpu.memory_space<vmem>> -> memref<80xi32, #tpu.memory_space<vmem>>
        %dma_wait3A_433 = tpu.memref_slice %arg6[%add3A_411] : memref<15360xi32, #tpu.memory_space<hbm>> -> memref<80xi32, #tpu.memory_space<hbm>>
        %dma_wait3A_434 = arith.constant 0 : i32
        %dma_wait3A_435 = tpu.memref_slice %arg11[%run_scoped3A_412, %dma_wait3A_434] : memref<4x80xi32, #tpu.memory_space<vmem>> -> memref<1x80xi32, #tpu.memory_space<vmem>>
        %dma_wait3A_436 = tpu.memref_squeeze %dma_wait3A_435 : memref<1x80xi32, #tpu.memory_space<vmem>> -> memref<80xi32, #tpu.memory_space<vmem>>
        %dma_wait3A_437 = tpu.memref_slice %arg6[%add3A_411] : memref<15360xi32, #tpu.memory_space<hbm>> -> memref<80xi32, #tpu.memory_space<hbm>>
        tpu.wait_dma2 semaphore(%run_scoped3A_421 : memref<!tpu.dma_semaphore, #tpu.memory_space<semaphore_mem>>) src(%dma_wait3A_437 : memref<80xi32, #tpu.memory_space<hbm>>) dst(%dma_wait3A_436 : memref<80xi32, #tpu.memory_space<vmem>>)
        tpu.yield
      }) : () -> ()
      %run_scoped3A_413 = arith.constant 0 : i32
      %run_scoped3A_414 = arith.constant 0 : i32
      "tpu.region"() ({
        %run_scoped3A_421 = tpu.sem_alloc : memref<!tpu.dma_semaphore, #tpu.memory_space<semaphore_mem>>
        %dma_start3A_422 = arith.constant 0 : i32
        %dma_start3A_423 = tpu.memref_slice %arg12[%run_scoped3A_413, %dma_start3A_422] : memref<4x80xi32, #tpu.memory_space<vmem>> -> memref<1x80xi32, #tpu.memory_space<vmem>>
        %dma_start3A_424 = tpu.memref_squeeze %dma_start3A_423 : memref<1x80xi32, #tpu.memory_space<vmem>> -> memref<80xi32, #tpu.memory_space<vmem>>
        %dma_start3A_425 = arith.constant 0 : i32
        %dma_start3A_426 = tpu.memref_slice %arg11[%run_scoped3A_414, %dma_start3A_425] : memref<4x80xi32, #tpu.memory_space<vmem>> -> memref<1x80xi32, #tpu.memory_space<vmem>>
        %dma_start3A_427 = tpu.memref_squeeze %dma_start3A_426 : memref<1x80xi32, #tpu.memory_space<vmem>> -> memref<80xi32, #tpu.memory_space<vmem>>
        %dma_start3A_428 = arith.constant 0 : i32
        %dma_start3A_429 = tpu.memref_slice %arg14[%dma_start3A_428] : memref<312320xi32, #tpu.memory_space<vmem_shared>> -> memref<312320xi32, #tpu.memory_space<vmem_shared>>
        tpu.enqueue_indirect_dma source(%dma_start3A_424 : memref<80xi32, #tpu.memory_space<vmem>>) target(%dma_start3A_429 : memref<312320xi32, #tpu.memory_space<vmem_shared>>) offsets(%dma_start3A_427 : memref<80xi32, #tpu.memory_space<vmem>>) semaphore(%run_scoped3A_421 : memref<!tpu.dma_semaphore, #tpu.memory_space<semaphore_mem>>)
        %dma_wait3A_430 = arith.constant 0 : i32
        %dma_wait3A_431 = tpu.memref_slice %arg12[%run_scoped3A_413, %dma_wait3A_430] : memref<4x80xi32, #tpu.memory_space<vmem>> -> memref<1x80xi32, #tpu.memory_space<vmem>>
        %dma_wait3A_432 = tpu.memref_squeeze %dma_wait3A_431 : memref<1x80xi32, #tpu.memory_space<vmem>> -> memref<80xi32, #tpu.memory_space<vmem>>
        %dma_wait3A_433 = arith.constant 0 : i32
        %dma_wait3A_434 = tpu.memref_slice %arg11[%run_scoped3A_414, %dma_wait3A_433] : memref<4x80xi32, #tpu.memory_space<vmem>> -> memref<1x80xi32, #tpu.memory_space<vmem>>
        %dma_wait3A_435 = tpu.memref_squeeze %dma_wait3A_434 : memref<1x80xi32, #tpu.memory_space<vmem>> -> memref<80xi32, #tpu.memory_space<vmem>>
        %dma_wait3A_436 = arith.constant 0 : i32
        %dma_wait3A_437 = tpu.memref_slice %arg14[%dma_wait3A_436] : memref<312320xi32, #tpu.memory_space<vmem_shared>> -> memref<312320xi32, #tpu.memory_space<vmem_shared>>
        tpu.wait_indirect_dma semaphore(%run_scoped3A_421 : memref<!tpu.dma_semaphore, #tpu.memory_space<semaphore_mem>>) src(%dma_wait3A_432 : memref<80xi32, #tpu.memory_space<vmem>>) dst(%dma_wait3A_437 : memref<312320xi32, #tpu.memory_space<vmem_shared>>)
        tpu.yield
      }) : () -> ()
      %run_scoped3A_415 = arith.constant 1 : i32
      %run_scoped3A_416 = arith.constant 1 : i32
      "tpu.region"() ({
        %run_scoped3A_421 = tpu.sem_alloc : memref<!tpu.dma_semaphore, #tpu.memory_space<semaphore_mem>>
        %dma_start3A_422 = arith.constant 0 : i32
        %dma_start3A_423 = tpu.memref_slice %arg12[%run_scoped3A_415, %dma_start3A_422] : memref<4x80xi32, #tpu.memory_space<vmem>> -> memref<1x80xi32, #tpu.memory_space<vmem>>
        %dma_start3A_424 = tpu.memref_squeeze %dma_start3A_423 : memref<1x80xi32, #tpu.memory_space<vmem>> -> memref<80xi32, #tpu.memory_space<vmem>>
        %dma_start3A_425 = arith.constant 0 : i32
        %dma_start3A_426 = tpu.memref_slice %arg11[%run_scoped3A_416, %dma_start3A_425] : memref<4x80xi32, #tpu.memory_space<vmem>> -> memref<1x80xi32, #tpu.memory_space<vmem>>
        %dma_start3A_427 = tpu.memref_squeeze %dma_start3A_426 : memref<1x80xi32, #tpu.memory_space<vmem>> -> memref<80xi32, #tpu.memory_space<vmem>>
        %dma_start3A_428 = arith.constant 0 : i32
        %dma_start3A_429 = tpu.memref_slice %arg14[%dma_start3A_428] : memref<312320xi32, #tpu.memory_space<vmem_shared>> -> memref<312320xi32, #tpu.memory_space<vmem_shared>>
        tpu.enqueue_indirect_dma source(%dma_start3A_424 : memref<80xi32, #tpu.memory_space<vmem>>) target(%dma_start3A_429 : memref<312320xi32, #tpu.memory_space<vmem_shared>>) offsets(%dma_start3A_427 : memref<80xi32, #tpu.memory_space<vmem>>) semaphore(%run_scoped3A_421 : memref<!tpu.dma_semaphore, #tpu.memory_space<semaphore_mem>>)
        %dma_wait3A_430 = arith.constant 0 : i32
        %dma_wait3A_431 = tpu.memref_slice %arg12[%run_scoped3A_415, %dma_wait3A_430] : memref<4x80xi32, #tpu.memory_space<vmem>> -> memref<1x80xi32, #tpu.memory_space<vmem>>
        %dma_wait3A_432 = tpu.memref_squeeze %dma_wait3A_431 : memref<1x80xi32, #tpu.memory_space<vmem>> -> memref<80xi32, #tpu.memory_space<vmem>>
        %dma_wait3A_433 = arith.constant 0 : i32
        %dma_wait3A_434 = tpu.memref_slice %arg11[%run_scoped3A_416, %dma_wait3A_433] : memref<4x80xi32, #tpu.memory_space<vmem>> -> memref<1x80xi32, #tpu.memory_space<vmem>>
        %dma_wait3A_435 = tpu.memref_squeeze %dma_wait3A_434 : memref<1x80xi32, #tpu.memory_space<vmem>> -> memref<80xi32, #tpu.memory_space<vmem>>
        %dma_wait3A_436 = arith.constant 0 : i32
        %dma_wait3A_437 = tpu.memref_slice %arg14[%dma_wait3A_436] : memref<312320xi32, #tpu.memory_space<vmem_shared>> -> memref<312320xi32, #tpu.memory_space<vmem_shared>>
        tpu.wait_indirect_dma semaphore(%run_scoped3A_421 : memref<!tpu.dma_semaphore, #tpu.memory_space<semaphore_mem>>) src(%dma_wait3A_432 : memref<80xi32, #tpu.memory_space<vmem>>) dst(%dma_wait3A_437 : memref<312320xi32, #tpu.memory_space<vmem_shared>>)
        tpu.yield
      }) : () -> ()
      %run_scoped3A_417 = arith.constant 2 : i32
      %run_scoped3A_418 = arith.constant 2 : i32
      "tpu.region"() ({
        %run_scoped3A_421 = tpu.sem_alloc : memref<!tpu.dma_semaphore, #tpu.memory_space<semaphore_mem>>
        %dma_start3A_422 = arith.constant 0 : i32
        %dma_start3A_423 = tpu.memref_slice %arg12[%run_scoped3A_417, %dma_start3A_422] : memref<4x80xi32, #tpu.memory_space<vmem>> -> memref<1x80xi32, #tpu.memory_space<vmem>>
        %dma_start3A_424 = tpu.memref_squeeze %dma_start3A_423 : memref<1x80xi32, #tpu.memory_space<vmem>> -> memref<80xi32, #tpu.memory_space<vmem>>
        %dma_start3A_425 = arith.constant 0 : i32
        %dma_start3A_426 = tpu.memref_slice %arg11[%run_scoped3A_418, %dma_start3A_425] : memref<4x80xi32, #tpu.memory_space<vmem>> -> memref<1x80xi32, #tpu.memory_space<vmem>>
        %dma_start3A_427 = tpu.memref_squeeze %dma_start3A_426 : memref<1x80xi32, #tpu.memory_space<vmem>> -> memref<80xi32, #tpu.memory_space<vmem>>
        %dma_start3A_428 = arith.constant 0 : i32
        %dma_start3A_429 = tpu.memref_slice %arg14[%dma_start3A_428] : memref<312320xi32, #tpu.memory_space<vmem_shared>> -> memref<312320xi32, #tpu.memory_space<vmem_shared>>
        tpu.enqueue_indirect_dma source(%dma_start3A_424 : memref<80xi32, #tpu.memory_space<vmem>>) target(%dma_start3A_429 : memref<312320xi32, #tpu.memory_space<vmem_shared>>) offsets(%dma_start3A_427 : memref<80xi32, #tpu.memory_space<vmem>>) semaphore(%run_scoped3A_421 : memref<!tpu.dma_semaphore, #tpu.memory_space<semaphore_mem>>)
        %dma_wait3A_430 = arith.constant 0 : i32
        %dma_wait3A_431 = tpu.memref_slice %arg12[%run_scoped3A_417, %dma_wait3A_430] : memref<4x80xi32, #tpu.memory_space<vmem>> -> memref<1x80xi32, #tpu.memory_space<vmem>>
        %dma_wait3A_432 = tpu.memref_squeeze %dma_wait3A_431 : memref<1x80xi32, #tpu.memory_space<vmem>> -> memref<80xi32, #tpu.memory_space<vmem>>
        %dma_wait3A_433 = arith.constant 0 : i32
        %dma_wait3A_434 = tpu.memref_slice %arg11[%run_scoped3A_418, %dma_wait3A_433] : memref<4x80xi32, #tpu.memory_space<vmem>> -> memref<1x80xi32, #tpu.memory_space<vmem>>
        %dma_wait3A_435 = tpu.memref_squeeze %dma_wait3A_434 : memref<1x80xi32, #tpu.memory_space<vmem>> -> memref<80xi32, #tpu.memory_space<vmem>>
        %dma_wait3A_436 = arith.constant 0 : i32
        %dma_wait3A_437 = tpu.memref_slice %arg14[%dma_wait3A_436] : memref<312320xi32, #tpu.memory_space<vmem_shared>> -> memref<312320xi32, #tpu.memory_space<vmem_shared>>
        tpu.wait_indirect_dma semaphore(%run_scoped3A_421 : memref<!tpu.dma_semaphore, #tpu.memory_space<semaphore_mem>>) src(%dma_wait3A_432 : memref<80xi32, #tpu.memory_space<vmem>>) dst(%dma_wait3A_437 : memref<312320xi32, #tpu.memory_space<vmem_shared>>)
        tpu.yield
      }) : () -> ()
      %run_scoped3A_419 = arith.constant 3 : i32
      %run_scoped3A_420 = arith.constant 3 : i32
      "tpu.region"() ({
        %run_scoped3A_421 = tpu.sem_alloc : memref<!tpu.dma_semaphore, #tpu.memory_space<semaphore_mem>>
        %dma_start3A_422 = arith.constant 0 : i32
        %dma_start3A_423 = tpu.memref_slice %arg12[%run_scoped3A_419, %dma_start3A_422] : memref<4x80xi32, #tpu.memory_space<vmem>> -> memref<1x80xi32, #tpu.memory_space<vmem>>
        %dma_start3A_424 = tpu.memref_squeeze %dma_start3A_423 : memref<1x80xi32, #tpu.memory_space<vmem>> -> memref<80xi32, #tpu.memory_space<vmem>>
        %dma_start3A_425 = arith.constant 0 : i32
        %dma_start3A_426 = tpu.memref_slice %arg11[%run_scoped3A_420, %dma_start3A_425] : memref<4x80xi32, #tpu.memory_space<vmem>> -> memref<1x80xi32, #tpu.memory_space<vmem>>
        %dma_start3A_427 = tpu.memref_squeeze %dma_start3A_426 : memref<1x80xi32, #tpu.memory_space<vmem>> -> memref<80xi32, #tpu.memory_space<vmem>>
        %dma_start3A_428 = arith.constant 0 : i32
        %dma_start3A_429 = tpu.memref_slice %arg14[%dma_start3A_428] : memref<312320xi32, #tpu.memory_space<vmem_shared>> -> memref<312320xi32, #tpu.memory_space<vmem_shared>>
        tpu.enqueue_indirect_dma source(%dma_start3A_424 : memref<80xi32, #tpu.memory_space<vmem>>) target(%dma_start3A_429 : memref<312320xi32, #tpu.memory_space<vmem_shared>>) offsets(%dma_start3A_427 : memref<80xi32, #tpu.memory_space<vmem>>) semaphore(%run_scoped3A_421 : memref<!tpu.dma_semaphore, #tpu.memory_space<semaphore_mem>>)
        %dma_wait3A_430 = arith.constant 0 : i32
        %dma_wait3A_431 = tpu.memref_slice %arg12[%run_scoped3A_419, %dma_wait3A_430] : memref<4x80xi32, #tpu.memory_space<vmem>> -> memref<1x80xi32, #tpu.memory_space<vmem>>
        %dma_wait3A_432 = tpu.memref_squeeze %dma_wait3A_431 : memref<1x80xi32, #tpu.memory_space<vmem>> -> memref<80xi32, #tpu.memory_space<vmem>>
        %dma_wait3A_433 = arith.constant 0 : i32
        %dma_wait3A_434 = tpu.memref_slice %arg11[%run_scoped3A_420, %dma_wait3A_433] : memref<4x80xi32, #tpu.memory_space<vmem>> -> memref<1x80xi32, #tpu.memory_space<vmem>>
        %dma_wait3A_435 = tpu.memref_squeeze %dma_wait3A_434 : memref<1x80xi32, #tpu.memory_space<vmem>> -> memref<80xi32, #tpu.memory_space<vmem>>
        %dma_wait3A_436 = arith.constant 0 : i32
        %dma_wait3A_437 = tpu.memref_slice %arg14[%dma_wait3A_436] : memref<312320xi32, #tpu.memory_space<vmem_shared>> -> memref<312320xi32, #tpu.memory_space<vmem_shared>>
        tpu.wait_indirect_dma semaphore(%run_scoped3A_421 : memref<!tpu.dma_semaphore, #tpu.memory_space<semaphore_mem>>) src(%dma_wait3A_432 : memref<80xi32, #tpu.memory_space<vmem>>) dst(%dma_wait3A_437 : memref<312320xi32, #tpu.memory_space<vmem_shared>>)
        tpu.yield
      }) : () -> ()
    } else {
    }
    %barrier3A = arith.constant 0 : index
    tpu.barrier barrier_id(%barrier3A)
    %eq3A_340 = arith.constant 0 : i32
    %eq3A_341 = arith.cmpi eq, %arg0, %eq3A_340 : i32
    %convert_element_type3A_342 = arith.extui %eq3A_341 : i1 to i32
    %cond3A_343 = arith.constant 0 : i32
    %cond3A_344 = arith.cmpi ne, %convert_element_type3A_342, %cond3A_343 : i32
    scf.if %cond3A_344 {
      %mul3A_350 = arith.constant 320 : i32
      %mul3A_351 = arith.muli %arg1, %mul3A_350 : i32
      %add3A_352 = arith.constant 0 : i32
      %add3A_353 = arith.addi %add3A_352, %mul3A_351 : i32
      %add3A_354 = arith.constant 0 : i32
      %add3A_355 = arith.addi %add3A_353, %add3A_354 : i32
      %run_scoped3A = arith.constant 0 : i32
      "tpu.region"() ({
        %run_scoped3A_413 = tpu.sem_alloc : memref<!tpu.dma_semaphore, #tpu.memory_space<semaphore_mem>>
        %dma_start3A_414 = arith.constant 0 : i32
        %dma_start3A_415 = tpu.memref_slice %arg11[%run_scoped3A, %dma_start3A_414] : memref<4x80xi32, #tpu.memory_space<vmem>> -> memref<1x80xi32, #tpu.memory_space<vmem>>
        %dma_start3A_416 = tpu.memref_squeeze %dma_start3A_415 : memref<1x80xi32, #tpu.memory_space<vmem>> -> memref<80xi32, #tpu.memory_space<vmem>>
        %dma_start3A_417 = tpu.memref_slice %arg6[%add3A_355] : memref<15360xi32, #tpu.memory_space<hbm>> -> memref<80xi32, #tpu.memory_space<hbm>>
        %dma_start3A_418 = arith.constant 0 : i32
        %dma_start3A_419 = tpu.memref_slice %arg11[%run_scoped3A, %dma_start3A_418] : memref<4x80xi32, #tpu.memory_space<vmem>> -> memref<1x80xi32, #tpu.memory_space<vmem>>
        %dma_start3A_420 = tpu.memref_squeeze %dma_start3A_419 : memref<1x80xi32, #tpu.memory_space<vmem>> -> memref<80xi32, #tpu.memory_space<vmem>>
        %dma_start3A_421 = tpu.memref_slice %arg6[%add3A_355] : memref<15360xi32, #tpu.memory_space<hbm>> -> memref<80xi32, #tpu.memory_space<hbm>>
        tpu.enqueue_dma source(%dma_start3A_421 : memref<80xi32, #tpu.memory_space<hbm>>) target(%dma_start3A_420 : memref<80xi32, #tpu.memory_space<vmem>>) target_semaphore(%run_scoped3A_413 : memref<!tpu.dma_semaphore, #tpu.memory_space<semaphore_mem>>)
        %dma_wait3A_422 = arith.constant 0 : i32
        %dma_wait3A_423 = tpu.memref_slice %arg11[%run_scoped3A, %dma_wait3A_422] : memref<4x80xi32, #tpu.memory_space<vmem>> -> memref<1x80xi32, #tpu.memory_space<vmem>>
        %dma_wait3A_424 = tpu.memref_squeeze %dma_wait3A_423 : memref<1x80xi32, #tpu.memory_space<vmem>> -> memref<80xi32, #tpu.memory_space<vmem>>
        %dma_wait3A_425 = tpu.memref_slice %arg6[%add3A_355] : memref<15360xi32, #tpu.memory_space<hbm>> -> memref<80xi32, #tpu.memory_space<hbm>>
        %dma_wait3A_426 = arith.constant 0 : i32
        %dma_wait3A_427 = tpu.memref_slice %arg11[%run_scoped3A, %dma_wait3A_426] : memref<4x80xi32, #tpu.memory_space<vmem>> -> memref<1x80xi32, #tpu.memory_space<vmem>>
        %dma_wait3A_428 = tpu.memref_squeeze %dma_wait3A_427 : memref<1x80xi32, #tpu.memory_space<vmem>> -> memref<80xi32, #tpu.memory_space<vmem>>
        %dma_wait3A_429 = tpu.memref_slice %arg6[%add3A_355] : memref<15360xi32, #tpu.memory_space<hbm>> -> memref<80xi32, #tpu.memory_space<hbm>>
        tpu.wait_dma2 semaphore(%run_scoped3A_413 : memref<!tpu.dma_semaphore, #tpu.memory_space<semaphore_mem>>) src(%dma_wait3A_429 : memref<80xi32, #tpu.memory_space<hbm>>) dst(%dma_wait3A_428 : memref<80xi32, #tpu.memory_space<vmem>>)
        tpu.yield
      }) : () -> ()
      %mul3A_356 = arith.constant 320 : i32
      %mul3A_357 = arith.muli %arg1, %mul3A_356 : i32
      %add3A_358 = arith.constant 0 : i32
      %add3A_359 = arith.addi %add3A_358, %mul3A_357 : i32
      %add3A_360 = arith.constant 80 : i32
      %add3A_361 = arith.addi %add3A_359, %add3A_360 : i32
      %run_scoped3A_362 = arith.constant 1 : i32
      "tpu.region"() ({
        %run_scoped3A_413 = tpu.sem_alloc : memref<!tpu.dma_semaphore, #tpu.memory_space<semaphore_mem>>
        %dma_start3A_414 = arith.constant 0 : i32
        %dma_start3A_415 = tpu.memref_slice %arg11[%run_scoped3A_362, %dma_start3A_414] : memref<4x80xi32, #tpu.memory_space<vmem>> -> memref<1x80xi32, #tpu.memory_space<vmem>>
        %dma_start3A_416 = tpu.memref_squeeze %dma_start3A_415 : memref<1x80xi32, #tpu.memory_space<vmem>> -> memref<80xi32, #tpu.memory_space<vmem>>
        %dma_start3A_417 = tpu.memref_slice %arg6[%add3A_361] : memref<15360xi32, #tpu.memory_space<hbm>> -> memref<80xi32, #tpu.memory_space<hbm>>
        %dma_start3A_418 = arith.constant 0 : i32
        %dma_start3A_419 = tpu.memref_slice %arg11[%run_scoped3A_362, %dma_start3A_418] : memref<4x80xi32, #tpu.memory_space<vmem>> -> memref<1x80xi32, #tpu.memory_space<vmem>>
        %dma_start3A_420 = tpu.memref_squeeze %dma_start3A_419 : memref<1x80xi32, #tpu.memory_space<vmem>> -> memref<80xi32, #tpu.memory_space<vmem>>
        %dma_start3A_421 = tpu.memref_slice %arg6[%add3A_361] : memref<15360xi32, #tpu.memory_space<hbm>> -> memref<80xi32, #tpu.memory_space<hbm>>
        tpu.enqueue_dma source(%dma_start3A_421 : memref<80xi32, #tpu.memory_space<hbm>>) target(%dma_start3A_420 : memref<80xi32, #tpu.memory_space<vmem>>) target_semaphore(%run_scoped3A_413 : memref<!tpu.dma_semaphore, #tpu.memory_space<semaphore_mem>>)
        %dma_wait3A_422 = arith.constant 0 : i32
        %dma_wait3A_423 = tpu.memref_slice %arg11[%run_scoped3A_362, %dma_wait3A_422] : memref<4x80xi32, #tpu.memory_space<vmem>> -> memref<1x80xi32, #tpu.memory_space<vmem>>
        %dma_wait3A_424 = tpu.memref_squeeze %dma_wait3A_423 : memref<1x80xi32, #tpu.memory_space<vmem>> -> memref<80xi32, #tpu.memory_space<vmem>>
        %dma_wait3A_425 = tpu.memref_slice %arg6[%add3A_361] : memref<15360xi32, #tpu.memory_space<hbm>> -> memref<80xi32, #tpu.memory_space<hbm>>
        %dma_wait3A_426 = arith.constant 0 : i32
        %dma_wait3A_427 = tpu.memref_slice %arg11[%run_scoped3A_362, %dma_wait3A_426] : memref<4x80xi32, #tpu.memory_space<vmem>> -> memref<1x80xi32, #tpu.memory_space<vmem>>
        %dma_wait3A_428 = tpu.memref_squeeze %dma_wait3A_427 : memref<1x80xi32, #tpu.memory_space<vmem>> -> memref<80xi32, #tpu.memory_space<vmem>>
        %dma_wait3A_429 = tpu.memref_slice %arg6[%add3A_361] : memref<15360xi32, #tpu.memory_space<hbm>> -> memref<80xi32, #tpu.memory_space<hbm>>
        tpu.wait_dma2 semaphore(%run_scoped3A_413 : memref<!tpu.dma_semaphore, #tpu.memory_space<semaphore_mem>>) src(%dma_wait3A_429 : memref<80xi32, #tpu.memory_space<hbm>>) dst(%dma_wait3A_428 : memref<80xi32, #tpu.memory_space<vmem>>)
        tpu.yield
      }) : () -> ()
      %mul3A_363 = arith.constant 320 : i32
      %mul3A_364 = arith.muli %arg1, %mul3A_363 : i32
      %add3A_365 = arith.constant 0 : i32
      %add3A_366 = arith.addi %add3A_365, %mul3A_364 : i32
      %add3A_367 = arith.constant 160 : i32
      %add3A_368 = arith.addi %add3A_366, %add3A_367 : i32
      %run_scoped3A_369 = arith.constant 2 : i32
      "tpu.region"() ({
        %run_scoped3A_413 = tpu.sem_alloc : memref<!tpu.dma_semaphore, #tpu.memory_space<semaphore_mem>>
        %dma_start3A_414 = arith.constant 0 : i32
        %dma_start3A_415 = tpu.memref_slice %arg11[%run_scoped3A_369, %dma_start3A_414] : memref<4x80xi32, #tpu.memory_space<vmem>> -> memref<1x80xi32, #tpu.memory_space<vmem>>
        %dma_start3A_416 = tpu.memref_squeeze %dma_start3A_415 : memref<1x80xi32, #tpu.memory_space<vmem>> -> memref<80xi32, #tpu.memory_space<vmem>>
        %dma_start3A_417 = tpu.memref_slice %arg6[%add3A_368] : memref<15360xi32, #tpu.memory_space<hbm>> -> memref<80xi32, #tpu.memory_space<hbm>>
        %dma_start3A_418 = arith.constant 0 : i32
        %dma_start3A_419 = tpu.memref_slice %arg11[%run_scoped3A_369, %dma_start3A_418] : memref<4x80xi32, #tpu.memory_space<vmem>> -> memref<1x80xi32, #tpu.memory_space<vmem>>
        %dma_start3A_420 = tpu.memref_squeeze %dma_start3A_419 : memref<1x80xi32, #tpu.memory_space<vmem>> -> memref<80xi32, #tpu.memory_space<vmem>>
        %dma_start3A_421 = tpu.memref_slice %arg6[%add3A_368] : memref<15360xi32, #tpu.memory_space<hbm>> -> memref<80xi32, #tpu.memory_space<hbm>>
        tpu.enqueue_dma source(%dma_start3A_421 : memref<80xi32, #tpu.memory_space<hbm>>) target(%dma_start3A_420 : memref<80xi32, #tpu.memory_space<vmem>>) target_semaphore(%run_scoped3A_413 : memref<!tpu.dma_semaphore, #tpu.memory_space<semaphore_mem>>)
        %dma_wait3A_422 = arith.constant 0 : i32
        %dma_wait3A_423 = tpu.memref_slice %arg11[%run_scoped3A_369, %dma_wait3A_422] : memref<4x80xi32, #tpu.memory_space<vmem>> -> memref<1x80xi32, #tpu.memory_space<vmem>>
        %dma_wait3A_424 = tpu.memref_squeeze %dma_wait3A_423 : memref<1x80xi32, #tpu.memory_space<vmem>> -> memref<80xi32, #tpu.memory_space<vmem>>
        %dma_wait3A_425 = tpu.memref_slice %arg6[%add3A_368] : memref<15360xi32, #tpu.memory_space<hbm>> -> memref<80xi32, #tpu.memory_space<hbm>>
        %dma_wait3A_426 = arith.constant 0 : i32
        %dma_wait3A_427 = tpu.memref_slice %arg11[%run_scoped3A_369, %dma_wait3A_426] : memref<4x80xi32, #tpu.memory_space<vmem>> -> memref<1x80xi32, #tpu.memory_space<vmem>>
        %dma_wait3A_428 = tpu.memref_squeeze %dma_wait3A_427 : memref<1x80xi32, #tpu.memory_space<vmem>> -> memref<80xi32, #tpu.memory_space<vmem>>
        %dma_wait3A_429 = tpu.memref_slice %arg6[%add3A_368] : memref<15360xi32, #tpu.memory_space<hbm>> -> memref<80xi32, #tpu.memory_space<hbm>>
        tpu.wait_dma2 semaphore(%run_scoped3A_413 : memref<!tpu.dma_semaphore, #tpu.memory_space<semaphore_mem>>) src(%dma_wait3A_429 : memref<80xi32, #tpu.memory_space<hbm>>) dst(%dma_wait3A_428 : memref<80xi32, #tpu.memory_space<vmem>>)
        tpu.yield
      }) : () -> ()
      %mul3A_370 = arith.constant 320 : i32
      %mul3A_371 = arith.muli %arg1, %mul3A_370 : i32
      %add3A_372 = arith.constant 0 : i32
      %add3A_373 = arith.addi %add3A_372, %mul3A_371 : i32
      %add3A_374 = arith.constant 240 : i32
      %add3A_375 = arith.addi %add3A_373, %add3A_374 : i32
      %run_scoped3A_376 = arith.constant 3 : i32
      "tpu.region"() ({
        %run_scoped3A_413 = tpu.sem_alloc : memref<!tpu.dma_semaphore, #tpu.memory_space<semaphore_mem>>
        %dma_start3A_414 = arith.constant 0 : i32
        %dma_start3A_415 = tpu.memref_slice %arg11[%run_scoped3A_376, %dma_start3A_414] : memref<4x80xi32, #tpu.memory_space<vmem>> -> memref<1x80xi32, #tpu.memory_space<vmem>>
        %dma_start3A_416 = tpu.memref_squeeze %dma_start3A_415 : memref<1x80xi32, #tpu.memory_space<vmem>> -> memref<80xi32, #tpu.memory_space<vmem>>
        %dma_start3A_417 = tpu.memref_slice %arg6[%add3A_375] : memref<15360xi32, #tpu.memory_space<hbm>> -> memref<80xi32, #tpu.memory_space<hbm>>
        %dma_start3A_418 = arith.constant 0 : i32
        %dma_start3A_419 = tpu.memref_slice %arg11[%run_scoped3A_376, %dma_start3A_418] : memref<4x80xi32, #tpu.memory_space<vmem>> -> memref<1x80xi32, #tpu.memory_space<vmem>>
        %dma_start3A_420 = tpu.memref_squeeze %dma_start3A_419 : memref<1x80xi32, #tpu.memory_space<vmem>> -> memref<80xi32, #tpu.memory_space<vmem>>
        %dma_start3A_421 = tpu.memref_slice %arg6[%add3A_375] : memref<15360xi32, #tpu.memory_space<hbm>> -> memref<80xi32, #tpu.memory_space<hbm>>
        tpu.enqueue_dma source(%dma_start3A_421 : memref<80xi32, #tpu.memory_space<hbm>>) target(%dma_start3A_420 : memref<80xi32, #tpu.memory_space<vmem>>) target_semaphore(%run_scoped3A_413 : memref<!tpu.dma_semaphore, #tpu.memory_space<semaphore_mem>>)
        %dma_wait3A_422 = arith.constant 0 : i32
        %dma_wait3A_423 = tpu.memref_slice %arg11[%run_scoped3A_376, %dma_wait3A_422] : memref<4x80xi32, #tpu.memory_space<vmem>> -> memref<1x80xi32, #tpu.memory_space<vmem>>
        %dma_wait3A_424 = tpu.memref_squeeze %dma_wait3A_423 : memref<1x80xi32, #tpu.memory_space<vmem>> -> memref<80xi32, #tpu.memory_space<vmem>>
        %dma_wait3A_425 = tpu.memref_slice %arg6[%add3A_375] : memref<15360xi32, #tpu.memory_space<hbm>> -> memref<80xi32, #tpu.memory_space<hbm>>
        %dma_wait3A_426 = arith.constant 0 : i32
        %dma_wait3A_427 = tpu.memref_slice %arg11[%run_scoped3A_376, %dma_wait3A_426] : memref<4x80xi32, #tpu.memory_space<vmem>> -> memref<1x80xi32, #tpu.memory_space<vmem>>
        %dma_wait3A_428 = tpu.memref_squeeze %dma_wait3A_427 : memref<1x80xi32, #tpu.memory_space<vmem>> -> memref<80xi32, #tpu.memory_space<vmem>>
        %dma_wait3A_429 = tpu.memref_slice %arg6[%add3A_375] : memref<15360xi32, #tpu.memory_space<hbm>> -> memref<80xi32, #tpu.memory_space<hbm>>
        tpu.wait_dma2 semaphore(%run_scoped3A_413 : memref<!tpu.dma_semaphore, #tpu.memory_space<semaphore_mem>>) src(%dma_wait3A_429 : memref<80xi32, #tpu.memory_space<hbm>>) dst(%dma_wait3A_428 : memref<80xi32, #tpu.memory_space<vmem>>)
        tpu.yield
      }) : () -> ()
      %run_scoped3A_377 = arith.constant 0 : i32
      %run_scoped3A_378 = arith.constant 0 : i32
      "tpu.region"() ({
        %run_scoped3A_413 = tpu.sem_alloc : memref<!tpu.dma_semaphore, #tpu.memory_space<semaphore_mem>>
        %dma_start3A_414 = arith.constant 0 : i32
        %dma_start3A_415 = tpu.memref_slice %arg13[%run_scoped3A_378, %dma_start3A_414] : memref<4x80xi32, #tpu.memory_space<vmem>> -> memref<1x80xi32, #tpu.memory_space<vmem>>
        %dma_start3A_416 = tpu.memref_squeeze %dma_start3A_415 : memref<1x80xi32, #tpu.memory_space<vmem>> -> memref<80xi32, #tpu.memory_space<vmem>>
        %dma_start3A_417 = arith.constant 0 : i32
        %dma_start3A_418 = tpu.memref_slice %arg11[%run_scoped3A_377, %dma_start3A_417] : memref<4x80xi32, #tpu.memory_space<vmem>> -> memref<1x80xi32, #tpu.memory_space<vmem>>
        %dma_start3A_419 = tpu.memref_squeeze %dma_start3A_418 : memref<1x80xi32, #tpu.memory_space<vmem>> -> memref<80xi32, #tpu.memory_space<vmem>>
        %dma_start3A_420 = arith.constant 0 : i32
        %dma_start3A_421 = tpu.memref_slice %arg14[%dma_start3A_420] : memref<312320xi32, #tpu.memory_space<vmem_shared>> -> memref<312320xi32, #tpu.memory_space<vmem_shared>>
        tpu.enqueue_indirect_dma source(%dma_start3A_421 : memref<312320xi32, #tpu.memory_space<vmem_shared>>) target(%dma_start3A_416 : memref<80xi32, #tpu.memory_space<vmem>>) offsets(%dma_start3A_419 : memref<80xi32, #tpu.memory_space<vmem>>) semaphore(%run_scoped3A_413 : memref<!tpu.dma_semaphore, #tpu.memory_space<semaphore_mem>>)
        %dma_wait3A_422 = arith.constant 0 : i32
        %dma_wait3A_423 = tpu.memref_slice %arg13[%run_scoped3A_378, %dma_wait3A_422] : memref<4x80xi32, #tpu.memory_space<vmem>> -> memref<1x80xi32, #tpu.memory_space<vmem>>
        %dma_wait3A_424 = tpu.memref_squeeze %dma_wait3A_423 : memref<1x80xi32, #tpu.memory_space<vmem>> -> memref<80xi32, #tpu.memory_space<vmem>>
        %dma_wait3A_425 = arith.constant 0 : i32
        %dma_wait3A_426 = tpu.memref_slice %arg11[%run_scoped3A_377, %dma_wait3A_425] : memref<4x80xi32, #tpu.memory_space<vmem>> -> memref<1x80xi32, #tpu.memory_space<vmem>>
        %dma_wait3A_427 = tpu.memref_squeeze %dma_wait3A_426 : memref<1x80xi32, #tpu.memory_space<vmem>> -> memref<80xi32, #tpu.memory_space<vmem>>
        %dma_wait3A_428 = arith.constant 0 : i32
        %dma_wait3A_429 = tpu.memref_slice %arg14[%dma_wait3A_428] : memref<312320xi32, #tpu.memory_space<vmem_shared>> -> memref<312320xi32, #tpu.memory_space<vmem_shared>>
        tpu.wait_indirect_dma semaphore(%run_scoped3A_413 : memref<!tpu.dma_semaphore, #tpu.memory_space<semaphore_mem>>) src(%dma_wait3A_429 : memref<312320xi32, #tpu.memory_space<vmem_shared>>) dst(%dma_wait3A_424 : memref<80xi32, #tpu.memory_space<vmem>>)
        tpu.yield
      }) : () -> ()
      %run_scoped3A_379 = arith.constant 1 : i32
      %run_scoped3A_380 = arith.constant 1 : i32
      "tpu.region"() ({
        %run_scoped3A_413 = tpu.sem_alloc : memref<!tpu.dma_semaphore, #tpu.memory_space<semaphore_mem>>
        %dma_start3A_414 = arith.constant 0 : i32
        %dma_start3A_415 = tpu.memref_slice %arg13[%run_scoped3A_380, %dma_start3A_414] : memref<4x80xi32, #tpu.memory_space<vmem>> -> memref<1x80xi32, #tpu.memory_space<vmem>>
        %dma_start3A_416 = tpu.memref_squeeze %dma_start3A_415 : memref<1x80xi32, #tpu.memory_space<vmem>> -> memref<80xi32, #tpu.memory_space<vmem>>
        %dma_start3A_417 = arith.constant 0 : i32
        %dma_start3A_418 = tpu.memref_slice %arg11[%run_scoped3A_379, %dma_start3A_417] : memref<4x80xi32, #tpu.memory_space<vmem>> -> memref<1x80xi32, #tpu.memory_space<vmem>>
        %dma_start3A_419 = tpu.memref_squeeze %dma_start3A_418 : memref<1x80xi32, #tpu.memory_space<vmem>> -> memref<80xi32, #tpu.memory_space<vmem>>
        %dma_start3A_420 = arith.constant 0 : i32
        %dma_start3A_421 = tpu.memref_slice %arg14[%dma_start3A_420] : memref<312320xi32, #tpu.memory_space<vmem_shared>> -> memref<312320xi32, #tpu.memory_space<vmem_shared>>
        tpu.enqueue_indirect_dma source(%dma_start3A_421 : memref<312320xi32, #tpu.memory_space<vmem_shared>>) target(%dma_start3A_416 : memref<80xi32, #tpu.memory_space<vmem>>) offsets(%dma_start3A_419 : memref<80xi32, #tpu.memory_space<vmem>>) semaphore(%run_scoped3A_413 : memref<!tpu.dma_semaphore, #tpu.memory_space<semaphore_mem>>)
        %dma_wait3A_422 = arith.constant 0 : i32
        %dma_wait3A_423 = tpu.memref_slice %arg13[%run_scoped3A_380, %dma_wait3A_422] : memref<4x80xi32, #tpu.memory_space<vmem>> -> memref<1x80xi32, #tpu.memory_space<vmem>>
        %dma_wait3A_424 = tpu.memref_squeeze %dma_wait3A_423 : memref<1x80xi32, #tpu.memory_space<vmem>> -> memref<80xi32, #tpu.memory_space<vmem>>
        %dma_wait3A_425 = arith.constant 0 : i32
        %dma_wait3A_426 = tpu.memref_slice %arg11[%run_scoped3A_379, %dma_wait3A_425] : memref<4x80xi32, #tpu.memory_space<vmem>> -> memref<1x80xi32, #tpu.memory_space<vmem>>
        %dma_wait3A_427 = tpu.memref_squeeze %dma_wait3A_426 : memref<1x80xi32, #tpu.memory_space<vmem>> -> memref<80xi32, #tpu.memory_space<vmem>>
        %dma_wait3A_428 = arith.constant 0 : i32
        %dma_wait3A_429 = tpu.memref_slice %arg14[%dma_wait3A_428] : memref<312320xi32, #tpu.memory_space<vmem_shared>> -> memref<312320xi32, #tpu.memory_space<vmem_shared>>
        tpu.wait_indirect_dma semaphore(%run_scoped3A_413 : memref<!tpu.dma_semaphore, #tpu.memory_space<semaphore_mem>>) src(%dma_wait3A_429 : memref<312320xi32, #tpu.memory_space<vmem_shared>>) dst(%dma_wait3A_424 : memref<80xi32, #tpu.memory_space<vmem>>)
        tpu.yield
      }) : () -> ()
      %run_scoped3A_381 = arith.constant 2 : i32
      %run_scoped3A_382 = arith.constant 2 : i32
      "tpu.region"() ({
        %run_scoped3A_413 = tpu.sem_alloc : memref<!tpu.dma_semaphore, #tpu.memory_space<semaphore_mem>>
        %dma_start3A_414 = arith.constant 0 : i32
        %dma_start3A_415 = tpu.memref_slice %arg13[%run_scoped3A_382, %dma_start3A_414] : memref<4x80xi32, #tpu.memory_space<vmem>> -> memref<1x80xi32, #tpu.memory_space<vmem>>
        %dma_start3A_416 = tpu.memref_squeeze %dma_start3A_415 : memref<1x80xi32, #tpu.memory_space<vmem>> -> memref<80xi32, #tpu.memory_space<vmem>>
        %dma_start3A_417 = arith.constant 0 : i32
        %dma_start3A_418 = tpu.memref_slice %arg11[%run_scoped3A_381, %dma_start3A_417] : memref<4x80xi32, #tpu.memory_space<vmem>> -> memref<1x80xi32, #tpu.memory_space<vmem>>
        %dma_start3A_419 = tpu.memref_squeeze %dma_start3A_418 : memref<1x80xi32, #tpu.memory_space<vmem>> -> memref<80xi32, #tpu.memory_space<vmem>>
        %dma_start3A_420 = arith.constant 0 : i32
        %dma_start3A_421 = tpu.memref_slice %arg14[%dma_start3A_420] : memref<312320xi32, #tpu.memory_space<vmem_shared>> -> memref<312320xi32, #tpu.memory_space<vmem_shared>>
        tpu.enqueue_indirect_dma source(%dma_start3A_421 : memref<312320xi32, #tpu.memory_space<vmem_shared>>) target(%dma_start3A_416 : memref<80xi32, #tpu.memory_space<vmem>>) offsets(%dma_start3A_419 : memref<80xi32, #tpu.memory_space<vmem>>) semaphore(%run_scoped3A_413 : memref<!tpu.dma_semaphore, #tpu.memory_space<semaphore_mem>>)
        %dma_wait3A_422 = arith.constant 0 : i32
        %dma_wait3A_423 = tpu.memref_slice %arg13[%run_scoped3A_382, %dma_wait3A_422] : memref<4x80xi32, #tpu.memory_space<vmem>> -> memref<1x80xi32, #tpu.memory_space<vmem>>
        %dma_wait3A_424 = tpu.memref_squeeze %dma_wait3A_423 : memref<1x80xi32, #tpu.memory_space<vmem>> -> memref<80xi32, #tpu.memory_space<vmem>>
        %dma_wait3A_425 = arith.constant 0 : i32
        %dma_wait3A_426 = tpu.memref_slice %arg11[%run_scoped3A_381, %dma_wait3A_425] : memref<4x80xi32, #tpu.memory_space<vmem>> -> memref<1x80xi32, #tpu.memory_space<vmem>>
        %dma_wait3A_427 = tpu.memref_squeeze %dma_wait3A_426 : memref<1x80xi32, #tpu.memory_space<vmem>> -> memref<80xi32, #tpu.memory_space<vmem>>
        %dma_wait3A_428 = arith.constant 0 : i32
        %dma_wait3A_429 = tpu.memref_slice %arg14[%dma_wait3A_428] : memref<312320xi32, #tpu.memory_space<vmem_shared>> -> memref<312320xi32, #tpu.memory_space<vmem_shared>>
        tpu.wait_indirect_dma semaphore(%run_scoped3A_413 : memref<!tpu.dma_semaphore, #tpu.memory_space<semaphore_mem>>) src(%dma_wait3A_429 : memref<312320xi32, #tpu.memory_space<vmem_shared>>) dst(%dma_wait3A_424 : memref<80xi32, #tpu.memory_space<vmem>>)
        tpu.yield
      }) : () -> ()
      %run_scoped3A_383 = arith.constant 3 : i32
      %run_scoped3A_384 = arith.constant 3 : i32
      "tpu.region"() ({
        %run_scoped3A_413 = tpu.sem_alloc : memref<!tpu.dma_semaphore, #tpu.memory_space<semaphore_mem>>
        %dma_start3A_414 = arith.constant 0 : i32
        %dma_start3A_415 = tpu.memref_slice %arg13[%run_scoped3A_384, %dma_start3A_414] : memref<4x80xi32, #tpu.memory_space<vmem>> -> memref<1x80xi32, #tpu.memory_space<vmem>>
        %dma_start3A_416 = tpu.memref_squeeze %dma_start3A_415 : memref<1x80xi32, #tpu.memory_space<vmem>> -> memref<80xi32, #tpu.memory_space<vmem>>
        %dma_start3A_417 = arith.constant 0 : i32
        %dma_start3A_418 = tpu.memref_slice %arg11[%run_scoped3A_383, %dma_start3A_417] : memref<4x80xi32, #tpu.memory_space<vmem>> -> memref<1x80xi32, #tpu.memory_space<vmem>>
        %dma_start3A_419 = tpu.memref_squeeze %dma_start3A_418 : memref<1x80xi32, #tpu.memory_space<vmem>> -> memref<80xi32, #tpu.memory_space<vmem>>
        %dma_start3A_420 = arith.constant 0 : i32
        %dma_start3A_421 = tpu.memref_slice %arg14[%dma_start3A_420] : memref<312320xi32, #tpu.memory_space<vmem_shared>> -> memref<312320xi32, #tpu.memory_space<vmem_shared>>
        tpu.enqueue_indirect_dma source(%dma_start3A_421 : memref<312320xi32, #tpu.memory_space<vmem_shared>>) target(%dma_start3A_416 : memref<80xi32, #tpu.memory_space<vmem>>) offsets(%dma_start3A_419 : memref<80xi32, #tpu.memory_space<vmem>>) semaphore(%run_scoped3A_413 : memref<!tpu.dma_semaphore, #tpu.memory_space<semaphore_mem>>)
        %dma_wait3A_422 = arith.constant 0 : i32
        %dma_wait3A_423 = tpu.memref_slice %arg13[%run_scoped3A_384, %dma_wait3A_422] : memref<4x80xi32, #tpu.memory_space<vmem>> -> memref<1x80xi32, #tpu.memory_space<vmem>>
        %dma_wait3A_424 = tpu.memref_squeeze %dma_wait3A_423 : memref<1x80xi32, #tpu.memory_space<vmem>> -> memref<80xi32, #tpu.memory_space<vmem>>
        %dma_wait3A_425 = arith.constant 0 : i32
        %dma_wait3A_426 = tpu.memref_slice %arg11[%run_scoped3A_383, %dma_wait3A_425] : memref<4x80xi32, #tpu.memory_space<vmem>> -> memref<1x80xi32, #tpu.memory_space<vmem>>
        %dma_wait3A_427 = tpu.memref_squeeze %dma_wait3A_426 : memref<1x80xi32, #tpu.memory_space<vmem>> -> memref<80xi32, #tpu.memory_space<vmem>>
        %dma_wait3A_428 = arith.constant 0 : i32
        %dma_wait3A_429 = tpu.memref_slice %arg14[%dma_wait3A_428] : memref<312320xi32, #tpu.memory_space<vmem_shared>> -> memref<312320xi32, #tpu.memory_space<vmem_shared>>
        tpu.wait_indirect_dma semaphore(%run_scoped3A_413 : memref<!tpu.dma_semaphore, #tpu.memory_space<semaphore_mem>>) src(%dma_wait3A_429 : memref<312320xi32, #tpu.memory_space<vmem_shared>>) dst(%dma_wait3A_424 : memref<80xi32, #tpu.memory_space<vmem>>)
        tpu.yield
      }) : () -> ()
      %mul3A_385 = arith.constant 320 : i32
      %mul3A_386 = arith.muli %arg1, %mul3A_385 : i32
      %add3A_387 = arith.constant 0 : i32
      %add3A_388 = arith.addi %add3A_387, %mul3A_386 : i32
      %add3A_389 = arith.constant 0 : i32
      %add3A_390 = arith.addi %add3A_388, %add3A_389 : i32
      %run_scoped3A_391 = arith.constant 0 : i32
      "tpu.region"() ({
        %run_scoped3A_413 = tpu.sem_alloc : memref<!tpu.dma_semaphore, #tpu.memory_space<semaphore_mem>>
        %dma_start3A_414 = arith.constant 0 : i32
        %dma_start3A_415 = tpu.memref_slice %arg13[%run_scoped3A_391, %dma_start3A_414] : memref<4x80xi32, #tpu.memory_space<vmem>> -> memref<1x80xi32, #tpu.memory_space<vmem>>
        %dma_start3A_416 = tpu.memref_squeeze %dma_start3A_415 : memref<1x80xi32, #tpu.memory_space<vmem>> -> memref<80xi32, #tpu.memory_space<vmem>>
        %dma_start3A_417 = tpu.memref_slice %arg8[%add3A_390] : memref<15360xi32, #tpu.memory_space<hbm>> -> memref<80xi32, #tpu.memory_space<hbm>>
        %dma_start3A_418 = tpu.memref_slice %arg8[%add3A_390] : memref<15360xi32, #tpu.memory_space<hbm>> -> memref<80xi32, #tpu.memory_space<hbm>>
        %dma_start3A_419 = arith.constant 0 : i32
        %dma_start3A_420 = tpu.memref_slice %arg13[%run_scoped3A_391, %dma_start3A_419] : memref<4x80xi32, #tpu.memory_space<vmem>> -> memref<1x80xi32, #tpu.memory_space<vmem>>
        %dma_start3A_421 = tpu.memref_squeeze %dma_start3A_420 : memref<1x80xi32, #tpu.memory_space<vmem>> -> memref<80xi32, #tpu.memory_space<vmem>>
        tpu.enqueue_dma source(%dma_start3A_421 : memref<80xi32, #tpu.memory_space<vmem>>) target(%dma_start3A_418 : memref<80xi32, #tpu.memory_space<hbm>>) target_semaphore(%run_scoped3A_413 : memref<!tpu.dma_semaphore, #tpu.memory_space<semaphore_mem>>)
        %dma_wait3A_422 = arith.constant 0 : i32
        %dma_wait3A_423 = tpu.memref_slice %arg13[%run_scoped3A_391, %dma_wait3A_422] : memref<4x80xi32, #tpu.memory_space<vmem>> -> memref<1x80xi32, #tpu.memory_space<vmem>>
        %dma_wait3A_424 = tpu.memref_squeeze %dma_wait3A_423 : memref<1x80xi32, #tpu.memory_space<vmem>> -> memref<80xi32, #tpu.memory_space<vmem>>
        %dma_wait3A_425 = tpu.memref_slice %arg8[%add3A_390] : memref<15360xi32, #tpu.memory_space<hbm>> -> memref<80xi32, #tpu.memory_space<hbm>>
        %dma_wait3A_426 = tpu.memref_slice %arg8[%add3A_390] : memref<15360xi32, #tpu.memory_space<hbm>> -> memref<80xi32, #tpu.memory_space<hbm>>
        %dma_wait3A_427 = arith.constant 0 : i32
        %dma_wait3A_428 = tpu.memref_slice %arg13[%run_scoped3A_391, %dma_wait3A_427] : memref<4x80xi32, #tpu.memory_space<vmem>> -> memref<1x80xi32, #tpu.memory_space<vmem>>
        %dma_wait3A_429 = tpu.memref_squeeze %dma_wait3A_428 : memref<1x80xi32, #tpu.memory_space<vmem>> -> memref<80xi32, #tpu.memory_space<vmem>>
        tpu.wait_dma2 semaphore(%run_scoped3A_413 : memref<!tpu.dma_semaphore, #tpu.memory_space<semaphore_mem>>) src(%dma_wait3A_429 : memref<80xi32, #tpu.memory_space<vmem>>) dst(%dma_wait3A_426 : memref<80xi32, #tpu.memory_space<hbm>>)
        tpu.yield
      }) : () -> ()
      %mul3A_392 = arith.constant 320 : i32
      %mul3A_393 = arith.muli %arg1, %mul3A_392 : i32
      %add3A_394 = arith.constant 0 : i32
      %add3A_395 = arith.addi %add3A_394, %mul3A_393 : i32
      %add3A_396 = arith.constant 80 : i32
      %add3A_397 = arith.addi %add3A_395, %add3A_396 : i32
      %run_scoped3A_398 = arith.constant 1 : i32
      "tpu.region"() ({
        %run_scoped3A_413 = tpu.sem_alloc : memref<!tpu.dma_semaphore, #tpu.memory_space<semaphore_mem>>
        %dma_start3A_414 = arith.constant 0 : i32
        %dma_start3A_415 = tpu.memref_slice %arg13[%run_scoped3A_398, %dma_start3A_414] : memref<4x80xi32, #tpu.memory_space<vmem>> -> memref<1x80xi32, #tpu.memory_space<vmem>>
        %dma_start3A_416 = tpu.memref_squeeze %dma_start3A_415 : memref<1x80xi32, #tpu.memory_space<vmem>> -> memref<80xi32, #tpu.memory_space<vmem>>
        %dma_start3A_417 = tpu.memref_slice %arg8[%add3A_397] : memref<15360xi32, #tpu.memory_space<hbm>> -> memref<80xi32, #tpu.memory_space<hbm>>
        %dma_start3A_418 = tpu.memref_slice %arg8[%add3A_397] : memref<15360xi32, #tpu.memory_space<hbm>> -> memref<80xi32, #tpu.memory_space<hbm>>
        %dma_start3A_419 = arith.constant 0 : i32
        %dma_start3A_420 = tpu.memref_slice %arg13[%run_scoped3A_398, %dma_start3A_419] : memref<4x80xi32, #tpu.memory_space<vmem>> -> memref<1x80xi32, #tpu.memory_space<vmem>>
        %dma_start3A_421 = tpu.memref_squeeze %dma_start3A_420 : memref<1x80xi32, #tpu.memory_space<vmem>> -> memref<80xi32, #tpu.memory_space<vmem>>
        tpu.enqueue_dma source(%dma_start3A_421 : memref<80xi32, #tpu.memory_space<vmem>>) target(%dma_start3A_418 : memref<80xi32, #tpu.memory_space<hbm>>) target_semaphore(%run_scoped3A_413 : memref<!tpu.dma_semaphore, #tpu.memory_space<semaphore_mem>>)
        %dma_wait3A_422 = arith.constant 0 : i32
        %dma_wait3A_423 = tpu.memref_slice %arg13[%run_scoped3A_398, %dma_wait3A_422] : memref<4x80xi32, #tpu.memory_space<vmem>> -> memref<1x80xi32, #tpu.memory_space<vmem>>
        %dma_wait3A_424 = tpu.memref_squeeze %dma_wait3A_423 : memref<1x80xi32, #tpu.memory_space<vmem>> -> memref<80xi32, #tpu.memory_space<vmem>>
        %dma_wait3A_425 = tpu.memref_slice %arg8[%add3A_397] : memref<15360xi32, #tpu.memory_space<hbm>> -> memref<80xi32, #tpu.memory_space<hbm>>
        %dma_wait3A_426 = tpu.memref_slice %arg8[%add3A_397] : memref<15360xi32, #tpu.memory_space<hbm>> -> memref<80xi32, #tpu.memory_space<hbm>>
        %dma_wait3A_427 = arith.constant 0 : i32
        %dma_wait3A_428 = tpu.memref_slice %arg13[%run_scoped3A_398, %dma_wait3A_427] : memref<4x80xi32, #tpu.memory_space<vmem>> -> memref<1x80xi32, #tpu.memory_space<vmem>>
        %dma_wait3A_429 = tpu.memref_squeeze %dma_wait3A_428 : memref<1x80xi32, #tpu.memory_space<vmem>> -> memref<80xi32, #tpu.memory_space<vmem>>
        tpu.wait_dma2 semaphore(%run_scoped3A_413 : memref<!tpu.dma_semaphore, #tpu.memory_space<semaphore_mem>>) src(%dma_wait3A_429 : memref<80xi32, #tpu.memory_space<vmem>>) dst(%dma_wait3A_426 : memref<80xi32, #tpu.memory_space<hbm>>)
        tpu.yield
      }) : () -> ()
      %mul3A_399 = arith.constant 320 : i32
      %mul3A_400 = arith.muli %arg1, %mul3A_399 : i32
      %add3A_401 = arith.constant 0 : i32
      %add3A_402 = arith.addi %add3A_401, %mul3A_400 : i32
      %add3A_403 = arith.constant 160 : i32
      %add3A_404 = arith.addi %add3A_402, %add3A_403 : i32
      %run_scoped3A_405 = arith.constant 2 : i32
      "tpu.region"() ({
        %run_scoped3A_413 = tpu.sem_alloc : memref<!tpu.dma_semaphore, #tpu.memory_space<semaphore_mem>>
        %dma_start3A_414 = arith.constant 0 : i32
        %dma_start3A_415 = tpu.memref_slice %arg13[%run_scoped3A_405, %dma_start3A_414] : memref<4x80xi32, #tpu.memory_space<vmem>> -> memref<1x80xi32, #tpu.memory_space<vmem>>
        %dma_start3A_416 = tpu.memref_squeeze %dma_start3A_415 : memref<1x80xi32, #tpu.memory_space<vmem>> -> memref<80xi32, #tpu.memory_space<vmem>>
        %dma_start3A_417 = tpu.memref_slice %arg8[%add3A_404] : memref<15360xi32, #tpu.memory_space<hbm>> -> memref<80xi32, #tpu.memory_space<hbm>>
        %dma_start3A_418 = tpu.memref_slice %arg8[%add3A_404] : memref<15360xi32, #tpu.memory_space<hbm>> -> memref<80xi32, #tpu.memory_space<hbm>>
        %dma_start3A_419 = arith.constant 0 : i32
        %dma_start3A_420 = tpu.memref_slice %arg13[%run_scoped3A_405, %dma_start3A_419] : memref<4x80xi32, #tpu.memory_space<vmem>> -> memref<1x80xi32, #tpu.memory_space<vmem>>
        %dma_start3A_421 = tpu.memref_squeeze %dma_start3A_420 : memref<1x80xi32, #tpu.memory_space<vmem>> -> memref<80xi32, #tpu.memory_space<vmem>>
        tpu.enqueue_dma source(%dma_start3A_421 : memref<80xi32, #tpu.memory_space<vmem>>) target(%dma_start3A_418 : memref<80xi32, #tpu.memory_space<hbm>>) target_semaphore(%run_scoped3A_413 : memref<!tpu.dma_semaphore, #tpu.memory_space<semaphore_mem>>)
        %dma_wait3A_422 = arith.constant 0 : i32
        %dma_wait3A_423 = tpu.memref_slice %arg13[%run_scoped3A_405, %dma_wait3A_422] : memref<4x80xi32, #tpu.memory_space<vmem>> -> memref<1x80xi32, #tpu.memory_space<vmem>>
        %dma_wait3A_424 = tpu.memref_squeeze %dma_wait3A_423 : memref<1x80xi32, #tpu.memory_space<vmem>> -> memref<80xi32, #tpu.memory_space<vmem>>
        %dma_wait3A_425 = tpu.memref_slice %arg8[%add3A_404] : memref<15360xi32, #tpu.memory_space<hbm>> -> memref<80xi32, #tpu.memory_space<hbm>>
        %dma_wait3A_426 = tpu.memref_slice %arg8[%add3A_404] : memref<15360xi32, #tpu.memory_space<hbm>> -> memref<80xi32, #tpu.memory_space<hbm>>
        %dma_wait3A_427 = arith.constant 0 : i32
        %dma_wait3A_428 = tpu.memref_slice %arg13[%run_scoped3A_405, %dma_wait3A_427] : memref<4x80xi32, #tpu.memory_space<vmem>> -> memref<1x80xi32, #tpu.memory_space<vmem>>
        %dma_wait3A_429 = tpu.memref_squeeze %dma_wait3A_428 : memref<1x80xi32, #tpu.memory_space<vmem>> -> memref<80xi32, #tpu.memory_space<vmem>>
        tpu.wait_dma2 semaphore(%run_scoped3A_413 : memref<!tpu.dma_semaphore, #tpu.memory_space<semaphore_mem>>) src(%dma_wait3A_429 : memref<80xi32, #tpu.memory_space<vmem>>) dst(%dma_wait3A_426 : memref<80xi32, #tpu.memory_space<hbm>>)
        tpu.yield
      }) : () -> ()
      %mul3A_406 = arith.constant 320 : i32
      %mul3A_407 = arith.muli %arg1, %mul3A_406 : i32
      %add3A_408 = arith.constant 0 : i32
      %add3A_409 = arith.addi %add3A_408, %mul3A_407 : i32
      %add3A_410 = arith.constant 240 : i32
      %add3A_411 = arith.addi %add3A_409, %add3A_410 : i32
      %run_scoped3A_412 = arith.constant 3 : i32
      "tpu.region"() ({
        %run_scoped3A_413 = tpu.sem_alloc : memref<!tpu.dma_semaphore, #tpu.memory_space<semaphore_mem>>
        %dma_start3A_414 = arith.constant 0 : i32
        %dma_start3A_415 = tpu.memref_slice %arg13[%run_scoped3A_412, %dma_start3A_414] : memref<4x80xi32, #tpu.memory_space<vmem>> -> memref<1x80xi32, #tpu.memory_space<vmem>>
        %dma_start3A_416 = tpu.memref_squeeze %dma_start3A_415 : memref<1x80xi32, #tpu.memory_space<vmem>> -> memref<80xi32, #tpu.memory_space<vmem>>
        %dma_start3A_417 = tpu.memref_slice %arg8[%add3A_411] : memref<15360xi32, #tpu.memory_space<hbm>> -> memref<80xi32, #tpu.memory_space<hbm>>
        %dma_start3A_418 = tpu.memref_slice %arg8[%add3A_411] : memref<15360xi32, #tpu.memory_space<hbm>> -> memref<80xi32, #tpu.memory_space<hbm>>
        %dma_start3A_419 = arith.constant 0 : i32
        %dma_start3A_420 = tpu.memref_slice %arg13[%run_scoped3A_412, %dma_start3A_419] : memref<4x80xi32, #tpu.memory_space<vmem>> -> memref<1x80xi32, #tpu.memory_space<vmem>>
        %dma_start3A_421 = tpu.memref_squeeze %dma_start3A_420 : memref<1x80xi32, #tpu.memory_space<vmem>> -> memref<80xi32, #tpu.memory_space<vmem>>
        tpu.enqueue_dma source(%dma_start3A_421 : memref<80xi32, #tpu.memory_space<vmem>>) target(%dma_start3A_418 : memref<80xi32, #tpu.memory_space<hbm>>) target_semaphore(%run_scoped3A_413 : memref<!tpu.dma_semaphore, #tpu.memory_space<semaphore_mem>>)
        %dma_wait3A_422 = arith.constant 0 : i32
        %dma_wait3A_423 = tpu.memref_slice %arg13[%run_scoped3A_412, %dma_wait3A_422] : memref<4x80xi32, #tpu.memory_space<vmem>> -> memref<1x80xi32, #tpu.memory_space<vmem>>
        %dma_wait3A_424 = tpu.memref_squeeze %dma_wait3A_423 : memref<1x80xi32, #tpu.memory_space<vmem>> -> memref<80xi32, #tpu.memory_space<vmem>>
        %dma_wait3A_425 = tpu.memref_slice %arg8[%add3A_411] : memref<15360xi32, #tpu.memory_space<hbm>> -> memref<80xi32, #tpu.memory_space<hbm>>
        %dma_wait3A_426 = tpu.memref_slice %arg8[%add3A_411] : memref<15360xi32, #tpu.memory_space<hbm>> -> memref<80xi32, #tpu.memory_space<hbm>>
        %dma_wait3A_427 = arith.constant 0 : i32
        %dma_wait3A_428 = tpu.memref_slice %arg13[%run_scoped3A_412, %dma_wait3A_427] : memref<4x80xi32, #tpu.memory_space<vmem>> -> memref<1x80xi32, #tpu.memory_space<vmem>>
        %dma_wait3A_429 = tpu.memref_squeeze %dma_wait3A_428 : memref<1x80xi32, #tpu.memory_space<vmem>> -> memref<80xi32, #tpu.memory_space<vmem>>
        tpu.wait_dma2 semaphore(%run_scoped3A_413 : memref<!tpu.dma_semaphore, #tpu.memory_space<semaphore_mem>>) src(%dma_wait3A_429 : memref<80xi32, #tpu.memory_space<vmem>>) dst(%dma_wait3A_426 : memref<80xi32, #tpu.memory_space<hbm>>)
        tpu.yield
      }) : () -> ()
    } else {
    }
    %eq3A_345 = arith.constant 1 : i32
    %eq3A_346 = arith.cmpi eq, %arg0, %eq3A_345 : i32
    %convert_element_type3A_347 = arith.extui %eq3A_346 : i1 to i32
    %cond3A_348 = arith.constant 0 : i32
    %cond3A_349 = arith.cmpi ne, %convert_element_type3A_347, %cond3A_348 : i32
    scf.if %cond3A_349 {
      %mul3A_350 = arith.constant 320 : i32
      %mul3A_351 = arith.muli %arg1, %mul3A_350 : i32
      %add3A_352 = arith.constant 5120 : i32
      %add3A_353 = arith.addi %add3A_352, %mul3A_351 : i32
      %add3A_354 = arith.constant 0 : i32
      %add3A_355 = arith.addi %add3A_353, %add3A_354 : i32
      %run_scoped3A = arith.constant 0 : i32
      "tpu.region"() ({
        %run_scoped3A_477 = tpu.sem_alloc : memref<!tpu.dma_semaphore, #tpu.memory_space<semaphore_mem>>
        %dma_start3A_478 = arith.constant 0 : i32
        %dma_start3A_479 = tpu.memref_slice %arg11[%run_scoped3A, %dma_start3A_478] : memref<4x80xi32, #tpu.memory_space<vmem>> -> memref<1x80xi32, #tpu.memory_space<vmem>>
        %dma_start3A_480 = tpu.memref_squeeze %dma_start3A_479 : memref<1x80xi32, #tpu.memory_space<vmem>> -> memref<80xi32, #tpu.memory_space<vmem>>
        %dma_start3A_481 = tpu.memref_slice %arg6[%add3A_355] : memref<15360xi32, #tpu.memory_space<hbm>> -> memref<80xi32, #tpu.memory_space<hbm>>
        %dma_start3A_482 = arith.constant 0 : i32
        %dma_start3A_483 = tpu.memref_slice %arg11[%run_scoped3A, %dma_start3A_482] : memref<4x80xi32, #tpu.memory_space<vmem>> -> memref<1x80xi32, #tpu.memory_space<vmem>>
        %dma_start3A_484 = tpu.memref_squeeze %dma_start3A_483 : memref<1x80xi32, #tpu.memory_space<vmem>> -> memref<80xi32, #tpu.memory_space<vmem>>
        %dma_start3A_485 = tpu.memref_slice %arg6[%add3A_355] : memref<15360xi32, #tpu.memory_space<hbm>> -> memref<80xi32, #tpu.memory_space<hbm>>
        tpu.enqueue_dma source(%dma_start3A_485 : memref<80xi32, #tpu.memory_space<hbm>>) target(%dma_start3A_484 : memref<80xi32, #tpu.memory_space<vmem>>) target_semaphore(%run_scoped3A_477 : memref<!tpu.dma_semaphore, #tpu.memory_space<semaphore_mem>>)
        %dma_wait3A_486 = arith.constant 0 : i32
        %dma_wait3A_487 = tpu.memref_slice %arg11[%run_scoped3A, %dma_wait3A_486] : memref<4x80xi32, #tpu.memory_space<vmem>> -> memref<1x80xi32, #tpu.memory_space<vmem>>
        %dma_wait3A_488 = tpu.memref_squeeze %dma_wait3A_487 : memref<1x80xi32, #tpu.memory_space<vmem>> -> memref<80xi32, #tpu.memory_space<vmem>>
        %dma_wait3A_489 = tpu.memref_slice %arg6[%add3A_355] : memref<15360xi32, #tpu.memory_space<hbm>> -> memref<80xi32, #tpu.memory_space<hbm>>
        %dma_wait3A_490 = arith.constant 0 : i32
        %dma_wait3A_491 = tpu.memref_slice %arg11[%run_scoped3A, %dma_wait3A_490] : memref<4x80xi32, #tpu.memory_space<vmem>> -> memref<1x80xi32, #tpu.memory_space<vmem>>
        %dma_wait3A_492 = tpu.memref_squeeze %dma_wait3A_491 : memref<1x80xi32, #tpu.memory_space<vmem>> -> memref<80xi32, #tpu.memory_space<vmem>>
        %dma_wait3A_493 = tpu.memref_slice %arg6[%add3A_355] : memref<15360xi32, #tpu.memory_space<hbm>> -> memref<80xi32, #tpu.memory_space<hbm>>
        tpu.wait_dma2 semaphore(%run_scoped3A_477 : memref<!tpu.dma_semaphore, #tpu.memory_space<semaphore_mem>>) src(%dma_wait3A_493 : memref<80xi32, #tpu.memory_space<hbm>>) dst(%dma_wait3A_492 : memref<80xi32, #tpu.memory_space<vmem>>)
        tpu.yield
      }) : () -> ()
      %mul3A_356 = arith.constant 320 : i32
      %mul3A_357 = arith.muli %arg1, %mul3A_356 : i32
      %add3A_358 = arith.constant 5120 : i32
      %add3A_359 = arith.addi %add3A_358, %mul3A_357 : i32
      %add3A_360 = arith.constant 80 : i32
      %add3A_361 = arith.addi %add3A_359, %add3A_360 : i32
      %run_scoped3A_362 = arith.constant 1 : i32
      "tpu.region"() ({
        %run_scoped3A_477 = tpu.sem_alloc : memref<!tpu.dma_semaphore, #tpu.memory_space<semaphore_mem>>
        %dma_start3A_478 = arith.constant 0 : i32
        %dma_start3A_479 = tpu.memref_slice %arg11[%run_scoped3A_362, %dma_start3A_478] : memref<4x80xi32, #tpu.memory_space<vmem>> -> memref<1x80xi32, #tpu.memory_space<vmem>>
        %dma_start3A_480 = tpu.memref_squeeze %dma_start3A_479 : memref<1x80xi32, #tpu.memory_space<vmem>> -> memref<80xi32, #tpu.memory_space<vmem>>
        %dma_start3A_481 = tpu.memref_slice %arg6[%add3A_361] : memref<15360xi32, #tpu.memory_space<hbm>> -> memref<80xi32, #tpu.memory_space<hbm>>
        %dma_start3A_482 = arith.constant 0 : i32
        %dma_start3A_483 = tpu.memref_slice %arg11[%run_scoped3A_362, %dma_start3A_482] : memref<4x80xi32, #tpu.memory_space<vmem>> -> memref<1x80xi32, #tpu.memory_space<vmem>>
        %dma_start3A_484 = tpu.memref_squeeze %dma_start3A_483 : memref<1x80xi32, #tpu.memory_space<vmem>> -> memref<80xi32, #tpu.memory_space<vmem>>
        %dma_start3A_485 = tpu.memref_slice %arg6[%add3A_361] : memref<15360xi32, #tpu.memory_space<hbm>> -> memref<80xi32, #tpu.memory_space<hbm>>
        tpu.enqueue_dma source(%dma_start3A_485 : memref<80xi32, #tpu.memory_space<hbm>>) target(%dma_start3A_484 : memref<80xi32, #tpu.memory_space<vmem>>) target_semaphore(%run_scoped3A_477 : memref<!tpu.dma_semaphore, #tpu.memory_space<semaphore_mem>>)
        %dma_wait3A_486 = arith.constant 0 : i32
        %dma_wait3A_487 = tpu.memref_slice %arg11[%run_scoped3A_362, %dma_wait3A_486] : memref<4x80xi32, #tpu.memory_space<vmem>> -> memref<1x80xi32, #tpu.memory_space<vmem>>
        %dma_wait3A_488 = tpu.memref_squeeze %dma_wait3A_487 : memref<1x80xi32, #tpu.memory_space<vmem>> -> memref<80xi32, #tpu.memory_space<vmem>>
        %dma_wait3A_489 = tpu.memref_slice %arg6[%add3A_361] : memref<15360xi32, #tpu.memory_space<hbm>> -> memref<80xi32, #tpu.memory_space<hbm>>
        %dma_wait3A_490 = arith.constant 0 : i32
        %dma_wait3A_491 = tpu.memref_slice %arg11[%run_scoped3A_362, %dma_wait3A_490] : memref<4x80xi32, #tpu.memory_space<vmem>> -> memref<1x80xi32, #tpu.memory_space<vmem>>
        %dma_wait3A_492 = tpu.memref_squeeze %dma_wait3A_491 : memref<1x80xi32, #tpu.memory_space<vmem>> -> memref<80xi32, #tpu.memory_space<vmem>>
        %dma_wait3A_493 = tpu.memref_slice %arg6[%add3A_361] : memref<15360xi32, #tpu.memory_space<hbm>> -> memref<80xi32, #tpu.memory_space<hbm>>
        tpu.wait_dma2 semaphore(%run_scoped3A_477 : memref<!tpu.dma_semaphore, #tpu.memory_space<semaphore_mem>>) src(%dma_wait3A_493 : memref<80xi32, #tpu.memory_space<hbm>>) dst(%dma_wait3A_492 : memref<80xi32, #tpu.memory_space<vmem>>)
        tpu.yield
      }) : () -> ()
      %mul3A_363 = arith.constant 320 : i32
      %mul3A_364 = arith.muli %arg1, %mul3A_363 : i32
      %add3A_365 = arith.constant 5120 : i32
      %add3A_366 = arith.addi %add3A_365, %mul3A_364 : i32
      %add3A_367 = arith.constant 160 : i32
      %add3A_368 = arith.addi %add3A_366, %add3A_367 : i32
      %run_scoped3A_369 = arith.constant 2 : i32
      "tpu.region"() ({
        %run_scoped3A_477 = tpu.sem_alloc : memref<!tpu.dma_semaphore, #tpu.memory_space<semaphore_mem>>
        %dma_start3A_478 = arith.constant 0 : i32
        %dma_start3A_479 = tpu.memref_slice %arg11[%run_scoped3A_369, %dma_start3A_478] : memref<4x80xi32, #tpu.memory_space<vmem>> -> memref<1x80xi32, #tpu.memory_space<vmem>>
        %dma_start3A_480 = tpu.memref_squeeze %dma_start3A_479 : memref<1x80xi32, #tpu.memory_space<vmem>> -> memref<80xi32, #tpu.memory_space<vmem>>
        %dma_start3A_481 = tpu.memref_slice %arg6[%add3A_368] : memref<15360xi32, #tpu.memory_space<hbm>> -> memref<80xi32, #tpu.memory_space<hbm>>
        %dma_start3A_482 = arith.constant 0 : i32
        %dma_start3A_483 = tpu.memref_slice %arg11[%run_scoped3A_369, %dma_start3A_482] : memref<4x80xi32, #tpu.memory_space<vmem>> -> memref<1x80xi32, #tpu.memory_space<vmem>>
        %dma_start3A_484 = tpu.memref_squeeze %dma_start3A_483 : memref<1x80xi32, #tpu.memory_space<vmem>> -> memref<80xi32, #tpu.memory_space<vmem>>
        %dma_start3A_485 = tpu.memref_slice %arg6[%add3A_368] : memref<15360xi32, #tpu.memory_space<hbm>> -> memref<80xi32, #tpu.memory_space<hbm>>
        tpu.enqueue_dma source(%dma_start3A_485 : memref<80xi32, #tpu.memory_space<hbm>>) target(%dma_start3A_484 : memref<80xi32, #tpu.memory_space<vmem>>) target_semaphore(%run_scoped3A_477 : memref<!tpu.dma_semaphore, #tpu.memory_space<semaphore_mem>>)
        %dma_wait3A_486 = arith.constant 0 : i32
        %dma_wait3A_487 = tpu.memref_slice %arg11[%run_scoped3A_369, %dma_wait3A_486] : memref<4x80xi32, #tpu.memory_space<vmem>> -> memref<1x80xi32, #tpu.memory_space<vmem>>
        %dma_wait3A_488 = tpu.memref_squeeze %dma_wait3A_487 : memref<1x80xi32, #tpu.memory_space<vmem>> -> memref<80xi32, #tpu.memory_space<vmem>>
        %dma_wait3A_489 = tpu.memref_slice %arg6[%add3A_368] : memref<15360xi32, #tpu.memory_space<hbm>> -> memref<80xi32, #tpu.memory_space<hbm>>
        %dma_wait3A_490 = arith.constant 0 : i32
        %dma_wait3A_491 = tpu.memref_slice %arg11[%run_scoped3A_369, %dma_wait3A_490] : memref<4x80xi32, #tpu.memory_space<vmem>> -> memref<1x80xi32, #tpu.memory_space<vmem>>
        %dma_wait3A_492 = tpu.memref_squeeze %dma_wait3A_491 : memref<1x80xi32, #tpu.memory_space<vmem>> -> memref<80xi32, #tpu.memory_space<vmem>>
        %dma_wait3A_493 = tpu.memref_slice %arg6[%add3A_368] : memref<15360xi32, #tpu.memory_space<hbm>> -> memref<80xi32, #tpu.memory_space<hbm>>
        tpu.wait_dma2 semaphore(%run_scoped3A_477 : memref<!tpu.dma_semaphore, #tpu.memory_space<semaphore_mem>>) src(%dma_wait3A_493 : memref<80xi32, #tpu.memory_space<hbm>>) dst(%dma_wait3A_492 : memref<80xi32, #tpu.memory_space<vmem>>)
        tpu.yield
      }) : () -> ()
      %mul3A_370 = arith.constant 320 : i32
      %mul3A_371 = arith.muli %arg1, %mul3A_370 : i32
      %add3A_372 = arith.constant 5120 : i32
      %add3A_373 = arith.addi %add3A_372, %mul3A_371 : i32
      %add3A_374 = arith.constant 240 : i32
      %add3A_375 = arith.addi %add3A_373, %add3A_374 : i32
      %run_scoped3A_376 = arith.constant 3 : i32
      "tpu.region"() ({
        %run_scoped3A_477 = tpu.sem_alloc : memref<!tpu.dma_semaphore, #tpu.memory_space<semaphore_mem>>
        %dma_start3A_478 = arith.constant 0 : i32
        %dma_start3A_479 = tpu.memref_slice %arg11[%run_scoped3A_376, %dma_start3A_478] : memref<4x80xi32, #tpu.memory_space<vmem>> -> memref<1x80xi32, #tpu.memory_space<vmem>>
        %dma_start3A_480 = tpu.memref_squeeze %dma_start3A_479 : memref<1x80xi32, #tpu.memory_space<vmem>> -> memref<80xi32, #tpu.memory_space<vmem>>
        %dma_start3A_481 = tpu.memref_slice %arg6[%add3A_375] : memref<15360xi32, #tpu.memory_space<hbm>> -> memref<80xi32, #tpu.memory_space<hbm>>
        %dma_start3A_482 = arith.constant 0 : i32
        %dma_start3A_483 = tpu.memref_slice %arg11[%run_scoped3A_376, %dma_start3A_482] : memref<4x80xi32, #tpu.memory_space<vmem>> -> memref<1x80xi32, #tpu.memory_space<vmem>>
        %dma_start3A_484 = tpu.memref_squeeze %dma_start3A_483 : memref<1x80xi32, #tpu.memory_space<vmem>> -> memref<80xi32, #tpu.memory_space<vmem>>
        %dma_start3A_485 = tpu.memref_slice %arg6[%add3A_375] : memref<15360xi32, #tpu.memory_space<hbm>> -> memref<80xi32, #tpu.memory_space<hbm>>
        tpu.enqueue_dma source(%dma_start3A_485 : memref<80xi32, #tpu.memory_space<hbm>>) target(%dma_start3A_484 : memref<80xi32, #tpu.memory_space<vmem>>) target_semaphore(%run_scoped3A_477 : memref<!tpu.dma_semaphore, #tpu.memory_space<semaphore_mem>>)
        %dma_wait3A_486 = arith.constant 0 : i32
        %dma_wait3A_487 = tpu.memref_slice %arg11[%run_scoped3A_376, %dma_wait3A_486] : memref<4x80xi32, #tpu.memory_space<vmem>> -> memref<1x80xi32, #tpu.memory_space<vmem>>
        %dma_wait3A_488 = tpu.memref_squeeze %dma_wait3A_487 : memref<1x80xi32, #tpu.memory_space<vmem>> -> memref<80xi32, #tpu.memory_space<vmem>>
        %dma_wait3A_489 = tpu.memref_slice %arg6[%add3A_375] : memref<15360xi32, #tpu.memory_space<hbm>> -> memref<80xi32, #tpu.memory_space<hbm>>
        %dma_wait3A_490 = arith.constant 0 : i32
        %dma_wait3A_491 = tpu.memref_slice %arg11[%run_scoped3A_376, %dma_wait3A_490] : memref<4x80xi32, #tpu.memory_space<vmem>> -> memref<1x80xi32, #tpu.memory_space<vmem>>
        %dma_wait3A_492 = tpu.memref_squeeze %dma_wait3A_491 : memref<1x80xi32, #tpu.memory_space<vmem>> -> memref<80xi32, #tpu.memory_space<vmem>>
        %dma_wait3A_493 = tpu.memref_slice %arg6[%add3A_375] : memref<15360xi32, #tpu.memory_space<hbm>> -> memref<80xi32, #tpu.memory_space<hbm>>
        tpu.wait_dma2 semaphore(%run_scoped3A_477 : memref<!tpu.dma_semaphore, #tpu.memory_space<semaphore_mem>>) src(%dma_wait3A_493 : memref<80xi32, #tpu.memory_space<hbm>>) dst(%dma_wait3A_492 : memref<80xi32, #tpu.memory_space<vmem>>)
        tpu.yield
      }) : () -> ()
      %run_scoped3A_377 = arith.constant 0 : i32
      %run_scoped3A_378 = arith.constant 0 : i32
      "tpu.region"() ({
        %run_scoped3A_477 = tpu.sem_alloc : memref<!tpu.dma_semaphore, #tpu.memory_space<semaphore_mem>>
        %dma_start3A_478 = arith.constant 0 : i32
        %dma_start3A_479 = tpu.memref_slice %arg13[%run_scoped3A_378, %dma_start3A_478] : memref<4x80xi32, #tpu.memory_space<vmem>> -> memref<1x80xi32, #tpu.memory_space<vmem>>
        %dma_start3A_480 = tpu.memref_squeeze %dma_start3A_479 : memref<1x80xi32, #tpu.memory_space<vmem>> -> memref<80xi32, #tpu.memory_space<vmem>>
        %dma_start3A_481 = arith.constant 0 : i32
        %dma_start3A_482 = tpu.memref_slice %arg11[%run_scoped3A_377, %dma_start3A_481] : memref<4x80xi32, #tpu.memory_space<vmem>> -> memref<1x80xi32, #tpu.memory_space<vmem>>
        %dma_start3A_483 = tpu.memref_squeeze %dma_start3A_482 : memref<1x80xi32, #tpu.memory_space<vmem>> -> memref<80xi32, #tpu.memory_space<vmem>>
        %dma_start3A_484 = arith.constant 0 : i32
        %dma_start3A_485 = tpu.memref_slice %arg14[%dma_start3A_484] : memref<312320xi32, #tpu.memory_space<vmem_shared>> -> memref<312320xi32, #tpu.memory_space<vmem_shared>>
        tpu.enqueue_indirect_dma source(%dma_start3A_485 : memref<312320xi32, #tpu.memory_space<vmem_shared>>) target(%dma_start3A_480 : memref<80xi32, #tpu.memory_space<vmem>>) offsets(%dma_start3A_483 : memref<80xi32, #tpu.memory_space<vmem>>) semaphore(%run_scoped3A_477 : memref<!tpu.dma_semaphore, #tpu.memory_space<semaphore_mem>>)
        %dma_wait3A_486 = arith.constant 0 : i32
        %dma_wait3A_487 = tpu.memref_slice %arg13[%run_scoped3A_378, %dma_wait3A_486] : memref<4x80xi32, #tpu.memory_space<vmem>> -> memref<1x80xi32, #tpu.memory_space<vmem>>
        %dma_wait3A_488 = tpu.memref_squeeze %dma_wait3A_487 : memref<1x80xi32, #tpu.memory_space<vmem>> -> memref<80xi32, #tpu.memory_space<vmem>>
        %dma_wait3A_489 = arith.constant 0 : i32
        %dma_wait3A_490 = tpu.memref_slice %arg11[%run_scoped3A_377, %dma_wait3A_489] : memref<4x80xi32, #tpu.memory_space<vmem>> -> memref<1x80xi32, #tpu.memory_space<vmem>>
        %dma_wait3A_491 = tpu.memref_squeeze %dma_wait3A_490 : memref<1x80xi32, #tpu.memory_space<vmem>> -> memref<80xi32, #tpu.memory_space<vmem>>
        %dma_wait3A_492 = arith.constant 0 : i32
        %dma_wait3A_493 = tpu.memref_slice %arg14[%dma_wait3A_492] : memref<312320xi32, #tpu.memory_space<vmem_shared>> -> memref<312320xi32, #tpu.memory_space<vmem_shared>>
        tpu.wait_indirect_dma semaphore(%run_scoped3A_477 : memref<!tpu.dma_semaphore, #tpu.memory_space<semaphore_mem>>) src(%dma_wait3A_493 : memref<312320xi32, #tpu.memory_space<vmem_shared>>) dst(%dma_wait3A_488 : memref<80xi32, #tpu.memory_space<vmem>>)
        tpu.yield
      }) : () -> ()
      %run_scoped3A_379 = arith.constant 1 : i32
      %run_scoped3A_380 = arith.constant 1 : i32
      "tpu.region"() ({
        %run_scoped3A_477 = tpu.sem_alloc : memref<!tpu.dma_semaphore, #tpu.memory_space<semaphore_mem>>
        %dma_start3A_478 = arith.constant 0 : i32
        %dma_start3A_479 = tpu.memref_slice %arg13[%run_scoped3A_380, %dma_start3A_478] : memref<4x80xi32, #tpu.memory_space<vmem>> -> memref<1x80xi32, #tpu.memory_space<vmem>>
        %dma_start3A_480 = tpu.memref_squeeze %dma_start3A_479 : memref<1x80xi32, #tpu.memory_space<vmem>> -> memref<80xi32, #tpu.memory_space<vmem>>
        %dma_start3A_481 = arith.constant 0 : i32
        %dma_start3A_482 = tpu.memref_slice %arg11[%run_scoped3A_379, %dma_start3A_481] : memref<4x80xi32, #tpu.memory_space<vmem>> -> memref<1x80xi32, #tpu.memory_space<vmem>>
        %dma_start3A_483 = tpu.memref_squeeze %dma_start3A_482 : memref<1x80xi32, #tpu.memory_space<vmem>> -> memref<80xi32, #tpu.memory_space<vmem>>
        %dma_start3A_484 = arith.constant 0 : i32
        %dma_start3A_485 = tpu.memref_slice %arg14[%dma_start3A_484] : memref<312320xi32, #tpu.memory_space<vmem_shared>> -> memref<312320xi32, #tpu.memory_space<vmem_shared>>
        tpu.enqueue_indirect_dma source(%dma_start3A_485 : memref<312320xi32, #tpu.memory_space<vmem_shared>>) target(%dma_start3A_480 : memref<80xi32, #tpu.memory_space<vmem>>) offsets(%dma_start3A_483 : memref<80xi32, #tpu.memory_space<vmem>>) semaphore(%run_scoped3A_477 : memref<!tpu.dma_semaphore, #tpu.memory_space<semaphore_mem>>)
        %dma_wait3A_486 = arith.constant 0 : i32
        %dma_wait3A_487 = tpu.memref_slice %arg13[%run_scoped3A_380, %dma_wait3A_486] : memref<4x80xi32, #tpu.memory_space<vmem>> -> memref<1x80xi32, #tpu.memory_space<vmem>>
        %dma_wait3A_488 = tpu.memref_squeeze %dma_wait3A_487 : memref<1x80xi32, #tpu.memory_space<vmem>> -> memref<80xi32, #tpu.memory_space<vmem>>
        %dma_wait3A_489 = arith.constant 0 : i32
        %dma_wait3A_490 = tpu.memref_slice %arg11[%run_scoped3A_379, %dma_wait3A_489] : memref<4x80xi32, #tpu.memory_space<vmem>> -> memref<1x80xi32, #tpu.memory_space<vmem>>
        %dma_wait3A_491 = tpu.memref_squeeze %dma_wait3A_490 : memref<1x80xi32, #tpu.memory_space<vmem>> -> memref<80xi32, #tpu.memory_space<vmem>>
        %dma_wait3A_492 = arith.constant 0 : i32
        %dma_wait3A_493 = tpu.memref_slice %arg14[%dma_wait3A_492] : memref<312320xi32, #tpu.memory_space<vmem_shared>> -> memref<312320xi32, #tpu.memory_space<vmem_shared>>
        tpu.wait_indirect_dma semaphore(%run_scoped3A_477 : memref<!tpu.dma_semaphore, #tpu.memory_space<semaphore_mem>>) src(%dma_wait3A_493 : memref<312320xi32, #tpu.memory_space<vmem_shared>>) dst(%dma_wait3A_488 : memref<80xi32, #tpu.memory_space<vmem>>)
        tpu.yield
      }) : () -> ()
      %run_scoped3A_381 = arith.constant 2 : i32
      %run_scoped3A_382 = arith.constant 2 : i32
      "tpu.region"() ({
        %run_scoped3A_477 = tpu.sem_alloc : memref<!tpu.dma_semaphore, #tpu.memory_space<semaphore_mem>>
        %dma_start3A_478 = arith.constant 0 : i32
        %dma_start3A_479 = tpu.memref_slice %arg13[%run_scoped3A_382, %dma_start3A_478] : memref<4x80xi32, #tpu.memory_space<vmem>> -> memref<1x80xi32, #tpu.memory_space<vmem>>
        %dma_start3A_480 = tpu.memref_squeeze %dma_start3A_479 : memref<1x80xi32, #tpu.memory_space<vmem>> -> memref<80xi32, #tpu.memory_space<vmem>>
        %dma_start3A_481 = arith.constant 0 : i32
        %dma_start3A_482 = tpu.memref_slice %arg11[%run_scoped3A_381, %dma_start3A_481] : memref<4x80xi32, #tpu.memory_space<vmem>> -> memref<1x80xi32, #tpu.memory_space<vmem>>
        %dma_start3A_483 = tpu.memref_squeeze %dma_start3A_482 : memref<1x80xi32, #tpu.memory_space<vmem>> -> memref<80xi32, #tpu.memory_space<vmem>>
        %dma_start3A_484 = arith.constant 0 : i32
        %dma_start3A_485 = tpu.memref_slice %arg14[%dma_start3A_484] : memref<312320xi32, #tpu.memory_space<vmem_shared>> -> memref<312320xi32, #tpu.memory_space<vmem_shared>>
        tpu.enqueue_indirect_dma source(%dma_start3A_485 : memref<312320xi32, #tpu.memory_space<vmem_shared>>) target(%dma_start3A_480 : memref<80xi32, #tpu.memory_space<vmem>>) offsets(%dma_start3A_483 : memref<80xi32, #tpu.memory_space<vmem>>) semaphore(%run_scoped3A_477 : memref<!tpu.dma_semaphore, #tpu.memory_space<semaphore_mem>>)
        %dma_wait3A_486 = arith.constant 0 : i32
        %dma_wait3A_487 = tpu.memref_slice %arg13[%run_scoped3A_382, %dma_wait3A_486] : memref<4x80xi32, #tpu.memory_space<vmem>> -> memref<1x80xi32, #tpu.memory_space<vmem>>
        %dma_wait3A_488 = tpu.memref_squeeze %dma_wait3A_487 : memref<1x80xi32, #tpu.memory_space<vmem>> -> memref<80xi32, #tpu.memory_space<vmem>>
        %dma_wait3A_489 = arith.constant 0 : i32
        %dma_wait3A_490 = tpu.memref_slice %arg11[%run_scoped3A_381, %dma_wait3A_489] : memref<4x80xi32, #tpu.memory_space<vmem>> -> memref<1x80xi32, #tpu.memory_space<vmem>>
        %dma_wait3A_491 = tpu.memref_squeeze %dma_wait3A_490 : memref<1x80xi32, #tpu.memory_space<vmem>> -> memref<80xi32, #tpu.memory_space<vmem>>
        %dma_wait3A_492 = arith.constant 0 : i32
        %dma_wait3A_493 = tpu.memref_slice %arg14[%dma_wait3A_492] : memref<312320xi32, #tpu.memory_space<vmem_shared>> -> memref<312320xi32, #tpu.memory_space<vmem_shared>>
        tpu.wait_indirect_dma semaphore(%run_scoped3A_477 : memref<!tpu.dma_semaphore, #tpu.memory_space<semaphore_mem>>) src(%dma_wait3A_493 : memref<312320xi32, #tpu.memory_space<vmem_shared>>) dst(%dma_wait3A_488 : memref<80xi32, #tpu.memory_space<vmem>>)
        tpu.yield
      }) : () -> ()
      %run_scoped3A_383 = arith.constant 3 : i32
      %run_scoped3A_384 = arith.constant 3 : i32
      "tpu.region"() ({
        %run_scoped3A_477 = tpu.sem_alloc : memref<!tpu.dma_semaphore, #tpu.memory_space<semaphore_mem>>
        %dma_start3A_478 = arith.constant 0 : i32
        %dma_start3A_479 = tpu.memref_slice %arg13[%run_scoped3A_384, %dma_start3A_478] : memref<4x80xi32, #tpu.memory_space<vmem>> -> memref<1x80xi32, #tpu.memory_space<vmem>>
        %dma_start3A_480 = tpu.memref_squeeze %dma_start3A_479 : memref<1x80xi32, #tpu.memory_space<vmem>> -> memref<80xi32, #tpu.memory_space<vmem>>
        %dma_start3A_481 = arith.constant 0 : i32
        %dma_start3A_482 = tpu.memref_slice %arg11[%run_scoped3A_383, %dma_start3A_481] : memref<4x80xi32, #tpu.memory_space<vmem>> -> memref<1x80xi32, #tpu.memory_space<vmem>>
        %dma_start3A_483 = tpu.memref_squeeze %dma_start3A_482 : memref<1x80xi32, #tpu.memory_space<vmem>> -> memref<80xi32, #tpu.memory_space<vmem>>
        %dma_start3A_484 = arith.constant 0 : i32
        %dma_start3A_485 = tpu.memref_slice %arg14[%dma_start3A_484] : memref<312320xi32, #tpu.memory_space<vmem_shared>> -> memref<312320xi32, #tpu.memory_space<vmem_shared>>
        tpu.enqueue_indirect_dma source(%dma_start3A_485 : memref<312320xi32, #tpu.memory_space<vmem_shared>>) target(%dma_start3A_480 : memref<80xi32, #tpu.memory_space<vmem>>) offsets(%dma_start3A_483 : memref<80xi32, #tpu.memory_space<vmem>>) semaphore(%run_scoped3A_477 : memref<!tpu.dma_semaphore, #tpu.memory_space<semaphore_mem>>)
        %dma_wait3A_486 = arith.constant 0 : i32
        %dma_wait3A_487 = tpu.memref_slice %arg13[%run_scoped3A_384, %dma_wait3A_486] : memref<4x80xi32, #tpu.memory_space<vmem>> -> memref<1x80xi32, #tpu.memory_space<vmem>>
        %dma_wait3A_488 = tpu.memref_squeeze %dma_wait3A_487 : memref<1x80xi32, #tpu.memory_space<vmem>> -> memref<80xi32, #tpu.memory_space<vmem>>
        %dma_wait3A_489 = arith.constant 0 : i32
        %dma_wait3A_490 = tpu.memref_slice %arg11[%run_scoped3A_383, %dma_wait3A_489] : memref<4x80xi32, #tpu.memory_space<vmem>> -> memref<1x80xi32, #tpu.memory_space<vmem>>
        %dma_wait3A_491 = tpu.memref_squeeze %dma_wait3A_490 : memref<1x80xi32, #tpu.memory_space<vmem>> -> memref<80xi32, #tpu.memory_space<vmem>>
        %dma_wait3A_492 = arith.constant 0 : i32
        %dma_wait3A_493 = tpu.memref_slice %arg14[%dma_wait3A_492] : memref<312320xi32, #tpu.memory_space<vmem_shared>> -> memref<312320xi32, #tpu.memory_space<vmem_shared>>
        tpu.wait_indirect_dma semaphore(%run_scoped3A_477 : memref<!tpu.dma_semaphore, #tpu.memory_space<semaphore_mem>>) src(%dma_wait3A_493 : memref<312320xi32, #tpu.memory_space<vmem_shared>>) dst(%dma_wait3A_488 : memref<80xi32, #tpu.memory_space<vmem>>)
        tpu.yield
      }) : () -> ()
      %mul3A_385 = arith.constant 320 : i32
      %mul3A_386 = arith.muli %arg1, %mul3A_385 : i32
      %add3A_387 = arith.constant 5120 : i32
      %add3A_388 = arith.addi %add3A_387, %mul3A_386 : i32
      %add3A_389 = arith.constant 0 : i32
      %add3A_390 = arith.addi %add3A_388, %add3A_389 : i32
      %run_scoped3A_391 = arith.constant 0 : i32
      "tpu.region"() ({
        %run_scoped3A_477 = tpu.sem_alloc : memref<!tpu.dma_semaphore, #tpu.memory_space<semaphore_mem>>
        %dma_start3A_478 = arith.constant 0 : i32
        %dma_start3A_479 = tpu.memref_slice %arg13[%run_scoped3A_391, %dma_start3A_478] : memref<4x80xi32, #tpu.memory_space<vmem>> -> memref<1x80xi32, #tpu.memory_space<vmem>>
        %dma_start3A_480 = tpu.memref_squeeze %dma_start3A_479 : memref<1x80xi32, #tpu.memory_space<vmem>> -> memref<80xi32, #tpu.memory_space<vmem>>
        %dma_start3A_481 = tpu.memref_slice %arg8[%add3A_390] : memref<15360xi32, #tpu.memory_space<hbm>> -> memref<80xi32, #tpu.memory_space<hbm>>
        %dma_start3A_482 = tpu.memref_slice %arg8[%add3A_390] : memref<15360xi32, #tpu.memory_space<hbm>> -> memref<80xi32, #tpu.memory_space<hbm>>
        %dma_start3A_483 = arith.constant 0 : i32
        %dma_start3A_484 = tpu.memref_slice %arg13[%run_scoped3A_391, %dma_start3A_483] : memref<4x80xi32, #tpu.memory_space<vmem>> -> memref<1x80xi32, #tpu.memory_space<vmem>>
        %dma_start3A_485 = tpu.memref_squeeze %dma_start3A_484 : memref<1x80xi32, #tpu.memory_space<vmem>> -> memref<80xi32, #tpu.memory_space<vmem>>
        tpu.enqueue_dma source(%dma_start3A_485 : memref<80xi32, #tpu.memory_space<vmem>>) target(%dma_start3A_482 : memref<80xi32, #tpu.memory_space<hbm>>) target_semaphore(%run_scoped3A_477 : memref<!tpu.dma_semaphore, #tpu.memory_space<semaphore_mem>>)
        %dma_wait3A_486 = arith.constant 0 : i32
        %dma_wait3A_487 = tpu.memref_slice %arg13[%run_scoped3A_391, %dma_wait3A_486] : memref<4x80xi32, #tpu.memory_space<vmem>> -> memref<1x80xi32, #tpu.memory_space<vmem>>
        %dma_wait3A_488 = tpu.memref_squeeze %dma_wait3A_487 : memref<1x80xi32, #tpu.memory_space<vmem>> -> memref<80xi32, #tpu.memory_space<vmem>>
        %dma_wait3A_489 = tpu.memref_slice %arg8[%add3A_390] : memref<15360xi32, #tpu.memory_space<hbm>> -> memref<80xi32, #tpu.memory_space<hbm>>
        %dma_wait3A_490 = tpu.memref_slice %arg8[%add3A_390] : memref<15360xi32, #tpu.memory_space<hbm>> -> memref<80xi32, #tpu.memory_space<hbm>>
        %dma_wait3A_491 = arith.constant 0 : i32
        %dma_wait3A_492 = tpu.memref_slice %arg13[%run_scoped3A_391, %dma_wait3A_491] : memref<4x80xi32, #tpu.memory_space<vmem>> -> memref<1x80xi32, #tpu.memory_space<vmem>>
        %dma_wait3A_493 = tpu.memref_squeeze %dma_wait3A_492 : memref<1x80xi32, #tpu.memory_space<vmem>> -> memref<80xi32, #tpu.memory_space<vmem>>
        tpu.wait_dma2 semaphore(%run_scoped3A_477 : memref<!tpu.dma_semaphore, #tpu.memory_space<semaphore_mem>>) src(%dma_wait3A_493 : memref<80xi32, #tpu.memory_space<vmem>>) dst(%dma_wait3A_490 : memref<80xi32, #tpu.memory_space<hbm>>)
        tpu.yield
      }) : () -> ()
      %mul3A_392 = arith.constant 320 : i32
      %mul3A_393 = arith.muli %arg1, %mul3A_392 : i32
      %add3A_394 = arith.constant 5120 : i32
      %add3A_395 = arith.addi %add3A_394, %mul3A_393 : i32
      %add3A_396 = arith.constant 80 : i32
      %add3A_397 = arith.addi %add3A_395, %add3A_396 : i32
      %run_scoped3A_398 = arith.constant 1 : i32
      "tpu.region"() ({
        %run_scoped3A_477 = tpu.sem_alloc : memref<!tpu.dma_semaphore, #tpu.memory_space<semaphore_mem>>
        %dma_start3A_478 = arith.constant 0 : i32
        %dma_start3A_479 = tpu.memref_slice %arg13[%run_scoped3A_398, %dma_start3A_478] : memref<4x80xi32, #tpu.memory_space<vmem>> -> memref<1x80xi32, #tpu.memory_space<vmem>>
        %dma_start3A_480 = tpu.memref_squeeze %dma_start3A_479 : memref<1x80xi32, #tpu.memory_space<vmem>> -> memref<80xi32, #tpu.memory_space<vmem>>
        %dma_start3A_481 = tpu.memref_slice %arg8[%add3A_397] : memref<15360xi32, #tpu.memory_space<hbm>> -> memref<80xi32, #tpu.memory_space<hbm>>
        %dma_start3A_482 = tpu.memref_slice %arg8[%add3A_397] : memref<15360xi32, #tpu.memory_space<hbm>> -> memref<80xi32, #tpu.memory_space<hbm>>
        %dma_start3A_483 = arith.constant 0 : i32
        %dma_start3A_484 = tpu.memref_slice %arg13[%run_scoped3A_398, %dma_start3A_483] : memref<4x80xi32, #tpu.memory_space<vmem>> -> memref<1x80xi32, #tpu.memory_space<vmem>>
        %dma_start3A_485 = tpu.memref_squeeze %dma_start3A_484 : memref<1x80xi32, #tpu.memory_space<vmem>> -> memref<80xi32, #tpu.memory_space<vmem>>
        tpu.enqueue_dma source(%dma_start3A_485 : memref<80xi32, #tpu.memory_space<vmem>>) target(%dma_start3A_482 : memref<80xi32, #tpu.memory_space<hbm>>) target_semaphore(%run_scoped3A_477 : memref<!tpu.dma_semaphore, #tpu.memory_space<semaphore_mem>>)
        %dma_wait3A_486 = arith.constant 0 : i32
        %dma_wait3A_487 = tpu.memref_slice %arg13[%run_scoped3A_398, %dma_wait3A_486] : memref<4x80xi32, #tpu.memory_space<vmem>> -> memref<1x80xi32, #tpu.memory_space<vmem>>
        %dma_wait3A_488 = tpu.memref_squeeze %dma_wait3A_487 : memref<1x80xi32, #tpu.memory_space<vmem>> -> memref<80xi32, #tpu.memory_space<vmem>>
        %dma_wait3A_489 = tpu.memref_slice %arg8[%add3A_397] : memref<15360xi32, #tpu.memory_space<hbm>> -> memref<80xi32, #tpu.memory_space<hbm>>
        %dma_wait3A_490 = tpu.memref_slice %arg8[%add3A_397] : memref<15360xi32, #tpu.memory_space<hbm>> -> memref<80xi32, #tpu.memory_space<hbm>>
        %dma_wait3A_491 = arith.constant 0 : i32
        %dma_wait3A_492 = tpu.memref_slice %arg13[%run_scoped3A_398, %dma_wait3A_491] : memref<4x80xi32, #tpu.memory_space<vmem>> -> memref<1x80xi32, #tpu.memory_space<vmem>>
        %dma_wait3A_493 = tpu.memref_squeeze %dma_wait3A_492 : memref<1x80xi32, #tpu.memory_space<vmem>> -> memref<80xi32, #tpu.memory_space<vmem>>
        tpu.wait_dma2 semaphore(%run_scoped3A_477 : memref<!tpu.dma_semaphore, #tpu.memory_space<semaphore_mem>>) src(%dma_wait3A_493 : memref<80xi32, #tpu.memory_space<vmem>>) dst(%dma_wait3A_490 : memref<80xi32, #tpu.memory_space<hbm>>)
        tpu.yield
      }) : () -> ()
      %mul3A_399 = arith.constant 320 : i32
      %mul3A_400 = arith.muli %arg1, %mul3A_399 : i32
      %add3A_401 = arith.constant 5120 : i32
      %add3A_402 = arith.addi %add3A_401, %mul3A_400 : i32
      %add3A_403 = arith.constant 160 : i32
      %add3A_404 = arith.addi %add3A_402, %add3A_403 : i32
      %run_scoped3A_405 = arith.constant 2 : i32
      "tpu.region"() ({
        %run_scoped3A_477 = tpu.sem_alloc : memref<!tpu.dma_semaphore, #tpu.memory_space<semaphore_mem>>
        %dma_start3A_478 = arith.constant 0 : i32
        %dma_start3A_479 = tpu.memref_slice %arg13[%run_scoped3A_405, %dma_start3A_478] : memref<4x80xi32, #tpu.memory_space<vmem>> -> memref<1x80xi32, #tpu.memory_space<vmem>>
        %dma_start3A_480 = tpu.memref_squeeze %dma_start3A_479 : memref<1x80xi32, #tpu.memory_space<vmem>> -> memref<80xi32, #tpu.memory_space<vmem>>
        %dma_start3A_481 = tpu.memref_slice %arg8[%add3A_404] : memref<15360xi32, #tpu.memory_space<hbm>> -> memref<80xi32, #tpu.memory_space<hbm>>
        %dma_start3A_482 = tpu.memref_slice %arg8[%add3A_404] : memref<15360xi32, #tpu.memory_space<hbm>> -> memref<80xi32, #tpu.memory_space<hbm>>
        %dma_start3A_483 = arith.constant 0 : i32
        %dma_start3A_484 = tpu.memref_slice %arg13[%run_scoped3A_405, %dma_start3A_483] : memref<4x80xi32, #tpu.memory_space<vmem>> -> memref<1x80xi32, #tpu.memory_space<vmem>>
        %dma_start3A_485 = tpu.memref_squeeze %dma_start3A_484 : memref<1x80xi32, #tpu.memory_space<vmem>> -> memref<80xi32, #tpu.memory_space<vmem>>
        tpu.enqueue_dma source(%dma_start3A_485 : memref<80xi32, #tpu.memory_space<vmem>>) target(%dma_start3A_482 : memref<80xi32, #tpu.memory_space<hbm>>) target_semaphore(%run_scoped3A_477 : memref<!tpu.dma_semaphore, #tpu.memory_space<semaphore_mem>>)
        %dma_wait3A_486 = arith.constant 0 : i32
        %dma_wait3A_487 = tpu.memref_slice %arg13[%run_scoped3A_405, %dma_wait3A_486] : memref<4x80xi32, #tpu.memory_space<vmem>> -> memref<1x80xi32, #tpu.memory_space<vmem>>
        %dma_wait3A_488 = tpu.memref_squeeze %dma_wait3A_487 : memref<1x80xi32, #tpu.memory_space<vmem>> -> memref<80xi32, #tpu.memory_space<vmem>>
        %dma_wait3A_489 = tpu.memref_slice %arg8[%add3A_404] : memref<15360xi32, #tpu.memory_space<hbm>> -> memref<80xi32, #tpu.memory_space<hbm>>
        %dma_wait3A_490 = tpu.memref_slice %arg8[%add3A_404] : memref<15360xi32, #tpu.memory_space<hbm>> -> memref<80xi32, #tpu.memory_space<hbm>>
        %dma_wait3A_491 = arith.constant 0 : i32
        %dma_wait3A_492 = tpu.memref_slice %arg13[%run_scoped3A_405, %dma_wait3A_491] : memref<4x80xi32, #tpu.memory_space<vmem>> -> memref<1x80xi32, #tpu.memory_space<vmem>>
        %dma_wait3A_493 = tpu.memref_squeeze %dma_wait3A_492 : memref<1x80xi32, #tpu.memory_space<vmem>> -> memref<80xi32, #tpu.memory_space<vmem>>
        tpu.wait_dma2 semaphore(%run_scoped3A_477 : memref<!tpu.dma_semaphore, #tpu.memory_space<semaphore_mem>>) src(%dma_wait3A_493 : memref<80xi32, #tpu.memory_space<vmem>>) dst(%dma_wait3A_490 : memref<80xi32, #tpu.memory_space<hbm>>)
        tpu.yield
      }) : () -> ()
      %mul3A_406 = arith.constant 320 : i32
      %mul3A_407 = arith.muli %arg1, %mul3A_406 : i32
      %add3A_408 = arith.constant 5120 : i32
      %add3A_409 = arith.addi %add3A_408, %mul3A_407 : i32
      %add3A_410 = arith.constant 240 : i32
      %add3A_411 = arith.addi %add3A_409, %add3A_410 : i32
      %run_scoped3A_412 = arith.constant 3 : i32
      "tpu.region"() ({
        %run_scoped3A_477 = tpu.sem_alloc : memref<!tpu.dma_semaphore, #tpu.memory_space<semaphore_mem>>
        %dma_start3A_478 = arith.constant 0 : i32
        %dma_start3A_479 = tpu.memref_slice %arg13[%run_scoped3A_412, %dma_start3A_478] : memref<4x80xi32, #tpu.memory_space<vmem>> -> memref<1x80xi32, #tpu.memory_space<vmem>>
        %dma_start3A_480 = tpu.memref_squeeze %dma_start3A_479 : memref<1x80xi32, #tpu.memory_space<vmem>> -> memref<80xi32, #tpu.memory_space<vmem>>
        %dma_start3A_481 = tpu.memref_slice %arg8[%add3A_411] : memref<15360xi32, #tpu.memory_space<hbm>> -> memref<80xi32, #tpu.memory_space<hbm>>
        %dma_start3A_482 = tpu.memref_slice %arg8[%add3A_411] : memref<15360xi32, #tpu.memory_space<hbm>> -> memref<80xi32, #tpu.memory_space<hbm>>
        %dma_start3A_483 = arith.constant 0 : i32
        %dma_start3A_484 = tpu.memref_slice %arg13[%run_scoped3A_412, %dma_start3A_483] : memref<4x80xi32, #tpu.memory_space<vmem>> -> memref<1x80xi32, #tpu.memory_space<vmem>>
        %dma_start3A_485 = tpu.memref_squeeze %dma_start3A_484 : memref<1x80xi32, #tpu.memory_space<vmem>> -> memref<80xi32, #tpu.memory_space<vmem>>
        tpu.enqueue_dma source(%dma_start3A_485 : memref<80xi32, #tpu.memory_space<vmem>>) target(%dma_start3A_482 : memref<80xi32, #tpu.memory_space<hbm>>) target_semaphore(%run_scoped3A_477 : memref<!tpu.dma_semaphore, #tpu.memory_space<semaphore_mem>>)
        %dma_wait3A_486 = arith.constant 0 : i32
        %dma_wait3A_487 = tpu.memref_slice %arg13[%run_scoped3A_412, %dma_wait3A_486] : memref<4x80xi32, #tpu.memory_space<vmem>> -> memref<1x80xi32, #tpu.memory_space<vmem>>
        %dma_wait3A_488 = tpu.memref_squeeze %dma_wait3A_487 : memref<1x80xi32, #tpu.memory_space<vmem>> -> memref<80xi32, #tpu.memory_space<vmem>>
        %dma_wait3A_489 = tpu.memref_slice %arg8[%add3A_411] : memref<15360xi32, #tpu.memory_space<hbm>> -> memref<80xi32, #tpu.memory_space<hbm>>
        %dma_wait3A_490 = tpu.memref_slice %arg8[%add3A_411] : memref<15360xi32, #tpu.memory_space<hbm>> -> memref<80xi32, #tpu.memory_space<hbm>>
        %dma_wait3A_491 = arith.constant 0 : i32
        %dma_wait3A_492 = tpu.memref_slice %arg13[%run_scoped3A_412, %dma_wait3A_491] : memref<4x80xi32, #tpu.memory_space<vmem>> -> memref<1x80xi32, #tpu.memory_space<vmem>>
        %dma_wait3A_493 = tpu.memref_squeeze %dma_wait3A_492 : memref<1x80xi32, #tpu.memory_space<vmem>> -> memref<80xi32, #tpu.memory_space<vmem>>
        tpu.wait_dma2 semaphore(%run_scoped3A_477 : memref<!tpu.dma_semaphore, #tpu.memory_space<semaphore_mem>>) src(%dma_wait3A_493 : memref<80xi32, #tpu.memory_space<vmem>>) dst(%dma_wait3A_490 : memref<80xi32, #tpu.memory_space<hbm>>)
        tpu.yield
      }) : () -> ()
      %mul3A_413 = arith.constant 320 : i32
      %mul3A_414 = arith.muli %arg1, %mul3A_413 : i32
      %add3A_415 = arith.constant 10240 : i32
      %add3A_416 = arith.addi %add3A_415, %mul3A_414 : i32
      %add3A_417 = arith.constant 0 : i32
      %add3A_418 = arith.addi %add3A_416, %add3A_417 : i32
      %run_scoped3A_419 = arith.constant 0 : i32
      "tpu.region"() ({
        %run_scoped3A_477 = tpu.sem_alloc : memref<!tpu.dma_semaphore, #tpu.memory_space<semaphore_mem>>
        %dma_start3A_478 = arith.constant 0 : i32
        %dma_start3A_479 = tpu.memref_slice %arg11[%run_scoped3A_419, %dma_start3A_478] : memref<4x80xi32, #tpu.memory_space<vmem>> -> memref<1x80xi32, #tpu.memory_space<vmem>>
        %dma_start3A_480 = tpu.memref_squeeze %dma_start3A_479 : memref<1x80xi32, #tpu.memory_space<vmem>> -> memref<80xi32, #tpu.memory_space<vmem>>
        %dma_start3A_481 = tpu.memref_slice %arg6[%add3A_418] : memref<15360xi32, #tpu.memory_space<hbm>> -> memref<80xi32, #tpu.memory_space<hbm>>
        %dma_start3A_482 = arith.constant 0 : i32
        %dma_start3A_483 = tpu.memref_slice %arg11[%run_scoped3A_419, %dma_start3A_482] : memref<4x80xi32, #tpu.memory_space<vmem>> -> memref<1x80xi32, #tpu.memory_space<vmem>>
        %dma_start3A_484 = tpu.memref_squeeze %dma_start3A_483 : memref<1x80xi32, #tpu.memory_space<vmem>> -> memref<80xi32, #tpu.memory_space<vmem>>
        %dma_start3A_485 = tpu.memref_slice %arg6[%add3A_418] : memref<15360xi32, #tpu.memory_space<hbm>> -> memref<80xi32, #tpu.memory_space<hbm>>
        tpu.enqueue_dma source(%dma_start3A_485 : memref<80xi32, #tpu.memory_space<hbm>>) target(%dma_start3A_484 : memref<80xi32, #tpu.memory_space<vmem>>) target_semaphore(%run_scoped3A_477 : memref<!tpu.dma_semaphore, #tpu.memory_space<semaphore_mem>>)
        %dma_wait3A_486 = arith.constant 0 : i32
        %dma_wait3A_487 = tpu.memref_slice %arg11[%run_scoped3A_419, %dma_wait3A_486] : memref<4x80xi32, #tpu.memory_space<vmem>> -> memref<1x80xi32, #tpu.memory_space<vmem>>
        %dma_wait3A_488 = tpu.memref_squeeze %dma_wait3A_487 : memref<1x80xi32, #tpu.memory_space<vmem>> -> memref<80xi32, #tpu.memory_space<vmem>>
        %dma_wait3A_489 = tpu.memref_slice %arg6[%add3A_418] : memref<15360xi32, #tpu.memory_space<hbm>> -> memref<80xi32, #tpu.memory_space<hbm>>
        %dma_wait3A_490 = arith.constant 0 : i32
        %dma_wait3A_491 = tpu.memref_slice %arg11[%run_scoped3A_419, %dma_wait3A_490] : memref<4x80xi32, #tpu.memory_space<vmem>> -> memref<1x80xi32, #tpu.memory_space<vmem>>
        %dma_wait3A_492 = tpu.memref_squeeze %dma_wait3A_491 : memref<1x80xi32, #tpu.memory_space<vmem>> -> memref<80xi32, #tpu.memory_space<vmem>>
        %dma_wait3A_493 = tpu.memref_slice %arg6[%add3A_418] : memref<15360xi32, #tpu.memory_space<hbm>> -> memref<80xi32, #tpu.memory_space<hbm>>
        tpu.wait_dma2 semaphore(%run_scoped3A_477 : memref<!tpu.dma_semaphore, #tpu.memory_space<semaphore_mem>>) src(%dma_wait3A_493 : memref<80xi32, #tpu.memory_space<hbm>>) dst(%dma_wait3A_492 : memref<80xi32, #tpu.memory_space<vmem>>)
        tpu.yield
      }) : () -> ()
      %mul3A_420 = arith.constant 320 : i32
      %mul3A_421 = arith.muli %arg1, %mul3A_420 : i32
      %add3A_422 = arith.constant 10240 : i32
      %add3A_423 = arith.addi %add3A_422, %mul3A_421 : i32
      %add3A_424 = arith.constant 80 : i32
      %add3A_425 = arith.addi %add3A_423, %add3A_424 : i32
      %run_scoped3A_426 = arith.constant 1 : i32
      "tpu.region"() ({
        %run_scoped3A_477 = tpu.sem_alloc : memref<!tpu.dma_semaphore, #tpu.memory_space<semaphore_mem>>
        %dma_start3A_478 = arith.constant 0 : i32
        %dma_start3A_479 = tpu.memref_slice %arg11[%run_scoped3A_426, %dma_start3A_478] : memref<4x80xi32, #tpu.memory_space<vmem>> -> memref<1x80xi32, #tpu.memory_space<vmem>>
        %dma_start3A_480 = tpu.memref_squeeze %dma_start3A_479 : memref<1x80xi32, #tpu.memory_space<vmem>> -> memref<80xi32, #tpu.memory_space<vmem>>
        %dma_start3A_481 = tpu.memref_slice %arg6[%add3A_425] : memref<15360xi32, #tpu.memory_space<hbm>> -> memref<80xi32, #tpu.memory_space<hbm>>
        %dma_start3A_482 = arith.constant 0 : i32
        %dma_start3A_483 = tpu.memref_slice %arg11[%run_scoped3A_426, %dma_start3A_482] : memref<4x80xi32, #tpu.memory_space<vmem>> -> memref<1x80xi32, #tpu.memory_space<vmem>>
        %dma_start3A_484 = tpu.memref_squeeze %dma_start3A_483 : memref<1x80xi32, #tpu.memory_space<vmem>> -> memref<80xi32, #tpu.memory_space<vmem>>
        %dma_start3A_485 = tpu.memref_slice %arg6[%add3A_425] : memref<15360xi32, #tpu.memory_space<hbm>> -> memref<80xi32, #tpu.memory_space<hbm>>
        tpu.enqueue_dma source(%dma_start3A_485 : memref<80xi32, #tpu.memory_space<hbm>>) target(%dma_start3A_484 : memref<80xi32, #tpu.memory_space<vmem>>) target_semaphore(%run_scoped3A_477 : memref<!tpu.dma_semaphore, #tpu.memory_space<semaphore_mem>>)
        %dma_wait3A_486 = arith.constant 0 : i32
        %dma_wait3A_487 = tpu.memref_slice %arg11[%run_scoped3A_426, %dma_wait3A_486] : memref<4x80xi32, #tpu.memory_space<vmem>> -> memref<1x80xi32, #tpu.memory_space<vmem>>
        %dma_wait3A_488 = tpu.memref_squeeze %dma_wait3A_487 : memref<1x80xi32, #tpu.memory_space<vmem>> -> memref<80xi32, #tpu.memory_space<vmem>>
        %dma_wait3A_489 = tpu.memref_slice %arg6[%add3A_425] : memref<15360xi32, #tpu.memory_space<hbm>> -> memref<80xi32, #tpu.memory_space<hbm>>
        %dma_wait3A_490 = arith.constant 0 : i32
        %dma_wait3A_491 = tpu.memref_slice %arg11[%run_scoped3A_426, %dma_wait3A_490] : memref<4x80xi32, #tpu.memory_space<vmem>> -> memref<1x80xi32, #tpu.memory_space<vmem>>
        %dma_wait3A_492 = tpu.memref_squeeze %dma_wait3A_491 : memref<1x80xi32, #tpu.memory_space<vmem>> -> memref<80xi32, #tpu.memory_space<vmem>>
        %dma_wait3A_493 = tpu.memref_slice %arg6[%add3A_425] : memref<15360xi32, #tpu.memory_space<hbm>> -> memref<80xi32, #tpu.memory_space<hbm>>
        tpu.wait_dma2 semaphore(%run_scoped3A_477 : memref<!tpu.dma_semaphore, #tpu.memory_space<semaphore_mem>>) src(%dma_wait3A_493 : memref<80xi32, #tpu.memory_space<hbm>>) dst(%dma_wait3A_492 : memref<80xi32, #tpu.memory_space<vmem>>)
        tpu.yield
      }) : () -> ()
      %mul3A_427 = arith.constant 320 : i32
      %mul3A_428 = arith.muli %arg1, %mul3A_427 : i32
      %add3A_429 = arith.constant 10240 : i32
      %add3A_430 = arith.addi %add3A_429, %mul3A_428 : i32
      %add3A_431 = arith.constant 160 : i32
      %add3A_432 = arith.addi %add3A_430, %add3A_431 : i32
      %run_scoped3A_433 = arith.constant 2 : i32
      "tpu.region"() ({
        %run_scoped3A_477 = tpu.sem_alloc : memref<!tpu.dma_semaphore, #tpu.memory_space<semaphore_mem>>
        %dma_start3A_478 = arith.constant 0 : i32
        %dma_start3A_479 = tpu.memref_slice %arg11[%run_scoped3A_433, %dma_start3A_478] : memref<4x80xi32, #tpu.memory_space<vmem>> -> memref<1x80xi32, #tpu.memory_space<vmem>>
        %dma_start3A_480 = tpu.memref_squeeze %dma_start3A_479 : memref<1x80xi32, #tpu.memory_space<vmem>> -> memref<80xi32, #tpu.memory_space<vmem>>
        %dma_start3A_481 = tpu.memref_slice %arg6[%add3A_432] : memref<15360xi32, #tpu.memory_space<hbm>> -> memref<80xi32, #tpu.memory_space<hbm>>
        %dma_start3A_482 = arith.constant 0 : i32
        %dma_start3A_483 = tpu.memref_slice %arg11[%run_scoped3A_433, %dma_start3A_482] : memref<4x80xi32, #tpu.memory_space<vmem>> -> memref<1x80xi32, #tpu.memory_space<vmem>>
        %dma_start3A_484 = tpu.memref_squeeze %dma_start3A_483 : memref<1x80xi32, #tpu.memory_space<vmem>> -> memref<80xi32, #tpu.memory_space<vmem>>
        %dma_start3A_485 = tpu.memref_slice %arg6[%add3A_432] : memref<15360xi32, #tpu.memory_space<hbm>> -> memref<80xi32, #tpu.memory_space<hbm>>
        tpu.enqueue_dma source(%dma_start3A_485 : memref<80xi32, #tpu.memory_space<hbm>>) target(%dma_start3A_484 : memref<80xi32, #tpu.memory_space<vmem>>) target_semaphore(%run_scoped3A_477 : memref<!tpu.dma_semaphore, #tpu.memory_space<semaphore_mem>>)
        %dma_wait3A_486 = arith.constant 0 : i32
        %dma_wait3A_487 = tpu.memref_slice %arg11[%run_scoped3A_433, %dma_wait3A_486] : memref<4x80xi32, #tpu.memory_space<vmem>> -> memref<1x80xi32, #tpu.memory_space<vmem>>
        %dma_wait3A_488 = tpu.memref_squeeze %dma_wait3A_487 : memref<1x80xi32, #tpu.memory_space<vmem>> -> memref<80xi32, #tpu.memory_space<vmem>>
        %dma_wait3A_489 = tpu.memref_slice %arg6[%add3A_432] : memref<15360xi32, #tpu.memory_space<hbm>> -> memref<80xi32, #tpu.memory_space<hbm>>
        %dma_wait3A_490 = arith.constant 0 : i32
        %dma_wait3A_491 = tpu.memref_slice %arg11[%run_scoped3A_433, %dma_wait3A_490] : memref<4x80xi32, #tpu.memory_space<vmem>> -> memref<1x80xi32, #tpu.memory_space<vmem>>
        %dma_wait3A_492 = tpu.memref_squeeze %dma_wait3A_491 : memref<1x80xi32, #tpu.memory_space<vmem>> -> memref<80xi32, #tpu.memory_space<vmem>>
        %dma_wait3A_493 = tpu.memref_slice %arg6[%add3A_432] : memref<15360xi32, #tpu.memory_space<hbm>> -> memref<80xi32, #tpu.memory_space<hbm>>
        tpu.wait_dma2 semaphore(%run_scoped3A_477 : memref<!tpu.dma_semaphore, #tpu.memory_space<semaphore_mem>>) src(%dma_wait3A_493 : memref<80xi32, #tpu.memory_space<hbm>>) dst(%dma_wait3A_492 : memref<80xi32, #tpu.memory_space<vmem>>)
        tpu.yield
      }) : () -> ()
      %mul3A_434 = arith.constant 320 : i32
      %mul3A_435 = arith.muli %arg1, %mul3A_434 : i32
      %add3A_436 = arith.constant 10240 : i32
      %add3A_437 = arith.addi %add3A_436, %mul3A_435 : i32
      %add3A_438 = arith.constant 240 : i32
      %add3A_439 = arith.addi %add3A_437, %add3A_438 : i32
      %run_scoped3A_440 = arith.constant 3 : i32
      "tpu.region"() ({
        %run_scoped3A_477 = tpu.sem_alloc : memref<!tpu.dma_semaphore, #tpu.memory_space<semaphore_mem>>
        %dma_start3A_478 = arith.constant 0 : i32
        %dma_start3A_479 = tpu.memref_slice %arg11[%run_scoped3A_440, %dma_start3A_478] : memref<4x80xi32, #tpu.memory_space<vmem>> -> memref<1x80xi32, #tpu.memory_space<vmem>>
        %dma_start3A_480 = tpu.memref_squeeze %dma_start3A_479 : memref<1x80xi32, #tpu.memory_space<vmem>> -> memref<80xi32, #tpu.memory_space<vmem>>
        %dma_start3A_481 = tpu.memref_slice %arg6[%add3A_439] : memref<15360xi32, #tpu.memory_space<hbm>> -> memref<80xi32, #tpu.memory_space<hbm>>
        %dma_start3A_482 = arith.constant 0 : i32
        %dma_start3A_483 = tpu.memref_slice %arg11[%run_scoped3A_440, %dma_start3A_482] : memref<4x80xi32, #tpu.memory_space<vmem>> -> memref<1x80xi32, #tpu.memory_space<vmem>>
        %dma_start3A_484 = tpu.memref_squeeze %dma_start3A_483 : memref<1x80xi32, #tpu.memory_space<vmem>> -> memref<80xi32, #tpu.memory_space<vmem>>
        %dma_start3A_485 = tpu.memref_slice %arg6[%add3A_439] : memref<15360xi32, #tpu.memory_space<hbm>> -> memref<80xi32, #tpu.memory_space<hbm>>
        tpu.enqueue_dma source(%dma_start3A_485 : memref<80xi32, #tpu.memory_space<hbm>>) target(%dma_start3A_484 : memref<80xi32, #tpu.memory_space<vmem>>) target_semaphore(%run_scoped3A_477 : memref<!tpu.dma_semaphore, #tpu.memory_space<semaphore_mem>>)
        %dma_wait3A_486 = arith.constant 0 : i32
        %dma_wait3A_487 = tpu.memref_slice %arg11[%run_scoped3A_440, %dma_wait3A_486] : memref<4x80xi32, #tpu.memory_space<vmem>> -> memref<1x80xi32, #tpu.memory_space<vmem>>
        %dma_wait3A_488 = tpu.memref_squeeze %dma_wait3A_487 : memref<1x80xi32, #tpu.memory_space<vmem>> -> memref<80xi32, #tpu.memory_space<vmem>>
        %dma_wait3A_489 = tpu.memref_slice %arg6[%add3A_439] : memref<15360xi32, #tpu.memory_space<hbm>> -> memref<80xi32, #tpu.memory_space<hbm>>
        %dma_wait3A_490 = arith.constant 0 : i32
        %dma_wait3A_491 = tpu.memref_slice %arg11[%run_scoped3A_440, %dma_wait3A_490] : memref<4x80xi32, #tpu.memory_space<vmem>> -> memref<1x80xi32, #tpu.memory_space<vmem>>
        %dma_wait3A_492 = tpu.memref_squeeze %dma_wait3A_491 : memref<1x80xi32, #tpu.memory_space<vmem>> -> memref<80xi32, #tpu.memory_space<vmem>>
        %dma_wait3A_493 = tpu.memref_slice %arg6[%add3A_439] : memref<15360xi32, #tpu.memory_space<hbm>> -> memref<80xi32, #tpu.memory_space<hbm>>
        tpu.wait_dma2 semaphore(%run_scoped3A_477 : memref<!tpu.dma_semaphore, #tpu.memory_space<semaphore_mem>>) src(%dma_wait3A_493 : memref<80xi32, #tpu.memory_space<hbm>>) dst(%dma_wait3A_492 : memref<80xi32, #tpu.memory_space<vmem>>)
        tpu.yield
      }) : () -> ()
      %run_scoped3A_441 = arith.constant 0 : i32
      %run_scoped3A_442 = arith.constant 0 : i32
      "tpu.region"() ({
        %run_scoped3A_477 = tpu.sem_alloc : memref<!tpu.dma_semaphore, #tpu.memory_space<semaphore_mem>>
        %dma_start3A_478 = arith.constant 0 : i32
        %dma_start3A_479 = tpu.memref_slice %arg13[%run_scoped3A_442, %dma_start3A_478] : memref<4x80xi32, #tpu.memory_space<vmem>> -> memref<1x80xi32, #tpu.memory_space<vmem>>
        %dma_start3A_480 = tpu.memref_squeeze %dma_start3A_479 : memref<1x80xi32, #tpu.memory_space<vmem>> -> memref<80xi32, #tpu.memory_space<vmem>>
        %dma_start3A_481 = arith.constant 0 : i32
        %dma_start3A_482 = tpu.memref_slice %arg11[%run_scoped3A_441, %dma_start3A_481] : memref<4x80xi32, #tpu.memory_space<vmem>> -> memref<1x80xi32, #tpu.memory_space<vmem>>
        %dma_start3A_483 = tpu.memref_squeeze %dma_start3A_482 : memref<1x80xi32, #tpu.memory_space<vmem>> -> memref<80xi32, #tpu.memory_space<vmem>>
        %dma_start3A_484 = arith.constant 0 : i32
        %dma_start3A_485 = tpu.memref_slice %arg14[%dma_start3A_484] : memref<312320xi32, #tpu.memory_space<vmem_shared>> -> memref<312320xi32, #tpu.memory_space<vmem_shared>>
        tpu.enqueue_indirect_dma source(%dma_start3A_485 : memref<312320xi32, #tpu.memory_space<vmem_shared>>) target(%dma_start3A_480 : memref<80xi32, #tpu.memory_space<vmem>>) offsets(%dma_start3A_483 : memref<80xi32, #tpu.memory_space<vmem>>) semaphore(%run_scoped3A_477 : memref<!tpu.dma_semaphore, #tpu.memory_space<semaphore_mem>>)
        %dma_wait3A_486 = arith.constant 0 : i32
        %dma_wait3A_487 = tpu.memref_slice %arg13[%run_scoped3A_442, %dma_wait3A_486] : memref<4x80xi32, #tpu.memory_space<vmem>> -> memref<1x80xi32, #tpu.memory_space<vmem>>
        %dma_wait3A_488 = tpu.memref_squeeze %dma_wait3A_487 : memref<1x80xi32, #tpu.memory_space<vmem>> -> memref<80xi32, #tpu.memory_space<vmem>>
        %dma_wait3A_489 = arith.constant 0 : i32
        %dma_wait3A_490 = tpu.memref_slice %arg11[%run_scoped3A_441, %dma_wait3A_489] : memref<4x80xi32, #tpu.memory_space<vmem>> -> memref<1x80xi32, #tpu.memory_space<vmem>>
        %dma_wait3A_491 = tpu.memref_squeeze %dma_wait3A_490 : memref<1x80xi32, #tpu.memory_space<vmem>> -> memref<80xi32, #tpu.memory_space<vmem>>
        %dma_wait3A_492 = arith.constant 0 : i32
        %dma_wait3A_493 = tpu.memref_slice %arg14[%dma_wait3A_492] : memref<312320xi32, #tpu.memory_space<vmem_shared>> -> memref<312320xi32, #tpu.memory_space<vmem_shared>>
        tpu.wait_indirect_dma semaphore(%run_scoped3A_477 : memref<!tpu.dma_semaphore, #tpu.memory_space<semaphore_mem>>) src(%dma_wait3A_493 : memref<312320xi32, #tpu.memory_space<vmem_shared>>) dst(%dma_wait3A_488 : memref<80xi32, #tpu.memory_space<vmem>>)
        tpu.yield
      }) : () -> ()
      %run_scoped3A_443 = arith.constant 1 : i32
      %run_scoped3A_444 = arith.constant 1 : i32
      "tpu.region"() ({
        %run_scoped3A_477 = tpu.sem_alloc : memref<!tpu.dma_semaphore, #tpu.memory_space<semaphore_mem>>
        %dma_start3A_478 = arith.constant 0 : i32
        %dma_start3A_479 = tpu.memref_slice %arg13[%run_scoped3A_444, %dma_start3A_478] : memref<4x80xi32, #tpu.memory_space<vmem>> -> memref<1x80xi32, #tpu.memory_space<vmem>>
        %dma_start3A_480 = tpu.memref_squeeze %dma_start3A_479 : memref<1x80xi32, #tpu.memory_space<vmem>> -> memref<80xi32, #tpu.memory_space<vmem>>
        %dma_start3A_481 = arith.constant 0 : i32
        %dma_start3A_482 = tpu.memref_slice %arg11[%run_scoped3A_443, %dma_start3A_481] : memref<4x80xi32, #tpu.memory_space<vmem>> -> memref<1x80xi32, #tpu.memory_space<vmem>>
        %dma_start3A_483 = tpu.memref_squeeze %dma_start3A_482 : memref<1x80xi32, #tpu.memory_space<vmem>> -> memref<80xi32, #tpu.memory_space<vmem>>
        %dma_start3A_484 = arith.constant 0 : i32
        %dma_start3A_485 = tpu.memref_slice %arg14[%dma_start3A_484] : memref<312320xi32, #tpu.memory_space<vmem_shared>> -> memref<312320xi32, #tpu.memory_space<vmem_shared>>
        tpu.enqueue_indirect_dma source(%dma_start3A_485 : memref<312320xi32, #tpu.memory_space<vmem_shared>>) target(%dma_start3A_480 : memref<80xi32, #tpu.memory_space<vmem>>) offsets(%dma_start3A_483 : memref<80xi32, #tpu.memory_space<vmem>>) semaphore(%run_scoped3A_477 : memref<!tpu.dma_semaphore, #tpu.memory_space<semaphore_mem>>)
        %dma_wait3A_486 = arith.constant 0 : i32
        %dma_wait3A_487 = tpu.memref_slice %arg13[%run_scoped3A_444, %dma_wait3A_486] : memref<4x80xi32, #tpu.memory_space<vmem>> -> memref<1x80xi32, #tpu.memory_space<vmem>>
        %dma_wait3A_488 = tpu.memref_squeeze %dma_wait3A_487 : memref<1x80xi32, #tpu.memory_space<vmem>> -> memref<80xi32, #tpu.memory_space<vmem>>
        %dma_wait3A_489 = arith.constant 0 : i32
        %dma_wait3A_490 = tpu.memref_slice %arg11[%run_scoped3A_443, %dma_wait3A_489] : memref<4x80xi32, #tpu.memory_space<vmem>> -> memref<1x80xi32, #tpu.memory_space<vmem>>
        %dma_wait3A_491 = tpu.memref_squeeze %dma_wait3A_490 : memref<1x80xi32, #tpu.memory_space<vmem>> -> memref<80xi32, #tpu.memory_space<vmem>>
        %dma_wait3A_492 = arith.constant 0 : i32
        %dma_wait3A_493 = tpu.memref_slice %arg14[%dma_wait3A_492] : memref<312320xi32, #tpu.memory_space<vmem_shared>> -> memref<312320xi32, #tpu.memory_space<vmem_shared>>
        tpu.wait_indirect_dma semaphore(%run_scoped3A_477 : memref<!tpu.dma_semaphore, #tpu.memory_space<semaphore_mem>>) src(%dma_wait3A_493 : memref<312320xi32, #tpu.memory_space<vmem_shared>>) dst(%dma_wait3A_488 : memref<80xi32, #tpu.memory_space<vmem>>)
        tpu.yield
      }) : () -> ()
      %run_scoped3A_445 = arith.constant 2 : i32
      %run_scoped3A_446 = arith.constant 2 : i32
      "tpu.region"() ({
        %run_scoped3A_477 = tpu.sem_alloc : memref<!tpu.dma_semaphore, #tpu.memory_space<semaphore_mem>>
        %dma_start3A_478 = arith.constant 0 : i32
        %dma_start3A_479 = tpu.memref_slice %arg13[%run_scoped3A_446, %dma_start3A_478] : memref<4x80xi32, #tpu.memory_space<vmem>> -> memref<1x80xi32, #tpu.memory_space<vmem>>
        %dma_start3A_480 = tpu.memref_squeeze %dma_start3A_479 : memref<1x80xi32, #tpu.memory_space<vmem>> -> memref<80xi32, #tpu.memory_space<vmem>>
        %dma_start3A_481 = arith.constant 0 : i32
        %dma_start3A_482 = tpu.memref_slice %arg11[%run_scoped3A_445, %dma_start3A_481] : memref<4x80xi32, #tpu.memory_space<vmem>> -> memref<1x80xi32, #tpu.memory_space<vmem>>
        %dma_start3A_483 = tpu.memref_squeeze %dma_start3A_482 : memref<1x80xi32, #tpu.memory_space<vmem>> -> memref<80xi32, #tpu.memory_space<vmem>>
        %dma_start3A_484 = arith.constant 0 : i32
        %dma_start3A_485 = tpu.memref_slice %arg14[%dma_start3A_484] : memref<312320xi32, #tpu.memory_space<vmem_shared>> -> memref<312320xi32, #tpu.memory_space<vmem_shared>>
        tpu.enqueue_indirect_dma source(%dma_start3A_485 : memref<312320xi32, #tpu.memory_space<vmem_shared>>) target(%dma_start3A_480 : memref<80xi32, #tpu.memory_space<vmem>>) offsets(%dma_start3A_483 : memref<80xi32, #tpu.memory_space<vmem>>) semaphore(%run_scoped3A_477 : memref<!tpu.dma_semaphore, #tpu.memory_space<semaphore_mem>>)
        %dma_wait3A_486 = arith.constant 0 : i32
        %dma_wait3A_487 = tpu.memref_slice %arg13[%run_scoped3A_446, %dma_wait3A_486] : memref<4x80xi32, #tpu.memory_space<vmem>> -> memref<1x80xi32, #tpu.memory_space<vmem>>
        %dma_wait3A_488 = tpu.memref_squeeze %dma_wait3A_487 : memref<1x80xi32, #tpu.memory_space<vmem>> -> memref<80xi32, #tpu.memory_space<vmem>>
        %dma_wait3A_489 = arith.constant 0 : i32
        %dma_wait3A_490 = tpu.memref_slice %arg11[%run_scoped3A_445, %dma_wait3A_489] : memref<4x80xi32, #tpu.memory_space<vmem>> -> memref<1x80xi32, #tpu.memory_space<vmem>>
        %dma_wait3A_491 = tpu.memref_squeeze %dma_wait3A_490 : memref<1x80xi32, #tpu.memory_space<vmem>> -> memref<80xi32, #tpu.memory_space<vmem>>
        %dma_wait3A_492 = arith.constant 0 : i32
        %dma_wait3A_493 = tpu.memref_slice %arg14[%dma_wait3A_492] : memref<312320xi32, #tpu.memory_space<vmem_shared>> -> memref<312320xi32, #tpu.memory_space<vmem_shared>>
        tpu.wait_indirect_dma semaphore(%run_scoped3A_477 : memref<!tpu.dma_semaphore, #tpu.memory_space<semaphore_mem>>) src(%dma_wait3A_493 : memref<312320xi32, #tpu.memory_space<vmem_shared>>) dst(%dma_wait3A_488 : memref<80xi32, #tpu.memory_space<vmem>>)
        tpu.yield
      }) : () -> ()
      %run_scoped3A_447 = arith.constant 3 : i32
      %run_scoped3A_448 = arith.constant 3 : i32
      "tpu.region"() ({
        %run_scoped3A_477 = tpu.sem_alloc : memref<!tpu.dma_semaphore, #tpu.memory_space<semaphore_mem>>
        %dma_start3A_478 = arith.constant 0 : i32
        %dma_start3A_479 = tpu.memref_slice %arg13[%run_scoped3A_448, %dma_start3A_478] : memref<4x80xi32, #tpu.memory_space<vmem>> -> memref<1x80xi32, #tpu.memory_space<vmem>>
        %dma_start3A_480 = tpu.memref_squeeze %dma_start3A_479 : memref<1x80xi32, #tpu.memory_space<vmem>> -> memref<80xi32, #tpu.memory_space<vmem>>
        %dma_start3A_481 = arith.constant 0 : i32
        %dma_start3A_482 = tpu.memref_slice %arg11[%run_scoped3A_447, %dma_start3A_481] : memref<4x80xi32, #tpu.memory_space<vmem>> -> memref<1x80xi32, #tpu.memory_space<vmem>>
        %dma_start3A_483 = tpu.memref_squeeze %dma_start3A_482 : memref<1x80xi32, #tpu.memory_space<vmem>> -> memref<80xi32, #tpu.memory_space<vmem>>
        %dma_start3A_484 = arith.constant 0 : i32
        %dma_start3A_485 = tpu.memref_slice %arg14[%dma_start3A_484] : memref<312320xi32, #tpu.memory_space<vmem_shared>> -> memref<312320xi32, #tpu.memory_space<vmem_shared>>
        tpu.enqueue_indirect_dma source(%dma_start3A_485 : memref<312320xi32, #tpu.memory_space<vmem_shared>>) target(%dma_start3A_480 : memref<80xi32, #tpu.memory_space<vmem>>) offsets(%dma_start3A_483 : memref<80xi32, #tpu.memory_space<vmem>>) semaphore(%run_scoped3A_477 : memref<!tpu.dma_semaphore, #tpu.memory_space<semaphore_mem>>)
        %dma_wait3A_486 = arith.constant 0 : i32
        %dma_wait3A_487 = tpu.memref_slice %arg13[%run_scoped3A_448, %dma_wait3A_486] : memref<4x80xi32, #tpu.memory_space<vmem>> -> memref<1x80xi32, #tpu.memory_space<vmem>>
        %dma_wait3A_488 = tpu.memref_squeeze %dma_wait3A_487 : memref<1x80xi32, #tpu.memory_space<vmem>> -> memref<80xi32, #tpu.memory_space<vmem>>
        %dma_wait3A_489 = arith.constant 0 : i32
        %dma_wait3A_490 = tpu.memref_slice %arg11[%run_scoped3A_447, %dma_wait3A_489] : memref<4x80xi32, #tpu.memory_space<vmem>> -> memref<1x80xi32, #tpu.memory_space<vmem>>
        %dma_wait3A_491 = tpu.memref_squeeze %dma_wait3A_490 : memref<1x80xi32, #tpu.memory_space<vmem>> -> memref<80xi32, #tpu.memory_space<vmem>>
        %dma_wait3A_492 = arith.constant 0 : i32
        %dma_wait3A_493 = tpu.memref_slice %arg14[%dma_wait3A_492] : memref<312320xi32, #tpu.memory_space<vmem_shared>> -> memref<312320xi32, #tpu.memory_space<vmem_shared>>
        tpu.wait_indirect_dma semaphore(%run_scoped3A_477 : memref<!tpu.dma_semaphore, #tpu.memory_space<semaphore_mem>>) src(%dma_wait3A_493 : memref<312320xi32, #tpu.memory_space<vmem_shared>>) dst(%dma_wait3A_488 : memref<80xi32, #tpu.memory_space<vmem>>)
        tpu.yield
      }) : () -> ()
      %mul3A_449 = arith.constant 320 : i32
      %mul3A_450 = arith.muli %arg1, %mul3A_449 : i32
      %add3A_451 = arith.constant 10240 : i32
      %add3A_452 = arith.addi %add3A_451, %mul3A_450 : i32
      %add3A_453 = arith.constant 0 : i32
      %add3A_454 = arith.addi %add3A_452, %add3A_453 : i32
      %run_scoped3A_455 = arith.constant 0 : i32
      "tpu.region"() ({
        %run_scoped3A_477 = tpu.sem_alloc : memref<!tpu.dma_semaphore, #tpu.memory_space<semaphore_mem>>
        %dma_start3A_478 = arith.constant 0 : i32
        %dma_start3A_479 = tpu.memref_slice %arg13[%run_scoped3A_455, %dma_start3A_478] : memref<4x80xi32, #tpu.memory_space<vmem>> -> memref<1x80xi32, #tpu.memory_space<vmem>>
        %dma_start3A_480 = tpu.memref_squeeze %dma_start3A_479 : memref<1x80xi32, #tpu.memory_space<vmem>> -> memref<80xi32, #tpu.memory_space<vmem>>
        %dma_start3A_481 = tpu.memref_slice %arg8[%add3A_454] : memref<15360xi32, #tpu.memory_space<hbm>> -> memref<80xi32, #tpu.memory_space<hbm>>
        %dma_start3A_482 = tpu.memref_slice %arg8[%add3A_454] : memref<15360xi32, #tpu.memory_space<hbm>> -> memref<80xi32, #tpu.memory_space<hbm>>
        %dma_start3A_483 = arith.constant 0 : i32
        %dma_start3A_484 = tpu.memref_slice %arg13[%run_scoped3A_455, %dma_start3A_483] : memref<4x80xi32, #tpu.memory_space<vmem>> -> memref<1x80xi32, #tpu.memory_space<vmem>>
        %dma_start3A_485 = tpu.memref_squeeze %dma_start3A_484 : memref<1x80xi32, #tpu.memory_space<vmem>> -> memref<80xi32, #tpu.memory_space<vmem>>
        tpu.enqueue_dma source(%dma_start3A_485 : memref<80xi32, #tpu.memory_space<vmem>>) target(%dma_start3A_482 : memref<80xi32, #tpu.memory_space<hbm>>) target_semaphore(%run_scoped3A_477 : memref<!tpu.dma_semaphore, #tpu.memory_space<semaphore_mem>>)
        %dma_wait3A_486 = arith.constant 0 : i32
        %dma_wait3A_487 = tpu.memref_slice %arg13[%run_scoped3A_455, %dma_wait3A_486] : memref<4x80xi32, #tpu.memory_space<vmem>> -> memref<1x80xi32, #tpu.memory_space<vmem>>
        %dma_wait3A_488 = tpu.memref_squeeze %dma_wait3A_487 : memref<1x80xi32, #tpu.memory_space<vmem>> -> memref<80xi32, #tpu.memory_space<vmem>>
        %dma_wait3A_489 = tpu.memref_slice %arg8[%add3A_454] : memref<15360xi32, #tpu.memory_space<hbm>> -> memref<80xi32, #tpu.memory_space<hbm>>
        %dma_wait3A_490 = tpu.memref_slice %arg8[%add3A_454] : memref<15360xi32, #tpu.memory_space<hbm>> -> memref<80xi32, #tpu.memory_space<hbm>>
        %dma_wait3A_491 = arith.constant 0 : i32
        %dma_wait3A_492 = tpu.memref_slice %arg13[%run_scoped3A_455, %dma_wait3A_491] : memref<4x80xi32, #tpu.memory_space<vmem>> -> memref<1x80xi32, #tpu.memory_space<vmem>>
        %dma_wait3A_493 = tpu.memref_squeeze %dma_wait3A_492 : memref<1x80xi32, #tpu.memory_space<vmem>> -> memref<80xi32, #tpu.memory_space<vmem>>
        tpu.wait_dma2 semaphore(%run_scoped3A_477 : memref<!tpu.dma_semaphore, #tpu.memory_space<semaphore_mem>>) src(%dma_wait3A_493 : memref<80xi32, #tpu.memory_space<vmem>>) dst(%dma_wait3A_490 : memref<80xi32, #tpu.memory_space<hbm>>)
        tpu.yield
      }) : () -> ()
      %mul3A_456 = arith.constant 320 : i32
      %mul3A_457 = arith.muli %arg1, %mul3A_456 : i32
      %add3A_458 = arith.constant 10240 : i32
      %add3A_459 = arith.addi %add3A_458, %mul3A_457 : i32
      %add3A_460 = arith.constant 80 : i32
      %add3A_461 = arith.addi %add3A_459, %add3A_460 : i32
      %run_scoped3A_462 = arith.constant 1 : i32
      "tpu.region"() ({
        %run_scoped3A_477 = tpu.sem_alloc : memref<!tpu.dma_semaphore, #tpu.memory_space<semaphore_mem>>
        %dma_start3A_478 = arith.constant 0 : i32
        %dma_start3A_479 = tpu.memref_slice %arg13[%run_scoped3A_462, %dma_start3A_478] : memref<4x80xi32, #tpu.memory_space<vmem>> -> memref<1x80xi32, #tpu.memory_space<vmem>>
        %dma_start3A_480 = tpu.memref_squeeze %dma_start3A_479 : memref<1x80xi32, #tpu.memory_space<vmem>> -> memref<80xi32, #tpu.memory_space<vmem>>
        %dma_start3A_481 = tpu.memref_slice %arg8[%add3A_461] : memref<15360xi32, #tpu.memory_space<hbm>> -> memref<80xi32, #tpu.memory_space<hbm>>
        %dma_start3A_482 = tpu.memref_slice %arg8[%add3A_461] : memref<15360xi32, #tpu.memory_space<hbm>> -> memref<80xi32, #tpu.memory_space<hbm>>
        %dma_start3A_483 = arith.constant 0 : i32
        %dma_start3A_484 = tpu.memref_slice %arg13[%run_scoped3A_462, %dma_start3A_483] : memref<4x80xi32, #tpu.memory_space<vmem>> -> memref<1x80xi32, #tpu.memory_space<vmem>>
        %dma_start3A_485 = tpu.memref_squeeze %dma_start3A_484 : memref<1x80xi32, #tpu.memory_space<vmem>> -> memref<80xi32, #tpu.memory_space<vmem>>
        tpu.enqueue_dma source(%dma_start3A_485 : memref<80xi32, #tpu.memory_space<vmem>>) target(%dma_start3A_482 : memref<80xi32, #tpu.memory_space<hbm>>) target_semaphore(%run_scoped3A_477 : memref<!tpu.dma_semaphore, #tpu.memory_space<semaphore_mem>>)
        %dma_wait3A_486 = arith.constant 0 : i32
        %dma_wait3A_487 = tpu.memref_slice %arg13[%run_scoped3A_462, %dma_wait3A_486] : memref<4x80xi32, #tpu.memory_space<vmem>> -> memref<1x80xi32, #tpu.memory_space<vmem>>
        %dma_wait3A_488 = tpu.memref_squeeze %dma_wait3A_487 : memref<1x80xi32, #tpu.memory_space<vmem>> -> memref<80xi32, #tpu.memory_space<vmem>>
        %dma_wait3A_489 = tpu.memref_slice %arg8[%add3A_461] : memref<15360xi32, #tpu.memory_space<hbm>> -> memref<80xi32, #tpu.memory_space<hbm>>
        %dma_wait3A_490 = tpu.memref_slice %arg8[%add3A_461] : memref<15360xi32, #tpu.memory_space<hbm>> -> memref<80xi32, #tpu.memory_space<hbm>>
        %dma_wait3A_491 = arith.constant 0 : i32
        %dma_wait3A_492 = tpu.memref_slice %arg13[%run_scoped3A_462, %dma_wait3A_491] : memref<4x80xi32, #tpu.memory_space<vmem>> -> memref<1x80xi32, #tpu.memory_space<vmem>>
        %dma_wait3A_493 = tpu.memref_squeeze %dma_wait3A_492 : memref<1x80xi32, #tpu.memory_space<vmem>> -> memref<80xi32, #tpu.memory_space<vmem>>
        tpu.wait_dma2 semaphore(%run_scoped3A_477 : memref<!tpu.dma_semaphore, #tpu.memory_space<semaphore_mem>>) src(%dma_wait3A_493 : memref<80xi32, #tpu.memory_space<vmem>>) dst(%dma_wait3A_490 : memref<80xi32, #tpu.memory_space<hbm>>)
        tpu.yield
      }) : () -> ()
      %mul3A_463 = arith.constant 320 : i32
      %mul3A_464 = arith.muli %arg1, %mul3A_463 : i32
      %add3A_465 = arith.constant 10240 : i32
      %add3A_466 = arith.addi %add3A_465, %mul3A_464 : i32
      %add3A_467 = arith.constant 160 : i32
      %add3A_468 = arith.addi %add3A_466, %add3A_467 : i32
      %run_scoped3A_469 = arith.constant 2 : i32
      "tpu.region"() ({
        %run_scoped3A_477 = tpu.sem_alloc : memref<!tpu.dma_semaphore, #tpu.memory_space<semaphore_mem>>
        %dma_start3A_478 = arith.constant 0 : i32
        %dma_start3A_479 = tpu.memref_slice %arg13[%run_scoped3A_469, %dma_start3A_478] : memref<4x80xi32, #tpu.memory_space<vmem>> -> memref<1x80xi32, #tpu.memory_space<vmem>>
        %dma_start3A_480 = tpu.memref_squeeze %dma_start3A_479 : memref<1x80xi32, #tpu.memory_space<vmem>> -> memref<80xi32, #tpu.memory_space<vmem>>
        %dma_start3A_481 = tpu.memref_slice %arg8[%add3A_468] : memref<15360xi32, #tpu.memory_space<hbm>> -> memref<80xi32, #tpu.memory_space<hbm>>
        %dma_start3A_482 = tpu.memref_slice %arg8[%add3A_468] : memref<15360xi32, #tpu.memory_space<hbm>> -> memref<80xi32, #tpu.memory_space<hbm>>
        %dma_start3A_483 = arith.constant 0 : i32
        %dma_start3A_484 = tpu.memref_slice %arg13[%run_scoped3A_469, %dma_start3A_483] : memref<4x80xi32, #tpu.memory_space<vmem>> -> memref<1x80xi32, #tpu.memory_space<vmem>>
        %dma_start3A_485 = tpu.memref_squeeze %dma_start3A_484 : memref<1x80xi32, #tpu.memory_space<vmem>> -> memref<80xi32, #tpu.memory_space<vmem>>
        tpu.enqueue_dma source(%dma_start3A_485 : memref<80xi32, #tpu.memory_space<vmem>>) target(%dma_start3A_482 : memref<80xi32, #tpu.memory_space<hbm>>) target_semaphore(%run_scoped3A_477 : memref<!tpu.dma_semaphore, #tpu.memory_space<semaphore_mem>>)
        %dma_wait3A_486 = arith.constant 0 : i32
        %dma_wait3A_487 = tpu.memref_slice %arg13[%run_scoped3A_469, %dma_wait3A_486] : memref<4x80xi32, #tpu.memory_space<vmem>> -> memref<1x80xi32, #tpu.memory_space<vmem>>
        %dma_wait3A_488 = tpu.memref_squeeze %dma_wait3A_487 : memref<1x80xi32, #tpu.memory_space<vmem>> -> memref<80xi32, #tpu.memory_space<vmem>>
        %dma_wait3A_489 = tpu.memref_slice %arg8[%add3A_468] : memref<15360xi32, #tpu.memory_space<hbm>> -> memref<80xi32, #tpu.memory_space<hbm>>
        %dma_wait3A_490 = tpu.memref_slice %arg8[%add3A_468] : memref<15360xi32, #tpu.memory_space<hbm>> -> memref<80xi32, #tpu.memory_space<hbm>>
        %dma_wait3A_491 = arith.constant 0 : i32
        %dma_wait3A_492 = tpu.memref_slice %arg13[%run_scoped3A_469, %dma_wait3A_491] : memref<4x80xi32, #tpu.memory_space<vmem>> -> memref<1x80xi32, #tpu.memory_space<vmem>>
        %dma_wait3A_493 = tpu.memref_squeeze %dma_wait3A_492 : memref<1x80xi32, #tpu.memory_space<vmem>> -> memref<80xi32, #tpu.memory_space<vmem>>
        tpu.wait_dma2 semaphore(%run_scoped3A_477 : memref<!tpu.dma_semaphore, #tpu.memory_space<semaphore_mem>>) src(%dma_wait3A_493 : memref<80xi32, #tpu.memory_space<vmem>>) dst(%dma_wait3A_490 : memref<80xi32, #tpu.memory_space<hbm>>)
        tpu.yield
      }) : () -> ()
      %mul3A_470 = arith.constant 320 : i32
      %mul3A_471 = arith.muli %arg1, %mul3A_470 : i32
      %add3A_472 = arith.constant 10240 : i32
      %add3A_473 = arith.addi %add3A_472, %mul3A_471 : i32
      %add3A_474 = arith.constant 240 : i32
      %add3A_475 = arith.addi %add3A_473, %add3A_474 : i32
      %run_scoped3A_476 = arith.constant 3 : i32
      "tpu.region"() ({
        %run_scoped3A_477 = tpu.sem_alloc : memref<!tpu.dma_semaphore, #tpu.memory_space<semaphore_mem>>
        %dma_start3A_478 = arith.constant 0 : i32
        %dma_start3A_479 = tpu.memref_slice %arg13[%run_scoped3A_476, %dma_start3A_478] : memref<4x80xi32, #tpu.memory_space<vmem>> -> memref<1x80xi32, #tpu.memory_space<vmem>>
        %dma_start3A_480 = tpu.memref_squeeze %dma_start3A_479 : memref<1x80xi32, #tpu.memory_space<vmem>> -> memref<80xi32, #tpu.memory_space<vmem>>
        %dma_start3A_481 = tpu.memref_slice %arg8[%add3A_475] : memref<15360xi32, #tpu.memory_space<hbm>> -> memref<80xi32, #tpu.memory_space<hbm>>
        %dma_start3A_482 = tpu.memref_slice %arg8[%add3A_475] : memref<15360xi32, #tpu.memory_space<hbm>> -> memref<80xi32, #tpu.memory_space<hbm>>
        %dma_start3A_483 = arith.constant 0 : i32
        %dma_start3A_484 = tpu.memref_slice %arg13[%run_scoped3A_476, %dma_start3A_483] : memref<4x80xi32, #tpu.memory_space<vmem>> -> memref<1x80xi32, #tpu.memory_space<vmem>>
        %dma_start3A_485 = tpu.memref_squeeze %dma_start3A_484 : memref<1x80xi32, #tpu.memory_space<vmem>> -> memref<80xi32, #tpu.memory_space<vmem>>
        tpu.enqueue_dma source(%dma_start3A_485 : memref<80xi32, #tpu.memory_space<vmem>>) target(%dma_start3A_482 : memref<80xi32, #tpu.memory_space<hbm>>) target_semaphore(%run_scoped3A_477 : memref<!tpu.dma_semaphore, #tpu.memory_space<semaphore_mem>>)
        %dma_wait3A_486 = arith.constant 0 : i32
        %dma_wait3A_487 = tpu.memref_slice %arg13[%run_scoped3A_476, %dma_wait3A_486] : memref<4x80xi32, #tpu.memory_space<vmem>> -> memref<1x80xi32, #tpu.memory_space<vmem>>
        %dma_wait3A_488 = tpu.memref_squeeze %dma_wait3A_487 : memref<1x80xi32, #tpu.memory_space<vmem>> -> memref<80xi32, #tpu.memory_space<vmem>>
        %dma_wait3A_489 = tpu.memref_slice %arg8[%add3A_475] : memref<15360xi32, #tpu.memory_space<hbm>> -> memref<80xi32, #tpu.memory_space<hbm>>
        %dma_wait3A_490 = tpu.memref_slice %arg8[%add3A_475] : memref<15360xi32, #tpu.memory_space<hbm>> -> memref<80xi32, #tpu.memory_space<hbm>>
        %dma_wait3A_491 = arith.constant 0 : i32
        %dma_wait3A_492 = tpu.memref_slice %arg13[%run_scoped3A_476, %dma_wait3A_491] : memref<4x80xi32, #tpu.memory_space<vmem>> -> memref<1x80xi32, #tpu.memory_space<vmem>>
        %dma_wait3A_493 = tpu.memref_squeeze %dma_wait3A_492 : memref<1x80xi32, #tpu.memory_space<vmem>> -> memref<80xi32, #tpu.memory_space<vmem>>
        tpu.wait_dma2 semaphore(%run_scoped3A_477 : memref<!tpu.dma_semaphore, #tpu.memory_space<semaphore_mem>>) src(%dma_wait3A_493 : memref<80xi32, #tpu.memory_space<vmem>>) dst(%dma_wait3A_490 : memref<80xi32, #tpu.memory_space<hbm>>)
        tpu.yield
      }) : () -> ()
    } else {
    }
    return
  }
}

module attributes {stable_mosaic.version = 14 : i64} {
  func.func @_prep_kernel(%arg0: memref<6x320xf32, #tpu.memory_space<vmem>>, %arg1: memref<3x8x16x320xf32, #tpu.memory_space<vmem>>, %arg2: memref<3x88x16x320xi32, #tpu.memory_space<vmem>>, %arg3: memref<3x16x320xi32, #tpu.memory_space<vmem>>) attributes {dimension_semantics = [], scalar_prefetch = 0 : i64, scratch_operands = 0 : i64, tpu.core_type = #tpu.core_type<tc>} {
    %iota3A = tpu.iota {dimensions = array<i32: 0>} : vector<16x320xi32>
    %jit3A = arith.constant 3 : i32
    %div3A = vector.broadcast %jit3A : i32 to vector<16x320xi32>
    %div3A_0 = arith.divsi %iota3A, %div3A : vector<16x320xi32>
    %sign3A = arith.constant 0 : i32
    %sign3A_1 = vector.broadcast %sign3A : i32 to vector<16x320xi32>
    %sign3A_2 = arith.cmpi sgt, %iota3A, %sign3A_1 : vector<16x320xi32>
    %sign3A_3 = arith.extui %sign3A_2 : vector<16x320xi1> to vector<16x320xi32>
    %sign3A_4 = arith.constant 0 : i32
    %sign3A_5 = vector.broadcast %sign3A_4 : i32 to vector<16x320xi32>
    %sign3A_6 = arith.cmpi slt, %iota3A, %sign3A_5 : vector<16x320xi32>
    %sign3A_7 = arith.extui %sign3A_6 : vector<16x320xi1> to vector<16x320xi32>
    %sign3A_8 = arith.subi %sign3A_3, %sign3A_7 : vector<16x320xi32>
    %sign3A_9 = arith.constant 0 : i32
    %sign3A_10 = arith.cmpi sgt, %jit3A, %sign3A_9 : i32
    %sign3A_11 = arith.extui %sign3A_10 : i1 to i32
    %sign3A_12 = arith.constant 0 : i32
    %sign3A_13 = arith.cmpi slt, %jit3A, %sign3A_12 : i32
    %sign3A_14 = arith.extui %sign3A_13 : i1 to i32
    %sign3A_15 = arith.subi %sign3A_11, %sign3A_14 : i32
    %ne3A = vector.broadcast %sign3A_15 : i32 to vector<16x320xi32>
    %ne3A_16 = arith.cmpi ne, %sign3A_8, %ne3A : vector<16x320xi32>
    %rem3A = vector.broadcast %jit3A : i32 to vector<16x320xi32>
    %rem3A_17 = arith.remsi %iota3A, %rem3A : vector<16x320xi32>
    %ne3A_18 = arith.constant 0 : i32
    %ne3A_19 = vector.broadcast %ne3A_18 : i32 to vector<16x320xi32>
    %ne3A_20 = arith.cmpi ne, %rem3A_17, %ne3A_19 : vector<16x320xi32>
    %and3A = arith.andi %ne3A_16, %ne3A_20 : vector<16x320xi1>
    %sub3A = arith.constant 1 : i32
    %sub3A_21 = vector.broadcast %sub3A : i32 to vector<16x320xi32>
    %sub3A_22 = arith.subi %div3A_0, %sub3A_21 : vector<16x320xi32>
    %select_n3A = arith.select %and3A, %sub3A_22, %div3A_0 : vector<16x320xi1>, vector<16x320xi32>
    %jit3A_23 = arith.constant 3 : i32
    %eq3A = arith.constant 0 : i32
    %eq3A_24 = arith.cmpi eq, %jit3A_23, %eq3A : i32
    %jit3A_25 = arith.constant 1 : i32
    %select_n3A_26 = arith.select %eq3A_24, %jit3A_25, %jit3A_23 : i32
    %rem3A_27 = vector.broadcast %select_n3A_26 : i32 to vector<16x320xi32>
    %rem3A_28 = arith.remsi %iota3A, %rem3A_27 : vector<16x320xi32>
    %ne3A_29 = arith.constant 0 : i32
    %ne3A_30 = vector.broadcast %ne3A_29 : i32 to vector<16x320xi32>
    %ne3A_31 = arith.cmpi ne, %rem3A_28, %ne3A_30 : vector<16x320xi32>
    %lt3A = arith.constant 0 : i32
    %lt3A_32 = vector.broadcast %lt3A : i32 to vector<16x320xi32>
    %lt3A_33 = arith.cmpi slt, %rem3A_28, %lt3A_32 : vector<16x320xi32>
    %lt3A_34 = arith.constant 0 : i32
    %lt3A_35 = arith.cmpi slt, %select_n3A_26, %lt3A_34 : i32
    %ne3A_36 = vector.broadcast %lt3A_35 : i1 to vector<16x320xi1>
    %ne3A_37 = vector.broadcast %ne3A_36 : vector<16x320xi1> to vector<16x320xi1>
    %ne3A_38 = arith.xori %lt3A_33, %ne3A_37 : vector<16x320xi1>
    %and3A_39 = arith.andi %ne3A_38, %ne3A_31 : vector<16x320xi1>
    %add3A = vector.broadcast %select_n3A_26 : i32 to vector<16x320xi32>
    %add3A_40 = arith.addi %rem3A_28, %add3A : vector<16x320xi32>
    %select_n3A_41 = arith.select %and3A_39, %add3A_40, %rem3A_28 : vector<16x320xi1>, vector<16x320xi32>
    %lt3A_42 = arith.constant 15 : i32
    %lt3A_43 = vector.broadcast %lt3A_42 : i32 to vector<16x320xi32>
    %lt3A_44 = arith.cmpi slt, %iota3A, %lt3A_43 : vector<16x320xi32>
    %jit3A_45 = arith.constant 1.000000e+00 : f32
    %jit3A_46 = arith.constant 0.000000e+00 : f32
    %broadcast_in_dim3A = vector.broadcast %jit3A_45 : f32 to vector<16x320xf32>
    %broadcast_in_dim3A_47 = vector.broadcast %jit3A_46 : f32 to vector<16x320xf32>
    %select_n3A_48 = arith.select %lt3A_44, %broadcast_in_dim3A, %broadcast_in_dim3A_47 : vector<16x320xi1>, vector<16x320xf32>
    %get3A = arith.constant 0 : index
    %get3A_49 = arith.constant 0 : index
    %get3A_50 = vector.load %arg0[%get3A, %get3A_49] : memref<6x320xf32, #tpu.memory_space<vmem>>, vector<1x320xf32>
    %get3A_51 = arith.constant 1 : index
    %get3A_52 = arith.constant 0 : index
    %get3A_53 = vector.load %arg0[%get3A_51, %get3A_52] : memref<6x320xf32, #tpu.memory_space<vmem>>, vector<1x320xf32>
    %get3A_54 = arith.constant 2 : index
    %get3A_55 = arith.constant 0 : index
    %get3A_56 = vector.load %arg0[%get3A_54, %get3A_55] : memref<6x320xf32, #tpu.memory_space<vmem>>, vector<1x320xf32>
    %mul3A = arith.constant 8.000000e+01 : f32
    %mul3A_57 = vector.broadcast %mul3A : f32 to vector<1x320xf32>
    %mul3A_58 = arith.mulf %get3A_56, %mul3A_57 : vector<1x320xf32>
    %broadcast_in_dim3A_59 = arith.constant 0.000000e+00 : f32
    %broadcast_in_dim3A_60 = vector.broadcast %broadcast_in_dim3A_59 : f32 to vector<16x320xf32>
    %add3A_61 = vector.broadcast %mul3A_58 : vector<1x320xf32> to vector<16x320xf32>
    %add3A_62 = arith.addf %add3A_61, %broadcast_in_dim3A_60 : vector<16x320xf32>
    %get3A_63 = arith.constant 3 : index
    %get3A_64 = arith.constant 0 : index
    %get3A_65 = vector.load %arg0[%get3A_63, %get3A_64] : memref<6x320xf32, #tpu.memory_space<vmem>>, vector<1x320xf32>
    %mul3A_66 = arith.constant 8.000000e+01 : f32
    %mul3A_67 = vector.broadcast %mul3A_66 : f32 to vector<1x320xf32>
    %mul3A_68 = arith.mulf %get3A_65, %mul3A_67 : vector<1x320xf32>
    %broadcast_in_dim3A_69 = arith.constant 0.000000e+00 : f32
    %broadcast_in_dim3A_70 = vector.broadcast %broadcast_in_dim3A_69 : f32 to vector<16x320xf32>
    %add3A_71 = vector.broadcast %mul3A_68 : vector<1x320xf32> to vector<16x320xf32>
    %add3A_72 = arith.addf %add3A_71, %broadcast_in_dim3A_70 : vector<16x320xf32>
    %get3A_73 = arith.constant 4 : index
    %get3A_74 = arith.constant 0 : index
    %get3A_75 = vector.load %arg0[%get3A_73, %get3A_74] : memref<6x320xf32, #tpu.memory_space<vmem>>, vector<1x320xf32>
    %mul3A_76 = arith.constant 8.000000e+01 : f32
    %mul3A_77 = vector.broadcast %mul3A_76 : f32 to vector<1x320xf32>
    %mul3A_78 = arith.mulf %get3A_75, %mul3A_77 : vector<1x320xf32>
    %broadcast_in_dim3A_79 = arith.constant 0.000000e+00 : f32
    %broadcast_in_dim3A_80 = vector.broadcast %broadcast_in_dim3A_79 : f32 to vector<16x320xf32>
    %add3A_81 = vector.broadcast %mul3A_78 : vector<1x320xf32> to vector<16x320xf32>
    %add3A_82 = arith.addf %add3A_81, %broadcast_in_dim3A_80 : vector<16x320xf32>
    %get3A_83 = arith.constant 5 : index
    %get3A_84 = arith.constant 0 : index
    %get3A_85 = vector.load %arg0[%get3A_83, %get3A_84] : memref<6x320xf32, #tpu.memory_space<vmem>>, vector<1x320xf32>
    %mul3A_86 = arith.constant 8.000000e+01 : f32
    %mul3A_87 = vector.broadcast %mul3A_86 : f32 to vector<1x320xf32>
    %mul3A_88 = arith.mulf %get3A_85, %mul3A_87 : vector<1x320xf32>
    %broadcast_in_dim3A_89 = arith.constant 0.000000e+00 : f32
    %broadcast_in_dim3A_90 = vector.broadcast %broadcast_in_dim3A_89 : f32 to vector<16x320xf32>
    %add3A_91 = vector.broadcast %mul3A_88 : vector<1x320xf32> to vector<16x320xf32>
    %add3A_92 = arith.addf %add3A_91, %broadcast_in_dim3A_90 : vector<16x320xf32>
    %eq3A_93 = arith.constant 0 : i32
    %eq3A_94 = vector.broadcast %eq3A_93 : i32 to vector<16x320xi32>
    %eq3A_95 = arith.cmpi eq, %select_n3A_41, %eq3A_94 : vector<16x320xi32>
    %eq3A_96 = arith.constant 1 : i32
    %eq3A_97 = vector.broadcast %eq3A_96 : i32 to vector<16x320xi32>
    %eq3A_98 = arith.cmpi eq, %select_n3A_41, %eq3A_97 : vector<16x320xi32>
    %jit3A_99 = arith.constant 2.000000e+00 : f32
    %jit3A_100 = arith.constant 4.125000e+00 : f32
    %broadcast_in_dim3A_101 = vector.broadcast %jit3A_99 : f32 to vector<16x320xf32>
    %broadcast_in_dim3A_102 = vector.broadcast %jit3A_100 : f32 to vector<16x320xf32>
    %select_n3A_103 = arith.select %eq3A_98, %broadcast_in_dim3A_101, %broadcast_in_dim3A_102 : vector<16x320xi1>, vector<16x320xf32>
    %jit3A_104 = arith.constant 1.250000e+00 : f32
    %broadcast_in_dim3A_105 = vector.broadcast %jit3A_104 : f32 to vector<16x320xf32>
    %select_n3A_106 = arith.select %eq3A_95, %broadcast_in_dim3A_105, %select_n3A_103 : vector<16x320xi1>, vector<16x320xf32>
    %eq3A_107 = arith.constant 0 : i32
    %eq3A_108 = vector.broadcast %eq3A_107 : i32 to vector<16x320xi32>
    %eq3A_109 = arith.cmpi eq, %select_n3A_41, %eq3A_108 : vector<16x320xi32>
    %eq3A_110 = arith.constant 1 : i32
    %eq3A_111 = vector.broadcast %eq3A_110 : i32 to vector<16x320xi32>
    %eq3A_112 = arith.cmpi eq, %select_n3A_41, %eq3A_111 : vector<16x320xi32>
    %jit3A_113 = arith.constant 3.750000e+00 : f32
    %jit3A_114 = arith.constant 2.875000e+00 : f32
    %broadcast_in_dim3A_115 = vector.broadcast %jit3A_113 : f32 to vector<16x320xf32>
    %broadcast_in_dim3A_116 = vector.broadcast %jit3A_114 : f32 to vector<16x320xf32>
    %select_n3A_117 = arith.select %eq3A_112, %broadcast_in_dim3A_115, %broadcast_in_dim3A_116 : vector<16x320xi1>, vector<16x320xf32>
    %jit3A_118 = arith.constant 1.625000e+00 : f32
    %broadcast_in_dim3A_119 = vector.broadcast %jit3A_118 : f32 to vector<16x320xf32>
    %select_n3A_120 = arith.select %eq3A_109, %broadcast_in_dim3A_119, %select_n3A_117 : vector<16x320xi1>, vector<16x320xf32>
    %div3A_121 = arith.divf %add3A_82, %select_n3A_106 : vector<16x320xf32>
    %div3A_122 = arith.divf %add3A_92, %select_n3A_120 : vector<16x320xf32>
    %div3A_123 = arith.constant 1.000000e+00 : f32
    %div3A_124 = vector.broadcast %div3A_123 : f32 to vector<16x320xf32>
    %div3A_125 = arith.divf %div3A_124, %div3A_121 : vector<16x320xf32>
    %max3A = arith.maximumf %div3A_121, %div3A_125 : vector<16x320xf32>
    %div3A_126 = arith.constant 1.000000e+00 : f32
    %div3A_127 = vector.broadcast %div3A_126 : f32 to vector<16x320xf32>
    %div3A_128 = arith.divf %div3A_127, %div3A_122 : vector<16x320xf32>
    %max3A_129 = arith.maximumf %div3A_122, %div3A_128 : vector<16x320xf32>
    %max3A_130 = arith.maximumf %max3A, %max3A_129 : vector<16x320xf32>
    %lt3A_131 = arith.constant 4.000000e+00 : f32
    %lt3A_132 = vector.broadcast %lt3A_131 : f32 to vector<16x320xf32>
    %lt3A_133 = arith.cmpf olt, %max3A_130, %lt3A_132 : vector<16x320xf32>
    %jit3A_134 = arith.constant 1.000000e+00 : f32
    %jit3A_135 = arith.constant 0.000000e+00 : f32
    %broadcast_in_dim3A_136 = vector.broadcast %jit3A_134 : f32 to vector<16x320xf32>
    %broadcast_in_dim3A_137 = vector.broadcast %jit3A_135 : f32 to vector<16x320xf32>
    %select_n3A_138 = arith.select %lt3A_133, %broadcast_in_dim3A_136, %broadcast_in_dim3A_137 : vector<16x320xi1>, vector<16x320xf32>
    %floor3A = math.floor %add3A_62 : vector<16x320xf32>
    %sub3A_139 = arith.subf %add3A_62, %floor3A : vector<16x320xf32>
    %floor3A_140 = math.floor %add3A_72 : vector<16x320xf32>
    %sub3A_141 = arith.subf %add3A_72, %floor3A_140 : vector<16x320xf32>
    %broadcast_in_dim3A_142 = arith.constant 1.000000e+00 : f32
    %broadcast_in_dim3A_143 = vector.broadcast %broadcast_in_dim3A_142 : f32 to vector<16x320xf32>
    %broadcast_in_dim3A_144 = arith.constant 0.000000e+00 : f32
    %broadcast_in_dim3A_145 = vector.broadcast %broadcast_in_dim3A_144 : f32 to vector<16x320xf32>
    %lt3A_146 = arith.constant 5.000000e-01 : f32
    %lt3A_147 = vector.broadcast %lt3A_146 : f32 to vector<16x320xf32>
    %lt3A_148 = arith.cmpf olt, %sub3A_139, %lt3A_147 : vector<16x320xf32>
    %select_n3A_149 = arith.select %lt3A_148, %broadcast_in_dim3A_143, %broadcast_in_dim3A_145 : vector<16x320xi1>, vector<16x320xf32>
    %gt3A = arith.constant 1.000000e+00 : f32
    %gt3A_150 = vector.broadcast %gt3A : f32 to vector<16x320xf32>
    %gt3A_151 = arith.cmpf ogt, %add3A_62, %gt3A_150 : vector<16x320xf32>
    %select_n3A_152 = arith.select %gt3A_151, %broadcast_in_dim3A_143, %broadcast_in_dim3A_145 : vector<16x320xi1>, vector<16x320xf32>
    %mul3A_153 = arith.mulf %select_n3A_149, %select_n3A_152 : vector<16x320xf32>
    %lt3A_154 = arith.constant 5.000000e-01 : f32
    %lt3A_155 = vector.broadcast %lt3A_154 : f32 to vector<16x320xf32>
    %lt3A_156 = arith.cmpf olt, %sub3A_141, %lt3A_155 : vector<16x320xf32>
    %select_n3A_157 = arith.select %lt3A_156, %broadcast_in_dim3A_143, %broadcast_in_dim3A_145 : vector<16x320xi1>, vector<16x320xf32>
    %gt3A_158 = arith.constant 1.000000e+00 : f32
    %gt3A_159 = vector.broadcast %gt3A_158 : f32 to vector<16x320xf32>
    %gt3A_160 = arith.cmpf ogt, %add3A_72, %gt3A_159 : vector<16x320xf32>
    %select_n3A_161 = arith.select %gt3A_160, %broadcast_in_dim3A_143, %broadcast_in_dim3A_145 : vector<16x320xi1>, vector<16x320xf32>
    %mul3A_162 = arith.mulf %select_n3A_157, %select_n3A_161 : vector<16x320xf32>
    %gt3A_163 = arith.constant 5.000000e-01 : f32
    %gt3A_164 = vector.broadcast %gt3A_163 : f32 to vector<16x320xf32>
    %gt3A_165 = arith.cmpf ogt, %sub3A_139, %gt3A_164 : vector<16x320xf32>
    %select_n3A_166 = arith.select %gt3A_165, %broadcast_in_dim3A_143, %broadcast_in_dim3A_145 : vector<16x320xi1>, vector<16x320xf32>
    %lt3A_167 = arith.constant 7.900000e+01 : f32
    %lt3A_168 = vector.broadcast %lt3A_167 : f32 to vector<16x320xf32>
    %lt3A_169 = arith.cmpf olt, %add3A_62, %lt3A_168 : vector<16x320xf32>
    %select_n3A_170 = arith.select %lt3A_169, %broadcast_in_dim3A_143, %broadcast_in_dim3A_145 : vector<16x320xi1>, vector<16x320xf32>
    %mul3A_171 = arith.mulf %select_n3A_166, %select_n3A_170 : vector<16x320xf32>
    %gt3A_172 = arith.constant 5.000000e-01 : f32
    %gt3A_173 = vector.broadcast %gt3A_172 : f32 to vector<16x320xf32>
    %gt3A_174 = arith.cmpf ogt, %sub3A_141, %gt3A_173 : vector<16x320xf32>
    %select_n3A_175 = arith.select %gt3A_174, %broadcast_in_dim3A_143, %broadcast_in_dim3A_145 : vector<16x320xi1>, vector<16x320xf32>
    %lt3A_176 = arith.constant 7.900000e+01 : f32
    %lt3A_177 = vector.broadcast %lt3A_176 : f32 to vector<16x320xf32>
    %lt3A_178 = arith.cmpf olt, %add3A_72, %lt3A_177 : vector<16x320xf32>
    %select_n3A_179 = arith.select %lt3A_178, %broadcast_in_dim3A_143, %broadcast_in_dim3A_145 : vector<16x320xi1>, vector<16x320xf32>
    %mul3A_180 = arith.mulf %select_n3A_175, %select_n3A_179 : vector<16x320xf32>
    %eq3A_181 = arith.constant 0 : i32
    %eq3A_182 = vector.broadcast %eq3A_181 : i32 to vector<16x320xi32>
    %eq3A_183 = arith.cmpi eq, %select_n3A, %eq3A_182 : vector<16x320xi32>
    %eq3A_184 = arith.constant 1 : i32
    %eq3A_185 = vector.broadcast %eq3A_184 : i32 to vector<16x320xi32>
    %eq3A_186 = arith.cmpi eq, %select_n3A, %eq3A_185 : vector<16x320xi32>
    %eq3A_187 = arith.constant 2 : i32
    %eq3A_188 = vector.broadcast %eq3A_187 : i32 to vector<16x320xi32>
    %eq3A_189 = arith.cmpi eq, %select_n3A, %eq3A_188 : vector<16x320xi32>
    %eq3A_190 = arith.constant 3 : i32
    %eq3A_191 = vector.broadcast %eq3A_190 : i32 to vector<16x320xi32>
    %eq3A_192 = arith.cmpi eq, %select_n3A, %eq3A_191 : vector<16x320xi32>
    %select_n3A_193 = arith.select %eq3A_192, %mul3A_171, %mul3A_180 : vector<16x320xi1>, vector<16x320xf32>
    %select_n3A_194 = arith.select %eq3A_189, %mul3A_162, %select_n3A_193 : vector<16x320xi1>, vector<16x320xf32>
    %select_n3A_195 = arith.select %eq3A_186, %mul3A_153, %select_n3A_194 : vector<16x320xi1>, vector<16x320xf32>
    %select_n3A_196 = arith.select %eq3A_183, %broadcast_in_dim3A_143, %select_n3A_195 : vector<16x320xi1>, vector<16x320xf32>
    %mul3A_197 = arith.mulf %select_n3A_138, %select_n3A_196 : vector<16x320xf32>
    %mul3A_198 = arith.mulf %mul3A_197, %select_n3A_48 : vector<16x320xf32>
    %eq3A_199 = arith.constant 1 : i32
    %eq3A_200 = vector.broadcast %eq3A_199 : i32 to vector<16x320xi32>
    %eq3A_201 = arith.cmpi eq, %select_n3A, %eq3A_200 : vector<16x320xi32>
    %eq3A_202 = arith.constant 3 : i32
    %eq3A_203 = vector.broadcast %eq3A_202 : i32 to vector<16x320xi32>
    %eq3A_204 = arith.cmpi eq, %select_n3A, %eq3A_203 : vector<16x320xi32>
    %jit3A_205 = arith.constant -5.000000e-01 : f32
    %jit3A_206 = arith.constant 0.000000e+00 : f32
    %broadcast_in_dim3A_207 = vector.broadcast %jit3A_205 : f32 to vector<16x320xf32>
    %broadcast_in_dim3A_208 = vector.broadcast %jit3A_206 : f32 to vector<16x320xf32>
    %select_n3A_209 = arith.select %eq3A_204, %broadcast_in_dim3A_207, %broadcast_in_dim3A_208 : vector<16x320xi1>, vector<16x320xf32>
    %jit3A_210 = arith.constant 5.000000e-01 : f32
    %broadcast_in_dim3A_211 = vector.broadcast %jit3A_210 : f32 to vector<16x320xf32>
    %select_n3A_212 = arith.select %eq3A_201, %broadcast_in_dim3A_211, %select_n3A_209 : vector<16x320xi1>, vector<16x320xf32>
    %eq3A_213 = arith.constant 2 : i32
    %eq3A_214 = vector.broadcast %eq3A_213 : i32 to vector<16x320xi32>
    %eq3A_215 = arith.cmpi eq, %select_n3A, %eq3A_214 : vector<16x320xi32>
    %eq3A_216 = arith.constant 4 : i32
    %eq3A_217 = vector.broadcast %eq3A_216 : i32 to vector<16x320xi32>
    %eq3A_218 = arith.cmpi eq, %select_n3A, %eq3A_217 : vector<16x320xi32>
    %jit3A_219 = arith.constant -5.000000e-01 : f32
    %jit3A_220 = arith.constant 0.000000e+00 : f32
    %broadcast_in_dim3A_221 = vector.broadcast %jit3A_219 : f32 to vector<16x320xf32>
    %broadcast_in_dim3A_222 = vector.broadcast %jit3A_220 : f32 to vector<16x320xf32>
    %select_n3A_223 = arith.select %eq3A_218, %broadcast_in_dim3A_221, %broadcast_in_dim3A_222 : vector<16x320xi1>, vector<16x320xf32>
    %jit3A_224 = arith.constant 5.000000e-01 : f32
    %broadcast_in_dim3A_225 = vector.broadcast %jit3A_224 : f32 to vector<16x320xf32>
    %select_n3A_226 = arith.select %eq3A_215, %broadcast_in_dim3A_225, %select_n3A_223 : vector<16x320xi1>, vector<16x320xf32>
    %sub3A_227 = arith.subf %add3A_62, %select_n3A_212 : vector<16x320xf32>
    %convert_element_type3A = arith.fptosi %sub3A_227 : vector<16x320xf32> to vector<16x320xi32>
    %jit3A_228 = arith.constant 0 : i32
    %jit3A_229 = arith.constant 79 : i32
    %max3A_230 = vector.broadcast %jit3A_228 : i32 to vector<16x320xi32>
    %max3A_231 = arith.maxsi %max3A_230, %convert_element_type3A : vector<16x320xi32>
    %min3A = vector.broadcast %jit3A_229 : i32 to vector<16x320xi32>
    %min3A_232 = arith.minsi %min3A, %max3A_231 : vector<16x320xi32>
    %sub3A_233 = arith.subf %add3A_72, %select_n3A_226 : vector<16x320xf32>
    %convert_element_type3A_234 = arith.fptosi %sub3A_233 : vector<16x320xf32> to vector<16x320xi32>
    %jit3A_235 = arith.constant 0 : i32
    %jit3A_236 = arith.constant 79 : i32
    %max3A_237 = vector.broadcast %jit3A_235 : i32 to vector<16x320xi32>
    %max3A_238 = arith.maxsi %max3A_237, %convert_element_type3A_234 : vector<16x320xi32>
    %min3A_239 = vector.broadcast %jit3A_236 : i32 to vector<16x320xi32>
    %min3A_240 = arith.minsi %min3A_239, %max3A_238 : vector<16x320xi32>
    %convert_element_type3A_241 = arith.fptosi %get3A_50 : vector<1x320xf32> to vector<1x320xi32>
    %broadcast_in_dim3A_242 = arith.constant 0 : i32
    %broadcast_in_dim3A_243 = vector.broadcast %broadcast_in_dim3A_242 : i32 to vector<16x320xi32>
    %add3A_244 = vector.broadcast %convert_element_type3A_241 : vector<1x320xi32> to vector<16x320xi32>
    %add3A_245 = arith.addi %add3A_244, %broadcast_in_dim3A_243 : vector<16x320xi32>
    %swap3A = arith.constant 0 : index
    %swap3A_246 = arith.constant 0 : index
    %swap3A_247 = arith.constant 0 : index
    %swap3A_248 = arith.constant 0 : index
    %swap3A_249 = vector.load %arg1[%swap3A, %swap3A_246, %swap3A_247, %swap3A_248] : memref<3x8x16x320xf32, #tpu.memory_space<vmem>>, vector<1x1x16x320xf32>
    %swap3A_250 = vector.shape_cast %swap3A_249 : vector<1x1x16x320xf32> to vector<16x320xf32>
    %swap3A_251 = vector.shape_cast %mul3A_198 : vector<16x320xf32> to vector<1x1x16x320xf32>
    tpu.vector_store %arg1[%swap3A, %swap3A_246, %swap3A_247, %swap3A_248], %swap3A_251 {strides = array<i32>} : memref<3x8x16x320xf32, #tpu.memory_space<vmem>>, vector<1x1x16x320xf32>,
    %convert_element_type3A_252 = arith.sitofp %min3A_232 : vector<16x320xi32> to vector<16x320xf32>
    %sub3A_253 = arith.subf %add3A_62, %convert_element_type3A_252 : vector<16x320xf32>
    %swap3A_254 = arith.constant 0 : index
    %swap3A_255 = arith.constant 1 : index
    %swap3A_256 = arith.constant 0 : index
    %swap3A_257 = arith.constant 0 : index
    %swap3A_258 = vector.load %arg1[%swap3A_254, %swap3A_255, %swap3A_256, %swap3A_257] : memref<3x8x16x320xf32, #tpu.memory_space<vmem>>, vector<1x1x16x320xf32>
    %swap3A_259 = vector.shape_cast %swap3A_258 : vector<1x1x16x320xf32> to vector<16x320xf32>
    %swap3A_260 = vector.shape_cast %sub3A_253 : vector<16x320xf32> to vector<1x1x16x320xf32>
    tpu.vector_store %arg1[%swap3A_254, %swap3A_255, %swap3A_256, %swap3A_257], %swap3A_260 {strides = array<i32>} : memref<3x8x16x320xf32, #tpu.memory_space<vmem>>, vector<1x1x16x320xf32>,
    %convert_element_type3A_261 = arith.sitofp %min3A_240 : vector<16x320xi32> to vector<16x320xf32>
    %sub3A_262 = arith.subf %add3A_72, %convert_element_type3A_261 : vector<16x320xf32>
    %swap3A_263 = arith.constant 0 : index
    %swap3A_264 = arith.constant 2 : index
    %swap3A_265 = arith.constant 0 : index
    %swap3A_266 = arith.constant 0 : index
    %swap3A_267 = vector.load %arg1[%swap3A_263, %swap3A_264, %swap3A_265, %swap3A_266] : memref<3x8x16x320xf32, #tpu.memory_space<vmem>>, vector<1x1x16x320xf32>
    %swap3A_268 = vector.shape_cast %swap3A_267 : vector<1x1x16x320xf32> to vector<16x320xf32>
    %swap3A_269 = vector.shape_cast %sub3A_262 : vector<16x320xf32> to vector<1x1x16x320xf32>
    tpu.vector_store %arg1[%swap3A_263, %swap3A_264, %swap3A_265, %swap3A_266], %swap3A_269 {strides = array<i32>} : memref<3x8x16x320xf32, #tpu.memory_space<vmem>>, vector<1x1x16x320xf32>,
    %swap3A_270 = arith.constant 0 : index
    %swap3A_271 = arith.constant 3 : index
    %swap3A_272 = arith.constant 0 : index
    %swap3A_273 = arith.constant 0 : index
    %swap3A_274 = vector.load %arg1[%swap3A_270, %swap3A_271, %swap3A_272, %swap3A_273] : memref<3x8x16x320xf32, #tpu.memory_space<vmem>>, vector<1x1x16x320xf32>
    %swap3A_275 = vector.shape_cast %swap3A_274 : vector<1x1x16x320xf32> to vector<16x320xf32>
    %swap3A_276 = vector.shape_cast %add3A_82 : vector<16x320xf32> to vector<1x1x16x320xf32>
    tpu.vector_store %arg1[%swap3A_270, %swap3A_271, %swap3A_272, %swap3A_273], %swap3A_276 {strides = array<i32>} : memref<3x8x16x320xf32, #tpu.memory_space<vmem>>, vector<1x1x16x320xf32>,
    %swap3A_277 = arith.constant 0 : index
    %swap3A_278 = arith.constant 4 : index
    %swap3A_279 = arith.constant 0 : index
    %swap3A_280 = arith.constant 0 : index
    %swap3A_281 = vector.load %arg1[%swap3A_277, %swap3A_278, %swap3A_279, %swap3A_280] : memref<3x8x16x320xf32, #tpu.memory_space<vmem>>, vector<1x1x16x320xf32>
    %swap3A_282 = vector.shape_cast %swap3A_281 : vector<1x1x16x320xf32> to vector<16x320xf32>
    %swap3A_283 = vector.shape_cast %add3A_92 : vector<16x320xf32> to vector<1x1x16x320xf32>
    tpu.vector_store %arg1[%swap3A_277, %swap3A_278, %swap3A_279, %swap3A_280], %swap3A_283 {strides = array<i32>} : memref<3x8x16x320xf32, #tpu.memory_space<vmem>>, vector<1x1x16x320xf32>,
    %broadcast_in_dim3A_284 = arith.constant 0.000000e+00 : f32
    %broadcast_in_dim3A_285 = vector.broadcast %broadcast_in_dim3A_284 : f32 to vector<16x320xf32>
    %add3A_286 = arith.addf %select_n3A_106, %broadcast_in_dim3A_285 : vector<16x320xf32>
    %swap3A_287 = arith.constant 0 : index
    %swap3A_288 = arith.constant 5 : index
    %swap3A_289 = arith.constant 0 : index
    %swap3A_290 = arith.constant 0 : index
    %swap3A_291 = vector.load %arg1[%swap3A_287, %swap3A_288, %swap3A_289, %swap3A_290] : memref<3x8x16x320xf32, #tpu.memory_space<vmem>>, vector<1x1x16x320xf32>
    %swap3A_292 = vector.shape_cast %swap3A_291 : vector<1x1x16x320xf32> to vector<16x320xf32>
    %swap3A_293 = vector.shape_cast %add3A_286 : vector<16x320xf32> to vector<1x1x16x320xf32>
    tpu.vector_store %arg1[%swap3A_287, %swap3A_288, %swap3A_289, %swap3A_290], %swap3A_293 {strides = array<i32>} : memref<3x8x16x320xf32, #tpu.memory_space<vmem>>, vector<1x1x16x320xf32>,
    %broadcast_in_dim3A_294 = arith.constant 0.000000e+00 : f32
    %broadcast_in_dim3A_295 = vector.broadcast %broadcast_in_dim3A_294 : f32 to vector<16x320xf32>
    %add3A_296 = arith.addf %select_n3A_120, %broadcast_in_dim3A_295 : vector<16x320xf32>
    %swap3A_297 = arith.constant 0 : index
    %swap3A_298 = arith.constant 6 : index
    %swap3A_299 = arith.constant 0 : index
    %swap3A_300 = arith.constant 0 : index
    %swap3A_301 = vector.load %arg1[%swap3A_297, %swap3A_298, %swap3A_299, %swap3A_300] : memref<3x8x16x320xf32, #tpu.memory_space<vmem>>, vector<1x1x16x320xf32>
    %swap3A_302 = vector.shape_cast %swap3A_301 : vector<1x1x16x320xf32> to vector<16x320xf32>
    %swap3A_303 = vector.shape_cast %add3A_296 : vector<16x320xf32> to vector<1x1x16x320xf32>
    tpu.vector_store %arg1[%swap3A_297, %swap3A_298, %swap3A_299, %swap3A_300], %swap3A_303 {strides = array<i32>} : memref<3x8x16x320xf32, #tpu.memory_space<vmem>>, vector<1x1x16x320xf32>,
    %broadcast_in_dim3A_304 = arith.constant 0.000000e+00 : f32
    %broadcast_in_dim3A_305 = vector.broadcast %broadcast_in_dim3A_304 : f32 to vector<16x320xf32>
    %add3A_306 = vector.broadcast %get3A_53 : vector<1x320xf32> to vector<16x320xf32>
    %add3A_307 = arith.addf %add3A_306, %broadcast_in_dim3A_305 : vector<16x320xf32>
    %swap3A_308 = arith.constant 0 : index
    %swap3A_309 = arith.constant 7 : index
    %swap3A_310 = arith.constant 0 : index
    %swap3A_311 = arith.constant 0 : index
    %swap3A_312 = vector.load %arg1[%swap3A_308, %swap3A_309, %swap3A_310, %swap3A_311] : memref<3x8x16x320xf32, #tpu.memory_space<vmem>>, vector<1x1x16x320xf32>
    %swap3A_313 = vector.shape_cast %swap3A_312 : vector<1x1x16x320xf32> to vector<16x320xf32>
    %swap3A_314 = vector.shape_cast %add3A_307 : vector<16x320xf32> to vector<1x1x16x320xf32>
    tpu.vector_store %arg1[%swap3A_308, %swap3A_309, %swap3A_310, %swap3A_311], %swap3A_314 {strides = array<i32>} : memref<3x8x16x320xf32, #tpu.memory_space<vmem>>, vector<1x1x16x320xf32>,
    %mul3A_315 = arith.constant 80 : i32
    %mul3A_316 = vector.broadcast %mul3A_315 : i32 to vector<16x320xi32>
    %mul3A_317 = arith.muli %add3A_245, %mul3A_316 : vector<16x320xi32>
    %add3A_318 = arith.addi %mul3A_317, %min3A_240 : vector<16x320xi32>
    %mul3A_319 = arith.constant 80 : i32
    %mul3A_320 = vector.broadcast %mul3A_319 : i32 to vector<16x320xi32>
    %mul3A_321 = arith.muli %add3A_318, %mul3A_320 : vector<16x320xi32>
    %add3A_322 = arith.addi %mul3A_321, %min3A_232 : vector<16x320xi32>
    %mul3A_323 = arith.constant 255 : i32
    %mul3A_324 = vector.broadcast %mul3A_323 : i32 to vector<16x320xi32>
    %mul3A_325 = arith.muli %add3A_322, %mul3A_324 : vector<16x320xi32>
    %mul3A_326 = arith.constant 85 : i32
    %mul3A_327 = vector.broadcast %mul3A_326 : i32 to vector<16x320xi32>
    %mul3A_328 = arith.muli %select_n3A_41, %mul3A_327 : vector<16x320xi32>
    %add3A_329 = arith.addi %mul3A_325, %mul3A_328 : vector<16x320xi32>
    %iota3A_330 = tpu.iota {dimensions = array<i32: 0>} : vector<88x16x320xi32>
    %lt3A_331 = arith.constant 85 : i32
    %lt3A_332 = vector.broadcast %lt3A_331 : i32 to vector<88x16x320xi32>
    %lt3A_333 = arith.cmpi slt, %iota3A_330, %lt3A_332 : vector<88x16x320xi32>
    %sub3A_334 = arith.constant 85 : i32
    %sub3A_335 = vector.broadcast %sub3A_334 : i32 to vector<88x16x320xi32>
    %sub3A_336 = arith.subi %iota3A_330, %sub3A_335 : vector<88x16x320xi32>
    %select_n3A_337 = arith.select %lt3A_333, %iota3A_330, %sub3A_336 : vector<88x16x320xi1>, vector<88x16x320xi32>
    %broadcast_in_dim3A_338 = vector.shape_cast %add3A_329 : vector<16x320xi32> to vector<1x16x320xi32>
    %add3A_339 = vector.broadcast %broadcast_in_dim3A_338 : vector<1x16x320xi32> to vector<88x16x320xi32>
    %add3A_340 = arith.addi %add3A_339, %select_n3A_337 : vector<88x16x320xi32>
    %swap3A_341 = arith.constant 0 : index
    %swap3A_342 = arith.constant 0 : index
    %swap3A_343 = arith.constant 0 : index
    %swap3A_344 = arith.constant 0 : index
    %swap3A_345 = vector.load %arg2[%swap3A_341, %swap3A_342, %swap3A_343, %swap3A_344] : memref<3x88x16x320xi32, #tpu.memory_space<vmem>>, vector<1x88x16x320xi32>
    %swap3A_346 = vector.shape_cast %swap3A_345 : vector<1x88x16x320xi32> to vector<88x16x320xi32>
    %swap3A_347 = vector.shape_cast %add3A_340 : vector<88x16x320xi32> to vector<1x88x16x320xi32>
    tpu.vector_store %arg2[%swap3A_341, %swap3A_342, %swap3A_343, %swap3A_344], %swap3A_347 {strides = array<i32>} : memref<3x88x16x320xi32, #tpu.memory_space<vmem>>, vector<1x88x16x320xi32>,
    %mul3A_348 = arith.constant 320 : i32
    %mul3A_349 = vector.broadcast %mul3A_348 : i32 to vector<16x320xi32>
    %mul3A_350 = arith.muli %iota3A, %mul3A_349 : vector<16x320xi32>
    %iota3A_351 = tpu.iota {dimensions = array<i32: 1>} : vector<16x320xi32>
    %add3A_352 = arith.addi %mul3A_350, %iota3A_351 : vector<16x320xi32>
    %mul3A_353 = arith.constant 3 : i32
    %mul3A_354 = vector.broadcast %mul3A_353 : i32 to vector<16x320xi32>
    %mul3A_355 = arith.muli %add3A_245, %mul3A_354 : vector<16x320xi32>
    %add3A_356 = arith.addi %mul3A_355, %select_n3A_41 : vector<16x320xi32>
    %mul3A_357 = arith.constant 80 : i32
    %mul3A_358 = vector.broadcast %mul3A_357 : i32 to vector<16x320xi32>
    %mul3A_359 = arith.muli %add3A_356, %mul3A_358 : vector<16x320xi32>
    %add3A_360 = arith.addi %mul3A_359, %min3A_240 : vector<16x320xi32>
    %mul3A_361 = arith.constant 80 : i32
    %mul3A_362 = vector.broadcast %mul3A_361 : i32 to vector<16x320xi32>
    %mul3A_363 = arith.muli %add3A_360, %mul3A_362 : vector<16x320xi32>
    %add3A_364 = arith.addi %mul3A_363, %min3A_232 : vector<16x320xi32>
    %add3A_365 = arith.constant 0 : i32
    %add3A_366 = vector.broadcast %add3A_365 : i32 to vector<16x320xi32>
    %add3A_367 = arith.addi %add3A_364, %add3A_366 : vector<16x320xi32>
    %gt3A_368 = arith.constant 0.000000e+00 : f32
    %gt3A_369 = vector.broadcast %gt3A_368 : f32 to vector<16x320xf32>
    %gt3A_370 = arith.cmpf ogt, %mul3A_198, %gt3A_369 : vector<16x320xf32>
    %add3A_371 = arith.constant 307200 : i32
    %add3A_372 = vector.broadcast %add3A_371 : i32 to vector<16x320xi32>
    %add3A_373 = arith.addi %add3A_372, %add3A_352 : vector<16x320xi32>
    %select_n3A_374 = arith.select %gt3A_370, %add3A_367, %add3A_373 : vector<16x320xi1>, vector<16x320xi32>
    %swap3A_375 = arith.constant 0 : index
    %swap3A_376 = arith.constant 0 : index
    %swap3A_377 = arith.constant 0 : index
    %swap3A_378 = vector.load %arg3[%swap3A_375, %swap3A_376, %swap3A_377] : memref<3x16x320xi32, #tpu.memory_space<vmem>>, vector<1x16x320xi32>
    %swap3A_379 = vector.shape_cast %swap3A_378 : vector<1x16x320xi32> to vector<16x320xi32>
    %swap3A_380 = vector.shape_cast %select_n3A_374 : vector<16x320xi32> to vector<1x16x320xi32>
    tpu.vector_store %arg3[%swap3A_375, %swap3A_376, %swap3A_377], %swap3A_380 {strides = array<i32>} : memref<3x16x320xi32, #tpu.memory_space<vmem>>, vector<1x16x320xi32>,
    %get3A_381 = arith.constant 2 : index
    %get3A_382 = arith.constant 0 : index
    %get3A_383 = vector.load %arg0[%get3A_381, %get3A_382] : memref<6x320xf32, #tpu.memory_space<vmem>>, vector<1x320xf32>
    %mul3A_384 = arith.constant 4.000000e+01 : f32
    %mul3A_385 = vector.broadcast %mul3A_384 : f32 to vector<1x320xf32>
    %mul3A_386 = arith.mulf %get3A_383, %mul3A_385 : vector<1x320xf32>
    %broadcast_in_dim3A_387 = arith.constant 0.000000e+00 : f32
    %broadcast_in_dim3A_388 = vector.broadcast %broadcast_in_dim3A_387 : f32 to vector<16x320xf32>
    %add3A_389 = vector.broadcast %mul3A_386 : vector<1x320xf32> to vector<16x320xf32>
    %add3A_390 = arith.addf %add3A_389, %broadcast_in_dim3A_388 : vector<16x320xf32>
    %get3A_391 = arith.constant 3 : index
    %get3A_392 = arith.constant 0 : index
    %get3A_393 = vector.load %arg0[%get3A_391, %get3A_392] : memref<6x320xf32, #tpu.memory_space<vmem>>, vector<1x320xf32>
    %mul3A_394 = arith.constant 4.000000e+01 : f32
    %mul3A_395 = vector.broadcast %mul3A_394 : f32 to vector<1x320xf32>
    %mul3A_396 = arith.mulf %get3A_393, %mul3A_395 : vector<1x320xf32>
    %broadcast_in_dim3A_397 = arith.constant 0.000000e+00 : f32
    %broadcast_in_dim3A_398 = vector.broadcast %broadcast_in_dim3A_397 : f32 to vector<16x320xf32>
    %add3A_399 = vector.broadcast %mul3A_396 : vector<1x320xf32> to vector<16x320xf32>
    %add3A_400 = arith.addf %add3A_399, %broadcast_in_dim3A_398 : vector<16x320xf32>
    %get3A_401 = arith.constant 4 : index
    %get3A_402 = arith.constant 0 : index
    %get3A_403 = vector.load %arg0[%get3A_401, %get3A_402] : memref<6x320xf32, #tpu.memory_space<vmem>>, vector<1x320xf32>
    %mul3A_404 = arith.constant 4.000000e+01 : f32
    %mul3A_405 = vector.broadcast %mul3A_404 : f32 to vector<1x320xf32>
    %mul3A_406 = arith.mulf %get3A_403, %mul3A_405 : vector<1x320xf32>
    %broadcast_in_dim3A_407 = arith.constant 0.000000e+00 : f32
    %broadcast_in_dim3A_408 = vector.broadcast %broadcast_in_dim3A_407 : f32 to vector<16x320xf32>
    %add3A_409 = vector.broadcast %mul3A_406 : vector<1x320xf32> to vector<16x320xf32>
    %add3A_410 = arith.addf %add3A_409, %broadcast_in_dim3A_408 : vector<16x320xf32>
    %get3A_411 = arith.constant 5 : index
    %get3A_412 = arith.constant 0 : index
    %get3A_413 = vector.load %arg0[%get3A_411, %get3A_412] : memref<6x320xf32, #tpu.memory_space<vmem>>, vector<1x320xf32>
    %mul3A_414 = arith.constant 4.000000e+01 : f32
    %mul3A_415 = vector.broadcast %mul3A_414 : f32 to vector<1x320xf32>
    %mul3A_416 = arith.mulf %get3A_413, %mul3A_415 : vector<1x320xf32>
    %broadcast_in_dim3A_417 = arith.constant 0.000000e+00 : f32
    %broadcast_in_dim3A_418 = vector.broadcast %broadcast_in_dim3A_417 : f32 to vector<16x320xf32>
    %add3A_419 = vector.broadcast %mul3A_416 : vector<1x320xf32> to vector<16x320xf32>
    %add3A_420 = arith.addf %add3A_419, %broadcast_in_dim3A_418 : vector<16x320xf32>
    %eq3A_421 = arith.constant 0 : i32
    %eq3A_422 = vector.broadcast %eq3A_421 : i32 to vector<16x320xi32>
    %eq3A_423 = arith.cmpi eq, %select_n3A_41, %eq3A_422 : vector<16x320xi32>
    %eq3A_424 = arith.constant 1 : i32
    %eq3A_425 = vector.broadcast %eq3A_424 : i32 to vector<16x320xi32>
    %eq3A_426 = arith.cmpi eq, %select_n3A_41, %eq3A_425 : vector<16x320xi32>
    %jit3A_427 = arith.constant 3.875000e+00 : f32
    %jit3A_428 = arith.constant 3.687500e+00 : f32
    %broadcast_in_dim3A_429 = vector.broadcast %jit3A_427 : f32 to vector<16x320xf32>
    %broadcast_in_dim3A_430 = vector.broadcast %jit3A_428 : f32 to vector<16x320xf32>
    %select_n3A_431 = arith.select %eq3A_426, %broadcast_in_dim3A_429, %broadcast_in_dim3A_430 : vector<16x320xi1>, vector<16x320xf32>
    %jit3A_432 = arith.constant 1.875000e+00 : f32
    %broadcast_in_dim3A_433 = vector.broadcast %jit3A_432 : f32 to vector<16x320xf32>
    %select_n3A_434 = arith.select %eq3A_423, %broadcast_in_dim3A_433, %select_n3A_431 : vector<16x320xi1>, vector<16x320xf32>
    %eq3A_435 = arith.constant 0 : i32
    %eq3A_436 = vector.broadcast %eq3A_435 : i32 to vector<16x320xi32>
    %eq3A_437 = arith.cmpi eq, %select_n3A_41, %eq3A_436 : vector<16x320xi32>
    %eq3A_438 = arith.constant 1 : i32
    %eq3A_439 = vector.broadcast %eq3A_438 : i32 to vector<16x320xi32>
    %eq3A_440 = arith.cmpi eq, %select_n3A_41, %eq3A_439 : vector<16x320xi32>
    %jit3A_441 = arith.constant 2.812500e+00 : f32
    %jit3A_442 = arith.constant 7.437500e+00 : f32
    %broadcast_in_dim3A_443 = vector.broadcast %jit3A_441 : f32 to vector<16x320xf32>
    %broadcast_in_dim3A_444 = vector.broadcast %jit3A_442 : f32 to vector<16x320xf32>
    %select_n3A_445 = arith.select %eq3A_440, %broadcast_in_dim3A_443, %broadcast_in_dim3A_444 : vector<16x320xi1>, vector<16x320xf32>
    %jit3A_446 = arith.constant 3.812500e+00 : f32
    %broadcast_in_dim3A_447 = vector.broadcast %jit3A_446 : f32 to vector<16x320xf32>
    %select_n3A_448 = arith.select %eq3A_437, %broadcast_in_dim3A_447, %select_n3A_445 : vector<16x320xi1>, vector<16x320xf32>
    %div3A_449 = arith.divf %add3A_410, %select_n3A_434 : vector<16x320xf32>
    %div3A_450 = arith.divf %add3A_420, %select_n3A_448 : vector<16x320xf32>
    %div3A_451 = arith.constant 1.000000e+00 : f32
    %div3A_452 = vector.broadcast %div3A_451 : f32 to vector<16x320xf32>
    %div3A_453 = arith.divf %div3A_452, %div3A_449 : vector<16x320xf32>
    %max3A_454 = arith.maximumf %div3A_449, %div3A_453 : vector<16x320xf32>
    %div3A_455 = arith.constant 1.000000e+00 : f32
    %div3A_456 = vector.broadcast %div3A_455 : f32 to vector<16x320xf32>
    %div3A_457 = arith.divf %div3A_456, %div3A_450 : vector<16x320xf32>
    %max3A_458 = arith.maximumf %div3A_450, %div3A_457 : vector<16x320xf32>
    %max3A_459 = arith.maximumf %max3A_454, %max3A_458 : vector<16x320xf32>
    %lt3A_460 = arith.constant 4.000000e+00 : f32
    %lt3A_461 = vector.broadcast %lt3A_460 : f32 to vector<16x320xf32>
    %lt3A_462 = arith.cmpf olt, %max3A_459, %lt3A_461 : vector<16x320xf32>
    %jit3A_463 = arith.constant 1.000000e+00 : f32
    %jit3A_464 = arith.constant 0.000000e+00 : f32
    %broadcast_in_dim3A_465 = vector.broadcast %jit3A_463 : f32 to vector<16x320xf32>
    %broadcast_in_dim3A_466 = vector.broadcast %jit3A_464 : f32 to vector<16x320xf32>
    %select_n3A_467 = arith.select %lt3A_462, %broadcast_in_dim3A_465, %broadcast_in_dim3A_466 : vector<16x320xi1>, vector<16x320xf32>
    %floor3A_468 = math.floor %add3A_390 : vector<16x320xf32>
    %sub3A_469 = arith.subf %add3A_390, %floor3A_468 : vector<16x320xf32>
    %floor3A_470 = math.floor %add3A_400 : vector<16x320xf32>
    %sub3A_471 = arith.subf %add3A_400, %floor3A_470 : vector<16x320xf32>
    %broadcast_in_dim3A_472 = arith.constant 1.000000e+00 : f32
    %broadcast_in_dim3A_473 = vector.broadcast %broadcast_in_dim3A_472 : f32 to vector<16x320xf32>
    %broadcast_in_dim3A_474 = arith.constant 0.000000e+00 : f32
    %broadcast_in_dim3A_475 = vector.broadcast %broadcast_in_dim3A_474 : f32 to vector<16x320xf32>
    %lt3A_476 = arith.constant 5.000000e-01 : f32
    %lt3A_477 = vector.broadcast %lt3A_476 : f32 to vector<16x320xf32>
    %lt3A_478 = arith.cmpf olt, %sub3A_469, %lt3A_477 : vector<16x320xf32>
    %select_n3A_479 = arith.select %lt3A_478, %broadcast_in_dim3A_473, %broadcast_in_dim3A_475 : vector<16x320xi1>, vector<16x320xf32>
    %gt3A_480 = arith.constant 1.000000e+00 : f32
    %gt3A_481 = vector.broadcast %gt3A_480 : f32 to vector<16x320xf32>
    %gt3A_482 = arith.cmpf ogt, %add3A_390, %gt3A_481 : vector<16x320xf32>
    %select_n3A_483 = arith.select %gt3A_482, %broadcast_in_dim3A_473, %broadcast_in_dim3A_475 : vector<16x320xi1>, vector<16x320xf32>
    %mul3A_484 = arith.mulf %select_n3A_479, %select_n3A_483 : vector<16x320xf32>
    %lt3A_485 = arith.constant 5.000000e-01 : f32
    %lt3A_486 = vector.broadcast %lt3A_485 : f32 to vector<16x320xf32>
    %lt3A_487 = arith.cmpf olt, %sub3A_471, %lt3A_486 : vector<16x320xf32>
    %select_n3A_488 = arith.select %lt3A_487, %broadcast_in_dim3A_473, %broadcast_in_dim3A_475 : vector<16x320xi1>, vector<16x320xf32>
    %gt3A_489 = arith.constant 1.000000e+00 : f32
    %gt3A_490 = vector.broadcast %gt3A_489 : f32 to vector<16x320xf32>
    %gt3A_491 = arith.cmpf ogt, %add3A_400, %gt3A_490 : vector<16x320xf32>
    %select_n3A_492 = arith.select %gt3A_491, %broadcast_in_dim3A_473, %broadcast_in_dim3A_475 : vector<16x320xi1>, vector<16x320xf32>
    %mul3A_493 = arith.mulf %select_n3A_488, %select_n3A_492 : vector<16x320xf32>
    %gt3A_494 = arith.constant 5.000000e-01 : f32
    %gt3A_495 = vector.broadcast %gt3A_494 : f32 to vector<16x320xf32>
    %gt3A_496 = arith.cmpf ogt, %sub3A_469, %gt3A_495 : vector<16x320xf32>
    %select_n3A_497 = arith.select %gt3A_496, %broadcast_in_dim3A_473, %broadcast_in_dim3A_475 : vector<16x320xi1>, vector<16x320xf32>
    %lt3A_498 = arith.constant 3.900000e+01 : f32
    %lt3A_499 = vector.broadcast %lt3A_498 : f32 to vector<16x320xf32>
    %lt3A_500 = arith.cmpf olt, %add3A_390, %lt3A_499 : vector<16x320xf32>
    %select_n3A_501 = arith.select %lt3A_500, %broadcast_in_dim3A_473, %broadcast_in_dim3A_475 : vector<16x320xi1>, vector<16x320xf32>
    %mul3A_502 = arith.mulf %select_n3A_497, %select_n3A_501 : vector<16x320xf32>
    %gt3A_503 = arith.constant 5.000000e-01 : f32
    %gt3A_504 = vector.broadcast %gt3A_503 : f32 to vector<16x320xf32>
    %gt3A_505 = arith.cmpf ogt, %sub3A_471, %gt3A_504 : vector<16x320xf32>
    %select_n3A_506 = arith.select %gt3A_505, %broadcast_in_dim3A_473, %broadcast_in_dim3A_475 : vector<16x320xi1>, vector<16x320xf32>
    %lt3A_507 = arith.constant 3.900000e+01 : f32
    %lt3A_508 = vector.broadcast %lt3A_507 : f32 to vector<16x320xf32>
    %lt3A_509 = arith.cmpf olt, %add3A_400, %lt3A_508 : vector<16x320xf32>
    %select_n3A_510 = arith.select %lt3A_509, %broadcast_in_dim3A_473, %broadcast_in_dim3A_475 : vector<16x320xi1>, vector<16x320xf32>
    %mul3A_511 = arith.mulf %select_n3A_506, %select_n3A_510 : vector<16x320xf32>
    %eq3A_512 = arith.constant 0 : i32
    %eq3A_513 = vector.broadcast %eq3A_512 : i32 to vector<16x320xi32>
    %eq3A_514 = arith.cmpi eq, %select_n3A, %eq3A_513 : vector<16x320xi32>
    %eq3A_515 = arith.constant 1 : i32
    %eq3A_516 = vector.broadcast %eq3A_515 : i32 to vector<16x320xi32>
    %eq3A_517 = arith.cmpi eq, %select_n3A, %eq3A_516 : vector<16x320xi32>
    %eq3A_518 = arith.constant 2 : i32
    %eq3A_519 = vector.broadcast %eq3A_518 : i32 to vector<16x320xi32>
    %eq3A_520 = arith.cmpi eq, %select_n3A, %eq3A_519 : vector<16x320xi32>
    %eq3A_521 = arith.constant 3 : i32
    %eq3A_522 = vector.broadcast %eq3A_521 : i32 to vector<16x320xi32>
    %eq3A_523 = arith.cmpi eq, %select_n3A, %eq3A_522 : vector<16x320xi32>
    %select_n3A_524 = arith.select %eq3A_523, %mul3A_502, %mul3A_511 : vector<16x320xi1>, vector<16x320xf32>
    %select_n3A_525 = arith.select %eq3A_520, %mul3A_493, %select_n3A_524 : vector<16x320xi1>, vector<16x320xf32>
    %select_n3A_526 = arith.select %eq3A_517, %mul3A_484, %select_n3A_525 : vector<16x320xi1>, vector<16x320xf32>
    %select_n3A_527 = arith.select %eq3A_514, %broadcast_in_dim3A_473, %select_n3A_526 : vector<16x320xi1>, vector<16x320xf32>
    %mul3A_528 = arith.mulf %select_n3A_467, %select_n3A_527 : vector<16x320xf32>
    %mul3A_529 = arith.mulf %mul3A_528, %select_n3A_48 : vector<16x320xf32>
    %eq3A_530 = arith.constant 1 : i32
    %eq3A_531 = vector.broadcast %eq3A_530 : i32 to vector<16x320xi32>
    %eq3A_532 = arith.cmpi eq, %select_n3A, %eq3A_531 : vector<16x320xi32>
    %eq3A_533 = arith.constant 3 : i32
    %eq3A_534 = vector.broadcast %eq3A_533 : i32 to vector<16x320xi32>
    %eq3A_535 = arith.cmpi eq, %select_n3A, %eq3A_534 : vector<16x320xi32>
    %jit3A_536 = arith.constant -5.000000e-01 : f32
    %jit3A_537 = arith.constant 0.000000e+00 : f32
    %broadcast_in_dim3A_538 = vector.broadcast %jit3A_536 : f32 to vector<16x320xf32>
    %broadcast_in_dim3A_539 = vector.broadcast %jit3A_537 : f32 to vector<16x320xf32>
    %select_n3A_540 = arith.select %eq3A_535, %broadcast_in_dim3A_538, %broadcast_in_dim3A_539 : vector<16x320xi1>, vector<16x320xf32>
    %jit3A_541 = arith.constant 5.000000e-01 : f32
    %broadcast_in_dim3A_542 = vector.broadcast %jit3A_541 : f32 to vector<16x320xf32>
    %select_n3A_543 = arith.select %eq3A_532, %broadcast_in_dim3A_542, %select_n3A_540 : vector<16x320xi1>, vector<16x320xf32>
    %eq3A_544 = arith.constant 2 : i32
    %eq3A_545 = vector.broadcast %eq3A_544 : i32 to vector<16x320xi32>
    %eq3A_546 = arith.cmpi eq, %select_n3A, %eq3A_545 : vector<16x320xi32>
    %eq3A_547 = arith.constant 4 : i32
    %eq3A_548 = vector.broadcast %eq3A_547 : i32 to vector<16x320xi32>
    %eq3A_549 = arith.cmpi eq, %select_n3A, %eq3A_548 : vector<16x320xi32>
    %jit3A_550 = arith.constant -5.000000e-01 : f32
    %jit3A_551 = arith.constant 0.000000e+00 : f32
    %broadcast_in_dim3A_552 = vector.broadcast %jit3A_550 : f32 to vector<16x320xf32>
    %broadcast_in_dim3A_553 = vector.broadcast %jit3A_551 : f32 to vector<16x320xf32>
    %select_n3A_554 = arith.select %eq3A_549, %broadcast_in_dim3A_552, %broadcast_in_dim3A_553 : vector<16x320xi1>, vector<16x320xf32>
    %jit3A_555 = arith.constant 5.000000e-01 : f32
    %broadcast_in_dim3A_556 = vector.broadcast %jit3A_555 : f32 to vector<16x320xf32>
    %select_n3A_557 = arith.select %eq3A_546, %broadcast_in_dim3A_556, %select_n3A_554 : vector<16x320xi1>, vector<16x320xf32>
    %sub3A_558 = arith.subf %add3A_390, %select_n3A_543 : vector<16x320xf32>
    %convert_element_type3A_559 = arith.fptosi %sub3A_558 : vector<16x320xf32> to vector<16x320xi32>
    %jit3A_560 = arith.constant 0 : i32
    %jit3A_561 = arith.constant 39 : i32
    %max3A_562 = vector.broadcast %jit3A_560 : i32 to vector<16x320xi32>
    %max3A_563 = arith.maxsi %max3A_562, %convert_element_type3A_559 : vector<16x320xi32>
    %min3A_564 = vector.broadcast %jit3A_561 : i32 to vector<16x320xi32>
    %min3A_565 = arith.minsi %min3A_564, %max3A_563 : vector<16x320xi32>
    %sub3A_566 = arith.subf %add3A_400, %select_n3A_557 : vector<16x320xf32>
    %convert_element_type3A_567 = arith.fptosi %sub3A_566 : vector<16x320xf32> to vector<16x320xi32>
    %jit3A_568 = arith.constant 0 : i32
    %jit3A_569 = arith.constant 39 : i32
    %max3A_570 = vector.broadcast %jit3A_568 : i32 to vector<16x320xi32>
    %max3A_571 = arith.maxsi %max3A_570, %convert_element_type3A_567 : vector<16x320xi32>
    %min3A_572 = vector.broadcast %jit3A_569 : i32 to vector<16x320xi32>
    %min3A_573 = arith.minsi %min3A_572, %max3A_571 : vector<16x320xi32>
    %convert_element_type3A_574 = arith.fptosi %get3A_50 : vector<1x320xf32> to vector<1x320xi32>
    %broadcast_in_dim3A_575 = arith.constant 0 : i32
    %broadcast_in_dim3A_576 = vector.broadcast %broadcast_in_dim3A_575 : i32 to vector<16x320xi32>
    %add3A_577 = vector.broadcast %convert_element_type3A_574 : vector<1x320xi32> to vector<16x320xi32>
    %add3A_578 = arith.addi %add3A_577, %broadcast_in_dim3A_576 : vector<16x320xi32>
    %swap3A_579 = arith.constant 1 : index
    %swap3A_580 = arith.constant 0 : index
    %swap3A_581 = arith.constant 0 : index
    %swap3A_582 = arith.constant 0 : index
    %swap3A_583 = vector.load %arg1[%swap3A_579, %swap3A_580, %swap3A_581, %swap3A_582] : memref<3x8x16x320xf32, #tpu.memory_space<vmem>>, vector<1x1x16x320xf32>
    %swap3A_584 = vector.shape_cast %swap3A_583 : vector<1x1x16x320xf32> to vector<16x320xf32>
    %swap3A_585 = vector.shape_cast %mul3A_529 : vector<16x320xf32> to vector<1x1x16x320xf32>
    tpu.vector_store %arg1[%swap3A_579, %swap3A_580, %swap3A_581, %swap3A_582], %swap3A_585 {strides = array<i32>} : memref<3x8x16x320xf32, #tpu.memory_space<vmem>>, vector<1x1x16x320xf32>,
    %convert_element_type3A_586 = arith.sitofp %min3A_565 : vector<16x320xi32> to vector<16x320xf32>
    %sub3A_587 = arith.subf %add3A_390, %convert_element_type3A_586 : vector<16x320xf32>
    %swap3A_588 = arith.constant 1 : index
    %swap3A_589 = arith.constant 1 : index
    %swap3A_590 = arith.constant 0 : index
    %swap3A_591 = arith.constant 0 : index
    %swap3A_592 = vector.load %arg1[%swap3A_588, %swap3A_589, %swap3A_590, %swap3A_591] : memref<3x8x16x320xf32, #tpu.memory_space<vmem>>, vector<1x1x16x320xf32>
    %swap3A_593 = vector.shape_cast %swap3A_592 : vector<1x1x16x320xf32> to vector<16x320xf32>
    %swap3A_594 = vector.shape_cast %sub3A_587 : vector<16x320xf32> to vector<1x1x16x320xf32>
    tpu.vector_store %arg1[%swap3A_588, %swap3A_589, %swap3A_590, %swap3A_591], %swap3A_594 {strides = array<i32>} : memref<3x8x16x320xf32, #tpu.memory_space<vmem>>, vector<1x1x16x320xf32>,
    %convert_element_type3A_595 = arith.sitofp %min3A_573 : vector<16x320xi32> to vector<16x320xf32>
    %sub3A_596 = arith.subf %add3A_400, %convert_element_type3A_595 : vector<16x320xf32>
    %swap3A_597 = arith.constant 1 : index
    %swap3A_598 = arith.constant 2 : index
    %swap3A_599 = arith.constant 0 : index
    %swap3A_600 = arith.constant 0 : index
    %swap3A_601 = vector.load %arg1[%swap3A_597, %swap3A_598, %swap3A_599, %swap3A_600] : memref<3x8x16x320xf32, #tpu.memory_space<vmem>>, vector<1x1x16x320xf32>
    %swap3A_602 = vector.shape_cast %swap3A_601 : vector<1x1x16x320xf32> to vector<16x320xf32>
    %swap3A_603 = vector.shape_cast %sub3A_596 : vector<16x320xf32> to vector<1x1x16x320xf32>
    tpu.vector_store %arg1[%swap3A_597, %swap3A_598, %swap3A_599, %swap3A_600], %swap3A_603 {strides = array<i32>} : memref<3x8x16x320xf32, #tpu.memory_space<vmem>>, vector<1x1x16x320xf32>,
    %swap3A_604 = arith.constant 1 : index
    %swap3A_605 = arith.constant 3 : index
    %swap3A_606 = arith.constant 0 : index
    %swap3A_607 = arith.constant 0 : index
    %swap3A_608 = vector.load %arg1[%swap3A_604, %swap3A_605, %swap3A_606, %swap3A_607] : memref<3x8x16x320xf32, #tpu.memory_space<vmem>>, vector<1x1x16x320xf32>
    %swap3A_609 = vector.shape_cast %swap3A_608 : vector<1x1x16x320xf32> to vector<16x320xf32>
    %swap3A_610 = vector.shape_cast %add3A_410 : vector<16x320xf32> to vector<1x1x16x320xf32>
    tpu.vector_store %arg1[%swap3A_604, %swap3A_605, %swap3A_606, %swap3A_607], %swap3A_610 {strides = array<i32>} : memref<3x8x16x320xf32, #tpu.memory_space<vmem>>, vector<1x1x16x320xf32>,
    %swap3A_611 = arith.constant 1 : index
    %swap3A_612 = arith.constant 4 : index
    %swap3A_613 = arith.constant 0 : index
    %swap3A_614 = arith.constant 0 : index
    %swap3A_615 = vector.load %arg1[%swap3A_611, %swap3A_612, %swap3A_613, %swap3A_614] : memref<3x8x16x320xf32, #tpu.memory_space<vmem>>, vector<1x1x16x320xf32>
    %swap3A_616 = vector.shape_cast %swap3A_615 : vector<1x1x16x320xf32> to vector<16x320xf32>
    %swap3A_617 = vector.shape_cast %add3A_420 : vector<16x320xf32> to vector<1x1x16x320xf32>
    tpu.vector_store %arg1[%swap3A_611, %swap3A_612, %swap3A_613, %swap3A_614], %swap3A_617 {strides = array<i32>} : memref<3x8x16x320xf32, #tpu.memory_space<vmem>>, vector<1x1x16x320xf32>,
    %broadcast_in_dim3A_618 = arith.constant 0.000000e+00 : f32
    %broadcast_in_dim3A_619 = vector.broadcast %broadcast_in_dim3A_618 : f32 to vector<16x320xf32>
    %add3A_620 = arith.addf %select_n3A_434, %broadcast_in_dim3A_619 : vector<16x320xf32>
    %swap3A_621 = arith.constant 1 : index
    %swap3A_622 = arith.constant 5 : index
    %swap3A_623 = arith.constant 0 : index
    %swap3A_624 = arith.constant 0 : index
    %swap3A_625 = vector.load %arg1[%swap3A_621, %swap3A_622, %swap3A_623, %swap3A_624] : memref<3x8x16x320xf32, #tpu.memory_space<vmem>>, vector<1x1x16x320xf32>
    %swap3A_626 = vector.shape_cast %swap3A_625 : vector<1x1x16x320xf32> to vector<16x320xf32>
    %swap3A_627 = vector.shape_cast %add3A_620 : vector<16x320xf32> to vector<1x1x16x320xf32>
    tpu.vector_store %arg1[%swap3A_621, %swap3A_622, %swap3A_623, %swap3A_624], %swap3A_627 {strides = array<i32>} : memref<3x8x16x320xf32, #tpu.memory_space<vmem>>, vector<1x1x16x320xf32>,
    %broadcast_in_dim3A_628 = arith.constant 0.000000e+00 : f32
    %broadcast_in_dim3A_629 = vector.broadcast %broadcast_in_dim3A_628 : f32 to vector<16x320xf32>
    %add3A_630 = arith.addf %select_n3A_448, %broadcast_in_dim3A_629 : vector<16x320xf32>
    %swap3A_631 = arith.constant 1 : index
    %swap3A_632 = arith.constant 6 : index
    %swap3A_633 = arith.constant 0 : index
    %swap3A_634 = arith.constant 0 : index
    %swap3A_635 = vector.load %arg1[%swap3A_631, %swap3A_632, %swap3A_633, %swap3A_634] : memref<3x8x16x320xf32, #tpu.memory_space<vmem>>, vector<1x1x16x320xf32>
    %swap3A_636 = vector.shape_cast %swap3A_635 : vector<1x1x16x320xf32> to vector<16x320xf32>
    %swap3A_637 = vector.shape_cast %add3A_630 : vector<16x320xf32> to vector<1x1x16x320xf32>
    tpu.vector_store %arg1[%swap3A_631, %swap3A_632, %swap3A_633, %swap3A_634], %swap3A_637 {strides = array<i32>} : memref<3x8x16x320xf32, #tpu.memory_space<vmem>>, vector<1x1x16x320xf32>,
    %broadcast_in_dim3A_638 = arith.constant 0.000000e+00 : f32
    %broadcast_in_dim3A_639 = vector.broadcast %broadcast_in_dim3A_638 : f32 to vector<16x320xf32>
    %add3A_640 = vector.broadcast %get3A_53 : vector<1x320xf32> to vector<16x320xf32>
    %add3A_641 = arith.addf %add3A_640, %broadcast_in_dim3A_639 : vector<16x320xf32>
    %swap3A_642 = arith.constant 1 : index
    %swap3A_643 = arith.constant 7 : index
    %swap3A_644 = arith.constant 0 : index
    %swap3A_645 = arith.constant 0 : index
    %swap3A_646 = vector.load %arg1[%swap3A_642, %swap3A_643, %swap3A_644, %swap3A_645] : memref<3x8x16x320xf32, #tpu.memory_space<vmem>>, vector<1x1x16x320xf32>
    %swap3A_647 = vector.shape_cast %swap3A_646 : vector<1x1x16x320xf32> to vector<16x320xf32>
    %swap3A_648 = vector.shape_cast %add3A_641 : vector<16x320xf32> to vector<1x1x16x320xf32>
    tpu.vector_store %arg1[%swap3A_642, %swap3A_643, %swap3A_644, %swap3A_645], %swap3A_648 {strides = array<i32>} : memref<3x8x16x320xf32, #tpu.memory_space<vmem>>, vector<1x1x16x320xf32>,
    %mul3A_649 = arith.constant 40 : i32
    %mul3A_650 = vector.broadcast %mul3A_649 : i32 to vector<16x320xi32>
    %mul3A_651 = arith.muli %add3A_578, %mul3A_650 : vector<16x320xi32>
    %add3A_652 = arith.addi %mul3A_651, %min3A_573 : vector<16x320xi32>
    %mul3A_653 = arith.constant 40 : i32
    %mul3A_654 = vector.broadcast %mul3A_653 : i32 to vector<16x320xi32>
    %mul3A_655 = arith.muli %add3A_652, %mul3A_654 : vector<16x320xi32>
    %add3A_656 = arith.addi %mul3A_655, %min3A_565 : vector<16x320xi32>
    %mul3A_657 = arith.constant 255 : i32
    %mul3A_658 = vector.broadcast %mul3A_657 : i32 to vector<16x320xi32>
    %mul3A_659 = arith.muli %add3A_656, %mul3A_658 : vector<16x320xi32>
    %mul3A_660 = arith.constant 85 : i32
    %mul3A_661 = vector.broadcast %mul3A_660 : i32 to vector<16x320xi32>
    %mul3A_662 = arith.muli %select_n3A_41, %mul3A_661 : vector<16x320xi32>
    %add3A_663 = arith.addi %mul3A_659, %mul3A_662 : vector<16x320xi32>
    %iota3A_664 = tpu.iota {dimensions = array<i32: 0>} : vector<88x16x320xi32>
    %lt3A_665 = arith.constant 85 : i32
    %lt3A_666 = vector.broadcast %lt3A_665 : i32 to vector<88x16x320xi32>
    %lt3A_667 = arith.cmpi slt, %iota3A_664, %lt3A_666 : vector<88x16x320xi32>
    %sub3A_668 = arith.constant 85 : i32
    %sub3A_669 = vector.broadcast %sub3A_668 : i32 to vector<88x16x320xi32>
    %sub3A_670 = arith.subi %iota3A_664, %sub3A_669 : vector<88x16x320xi32>
    %select_n3A_671 = arith.select %lt3A_667, %iota3A_664, %sub3A_670 : vector<88x16x320xi1>, vector<88x16x320xi32>
    %broadcast_in_dim3A_672 = vector.shape_cast %add3A_663 : vector<16x320xi32> to vector<1x16x320xi32>
    %add3A_673 = vector.broadcast %broadcast_in_dim3A_672 : vector<1x16x320xi32> to vector<88x16x320xi32>
    %add3A_674 = arith.addi %add3A_673, %select_n3A_671 : vector<88x16x320xi32>
    %swap3A_675 = arith.constant 1 : index
    %swap3A_676 = arith.constant 0 : index
    %swap3A_677 = arith.constant 0 : index
    %swap3A_678 = arith.constant 0 : index
    %swap3A_679 = vector.load %arg2[%swap3A_675, %swap3A_676, %swap3A_677, %swap3A_678] : memref<3x88x16x320xi32, #tpu.memory_space<vmem>>, vector<1x88x16x320xi32>
    %swap3A_680 = vector.shape_cast %swap3A_679 : vector<1x88x16x320xi32> to vector<88x16x320xi32>
    %swap3A_681 = vector.shape_cast %add3A_674 : vector<88x16x320xi32> to vector<1x88x16x320xi32>
    tpu.vector_store %arg2[%swap3A_675, %swap3A_676, %swap3A_677, %swap3A_678], %swap3A_681 {strides = array<i32>} : memref<3x88x16x320xi32, #tpu.memory_space<vmem>>, vector<1x88x16x320xi32>,
    %mul3A_682 = arith.constant 320 : i32
    %mul3A_683 = vector.broadcast %mul3A_682 : i32 to vector<16x320xi32>
    %mul3A_684 = arith.muli %iota3A, %mul3A_683 : vector<16x320xi32>
    %iota3A_685 = tpu.iota {dimensions = array<i32: 1>} : vector<16x320xi32>
    %add3A_686 = arith.addi %mul3A_684, %iota3A_685 : vector<16x320xi32>
    %mul3A_687 = arith.constant 3 : i32
    %mul3A_688 = vector.broadcast %mul3A_687 : i32 to vector<16x320xi32>
    %mul3A_689 = arith.muli %add3A_578, %mul3A_688 : vector<16x320xi32>
    %add3A_690 = arith.addi %mul3A_689, %select_n3A_41 : vector<16x320xi32>
    %mul3A_691 = arith.constant 40 : i32
    %mul3A_692 = vector.broadcast %mul3A_691 : i32 to vector<16x320xi32>
    %mul3A_693 = arith.muli %add3A_690, %mul3A_692 : vector<16x320xi32>
    %add3A_694 = arith.addi %mul3A_693, %min3A_573 : vector<16x320xi32>
    %mul3A_695 = arith.constant 40 : i32
    %mul3A_696 = vector.broadcast %mul3A_695 : i32 to vector<16x320xi32>
    %mul3A_697 = arith.muli %add3A_694, %mul3A_696 : vector<16x320xi32>
    %add3A_698 = arith.addi %mul3A_697, %min3A_565 : vector<16x320xi32>
    %add3A_699 = arith.constant 0 : i32
    %add3A_700 = vector.broadcast %add3A_699 : i32 to vector<16x320xi32>
    %add3A_701 = arith.addi %add3A_698, %add3A_700 : vector<16x320xi32>
    %gt3A_702 = arith.constant 0.000000e+00 : f32
    %gt3A_703 = vector.broadcast %gt3A_702 : f32 to vector<16x320xf32>
    %gt3A_704 = arith.cmpf ogt, %mul3A_529, %gt3A_703 : vector<16x320xf32>
    %add3A_705 = arith.constant 76800 : i32
    %add3A_706 = vector.broadcast %add3A_705 : i32 to vector<16x320xi32>
    %add3A_707 = arith.addi %add3A_706, %add3A_686 : vector<16x320xi32>
    %select_n3A_708 = arith.select %gt3A_704, %add3A_701, %add3A_707 : vector<16x320xi1>, vector<16x320xi32>
    %swap3A_709 = arith.constant 1 : index
    %swap3A_710 = arith.constant 0 : index
    %swap3A_711 = arith.constant 0 : index
    %swap3A_712 = vector.load %arg3[%swap3A_709, %swap3A_710, %swap3A_711] : memref<3x16x320xi32, #tpu.memory_space<vmem>>, vector<1x16x320xi32>
    %swap3A_713 = vector.shape_cast %swap3A_712 : vector<1x16x320xi32> to vector<16x320xi32>
    %swap3A_714 = vector.shape_cast %select_n3A_708 : vector<16x320xi32> to vector<1x16x320xi32>
    tpu.vector_store %arg3[%swap3A_709, %swap3A_710, %swap3A_711], %swap3A_714 {strides = array<i32>} : memref<3x16x320xi32, #tpu.memory_space<vmem>>, vector<1x16x320xi32>,
    %get3A_715 = arith.constant 2 : index
    %get3A_716 = arith.constant 0 : index
    %get3A_717 = vector.load %arg0[%get3A_715, %get3A_716] : memref<6x320xf32, #tpu.memory_space<vmem>>, vector<1x320xf32>
    %mul3A_718 = arith.constant 2.000000e+01 : f32
    %mul3A_719 = vector.broadcast %mul3A_718 : f32 to vector<1x320xf32>
    %mul3A_720 = arith.mulf %get3A_717, %mul3A_719 : vector<1x320xf32>
    %broadcast_in_dim3A_721 = arith.constant 0.000000e+00 : f32
    %broadcast_in_dim3A_722 = vector.broadcast %broadcast_in_dim3A_721 : f32 to vector<16x320xf32>
    %add3A_723 = vector.broadcast %mul3A_720 : vector<1x320xf32> to vector<16x320xf32>
    %add3A_724 = arith.addf %add3A_723, %broadcast_in_dim3A_722 : vector<16x320xf32>
    %get3A_725 = arith.constant 3 : index
    %get3A_726 = arith.constant 0 : index
    %get3A_727 = vector.load %arg0[%get3A_725, %get3A_726] : memref<6x320xf32, #tpu.memory_space<vmem>>, vector<1x320xf32>
    %mul3A_728 = arith.constant 2.000000e+01 : f32
    %mul3A_729 = vector.broadcast %mul3A_728 : f32 to vector<1x320xf32>
    %mul3A_730 = arith.mulf %get3A_727, %mul3A_729 : vector<1x320xf32>
    %broadcast_in_dim3A_731 = arith.constant 0.000000e+00 : f32
    %broadcast_in_dim3A_732 = vector.broadcast %broadcast_in_dim3A_731 : f32 to vector<16x320xf32>
    %add3A_733 = vector.broadcast %mul3A_730 : vector<1x320xf32> to vector<16x320xf32>
    %add3A_734 = arith.addf %add3A_733, %broadcast_in_dim3A_732 : vector<16x320xf32>
    %get3A_735 = arith.constant 4 : index
    %get3A_736 = arith.constant 0 : index
    %get3A_737 = vector.load %arg0[%get3A_735, %get3A_736] : memref<6x320xf32, #tpu.memory_space<vmem>>, vector<1x320xf32>
    %mul3A_738 = arith.constant 2.000000e+01 : f32
    %mul3A_739 = vector.broadcast %mul3A_738 : f32 to vector<1x320xf32>
    %mul3A_740 = arith.mulf %get3A_737, %mul3A_739 : vector<1x320xf32>
    %broadcast_in_dim3A_741 = arith.constant 0.000000e+00 : f32
    %broadcast_in_dim3A_742 = vector.broadcast %broadcast_in_dim3A_741 : f32 to vector<16x320xf32>
    %add3A_743 = vector.broadcast %mul3A_740 : vector<1x320xf32> to vector<16x320xf32>
    %add3A_744 = arith.addf %add3A_743, %broadcast_in_dim3A_742 : vector<16x320xf32>
    %get3A_745 = arith.constant 5 : index
    %get3A_746 = arith.constant 0 : index
    %get3A_747 = vector.load %arg0[%get3A_745, %get3A_746] : memref<6x320xf32, #tpu.memory_space<vmem>>, vector<1x320xf32>
    %mul3A_748 = arith.constant 2.000000e+01 : f32
    %mul3A_749 = vector.broadcast %mul3A_748 : f32 to vector<1x320xf32>
    %mul3A_750 = arith.mulf %get3A_747, %mul3A_749 : vector<1x320xf32>
    %broadcast_in_dim3A_751 = arith.constant 0.000000e+00 : f32
    %broadcast_in_dim3A_752 = vector.broadcast %broadcast_in_dim3A_751 : f32 to vector<16x320xf32>
    %add3A_753 = vector.broadcast %mul3A_750 : vector<1x320xf32> to vector<16x320xf32>
    %add3A_754 = arith.addf %add3A_753, %broadcast_in_dim3A_752 : vector<16x320xf32>
    %eq3A_755 = arith.constant 0 : i32
    %eq3A_756 = vector.broadcast %eq3A_755 : i32 to vector<16x320xi32>
    %eq3A_757 = arith.cmpi eq, %select_n3A_41, %eq3A_756 : vector<16x320xi32>
    %eq3A_758 = arith.constant 1 : i32
    %eq3A_759 = vector.broadcast %eq3A_758 : i32 to vector<16x320xi32>
    %eq3A_760 = arith.cmpi eq, %select_n3A_41, %eq3A_759 : vector<16x320xi32>
    %jit3A_761 = arith.constant 4.875000e+00 : f32
    %jit3A_762 = arith.constant 11.65625 : f32
    %broadcast_in_dim3A_763 = vector.broadcast %jit3A_761 : f32 to vector<16x320xf32>
    %broadcast_in_dim3A_764 = vector.broadcast %jit3A_762 : f32 to vector<16x320xf32>
    %select_n3A_765 = arith.select %eq3A_760, %broadcast_in_dim3A_763, %broadcast_in_dim3A_764 : vector<16x320xi1>, vector<16x320xf32>
    %jit3A_766 = arith.constant 3.625000e+00 : f32
    %broadcast_in_dim3A_767 = vector.broadcast %jit3A_766 : f32 to vector<16x320xf32>
    %select_n3A_768 = arith.select %eq3A_757, %broadcast_in_dim3A_767, %select_n3A_765 : vector<16x320xi1>, vector<16x320xf32>
    %eq3A_769 = arith.constant 0 : i32
    %eq3A_770 = vector.broadcast %eq3A_769 : i32 to vector<16x320xi32>
    %eq3A_771 = arith.cmpi eq, %select_n3A_41, %eq3A_770 : vector<16x320xi32>
    %eq3A_772 = arith.constant 1 : i32
    %eq3A_773 = vector.broadcast %eq3A_772 : i32 to vector<16x320xi32>
    %eq3A_774 = arith.cmpi eq, %select_n3A_41, %eq3A_773 : vector<16x320xi32>
    %jit3A_775 = arith.constant 6.187500e+00 : f32
    %jit3A_776 = arith.constant 1.018750e+01 : f32
    %broadcast_in_dim3A_777 = vector.broadcast %jit3A_775 : f32 to vector<16x320xf32>
    %broadcast_in_dim3A_778 = vector.broadcast %jit3A_776 : f32 to vector<16x320xf32>
    %select_n3A_779 = arith.select %eq3A_774, %broadcast_in_dim3A_777, %broadcast_in_dim3A_778 : vector<16x320xi1>, vector<16x320xf32>
    %jit3A_780 = arith.constant 2.812500e+00 : f32
    %broadcast_in_dim3A_781 = vector.broadcast %jit3A_780 : f32 to vector<16x320xf32>
    %select_n3A_782 = arith.select %eq3A_771, %broadcast_in_dim3A_781, %select_n3A_779 : vector<16x320xi1>, vector<16x320xf32>
    %div3A_783 = arith.divf %add3A_744, %select_n3A_768 : vector<16x320xf32>
    %div3A_784 = arith.divf %add3A_754, %select_n3A_782 : vector<16x320xf32>
    %div3A_785 = arith.constant 1.000000e+00 : f32
    %div3A_786 = vector.broadcast %div3A_785 : f32 to vector<16x320xf32>
    %div3A_787 = arith.divf %div3A_786, %div3A_783 : vector<16x320xf32>
    %max3A_788 = arith.maximumf %div3A_783, %div3A_787 : vector<16x320xf32>
    %div3A_789 = arith.constant 1.000000e+00 : f32
    %div3A_790 = vector.broadcast %div3A_789 : f32 to vector<16x320xf32>
    %div3A_791 = arith.divf %div3A_790, %div3A_784 : vector<16x320xf32>
    %max3A_792 = arith.maximumf %div3A_784, %div3A_791 : vector<16x320xf32>
    %max3A_793 = arith.maximumf %max3A_788, %max3A_792 : vector<16x320xf32>
    %lt3A_794 = arith.constant 4.000000e+00 : f32
    %lt3A_795 = vector.broadcast %lt3A_794 : f32 to vector<16x320xf32>
    %lt3A_796 = arith.cmpf olt, %max3A_793, %lt3A_795 : vector<16x320xf32>
    %jit3A_797 = arith.constant 1.000000e+00 : f32
    %jit3A_798 = arith.constant 0.000000e+00 : f32
    %broadcast_in_dim3A_799 = vector.broadcast %jit3A_797 : f32 to vector<16x320xf32>
    %broadcast_in_dim3A_800 = vector.broadcast %jit3A_798 : f32 to vector<16x320xf32>
    %select_n3A_801 = arith.select %lt3A_796, %broadcast_in_dim3A_799, %broadcast_in_dim3A_800 : vector<16x320xi1>, vector<16x320xf32>
    %floor3A_802 = math.floor %add3A_724 : vector<16x320xf32>
    %sub3A_803 = arith.subf %add3A_724, %floor3A_802 : vector<16x320xf32>
    %floor3A_804 = math.floor %add3A_734 : vector<16x320xf32>
    %sub3A_805 = arith.subf %add3A_734, %floor3A_804 : vector<16x320xf32>
    %broadcast_in_dim3A_806 = arith.constant 1.000000e+00 : f32
    %broadcast_in_dim3A_807 = vector.broadcast %broadcast_in_dim3A_806 : f32 to vector<16x320xf32>
    %broadcast_in_dim3A_808 = arith.constant 0.000000e+00 : f32
    %broadcast_in_dim3A_809 = vector.broadcast %broadcast_in_dim3A_808 : f32 to vector<16x320xf32>
    %lt3A_810 = arith.constant 5.000000e-01 : f32
    %lt3A_811 = vector.broadcast %lt3A_810 : f32 to vector<16x320xf32>
    %lt3A_812 = arith.cmpf olt, %sub3A_803, %lt3A_811 : vector<16x320xf32>
    %select_n3A_813 = arith.select %lt3A_812, %broadcast_in_dim3A_807, %broadcast_in_dim3A_809 : vector<16x320xi1>, vector<16x320xf32>
    %gt3A_814 = arith.constant 1.000000e+00 : f32
    %gt3A_815 = vector.broadcast %gt3A_814 : f32 to vector<16x320xf32>
    %gt3A_816 = arith.cmpf ogt, %add3A_724, %gt3A_815 : vector<16x320xf32>
    %select_n3A_817 = arith.select %gt3A_816, %broadcast_in_dim3A_807, %broadcast_in_dim3A_809 : vector<16x320xi1>, vector<16x320xf32>
    %mul3A_818 = arith.mulf %select_n3A_813, %select_n3A_817 : vector<16x320xf32>
    %lt3A_819 = arith.constant 5.000000e-01 : f32
    %lt3A_820 = vector.broadcast %lt3A_819 : f32 to vector<16x320xf32>
    %lt3A_821 = arith.cmpf olt, %sub3A_805, %lt3A_820 : vector<16x320xf32>
    %select_n3A_822 = arith.select %lt3A_821, %broadcast_in_dim3A_807, %broadcast_in_dim3A_809 : vector<16x320xi1>, vector<16x320xf32>
    %gt3A_823 = arith.constant 1.000000e+00 : f32
    %gt3A_824 = vector.broadcast %gt3A_823 : f32 to vector<16x320xf32>
    %gt3A_825 = arith.cmpf ogt, %add3A_734, %gt3A_824 : vector<16x320xf32>
    %select_n3A_826 = arith.select %gt3A_825, %broadcast_in_dim3A_807, %broadcast_in_dim3A_809 : vector<16x320xi1>, vector<16x320xf32>
    %mul3A_827 = arith.mulf %select_n3A_822, %select_n3A_826 : vector<16x320xf32>
    %gt3A_828 = arith.constant 5.000000e-01 : f32
    %gt3A_829 = vector.broadcast %gt3A_828 : f32 to vector<16x320xf32>
    %gt3A_830 = arith.cmpf ogt, %sub3A_803, %gt3A_829 : vector<16x320xf32>
    %select_n3A_831 = arith.select %gt3A_830, %broadcast_in_dim3A_807, %broadcast_in_dim3A_809 : vector<16x320xi1>, vector<16x320xf32>
    %lt3A_832 = arith.constant 1.900000e+01 : f32
    %lt3A_833 = vector.broadcast %lt3A_832 : f32 to vector<16x320xf32>
    %lt3A_834 = arith.cmpf olt, %add3A_724, %lt3A_833 : vector<16x320xf32>
    %select_n3A_835 = arith.select %lt3A_834, %broadcast_in_dim3A_807, %broadcast_in_dim3A_809 : vector<16x320xi1>, vector<16x320xf32>
    %mul3A_836 = arith.mulf %select_n3A_831, %select_n3A_835 : vector<16x320xf32>
    %gt3A_837 = arith.constant 5.000000e-01 : f32
    %gt3A_838 = vector.broadcast %gt3A_837 : f32 to vector<16x320xf32>
    %gt3A_839 = arith.cmpf ogt, %sub3A_805, %gt3A_838 : vector<16x320xf32>
    %select_n3A_840 = arith.select %gt3A_839, %broadcast_in_dim3A_807, %broadcast_in_dim3A_809 : vector<16x320xi1>, vector<16x320xf32>
    %lt3A_841 = arith.constant 1.900000e+01 : f32
    %lt3A_842 = vector.broadcast %lt3A_841 : f32 to vector<16x320xf32>
    %lt3A_843 = arith.cmpf olt, %add3A_734, %lt3A_842 : vector<16x320xf32>
    %select_n3A_844 = arith.select %lt3A_843, %broadcast_in_dim3A_807, %broadcast_in_dim3A_809 : vector<16x320xi1>, vector<16x320xf32>
    %mul3A_845 = arith.mulf %select_n3A_840, %select_n3A_844 : vector<16x320xf32>
    %eq3A_846 = arith.constant 0 : i32
    %eq3A_847 = vector.broadcast %eq3A_846 : i32 to vector<16x320xi32>
    %eq3A_848 = arith.cmpi eq, %select_n3A, %eq3A_847 : vector<16x320xi32>
    %eq3A_849 = arith.constant 1 : i32
    %eq3A_850 = vector.broadcast %eq3A_849 : i32 to vector<16x320xi32>
    %eq3A_851 = arith.cmpi eq, %select_n3A, %eq3A_850 : vector<16x320xi32>
    %eq3A_852 = arith.constant 2 : i32
    %eq3A_853 = vector.broadcast %eq3A_852 : i32 to vector<16x320xi32>
    %eq3A_854 = arith.cmpi eq, %select_n3A, %eq3A_853 : vector<16x320xi32>
    %eq3A_855 = arith.constant 3 : i32
    %eq3A_856 = vector.broadcast %eq3A_855 : i32 to vector<16x320xi32>
    %eq3A_857 = arith.cmpi eq, %select_n3A, %eq3A_856 : vector<16x320xi32>
    %select_n3A_858 = arith.select %eq3A_857, %mul3A_836, %mul3A_845 : vector<16x320xi1>, vector<16x320xf32>
    %select_n3A_859 = arith.select %eq3A_854, %mul3A_827, %select_n3A_858 : vector<16x320xi1>, vector<16x320xf32>
    %select_n3A_860 = arith.select %eq3A_851, %mul3A_818, %select_n3A_859 : vector<16x320xi1>, vector<16x320xf32>
    %select_n3A_861 = arith.select %eq3A_848, %broadcast_in_dim3A_807, %select_n3A_860 : vector<16x320xi1>, vector<16x320xf32>
    %mul3A_862 = arith.mulf %select_n3A_801, %select_n3A_861 : vector<16x320xf32>
    %mul3A_863 = arith.mulf %mul3A_862, %select_n3A_48 : vector<16x320xf32>
    %eq3A_864 = arith.constant 1 : i32
    %eq3A_865 = vector.broadcast %eq3A_864 : i32 to vector<16x320xi32>
    %eq3A_866 = arith.cmpi eq, %select_n3A, %eq3A_865 : vector<16x320xi32>
    %eq3A_867 = arith.constant 3 : i32
    %eq3A_868 = vector.broadcast %eq3A_867 : i32 to vector<16x320xi32>
    %eq3A_869 = arith.cmpi eq, %select_n3A, %eq3A_868 : vector<16x320xi32>
    %jit3A_870 = arith.constant -5.000000e-01 : f32
    %jit3A_871 = arith.constant 0.000000e+00 : f32
    %broadcast_in_dim3A_872 = vector.broadcast %jit3A_870 : f32 to vector<16x320xf32>
    %broadcast_in_dim3A_873 = vector.broadcast %jit3A_871 : f32 to vector<16x320xf32>
    %select_n3A_874 = arith.select %eq3A_869, %broadcast_in_dim3A_872, %broadcast_in_dim3A_873 : vector<16x320xi1>, vector<16x320xf32>
    %jit3A_875 = arith.constant 5.000000e-01 : f32
    %broadcast_in_dim3A_876 = vector.broadcast %jit3A_875 : f32 to vector<16x320xf32>
    %select_n3A_877 = arith.select %eq3A_866, %broadcast_in_dim3A_876, %select_n3A_874 : vector<16x320xi1>, vector<16x320xf32>
    %eq3A_878 = arith.constant 2 : i32
    %eq3A_879 = vector.broadcast %eq3A_878 : i32 to vector<16x320xi32>
    %eq3A_880 = arith.cmpi eq, %select_n3A, %eq3A_879 : vector<16x320xi32>
    %eq3A_881 = arith.constant 4 : i32
    %eq3A_882 = vector.broadcast %eq3A_881 : i32 to vector<16x320xi32>
    %eq3A_883 = arith.cmpi eq, %select_n3A, %eq3A_882 : vector<16x320xi32>
    %jit3A_884 = arith.constant -5.000000e-01 : f32
    %jit3A_885 = arith.constant 0.000000e+00 : f32
    %broadcast_in_dim3A_886 = vector.broadcast %jit3A_884 : f32 to vector<16x320xf32>
    %broadcast_in_dim3A_887 = vector.broadcast %jit3A_885 : f32 to vector<16x320xf32>
    %select_n3A_888 = arith.select %eq3A_883, %broadcast_in_dim3A_886, %broadcast_in_dim3A_887 : vector<16x320xi1>, vector<16x320xf32>
    %jit3A_889 = arith.constant 5.000000e-01 : f32
    %broadcast_in_dim3A_890 = vector.broadcast %jit3A_889 : f32 to vector<16x320xf32>
    %select_n3A_891 = arith.select %eq3A_880, %broadcast_in_dim3A_890, %select_n3A_888 : vector<16x320xi1>, vector<16x320xf32>
    %sub3A_892 = arith.subf %add3A_724, %select_n3A_877 : vector<16x320xf32>
    %convert_element_type3A_893 = arith.fptosi %sub3A_892 : vector<16x320xf32> to vector<16x320xi32>
    %jit3A_894 = arith.constant 0 : i32
    %jit3A_895 = arith.constant 19 : i32
    %max3A_896 = vector.broadcast %jit3A_894 : i32 to vector<16x320xi32>
    %max3A_897 = arith.maxsi %max3A_896, %convert_element_type3A_893 : vector<16x320xi32>
    %min3A_898 = vector.broadcast %jit3A_895 : i32 to vector<16x320xi32>
    %min3A_899 = arith.minsi %min3A_898, %max3A_897 : vector<16x320xi32>
    %sub3A_900 = arith.subf %add3A_734, %select_n3A_891 : vector<16x320xf32>
    %convert_element_type3A_901 = arith.fptosi %sub3A_900 : vector<16x320xf32> to vector<16x320xi32>
    %jit3A_902 = arith.constant 0 : i32
    %jit3A_903 = arith.constant 19 : i32
    %max3A_904 = vector.broadcast %jit3A_902 : i32 to vector<16x320xi32>
    %max3A_905 = arith.maxsi %max3A_904, %convert_element_type3A_901 : vector<16x320xi32>
    %min3A_906 = vector.broadcast %jit3A_903 : i32 to vector<16x320xi32>
    %min3A_907 = arith.minsi %min3A_906, %max3A_905 : vector<16x320xi32>
    %convert_element_type3A_908 = arith.fptosi %get3A_50 : vector<1x320xf32> to vector<1x320xi32>
    %broadcast_in_dim3A_909 = arith.constant 0 : i32
    %broadcast_in_dim3A_910 = vector.broadcast %broadcast_in_dim3A_909 : i32 to vector<16x320xi32>
    %add3A_911 = vector.broadcast %convert_element_type3A_908 : vector<1x320xi32> to vector<16x320xi32>
    %add3A_912 = arith.addi %add3A_911, %broadcast_in_dim3A_910 : vector<16x320xi32>
    %swap3A_913 = arith.constant 2 : index
    %swap3A_914 = arith.constant 0 : index
    %swap3A_915 = arith.constant 0 : index
    %swap3A_916 = arith.constant 0 : index
    %swap3A_917 = vector.load %arg1[%swap3A_913, %swap3A_914, %swap3A_915, %swap3A_916] : memref<3x8x16x320xf32, #tpu.memory_space<vmem>>, vector<1x1x16x320xf32>
    %swap3A_918 = vector.shape_cast %swap3A_917 : vector<1x1x16x320xf32> to vector<16x320xf32>
    %swap3A_919 = vector.shape_cast %mul3A_863 : vector<16x320xf32> to vector<1x1x16x320xf32>
    tpu.vector_store %arg1[%swap3A_913, %swap3A_914, %swap3A_915, %swap3A_916], %swap3A_919 {strides = array<i32>} : memref<3x8x16x320xf32, #tpu.memory_space<vmem>>, vector<1x1x16x320xf32>,
    %convert_element_type3A_920 = arith.sitofp %min3A_899 : vector<16x320xi32> to vector<16x320xf32>
    %sub3A_921 = arith.subf %add3A_724, %convert_element_type3A_920 : vector<16x320xf32>
    %swap3A_922 = arith.constant 2 : index
    %swap3A_923 = arith.constant 1 : index
    %swap3A_924 = arith.constant 0 : index
    %swap3A_925 = arith.constant 0 : index
    %swap3A_926 = vector.load %arg1[%swap3A_922, %swap3A_923, %swap3A_924, %swap3A_925] : memref<3x8x16x320xf32, #tpu.memory_space<vmem>>, vector<1x1x16x320xf32>
    %swap3A_927 = vector.shape_cast %swap3A_926 : vector<1x1x16x320xf32> to vector<16x320xf32>
    %swap3A_928 = vector.shape_cast %sub3A_921 : vector<16x320xf32> to vector<1x1x16x320xf32>
    tpu.vector_store %arg1[%swap3A_922, %swap3A_923, %swap3A_924, %swap3A_925], %swap3A_928 {strides = array<i32>} : memref<3x8x16x320xf32, #tpu.memory_space<vmem>>, vector<1x1x16x320xf32>,
    %convert_element_type3A_929 = arith.sitofp %min3A_907 : vector<16x320xi32> to vector<16x320xf32>
    %sub3A_930 = arith.subf %add3A_734, %convert_element_type3A_929 : vector<16x320xf32>
    %swap3A_931 = arith.constant 2 : index
    %swap3A_932 = arith.constant 2 : index
    %swap3A_933 = arith.constant 0 : index
    %swap3A_934 = arith.constant 0 : index
    %swap3A_935 = vector.load %arg1[%swap3A_931, %swap3A_932, %swap3A_933, %swap3A_934] : memref<3x8x16x320xf32, #tpu.memory_space<vmem>>, vector<1x1x16x320xf32>
    %swap3A_936 = vector.shape_cast %swap3A_935 : vector<1x1x16x320xf32> to vector<16x320xf32>
    %swap3A_937 = vector.shape_cast %sub3A_930 : vector<16x320xf32> to vector<1x1x16x320xf32>
    tpu.vector_store %arg1[%swap3A_931, %swap3A_932, %swap3A_933, %swap3A_934], %swap3A_937 {strides = array<i32>} : memref<3x8x16x320xf32, #tpu.memory_space<vmem>>, vector<1x1x16x320xf32>,
    %swap3A_938 = arith.constant 2 : index
    %swap3A_939 = arith.constant 3 : index
    %swap3A_940 = arith.constant 0 : index
    %swap3A_941 = arith.constant 0 : index
    %swap3A_942 = vector.load %arg1[%swap3A_938, %swap3A_939, %swap3A_940, %swap3A_941] : memref<3x8x16x320xf32, #tpu.memory_space<vmem>>, vector<1x1x16x320xf32>
    %swap3A_943 = vector.shape_cast %swap3A_942 : vector<1x1x16x320xf32> to vector<16x320xf32>
    %swap3A_944 = vector.shape_cast %add3A_744 : vector<16x320xf32> to vector<1x1x16x320xf32>
    tpu.vector_store %arg1[%swap3A_938, %swap3A_939, %swap3A_940, %swap3A_941], %swap3A_944 {strides = array<i32>} : memref<3x8x16x320xf32, #tpu.memory_space<vmem>>, vector<1x1x16x320xf32>,
    %swap3A_945 = arith.constant 2 : index
    %swap3A_946 = arith.constant 4 : index
    %swap3A_947 = arith.constant 0 : index
    %swap3A_948 = arith.constant 0 : index
    %swap3A_949 = vector.load %arg1[%swap3A_945, %swap3A_946, %swap3A_947, %swap3A_948] : memref<3x8x16x320xf32, #tpu.memory_space<vmem>>, vector<1x1x16x320xf32>
    %swap3A_950 = vector.shape_cast %swap3A_949 : vector<1x1x16x320xf32> to vector<16x320xf32>
    %swap3A_951 = vector.shape_cast %add3A_754 : vector<16x320xf32> to vector<1x1x16x320xf32>
    tpu.vector_store %arg1[%swap3A_945, %swap3A_946, %swap3A_947, %swap3A_948], %swap3A_951 {strides = array<i32>} : memref<3x8x16x320xf32, #tpu.memory_space<vmem>>, vector<1x1x16x320xf32>,
    %broadcast_in_dim3A_952 = arith.constant 0.000000e+00 : f32
    %broadcast_in_dim3A_953 = vector.broadcast %broadcast_in_dim3A_952 : f32 to vector<16x320xf32>
    %add3A_954 = arith.addf %select_n3A_768, %broadcast_in_dim3A_953 : vector<16x320xf32>
    %swap3A_955 = arith.constant 2 : index
    %swap3A_956 = arith.constant 5 : index
    %swap3A_957 = arith.constant 0 : index
    %swap3A_958 = arith.constant 0 : index
    %swap3A_959 = vector.load %arg1[%swap3A_955, %swap3A_956, %swap3A_957, %swap3A_958] : memref<3x8x16x320xf32, #tpu.memory_space<vmem>>, vector<1x1x16x320xf32>
    %swap3A_960 = vector.shape_cast %swap3A_959 : vector<1x1x16x320xf32> to vector<16x320xf32>
    %swap3A_961 = vector.shape_cast %add3A_954 : vector<16x320xf32> to vector<1x1x16x320xf32>
    tpu.vector_store %arg1[%swap3A_955, %swap3A_956, %swap3A_957, %swap3A_958], %swap3A_961 {strides = array<i32>} : memref<3x8x16x320xf32, #tpu.memory_space<vmem>>, vector<1x1x16x320xf32>,
    %broadcast_in_dim3A_962 = arith.constant 0.000000e+00 : f32
    %broadcast_in_dim3A_963 = vector.broadcast %broadcast_in_dim3A_962 : f32 to vector<16x320xf32>
    %add3A_964 = arith.addf %select_n3A_782, %broadcast_in_dim3A_963 : vector<16x320xf32>
    %swap3A_965 = arith.constant 2 : index
    %swap3A_966 = arith.constant 6 : index
    %swap3A_967 = arith.constant 0 : index
    %swap3A_968 = arith.constant 0 : index
    %swap3A_969 = vector.load %arg1[%swap3A_965, %swap3A_966, %swap3A_967, %swap3A_968] : memref<3x8x16x320xf32, #tpu.memory_space<vmem>>, vector<1x1x16x320xf32>
    %swap3A_970 = vector.shape_cast %swap3A_969 : vector<1x1x16x320xf32> to vector<16x320xf32>
    %swap3A_971 = vector.shape_cast %add3A_964 : vector<16x320xf32> to vector<1x1x16x320xf32>
    tpu.vector_store %arg1[%swap3A_965, %swap3A_966, %swap3A_967, %swap3A_968], %swap3A_971 {strides = array<i32>} : memref<3x8x16x320xf32, #tpu.memory_space<vmem>>, vector<1x1x16x320xf32>,
    %broadcast_in_dim3A_972 = arith.constant 0.000000e+00 : f32
    %broadcast_in_dim3A_973 = vector.broadcast %broadcast_in_dim3A_972 : f32 to vector<16x320xf32>
    %add3A_974 = vector.broadcast %get3A_53 : vector<1x320xf32> to vector<16x320xf32>
    %add3A_975 = arith.addf %add3A_974, %broadcast_in_dim3A_973 : vector<16x320xf32>
    %swap3A_976 = arith.constant 2 : index
    %swap3A_977 = arith.constant 7 : index
    %swap3A_978 = arith.constant 0 : index
    %swap3A_979 = arith.constant 0 : index
    %swap3A_980 = vector.load %arg1[%swap3A_976, %swap3A_977, %swap3A_978, %swap3A_979] : memref<3x8x16x320xf32, #tpu.memory_space<vmem>>, vector<1x1x16x320xf32>
    %swap3A_981 = vector.shape_cast %swap3A_980 : vector<1x1x16x320xf32> to vector<16x320xf32>
    %swap3A_982 = vector.shape_cast %add3A_975 : vector<16x320xf32> to vector<1x1x16x320xf32>
    tpu.vector_store %arg1[%swap3A_976, %swap3A_977, %swap3A_978, %swap3A_979], %swap3A_982 {strides = array<i32>} : memref<3x8x16x320xf32, #tpu.memory_space<vmem>>, vector<1x1x16x320xf32>,
    %mul3A_983 = arith.constant 20 : i32
    %mul3A_984 = vector.broadcast %mul3A_983 : i32 to vector<16x320xi32>
    %mul3A_985 = arith.muli %add3A_912, %mul3A_984 : vector<16x320xi32>
    %add3A_986 = arith.addi %mul3A_985, %min3A_907 : vector<16x320xi32>
    %mul3A_987 = arith.constant 20 : i32
    %mul3A_988 = vector.broadcast %mul3A_987 : i32 to vector<16x320xi32>
    %mul3A_989 = arith.muli %add3A_986, %mul3A_988 : vector<16x320xi32>
    %add3A_990 = arith.addi %mul3A_989, %min3A_899 : vector<16x320xi32>
    %mul3A_991 = arith.constant 255 : i32
    %mul3A_992 = vector.broadcast %mul3A_991 : i32 to vector<16x320xi32>
    %mul3A_993 = arith.muli %add3A_990, %mul3A_992 : vector<16x320xi32>
    %mul3A_994 = arith.constant 85 : i32
    %mul3A_995 = vector.broadcast %mul3A_994 : i32 to vector<16x320xi32>
    %mul3A_996 = arith.muli %select_n3A_41, %mul3A_995 : vector<16x320xi32>
    %add3A_997 = arith.addi %mul3A_993, %mul3A_996 : vector<16x320xi32>
    %iota3A_998 = tpu.iota {dimensions = array<i32: 0>} : vector<88x16x320xi32>
    %lt3A_999 = arith.constant 85 : i32
    %lt3A_1000 = vector.broadcast %lt3A_999 : i32 to vector<88x16x320xi32>
    %lt3A_1001 = arith.cmpi slt, %iota3A_998, %lt3A_1000 : vector<88x16x320xi32>
    %sub3A_1002 = arith.constant 85 : i32
    %sub3A_1003 = vector.broadcast %sub3A_1002 : i32 to vector<88x16x320xi32>
    %sub3A_1004 = arith.subi %iota3A_998, %sub3A_1003 : vector<88x16x320xi32>
    %select_n3A_1005 = arith.select %lt3A_1001, %iota3A_998, %sub3A_1004 : vector<88x16x320xi1>, vector<88x16x320xi32>
    %broadcast_in_dim3A_1006 = vector.shape_cast %add3A_997 : vector<16x320xi32> to vector<1x16x320xi32>
    %add3A_1007 = vector.broadcast %broadcast_in_dim3A_1006 : vector<1x16x320xi32> to vector<88x16x320xi32>
    %add3A_1008 = arith.addi %add3A_1007, %select_n3A_1005 : vector<88x16x320xi32>
    %swap3A_1009 = arith.constant 2 : index
    %swap3A_1010 = arith.constant 0 : index
    %swap3A_1011 = arith.constant 0 : index
    %swap3A_1012 = arith.constant 0 : index
    %swap3A_1013 = vector.load %arg2[%swap3A_1009, %swap3A_1010, %swap3A_1011, %swap3A_1012] : memref<3x88x16x320xi32, #tpu.memory_space<vmem>>, vector<1x88x16x320xi32>
    %swap3A_1014 = vector.shape_cast %swap3A_1013 : vector<1x88x16x320xi32> to vector<88x16x320xi32>
    %swap3A_1015 = vector.shape_cast %add3A_1008 : vector<88x16x320xi32> to vector<1x88x16x320xi32>
    tpu.vector_store %arg2[%swap3A_1009, %swap3A_1010, %swap3A_1011, %swap3A_1012], %swap3A_1015 {strides = array<i32>} : memref<3x88x16x320xi32, #tpu.memory_space<vmem>>, vector<1x88x16x320xi32>,
    %mul3A_1016 = arith.constant 320 : i32
    %mul3A_1017 = vector.broadcast %mul3A_1016 : i32 to vector<16x320xi32>
    %mul3A_1018 = arith.muli %iota3A, %mul3A_1017 : vector<16x320xi32>
    %iota3A_1019 = tpu.iota {dimensions = array<i32: 1>} : vector<16x320xi32>
    %add3A_1020 = arith.addi %mul3A_1018, %iota3A_1019 : vector<16x320xi32>
    %mul3A_1021 = arith.constant 3 : i32
    %mul3A_1022 = vector.broadcast %mul3A_1021 : i32 to vector<16x320xi32>
    %mul3A_1023 = arith.muli %add3A_912, %mul3A_1022 : vector<16x320xi32>
    %add3A_1024 = arith.addi %mul3A_1023, %select_n3A_41 : vector<16x320xi32>
    %mul3A_1025 = arith.constant 20 : i32
    %mul3A_1026 = vector.broadcast %mul3A_1025 : i32 to vector<16x320xi32>
    %mul3A_1027 = arith.muli %add3A_1024, %mul3A_1026 : vector<16x320xi32>
    %add3A_1028 = arith.addi %mul3A_1027, %min3A_907 : vector<16x320xi32>
    %mul3A_1029 = arith.constant 20 : i32
    %mul3A_1030 = vector.broadcast %mul3A_1029 : i32 to vector<16x320xi32>
    %mul3A_1031 = arith.muli %add3A_1028, %mul3A_1030 : vector<16x320xi32>
    %add3A_1032 = arith.addi %mul3A_1031, %min3A_899 : vector<16x320xi32>
    %add3A_1033 = arith.constant 81920 : i32
    %add3A_1034 = vector.broadcast %add3A_1033 : i32 to vector<16x320xi32>
    %add3A_1035 = arith.addi %add3A_1032, %add3A_1034 : vector<16x320xi32>
    %gt3A_1036 = arith.constant 0.000000e+00 : f32
    %gt3A_1037 = vector.broadcast %gt3A_1036 : f32 to vector<16x320xf32>
    %gt3A_1038 = arith.cmpf ogt, %mul3A_863, %gt3A_1037 : vector<16x320xf32>
    %add3A_1039 = arith.constant 101120 : i32
    %add3A_1040 = vector.broadcast %add3A_1039 : i32 to vector<16x320xi32>
    %add3A_1041 = arith.addi %add3A_1040, %add3A_1020 : vector<16x320xi32>
    %select_n3A_1042 = arith.select %gt3A_1038, %add3A_1035, %add3A_1041 : vector<16x320xi1>, vector<16x320xi32>
    %swap3A_1043 = arith.constant 2 : index
    %swap3A_1044 = arith.constant 0 : index
    %swap3A_1045 = arith.constant 0 : index
    %swap3A_1046 = vector.load %arg3[%swap3A_1043, %swap3A_1044, %swap3A_1045] : memref<3x16x320xi32, #tpu.memory_space<vmem>>, vector<1x16x320xi32>
    %swap3A_1047 = vector.shape_cast %swap3A_1046 : vector<1x16x320xi32> to vector<16x320xi32>
    %swap3A_1048 = vector.shape_cast %select_n3A_1042 : vector<16x320xi32> to vector<1x16x320xi32>
    tpu.vector_store %arg3[%swap3A_1043, %swap3A_1044, %swap3A_1045], %swap3A_1048 {strides = array<i32>} : memref<3x16x320xi32, #tpu.memory_space<vmem>>, vector<1x16x320xi32>,
    return
  }
}

module attributes {stable_mosaic.version = 14 : i64} {
  func.func @_dense_kernel(%arg0: i32, %arg1: memref<1024x255xf32, #tpu.memory_space<vmem>>, %arg2: memref<256x255xf32, #tpu.memory_space<vmem>>, %arg3: memref<64x255xf32, #tpu.memory_space<vmem>>, %arg4: memref<3xf32, #tpu.memory_space<smem>>) attributes {dimension_semantics = [#tpu.dimension_semantics<arbitrary>], iteration_bounds = array<i64: 100>, scalar_prefetch = 0 : i64, scratch_operands = 0 : i64, tpu.core_type = #tpu.core_type<tc>, window_params = [{transform_indices = @transform_0, window_bounds = array<i64: 1024, 255>}, {transform_indices = @transform_1, window_bounds = array<i64: 256, 255>}, {transform_indices = @transform_2, window_bounds = array<i64: 64, 255>}, {transform_indices = @transform_3, window_bounds = array<i64: 3>}]} {
    %eq3A = arith.constant 0 : i32
    %eq3A_0 = arith.cmpi eq, %arg0, %eq3A : i32
    %convert_element_type3A = arith.extui %eq3A_0 : i1 to i32
    %cond3A = arith.constant 0 : i32
    %cond3A_1 = arith.cmpi ne, %convert_element_type3A, %cond3A : i32
    scf.if %cond3A_1 {
      %swap3A_182 = arith.constant 0.000000e+00 : f32
      %swap3A_183 = arith.constant 0 : index
      %swap3A_184 = memref.load %arg4[%swap3A_183] : memref<3xf32, #tpu.memory_space<smem>>
      memref.store %swap3A_182, %arg4[%swap3A_183] : memref<3xf32, #tpu.memory_space<smem>>
      %swap3A_185 = arith.constant 0.000000e+00 : f32
      %swap3A_186 = arith.constant 1 : index
      %swap3A_187 = memref.load %arg4[%swap3A_186] : memref<3xf32, #tpu.memory_space<smem>>
      memref.store %swap3A_185, %arg4[%swap3A_186] : memref<3xf32, #tpu.memory_space<smem>>
      %swap3A_188 = arith.constant 0.000000e+00 : f32
      %swap3A_189 = arith.constant 2 : index
      %swap3A_190 = memref.load %arg4[%swap3A_189] : memref<3xf32, #tpu.memory_space<smem>>
      memref.store %swap3A_188, %arg4[%swap3A_189] : memref<3xf32, #tpu.memory_space<smem>>
    } else {
    }
    %get3A = arith.constant 0 : index
    %get3A_2 = arith.constant 4 : index
    %get3A_3 = vector.load %arg1[%get3A, %get3A_2] : memref<1024x255xf32, #tpu.memory_space<vmem>>, vector<1024x1xf32>
    %max3A = arith.constant 0.000000e+00 : f32
    %max3A_4 = vector.broadcast %max3A : f32 to vector<1024x1xf32>
    %max3A_5 = arith.maximumf %get3A_3, %max3A_4 : vector<1024x1xf32>
    %abs3A = math.absf %get3A_3 : vector<1024x1xf32>
    %neg3A = arith.constant 0.000000e+00 : f32
    %neg3A_6 = vector.broadcast %neg3A : f32 to vector<1024x1xf32>
    %neg3A_7 = arith.subf %neg3A_6, %abs3A : vector<1024x1xf32>
    %exp3A = math.exp %neg3A_7 : vector<1024x1xf32>
    %log1p3A = math.log1p %exp3A : vector<1024x1xf32>
    %add3A = arith.addf %max3A_5, %log1p3A : vector<1024x1xf32>
    %reduce_sum3A = vector.shape_cast %add3A : vector<1024x1xf32> to vector<1x1024x1xf32>
    %reduce_sum3A_8 = arith.constant dense<0.000000e+00> : vector<1xf32>
    %reduce_sum3A_9 = vector.multi_reduction <add>, %reduce_sum3A, %reduce_sum3A_8 [1, 2] : vector<1x1024x1xf32> to vector<1xf32>
    %reduce_sum3A_10 = vector.shape_cast %reduce_sum3A_9 : vector<1xf32> to vector<1x1x1xf32>
    %reduce_sum3A_11 = vector.extract %reduce_sum3A_10[0, 0, 0] : f32 from vector<1x1x1xf32>
    %add3A_12 = arith.constant 0.000000e+00 : f32
    %add3A_13 = arith.addf %add3A_12, %reduce_sum3A_11 : f32
    %get3A_14 = arith.constant 0 : index
    %get3A_15 = arith.constant 89 : index
    %get3A_16 = vector.load %arg1[%get3A_14, %get3A_15] : memref<1024x255xf32, #tpu.memory_space<vmem>>, vector<1024x1xf32>
    %max3A_17 = arith.constant 0.000000e+00 : f32
    %max3A_18 = vector.broadcast %max3A_17 : f32 to vector<1024x1xf32>
    %max3A_19 = arith.maximumf %get3A_16, %max3A_18 : vector<1024x1xf32>
    %abs3A_20 = math.absf %get3A_16 : vector<1024x1xf32>
    %neg3A_21 = arith.constant 0.000000e+00 : f32
    %neg3A_22 = vector.broadcast %neg3A_21 : f32 to vector<1024x1xf32>
    %neg3A_23 = arith.subf %neg3A_22, %abs3A_20 : vector<1024x1xf32>
    %exp3A_24 = math.exp %neg3A_23 : vector<1024x1xf32>
    %log1p3A_25 = math.log1p %exp3A_24 : vector<1024x1xf32>
    %add3A_26 = arith.addf %max3A_19, %log1p3A_25 : vector<1024x1xf32>
    %reduce_sum3A_27 = vector.shape_cast %add3A_26 : vector<1024x1xf32> to vector<1x1024x1xf32>
    %reduce_sum3A_28 = arith.constant dense<0.000000e+00> : vector<1xf32>
    %reduce_sum3A_29 = vector.multi_reduction <add>, %reduce_sum3A_27, %reduce_sum3A_28 [1, 2] : vector<1x1024x1xf32> to vector<1xf32>
    %reduce_sum3A_30 = vector.shape_cast %reduce_sum3A_29 : vector<1xf32> to vector<1x1x1xf32>
    %reduce_sum3A_31 = vector.extract %reduce_sum3A_30[0, 0, 0] : f32 from vector<1x1x1xf32>
    %add3A_32 = arith.addf %add3A_13, %reduce_sum3A_31 : f32
    %get3A_33 = arith.constant 0 : index
    %get3A_34 = arith.constant 174 : index
    %get3A_35 = vector.load %arg1[%get3A_33, %get3A_34] : memref<1024x255xf32, #tpu.memory_space<vmem>>, vector<1024x1xf32>
    %max3A_36 = arith.constant 0.000000e+00 : f32
    %max3A_37 = vector.broadcast %max3A_36 : f32 to vector<1024x1xf32>
    %max3A_38 = arith.maximumf %get3A_35, %max3A_37 : vector<1024x1xf32>
    %abs3A_39 = math.absf %get3A_35 : vector<1024x1xf32>
    %neg3A_40 = arith.constant 0.000000e+00 : f32
    %neg3A_41 = vector.broadcast %neg3A_40 : f32 to vector<1024x1xf32>
    %neg3A_42 = arith.subf %neg3A_41, %abs3A_39 : vector<1024x1xf32>
    %exp3A_43 = math.exp %neg3A_42 : vector<1024x1xf32>
    %log1p3A_44 = math.log1p %exp3A_43 : vector<1024x1xf32>
    %add3A_45 = arith.addf %max3A_38, %log1p3A_44 : vector<1024x1xf32>
    %reduce_sum3A_46 = vector.shape_cast %add3A_45 : vector<1024x1xf32> to vector<1x1024x1xf32>
    %reduce_sum3A_47 = arith.constant dense<0.000000e+00> : vector<1xf32>
    %reduce_sum3A_48 = vector.multi_reduction <add>, %reduce_sum3A_46, %reduce_sum3A_47 [1, 2] : vector<1x1024x1xf32> to vector<1xf32>
    %reduce_sum3A_49 = vector.shape_cast %reduce_sum3A_48 : vector<1xf32> to vector<1x1x1xf32>
    %reduce_sum3A_50 = vector.extract %reduce_sum3A_49[0, 0, 0] : f32 from vector<1x1x1xf32>
    %add3A_51 = arith.addf %add3A_32, %reduce_sum3A_50 : f32
    %get3A_52 = arith.constant 0 : index
    %get3A_53 = memref.load %arg4[%get3A_52] : memref<3xf32, #tpu.memory_space<smem>>
    %add3A_54 = arith.addf %get3A_53, %add3A_51 : f32
    %swap3A = arith.constant 0 : index
    %swap3A_55 = memref.load %arg4[%swap3A] : memref<3xf32, #tpu.memory_space<smem>>
    memref.store %add3A_54, %arg4[%swap3A] : memref<3xf32, #tpu.memory_space<smem>>
    %get3A_56 = arith.constant 0 : index
    %get3A_57 = arith.constant 4 : index
    %get3A_58 = vector.load %arg2[%get3A_56, %get3A_57] : memref<256x255xf32, #tpu.memory_space<vmem>>, vector<256x1xf32>
    %max3A_59 = arith.constant 0.000000e+00 : f32
    %max3A_60 = vector.broadcast %max3A_59 : f32 to vector<256x1xf32>
    %max3A_61 = arith.maximumf %get3A_58, %max3A_60 : vector<256x1xf32>
    %abs3A_62 = math.absf %get3A_58 : vector<256x1xf32>
    %neg3A_63 = arith.constant 0.000000e+00 : f32
    %neg3A_64 = vector.broadcast %neg3A_63 : f32 to vector<256x1xf32>
    %neg3A_65 = arith.subf %neg3A_64, %abs3A_62 : vector<256x1xf32>
    %exp3A_66 = math.exp %neg3A_65 : vector<256x1xf32>
    %log1p3A_67 = math.log1p %exp3A_66 : vector<256x1xf32>
    %add3A_68 = arith.addf %max3A_61, %log1p3A_67 : vector<256x1xf32>
    %reduce_sum3A_69 = vector.shape_cast %add3A_68 : vector<256x1xf32> to vector<1x256x1xf32>
    %reduce_sum3A_70 = arith.constant dense<0.000000e+00> : vector<1xf32>
    %reduce_sum3A_71 = vector.multi_reduction <add>, %reduce_sum3A_69, %reduce_sum3A_70 [1, 2] : vector<1x256x1xf32> to vector<1xf32>
    %reduce_sum3A_72 = vector.shape_cast %reduce_sum3A_71 : vector<1xf32> to vector<1x1x1xf32>
    %reduce_sum3A_73 = vector.extract %reduce_sum3A_72[0, 0, 0] : f32 from vector<1x1x1xf32>
    %add3A_74 = arith.constant 0.000000e+00 : f32
    %add3A_75 = arith.addf %add3A_74, %reduce_sum3A_73 : f32
    %get3A_76 = arith.constant 0 : index
    %get3A_77 = arith.constant 89 : index
    %get3A_78 = vector.load %arg2[%get3A_76, %get3A_77] : memref<256x255xf32, #tpu.memory_space<vmem>>, vector<256x1xf32>
    %max3A_79 = arith.constant 0.000000e+00 : f32
    %max3A_80 = vector.broadcast %max3A_79 : f32 to vector<256x1xf32>
    %max3A_81 = arith.maximumf %get3A_78, %max3A_80 : vector<256x1xf32>
    %abs3A_82 = math.absf %get3A_78 : vector<256x1xf32>
    %neg3A_83 = arith.constant 0.000000e+00 : f32
    %neg3A_84 = vector.broadcast %neg3A_83 : f32 to vector<256x1xf32>
    %neg3A_85 = arith.subf %neg3A_84, %abs3A_82 : vector<256x1xf32>
    %exp3A_86 = math.exp %neg3A_85 : vector<256x1xf32>
    %log1p3A_87 = math.log1p %exp3A_86 : vector<256x1xf32>
    %add3A_88 = arith.addf %max3A_81, %log1p3A_87 : vector<256x1xf32>
    %reduce_sum3A_89 = vector.shape_cast %add3A_88 : vector<256x1xf32> to vector<1x256x1xf32>
    %reduce_sum3A_90 = arith.constant dense<0.000000e+00> : vector<1xf32>
    %reduce_sum3A_91 = vector.multi_reduction <add>, %reduce_sum3A_89, %reduce_sum3A_90 [1, 2] : vector<1x256x1xf32> to vector<1xf32>
    %reduce_sum3A_92 = vector.shape_cast %reduce_sum3A_91 : vector<1xf32> to vector<1x1x1xf32>
    %reduce_sum3A_93 = vector.extract %reduce_sum3A_92[0, 0, 0] : f32 from vector<1x1x1xf32>
    %add3A_94 = arith.addf %add3A_75, %reduce_sum3A_93 : f32
    %get3A_95 = arith.constant 0 : index
    %get3A_96 = arith.constant 174 : index
    %get3A_97 = vector.load %arg2[%get3A_95, %get3A_96] : memref<256x255xf32, #tpu.memory_space<vmem>>, vector<256x1xf32>
    %max3A_98 = arith.constant 0.000000e+00 : f32
    %max3A_99 = vector.broadcast %max3A_98 : f32 to vector<256x1xf32>
    %max3A_100 = arith.maximumf %get3A_97, %max3A_99 : vector<256x1xf32>
    %abs3A_101 = math.absf %get3A_97 : vector<256x1xf32>
    %neg3A_102 = arith.constant 0.000000e+00 : f32
    %neg3A_103 = vector.broadcast %neg3A_102 : f32 to vector<256x1xf32>
    %neg3A_104 = arith.subf %neg3A_103, %abs3A_101 : vector<256x1xf32>
    %exp3A_105 = math.exp %neg3A_104 : vector<256x1xf32>
    %log1p3A_106 = math.log1p %exp3A_105 : vector<256x1xf32>
    %add3A_107 = arith.addf %max3A_100, %log1p3A_106 : vector<256x1xf32>
    %reduce_sum3A_108 = vector.shape_cast %add3A_107 : vector<256x1xf32> to vector<1x256x1xf32>
    %reduce_sum3A_109 = arith.constant dense<0.000000e+00> : vector<1xf32>
    %reduce_sum3A_110 = vector.multi_reduction <add>, %reduce_sum3A_108, %reduce_sum3A_109 [1, 2] : vector<1x256x1xf32> to vector<1xf32>
    %reduce_sum3A_111 = vector.shape_cast %reduce_sum3A_110 : vector<1xf32> to vector<1x1x1xf32>
    %reduce_sum3A_112 = vector.extract %reduce_sum3A_111[0, 0, 0] : f32 from vector<1x1x1xf32>
    %add3A_113 = arith.addf %add3A_94, %reduce_sum3A_112 : f32
    %get3A_114 = arith.constant 1 : index
    %get3A_115 = memref.load %arg4[%get3A_114] : memref<3xf32, #tpu.memory_space<smem>>
    %add3A_116 = arith.addf %get3A_115, %add3A_113 : f32
    %swap3A_117 = arith.constant 1 : index
    %swap3A_118 = memref.load %arg4[%swap3A_117] : memref<3xf32, #tpu.memory_space<smem>>
    memref.store %add3A_116, %arg4[%swap3A_117] : memref<3xf32, #tpu.memory_space<smem>>
    %get3A_119 = arith.constant 0 : index
    %get3A_120 = arith.constant 4 : index
    %get3A_121 = vector.load %arg3[%get3A_119, %get3A_120] : memref<64x255xf32, #tpu.memory_space<vmem>>, vector<64x1xf32>
    %max3A_122 = arith.constant 0.000000e+00 : f32
    %max3A_123 = vector.broadcast %max3A_122 : f32 to vector<64x1xf32>
    %max3A_124 = arith.maximumf %get3A_121, %max3A_123 : vector<64x1xf32>
    %abs3A_125 = math.absf %get3A_121 : vector<64x1xf32>
    %neg3A_126 = arith.constant 0.000000e+00 : f32
    %neg3A_127 = vector.broadcast %neg3A_126 : f32 to vector<64x1xf32>
    %neg3A_128 = arith.subf %neg3A_127, %abs3A_125 : vector<64x1xf32>
    %exp3A_129 = math.exp %neg3A_128 : vector<64x1xf32>
    %log1p3A_130 = math.log1p %exp3A_129 : vector<64x1xf32>
    %add3A_131 = arith.addf %max3A_124, %log1p3A_130 : vector<64x1xf32>
    %reduce_sum3A_132 = vector.shape_cast %add3A_131 : vector<64x1xf32> to vector<1x64x1xf32>
    %reduce_sum3A_133 = arith.constant dense<0.000000e+00> : vector<1xf32>
    %reduce_sum3A_134 = vector.multi_reduction <add>, %reduce_sum3A_132, %reduce_sum3A_133 [1, 2] : vector<1x64x1xf32> to vector<1xf32>
    %reduce_sum3A_135 = vector.shape_cast %reduce_sum3A_134 : vector<1xf32> to vector<1x1x1xf32>
    %reduce_sum3A_136 = vector.extract %reduce_sum3A_135[0, 0, 0] : f32 from vector<1x1x1xf32>
    %add3A_137 = arith.constant 0.000000e+00 : f32
    %add3A_138 = arith.addf %add3A_137, %reduce_sum3A_136 : f32
    %get3A_139 = arith.constant 0 : index
    %get3A_140 = arith.constant 89 : index
    %get3A_141 = vector.load %arg3[%get3A_139, %get3A_140] : memref<64x255xf32, #tpu.memory_space<vmem>>, vector<64x1xf32>
    %max3A_142 = arith.constant 0.000000e+00 : f32
    %max3A_143 = vector.broadcast %max3A_142 : f32 to vector<64x1xf32>
    %max3A_144 = arith.maximumf %get3A_141, %max3A_143 : vector<64x1xf32>
    %abs3A_145 = math.absf %get3A_141 : vector<64x1xf32>
    %neg3A_146 = arith.constant 0.000000e+00 : f32
    %neg3A_147 = vector.broadcast %neg3A_146 : f32 to vector<64x1xf32>
    %neg3A_148 = arith.subf %neg3A_147, %abs3A_145 : vector<64x1xf32>
    %exp3A_149 = math.exp %neg3A_148 : vector<64x1xf32>
    %log1p3A_150 = math.log1p %exp3A_149 : vector<64x1xf32>
    %add3A_151 = arith.addf %max3A_144, %log1p3A_150 : vector<64x1xf32>
    %reduce_sum3A_152 = vector.shape_cast %add3A_151 : vector<64x1xf32> to vector<1x64x1xf32>
    %reduce_sum3A_153 = arith.constant dense<0.000000e+00> : vector<1xf32>
    %reduce_sum3A_154 = vector.multi_reduction <add>, %reduce_sum3A_152, %reduce_sum3A_153 [1, 2] : vector<1x64x1xf32> to vector<1xf32>
    %reduce_sum3A_155 = vector.shape_cast %reduce_sum3A_154 : vector<1xf32> to vector<1x1x1xf32>
    %reduce_sum3A_156 = vector.extract %reduce_sum3A_155[0, 0, 0] : f32 from vector<1x1x1xf32>
    %add3A_157 = arith.addf %add3A_138, %reduce_sum3A_156 : f32
    %get3A_158 = arith.constant 0 : index
    %get3A_159 = arith.constant 174 : index
    %get3A_160 = vector.load %arg3[%get3A_158, %get3A_159] : memref<64x255xf32, #tpu.memory_space<vmem>>, vector<64x1xf32>
    %max3A_161 = arith.constant 0.000000e+00 : f32
    %max3A_162 = vector.broadcast %max3A_161 : f32 to vector<64x1xf32>
    %max3A_163 = arith.maximumf %get3A_160, %max3A_162 : vector<64x1xf32>
    %abs3A_164 = math.absf %get3A_160 : vector<64x1xf32>
    %neg3A_165 = arith.constant 0.000000e+00 : f32
    %neg3A_166 = vector.broadcast %neg3A_165 : f32 to vector<64x1xf32>
    %neg3A_167 = arith.subf %neg3A_166, %abs3A_164 : vector<64x1xf32>
    %exp3A_168 = math.exp %neg3A_167 : vector<64x1xf32>
    %log1p3A_169 = math.log1p %exp3A_168 : vector<64x1xf32>
    %add3A_170 = arith.addf %max3A_163, %log1p3A_169 : vector<64x1xf32>
    %reduce_sum3A_171 = vector.shape_cast %add3A_170 : vector<64x1xf32> to vector<1x64x1xf32>
    %reduce_sum3A_172 = arith.constant dense<0.000000e+00> : vector<1xf32>
    %reduce_sum3A_173 = vector.multi_reduction <add>, %reduce_sum3A_171, %reduce_sum3A_172 [1, 2] : vector<1x64x1xf32> to vector<1xf32>
    %reduce_sum3A_174 = vector.shape_cast %reduce_sum3A_173 : vector<1xf32> to vector<1x1x1xf32>
    %reduce_sum3A_175 = vector.extract %reduce_sum3A_174[0, 0, 0] : f32 from vector<1x1x1xf32>
    %add3A_176 = arith.addf %add3A_157, %reduce_sum3A_175 : f32
    %get3A_177 = arith.constant 2 : index
    %get3A_178 = memref.load %arg4[%get3A_177] : memref<3xf32, #tpu.memory_space<smem>>
    %add3A_179 = arith.addf %get3A_178, %add3A_176 : f32
    %swap3A_180 = arith.constant 2 : index
    %swap3A_181 = memref.load %arg4[%swap3A_180] : memref<3xf32, #tpu.memory_space<smem>>
    memref.store %add3A_179, %arg4[%swap3A_180] : memref<3xf32, #tpu.memory_space<smem>>
    return
  }
  func.func @transform_0(%arg0: i32) -> (i32, i32) {
    %c0_i32 = arith.constant 0 : i32
    %c0_i32_0 = arith.constant 0 : i32
    return %arg0, %c0_i32 : i32, i32
  }
  func.func @transform_1(%arg0: i32) -> (i32, i32) {
    %c0_i32 = arith.constant 0 : i32
    %c0_i32_0 = arith.constant 0 : i32
    return %arg0, %c0_i32 : i32, i32
  }
  func.func @transform_2(%arg0: i32) -> (i32, i32) {
    %c0_i32 = arith.constant 0 : i32
    %c0_i32_0 = arith.constant 0 : i32
    return %arg0, %c0_i32 : i32, i32
  }
  func.func @transform_3(%arg0: i32) -> i32 {
    %c0_i32 = arith.constant 0 : i32
    %c0_i32_0 = arith.constant 0 : i32
    return %c0_i32 : i32
  }
}

module attributes {stable_mosaic.version = 14 : i64} {
  func.func @_final_kernel(%arg0: memref<3x88x5120xf32, #tpu.memory_space<vmem>>, %arg1: memref<3x8x5120xf32, #tpu.memory_space<vmem>>, %arg2: memref<3x5120xi32, #tpu.memory_space<vmem>>, %arg3: memref<3xf32, #tpu.memory_space<smem>>, %arg4: memref<1xf32, #tpu.memory_space<smem>>) attributes {dimension_semantics = [], scalar_prefetch = 0 : i64, scratch_operands = 0 : i64, tpu.core_type = #tpu.core_type<tc>} {
    %iota3A = tpu.iota {dimensions = array<i32: 1>} : vector<1x5120xi32>
    %iota3A_0 = tpu.iota {dimensions = array<i32: 0>} : vector<80x5120xi32>
    %get3A = arith.constant 0 : index
    %get3A_1 = arith.constant 0 : index
    %get3A_2 = arith.constant 0 : index
    %get3A_3 = vector.load %arg1[%get3A, %get3A_1, %get3A_2] : memref<3x8x5120xf32, #tpu.memory_space<vmem>>, vector<1x1x5120xf32>
    %get3A_4 = vector.shape_cast %get3A_3 : vector<1x1x5120xf32> to vector<1x5120xf32>
    %get3A_5 = arith.constant 0 : index
    %get3A_6 = arith.constant 1 : index
    %get3A_7 = arith.constant 0 : index
    %get3A_8 = vector.load %arg1[%get3A_5, %get3A_6, %get3A_7] : memref<3x8x5120xf32, #tpu.memory_space<vmem>>, vector<1x1x5120xf32>
    %get3A_9 = vector.shape_cast %get3A_8 : vector<1x1x5120xf32> to vector<1x5120xf32>
    %get3A_10 = arith.constant 0 : index
    %get3A_11 = arith.constant 2 : index
    %get3A_12 = arith.constant 0 : index
    %get3A_13 = vector.load %arg1[%get3A_10, %get3A_11, %get3A_12] : memref<3x8x5120xf32, #tpu.memory_space<vmem>>, vector<1x1x5120xf32>
    %get3A_14 = vector.shape_cast %get3A_13 : vector<1x1x5120xf32> to vector<1x5120xf32>
    %get3A_15 = arith.constant 0 : index
    %get3A_16 = arith.constant 3 : index
    %get3A_17 = arith.constant 0 : index
    %get3A_18 = vector.load %arg1[%get3A_15, %get3A_16, %get3A_17] : memref<3x8x5120xf32, #tpu.memory_space<vmem>>, vector<1x1x5120xf32>
    %get3A_19 = vector.shape_cast %get3A_18 : vector<1x1x5120xf32> to vector<1x5120xf32>
    %get3A_20 = arith.constant 0 : index
    %get3A_21 = arith.constant 4 : index
    %get3A_22 = arith.constant 0 : index
    %get3A_23 = vector.load %arg1[%get3A_20, %get3A_21, %get3A_22] : memref<3x8x5120xf32, #tpu.memory_space<vmem>>, vector<1x1x5120xf32>
    %get3A_24 = vector.shape_cast %get3A_23 : vector<1x1x5120xf32> to vector<1x5120xf32>
    %get3A_25 = arith.constant 0 : index
    %get3A_26 = arith.constant 5 : index
    %get3A_27 = arith.constant 0 : index
    %get3A_28 = vector.load %arg1[%get3A_25, %get3A_26, %get3A_27] : memref<3x8x5120xf32, #tpu.memory_space<vmem>>, vector<1x1x5120xf32>
    %get3A_29 = vector.shape_cast %get3A_28 : vector<1x1x5120xf32> to vector<1x5120xf32>
    %get3A_30 = arith.constant 0 : index
    %get3A_31 = arith.constant 6 : index
    %get3A_32 = arith.constant 0 : index
    %get3A_33 = vector.load %arg1[%get3A_30, %get3A_31, %get3A_32] : memref<3x8x5120xf32, #tpu.memory_space<vmem>>, vector<1x1x5120xf32>
    %get3A_34 = vector.shape_cast %get3A_33 : vector<1x1x5120xf32> to vector<1x5120xf32>
    %get3A_35 = arith.constant 0 : index
    %get3A_36 = arith.constant 7 : index
    %get3A_37 = arith.constant 0 : index
    %get3A_38 = vector.load %arg1[%get3A_35, %get3A_36, %get3A_37] : memref<3x8x5120xf32, #tpu.memory_space<vmem>>, vector<1x1x5120xf32>
    %get3A_39 = vector.shape_cast %get3A_38 : vector<1x1x5120xf32> to vector<1x5120xf32>
    %get3A_40 = arith.constant 0 : index
    %get3A_41 = arith.constant 0 : index
    %get3A_42 = arith.constant 0 : index
    %get3A_43 = vector.load %arg0[%get3A_40, %get3A_41, %get3A_42] : memref<3x88x5120xf32, #tpu.memory_space<vmem>>, vector<1x1x5120xf32>
    %get3A_44 = vector.shape_cast %get3A_43 : vector<1x1x5120xf32> to vector<1x5120xf32>
    %logistic3A = arith.negf %get3A_44 : vector<1x5120xf32>
    %logistic3A_45 = math.exp %logistic3A : vector<1x5120xf32>
    %logistic3A_46 = arith.constant 1.000000e+00 : f32
    %logistic3A_47 = vector.broadcast %logistic3A_46 : f32 to vector<1x5120xf32>
    %logistic3A_48 = arith.addf %logistic3A_47, %logistic3A_45 : vector<1x5120xf32>
    %logistic3A_49 = arith.divf %logistic3A_47, %logistic3A_48 : vector<1x5120xf32>
    %mul3A = arith.constant 2.000000e+00 : f32
    %mul3A_50 = vector.broadcast %mul3A : f32 to vector<1x5120xf32>
    %mul3A_51 = arith.mulf %logistic3A_49, %mul3A_50 : vector<1x5120xf32>
    %sub3A = arith.constant 5.000000e-01 : f32
    %sub3A_52 = vector.broadcast %sub3A : f32 to vector<1x5120xf32>
    %sub3A_53 = arith.subf %mul3A_51, %sub3A_52 : vector<1x5120xf32>
    %get3A_54 = arith.constant 0 : index
    %get3A_55 = arith.constant 1 : index
    %get3A_56 = arith.constant 0 : index
    %get3A_57 = vector.load %arg0[%get3A_54, %get3A_55, %get3A_56] : memref<3x88x5120xf32, #tpu.memory_space<vmem>>, vector<1x1x5120xf32>
    %get3A_58 = vector.shape_cast %get3A_57 : vector<1x1x5120xf32> to vector<1x5120xf32>
    %logistic3A_59 = arith.negf %get3A_58 : vector<1x5120xf32>
    %logistic3A_60 = math.exp %logistic3A_59 : vector<1x5120xf32>
    %logistic3A_61 = arith.constant 1.000000e+00 : f32
    %logistic3A_62 = vector.broadcast %logistic3A_61 : f32 to vector<1x5120xf32>
    %logistic3A_63 = arith.addf %logistic3A_62, %logistic3A_60 : vector<1x5120xf32>
    %logistic3A_64 = arith.divf %logistic3A_62, %logistic3A_63 : vector<1x5120xf32>
    %mul3A_65 = arith.constant 2.000000e+00 : f32
    %mul3A_66 = vector.broadcast %mul3A_65 : f32 to vector<1x5120xf32>
    %mul3A_67 = arith.mulf %logistic3A_64, %mul3A_66 : vector<1x5120xf32>
    %sub3A_68 = arith.constant 5.000000e-01 : f32
    %sub3A_69 = vector.broadcast %sub3A_68 : f32 to vector<1x5120xf32>
    %sub3A_70 = arith.subf %mul3A_67, %sub3A_69 : vector<1x5120xf32>
    %get3A_71 = arith.constant 0 : index
    %get3A_72 = arith.constant 2 : index
    %get3A_73 = arith.constant 0 : index
    %get3A_74 = vector.load %arg0[%get3A_71, %get3A_72, %get3A_73] : memref<3x88x5120xf32, #tpu.memory_space<vmem>>, vector<1x1x5120xf32>
    %get3A_75 = vector.shape_cast %get3A_74 : vector<1x1x5120xf32> to vector<1x5120xf32>
    %logistic3A_76 = arith.negf %get3A_75 : vector<1x5120xf32>
    %logistic3A_77 = math.exp %logistic3A_76 : vector<1x5120xf32>
    %logistic3A_78 = arith.constant 1.000000e+00 : f32
    %logistic3A_79 = vector.broadcast %logistic3A_78 : f32 to vector<1x5120xf32>
    %logistic3A_80 = arith.addf %logistic3A_79, %logistic3A_77 : vector<1x5120xf32>
    %logistic3A_81 = arith.divf %logistic3A_79, %logistic3A_80 : vector<1x5120xf32>
    %mul3A_82 = arith.constant 2.000000e+00 : f32
    %mul3A_83 = vector.broadcast %mul3A_82 : f32 to vector<1x5120xf32>
    %mul3A_84 = arith.mulf %logistic3A_81, %mul3A_83 : vector<1x5120xf32>
    %square3A = arith.mulf %mul3A_84, %mul3A_84 : vector<1x5120xf32>
    %mul3A_85 = arith.mulf %square3A, %get3A_29 : vector<1x5120xf32>
    %get3A_86 = arith.constant 0 : index
    %get3A_87 = arith.constant 3 : index
    %get3A_88 = arith.constant 0 : index
    %get3A_89 = vector.load %arg0[%get3A_86, %get3A_87, %get3A_88] : memref<3x88x5120xf32, #tpu.memory_space<vmem>>, vector<1x1x5120xf32>
    %get3A_90 = vector.shape_cast %get3A_89 : vector<1x1x5120xf32> to vector<1x5120xf32>
    %logistic3A_91 = arith.negf %get3A_90 : vector<1x5120xf32>
    %logistic3A_92 = math.exp %logistic3A_91 : vector<1x5120xf32>
    %logistic3A_93 = arith.constant 1.000000e+00 : f32
    %logistic3A_94 = vector.broadcast %logistic3A_93 : f32 to vector<1x5120xf32>
    %logistic3A_95 = arith.addf %logistic3A_94, %logistic3A_92 : vector<1x5120xf32>
    %logistic3A_96 = arith.divf %logistic3A_94, %logistic3A_95 : vector<1x5120xf32>
    %mul3A_97 = arith.constant 2.000000e+00 : f32
    %mul3A_98 = vector.broadcast %mul3A_97 : f32 to vector<1x5120xf32>
    %mul3A_99 = arith.mulf %logistic3A_96, %mul3A_98 : vector<1x5120xf32>
    %square3A_100 = arith.mulf %mul3A_99, %mul3A_99 : vector<1x5120xf32>
    %mul3A_101 = arith.mulf %square3A_100, %get3A_34 : vector<1x5120xf32>
    %sub3A_102 = arith.constant 1.000000e+00 : f32
    %sub3A_103 = vector.broadcast %sub3A_102 : f32 to vector<1x5120xf32>
    %sub3A_104 = arith.subf %mul3A_85, %sub3A_103 : vector<1x5120xf32>
    %div3A = arith.constant 2.000000e+00 : f32
    %div3A_105 = vector.broadcast %div3A : f32 to vector<1x5120xf32>
    %div3A_106 = arith.divf %sub3A_104, %div3A_105 : vector<1x5120xf32>
    %sub3A_107 = arith.subf %sub3A_53, %div3A_106 : vector<1x5120xf32>
    %sub3A_108 = arith.constant 1.000000e+00 : f32
    %sub3A_109 = vector.broadcast %sub3A_108 : f32 to vector<1x5120xf32>
    %sub3A_110 = arith.subf %mul3A_85, %sub3A_109 : vector<1x5120xf32>
    %div3A_111 = arith.constant 2.000000e+00 : f32
    %div3A_112 = vector.broadcast %div3A_111 : f32 to vector<1x5120xf32>
    %div3A_113 = arith.divf %sub3A_110, %div3A_112 : vector<1x5120xf32>
    %add3A = arith.addf %sub3A_53, %div3A_113 : vector<1x5120xf32>
    %sub3A_114 = arith.constant 1.000000e+00 : f32
    %sub3A_115 = vector.broadcast %sub3A_114 : f32 to vector<1x5120xf32>
    %sub3A_116 = arith.subf %mul3A_101, %sub3A_115 : vector<1x5120xf32>
    %div3A_117 = arith.constant 2.000000e+00 : f32
    %div3A_118 = vector.broadcast %div3A_117 : f32 to vector<1x5120xf32>
    %div3A_119 = arith.divf %sub3A_116, %div3A_118 : vector<1x5120xf32>
    %sub3A_120 = arith.subf %sub3A_70, %div3A_119 : vector<1x5120xf32>
    %sub3A_121 = arith.constant 1.000000e+00 : f32
    %sub3A_122 = vector.broadcast %sub3A_121 : f32 to vector<1x5120xf32>
    %sub3A_123 = arith.subf %mul3A_101, %sub3A_122 : vector<1x5120xf32>
    %div3A_124 = arith.constant 2.000000e+00 : f32
    %div3A_125 = vector.broadcast %div3A_124 : f32 to vector<1x5120xf32>
    %div3A_126 = arith.divf %sub3A_123, %div3A_125 : vector<1x5120xf32>
    %add3A_127 = arith.addf %sub3A_70, %div3A_126 : vector<1x5120xf32>
    %sub3A_128 = arith.constant 1.000000e+00 : f32
    %sub3A_129 = vector.broadcast %sub3A_128 : f32 to vector<1x5120xf32>
    %sub3A_130 = arith.subf %get3A_19, %sub3A_129 : vector<1x5120xf32>
    %div3A_131 = arith.constant 2.000000e+00 : f32
    %div3A_132 = vector.broadcast %div3A_131 : f32 to vector<1x5120xf32>
    %div3A_133 = arith.divf %sub3A_130, %div3A_132 : vector<1x5120xf32>
    %sub3A_134 = arith.subf %get3A_9, %div3A_133 : vector<1x5120xf32>
    %sub3A_135 = arith.constant 1.000000e+00 : f32
    %sub3A_136 = vector.broadcast %sub3A_135 : f32 to vector<1x5120xf32>
    %sub3A_137 = arith.subf %get3A_19, %sub3A_136 : vector<1x5120xf32>
    %div3A_138 = arith.constant 2.000000e+00 : f32
    %div3A_139 = vector.broadcast %div3A_138 : f32 to vector<1x5120xf32>
    %div3A_140 = arith.divf %sub3A_137, %div3A_139 : vector<1x5120xf32>
    %add3A_141 = arith.addf %get3A_9, %div3A_140 : vector<1x5120xf32>
    %sub3A_142 = arith.constant 1.000000e+00 : f32
    %sub3A_143 = vector.broadcast %sub3A_142 : f32 to vector<1x5120xf32>
    %sub3A_144 = arith.subf %get3A_24, %sub3A_143 : vector<1x5120xf32>
    %div3A_145 = arith.constant 2.000000e+00 : f32
    %div3A_146 = vector.broadcast %div3A_145 : f32 to vector<1x5120xf32>
    %div3A_147 = arith.divf %sub3A_144, %div3A_146 : vector<1x5120xf32>
    %sub3A_148 = arith.subf %get3A_14, %div3A_147 : vector<1x5120xf32>
    %sub3A_149 = arith.constant 1.000000e+00 : f32
    %sub3A_150 = vector.broadcast %sub3A_149 : f32 to vector<1x5120xf32>
    %sub3A_151 = arith.subf %get3A_24, %sub3A_150 : vector<1x5120xf32>
    %div3A_152 = arith.constant 2.000000e+00 : f32
    %div3A_153 = vector.broadcast %div3A_152 : f32 to vector<1x5120xf32>
    %div3A_154 = arith.divf %sub3A_151, %div3A_153 : vector<1x5120xf32>
    %add3A_155 = arith.addf %get3A_14, %div3A_154 : vector<1x5120xf32>
    %min3A = arith.minimumf %add3A, %add3A_141 : vector<1x5120xf32>
    %max3A = arith.maximumf %sub3A_107, %sub3A_134 : vector<1x5120xf32>
    %sub3A_156 = arith.subf %min3A, %max3A : vector<1x5120xf32>
    %add3A_157 = arith.constant 1.000000e+00 : f32
    %add3A_158 = vector.broadcast %add3A_157 : f32 to vector<1x5120xf32>
    %add3A_159 = arith.addf %sub3A_156, %add3A_158 : vector<1x5120xf32>
    %jit3A = arith.constant 0.000000e+00 : f32
    %max3A_160 = vector.broadcast %jit3A : f32 to vector<1x5120xf32>
    %max3A_161 = arith.maximumf %max3A_160, %add3A_159 : vector<1x5120xf32>
    %min3A_162 = arith.minimumf %add3A_127, %add3A_155 : vector<1x5120xf32>
    %max3A_163 = arith.maximumf %sub3A_120, %sub3A_148 : vector<1x5120xf32>
    %sub3A_164 = arith.subf %min3A_162, %max3A_163 : vector<1x5120xf32>
    %add3A_165 = arith.constant 1.000000e+00 : f32
    %add3A_166 = vector.broadcast %add3A_165 : f32 to vector<1x5120xf32>
    %add3A_167 = arith.addf %sub3A_164, %add3A_166 : vector<1x5120xf32>
    %jit3A_168 = arith.constant 0.000000e+00 : f32
    %max3A_169 = vector.broadcast %jit3A_168 : f32 to vector<1x5120xf32>
    %max3A_170 = arith.maximumf %max3A_169, %add3A_167 : vector<1x5120xf32>
    %mul3A_171 = arith.mulf %max3A_161, %max3A_170 : vector<1x5120xf32>
    %mul3A_172 = arith.mulf %mul3A_85, %mul3A_101 : vector<1x5120xf32>
    %mul3A_173 = arith.mulf %get3A_19, %get3A_24 : vector<1x5120xf32>
    %add3A_174 = arith.addf %mul3A_172, %mul3A_173 : vector<1x5120xf32>
    %sub3A_175 = arith.subf %add3A_174, %mul3A_171 : vector<1x5120xf32>
    %div3A_176 = arith.divf %mul3A_171, %sub3A_175 : vector<1x5120xf32>
    %max3A_177 = arith.maximumf %add3A, %add3A_141 : vector<1x5120xf32>
    %min3A_178 = arith.minimumf %sub3A_107, %sub3A_134 : vector<1x5120xf32>
    %sub3A_179 = arith.subf %max3A_177, %min3A_178 : vector<1x5120xf32>
    %add3A_180 = arith.constant 1.000000e+00 : f32
    %add3A_181 = vector.broadcast %add3A_180 : f32 to vector<1x5120xf32>
    %add3A_182 = arith.addf %sub3A_179, %add3A_181 : vector<1x5120xf32>
    %max3A_183 = arith.maximumf %add3A_127, %add3A_155 : vector<1x5120xf32>
    %min3A_184 = arith.minimumf %sub3A_120, %sub3A_148 : vector<1x5120xf32>
    %sub3A_185 = arith.subf %max3A_183, %min3A_184 : vector<1x5120xf32>
    %add3A_186 = arith.constant 1.000000e+00 : f32
    %add3A_187 = vector.broadcast %add3A_186 : f32 to vector<1x5120xf32>
    %add3A_188 = arith.addf %sub3A_185, %add3A_187 : vector<1x5120xf32>
    %mul3A_189 = arith.mulf %add3A_182, %add3A_188 : vector<1x5120xf32>
    %sub3A_190 = arith.subf %mul3A_189, %sub3A_175 : vector<1x5120xf32>
    %div3A_191 = arith.divf %sub3A_190, %mul3A_189 : vector<1x5120xf32>
    %sub3A_192 = arith.subf %div3A_176, %div3A_191 : vector<1x5120xf32>
    %reduce_sum3A = vector.shape_cast %get3A_4 : vector<1x5120xf32> to vector<1x1x5120xf32>
    %reduce_sum3A_193 = arith.constant dense<0.000000e+00> : vector<1xf32>
    %reduce_sum3A_194 = vector.multi_reduction <add>, %reduce_sum3A, %reduce_sum3A_193 [1, 2] : vector<1x1x5120xf32> to vector<1xf32>
    %reduce_sum3A_195 = vector.shape_cast %reduce_sum3A_194 : vector<1xf32> to vector<1x1x1xf32>
    %reduce_sum3A_196 = vector.extract %reduce_sum3A_195[0, 0, 0] : f32 from vector<1x1x1xf32>
    %sub3A_197 = arith.constant 1.000000e+00 : f32
    %sub3A_198 = vector.broadcast %sub3A_197 : f32 to vector<1x5120xf32>
    %sub3A_199 = arith.subf %sub3A_198, %sub3A_192 : vector<1x5120xf32>
    %mul3A_200 = arith.mulf %get3A_4, %sub3A_199 : vector<1x5120xf32>
    %reduce_sum3A_201 = vector.shape_cast %mul3A_200 : vector<1x5120xf32> to vector<1x1x5120xf32>
    %reduce_sum3A_202 = arith.constant dense<0.000000e+00> : vector<1xf32>
    %reduce_sum3A_203 = vector.multi_reduction <add>, %reduce_sum3A_201, %reduce_sum3A_202 [1, 2] : vector<1x1x5120xf32> to vector<1xf32>
    %reduce_sum3A_204 = vector.shape_cast %reduce_sum3A_203 : vector<1xf32> to vector<1x1x1xf32>
    %reduce_sum3A_205 = vector.extract %reduce_sum3A_204[0, 0, 0] : f32 from vector<1x1x1xf32>
    %gt3A = arith.constant 0.000000e+00 : f32
    %gt3A_206 = arith.cmpf ogt, %reduce_sum3A_196, %gt3A : f32
    %max3A_207 = arith.constant 1.000000e+00 : f32
    %max3A_208 = arith.maximumf %reduce_sum3A_196, %max3A_207 : f32
    %div3A_209 = arith.divf %reduce_sum3A_205, %max3A_208 : f32
    %jit3A_210 = arith.constant 0.000000e+00 : f32
    %select_n3A = arith.select %gt3A_206, %div3A_209, %jit3A_210 : f32
    %add3A_211 = arith.constant 0.000000e+00 : f32
    %add3A_212 = arith.addf %add3A_211, %select_n3A : f32
    %get3A_213 = arith.constant 0 : index
    %get3A_214 = arith.constant 4 : index
    %get3A_215 = arith.constant 0 : index
    %get3A_216 = vector.load %arg0[%get3A_213, %get3A_214, %get3A_215] : memref<3x88x5120xf32, #tpu.memory_space<vmem>>, vector<1x1x5120xf32>
    %get3A_217 = vector.shape_cast %get3A_216 : vector<1x1x5120xf32> to vector<1x5120xf32>
    %get3A_218 = arith.constant 0 : index
    %get3A_219 = arith.constant 0 : index
    %get3A_220 = vector.load %arg2[%get3A_218, %get3A_219] : memref<3x5120xi32, #tpu.memory_space<vmem>>, vector<1x5120xi32>
    %eq3A = arith.cmpi eq, %get3A_220, %iota3A : vector<1x5120xi32>
    %gt3A_221 = arith.constant 0.000000e+00 : f32
    %gt3A_222 = vector.broadcast %gt3A_221 : f32 to vector<1x5120xf32>
    %gt3A_223 = arith.cmpf ogt, %get3A_4, %gt3A_222 : vector<1x5120xf32>
    %and3A = arith.andi %eq3A, %gt3A_223 : vector<1x5120xi1>
    %convert_element_type3A = arith.extui %and3A : vector<1x5120xi1> to vector<1x5120xi32>
    %convert_element_type3A_224 = arith.sitofp %convert_element_type3A : vector<1x5120xi32> to vector<1x5120xf32>
    %mul3A_225 = arith.mulf %convert_element_type3A_224, %get3A_217 : vector<1x5120xf32>
    %jit3A_226 = arith.constant 0.000000e+00 : f32
    %max3A_227 = vector.broadcast %jit3A_226 : f32 to vector<1x5120xf32>
    %max3A_228 = arith.maximumf %max3A_227, %sub3A_192 : vector<1x5120xf32>
    %mul3A_229 = arith.mulf %mul3A_225, %max3A_228 : vector<1x5120xf32>
    %reduce_sum3A_230 = vector.shape_cast %mul3A_229 : vector<1x5120xf32> to vector<1x1x5120xf32>
    %reduce_sum3A_231 = arith.constant dense<0.000000e+00> : vector<1xf32>
    %reduce_sum3A_232 = vector.multi_reduction <add>, %reduce_sum3A_230, %reduce_sum3A_231 [1, 2] : vector<1x1x5120xf32> to vector<1xf32>
    %reduce_sum3A_233 = vector.shape_cast %reduce_sum3A_232 : vector<1xf32> to vector<1x1x1xf32>
    %reduce_sum3A_234 = vector.extract %reduce_sum3A_233[0, 0, 0] : f32 from vector<1x1x1xf32>
    %get3A_235 = arith.constant 0 : index
    %get3A_236 = memref.load %arg3[%get3A_235] : memref<3xf32, #tpu.memory_space<smem>>
    %sub3A_237 = arith.subf %get3A_236, %reduce_sum3A_234 : f32
    %div3A_238 = arith.constant 3.072000e+05 : f32
    %div3A_239 = arith.divf %sub3A_237, %div3A_238 : f32
    %mul3A_240 = arith.constant 4.000000e+00 : f32
    %mul3A_241 = arith.mulf %div3A_239, %mul3A_240 : f32
    %add3A_242 = arith.constant 0.000000e+00 : f32
    %add3A_243 = arith.addf %add3A_242, %mul3A_241 : f32
    %get3A_244 = arith.constant 0 : index
    %get3A_245 = arith.constant 5 : index
    %get3A_246 = arith.constant 0 : index
    %get3A_247 = vector.load %arg0[%get3A_244, %get3A_245, %get3A_246] : memref<3x88x5120xf32, #tpu.memory_space<vmem>>, vector<1x80x5120xf32>
    %get3A_248 = vector.shape_cast %get3A_247 : vector<1x80x5120xf32> to vector<80x5120xf32>
    %convert_element_type3A_249 = arith.fptosi %get3A_39 : vector<1x5120xf32> to vector<1x5120xi32>
    %eq3A_250 = vector.broadcast %convert_element_type3A_249 : vector<1x5120xi32> to vector<80x5120xi32>
    %eq3A_251 = arith.cmpi eq, %iota3A_0, %eq3A_250 : vector<80x5120xi32>
    %convert_element_type3A_252 = arith.extui %eq3A_251 : vector<80x5120xi1> to vector<80x5120xi32>
    %convert_element_type3A_253 = arith.sitofp %convert_element_type3A_252 : vector<80x5120xi32> to vector<80x5120xf32>
    %max3A_254 = arith.constant 0.000000e+00 : f32
    %max3A_255 = vector.broadcast %max3A_254 : f32 to vector<80x5120xf32>
    %max3A_256 = arith.maximumf %get3A_248, %max3A_255 : vector<80x5120xf32>
    %mul3A_257 = arith.mulf %get3A_248, %convert_element_type3A_253 : vector<80x5120xf32>
    %sub3A_258 = arith.subf %max3A_256, %mul3A_257 : vector<80x5120xf32>
    %abs3A = math.absf %get3A_248 : vector<80x5120xf32>
    %neg3A = arith.constant 0.000000e+00 : f32
    %neg3A_259 = vector.broadcast %neg3A : f32 to vector<80x5120xf32>
    %neg3A_260 = arith.subf %neg3A_259, %abs3A : vector<80x5120xf32>
    %exp3A = math.exp %neg3A_260 : vector<80x5120xf32>
    %log1p3A = math.log1p %exp3A : vector<80x5120xf32>
    %add3A_261 = arith.addf %sub3A_258, %log1p3A : vector<80x5120xf32>
    %mul3A_262 = vector.broadcast %get3A_4 : vector<1x5120xf32> to vector<80x5120xf32>
    %mul3A_263 = arith.mulf %add3A_261, %mul3A_262 : vector<80x5120xf32>
    %reduce_sum3A_264 = vector.shape_cast %mul3A_263 : vector<80x5120xf32> to vector<1x80x5120xf32>
    %reduce_sum3A_265 = arith.constant dense<0.000000e+00> : vector<1xf32>
    %reduce_sum3A_266 = vector.multi_reduction <add>, %reduce_sum3A_264, %reduce_sum3A_265 [1, 2] : vector<1x80x5120xf32> to vector<1xf32>
    %reduce_sum3A_267 = vector.shape_cast %reduce_sum3A_266 : vector<1xf32> to vector<1x1x1xf32>
    %reduce_sum3A_268 = vector.extract %reduce_sum3A_267[0, 0, 0] : f32 from vector<1x1x1xf32>
    %gt3A_269 = arith.constant 0.000000e+00 : f32
    %gt3A_270 = arith.cmpf ogt, %reduce_sum3A_196, %gt3A_269 : f32
    %max3A_271 = arith.constant 1.000000e+00 : f32
    %max3A_272 = arith.maximumf %reduce_sum3A_196, %max3A_271 : f32
    %mul3A_273 = arith.constant 8.000000e+01 : f32
    %mul3A_274 = arith.mulf %max3A_272, %mul3A_273 : f32
    %div3A_275 = arith.divf %reduce_sum3A_268, %mul3A_274 : f32
    %jit3A_276 = arith.constant 0.000000e+00 : f32
    %select_n3A_277 = arith.select %gt3A_270, %div3A_275, %jit3A_276 : f32
    %add3A_278 = arith.constant 0.000000e+00 : f32
    %add3A_279 = arith.addf %add3A_278, %select_n3A_277 : f32
    %get3A_280 = arith.constant 1 : index
    %get3A_281 = arith.constant 0 : index
    %get3A_282 = arith.constant 0 : index
    %get3A_283 = vector.load %arg1[%get3A_280, %get3A_281, %get3A_282] : memref<3x8x5120xf32, #tpu.memory_space<vmem>>, vector<1x1x5120xf32>
    %get3A_284 = vector.shape_cast %get3A_283 : vector<1x1x5120xf32> to vector<1x5120xf32>
    %get3A_285 = arith.constant 1 : index
    %get3A_286 = arith.constant 1 : index
    %get3A_287 = arith.constant 0 : index
    %get3A_288 = vector.load %arg1[%get3A_285, %get3A_286, %get3A_287] : memref<3x8x5120xf32, #tpu.memory_space<vmem>>, vector<1x1x5120xf32>
    %get3A_289 = vector.shape_cast %get3A_288 : vector<1x1x5120xf32> to vector<1x5120xf32>
    %get3A_290 = arith.constant 1 : index
    %get3A_291 = arith.constant 2 : index
    %get3A_292 = arith.constant 0 : index
    %get3A_293 = vector.load %arg1[%get3A_290, %get3A_291, %get3A_292] : memref<3x8x5120xf32, #tpu.memory_space<vmem>>, vector<1x1x5120xf32>
    %get3A_294 = vector.shape_cast %get3A_293 : vector<1x1x5120xf32> to vector<1x5120xf32>
    %get3A_295 = arith.constant 1 : index
    %get3A_296 = arith.constant 3 : index
    %get3A_297 = arith.constant 0 : index
    %get3A_298 = vector.load %arg1[%get3A_295, %get3A_296, %get3A_297] : memref<3x8x5120xf32, #tpu.memory_space<vmem>>, vector<1x1x5120xf32>
    %get3A_299 = vector.shape_cast %get3A_298 : vector<1x1x5120xf32> to vector<1x5120xf32>
    %get3A_300 = arith.constant 1 : index
    %get3A_301 = arith.constant 4 : index
    %get3A_302 = arith.constant 0 : index
    %get3A_303 = vector.load %arg1[%get3A_300, %get3A_301, %get3A_302] : memref<3x8x5120xf32, #tpu.memory_space<vmem>>, vector<1x1x5120xf32>
    %get3A_304 = vector.shape_cast %get3A_303 : vector<1x1x5120xf32> to vector<1x5120xf32>
    %get3A_305 = arith.constant 1 : index
    %get3A_306 = arith.constant 5 : index
    %get3A_307 = arith.constant 0 : index
    %get3A_308 = vector.load %arg1[%get3A_305, %get3A_306, %get3A_307] : memref<3x8x5120xf32, #tpu.memory_space<vmem>>, vector<1x1x5120xf32>
    %get3A_309 = vector.shape_cast %get3A_308 : vector<1x1x5120xf32> to vector<1x5120xf32>
    %get3A_310 = arith.constant 1 : index
    %get3A_311 = arith.constant 6 : index
    %get3A_312 = arith.constant 0 : index
    %get3A_313 = vector.load %arg1[%get3A_310, %get3A_311, %get3A_312] : memref<3x8x5120xf32, #tpu.memory_space<vmem>>, vector<1x1x5120xf32>
    %get3A_314 = vector.shape_cast %get3A_313 : vector<1x1x5120xf32> to vector<1x5120xf32>
    %get3A_315 = arith.constant 1 : index
    %get3A_316 = arith.constant 7 : index
    %get3A_317 = arith.constant 0 : index
    %get3A_318 = vector.load %arg1[%get3A_315, %get3A_316, %get3A_317] : memref<3x8x5120xf32, #tpu.memory_space<vmem>>, vector<1x1x5120xf32>
    %get3A_319 = vector.shape_cast %get3A_318 : vector<1x1x5120xf32> to vector<1x5120xf32>
    %get3A_320 = arith.constant 1 : index
    %get3A_321 = arith.constant 0 : index
    %get3A_322 = arith.constant 0 : index
    %get3A_323 = vector.load %arg0[%get3A_320, %get3A_321, %get3A_322] : memref<3x88x5120xf32, #tpu.memory_space<vmem>>, vector<1x1x5120xf32>
    %get3A_324 = vector.shape_cast %get3A_323 : vector<1x1x5120xf32> to vector<1x5120xf32>
    %logistic3A_325 = arith.negf %get3A_324 : vector<1x5120xf32>
    %logistic3A_326 = math.exp %logistic3A_325 : vector<1x5120xf32>
    %logistic3A_327 = arith.constant 1.000000e+00 : f32
    %logistic3A_328 = vector.broadcast %logistic3A_327 : f32 to vector<1x5120xf32>
    %logistic3A_329 = arith.addf %logistic3A_328, %logistic3A_326 : vector<1x5120xf32>
    %logistic3A_330 = arith.divf %logistic3A_328, %logistic3A_329 : vector<1x5120xf32>
    %mul3A_331 = arith.constant 2.000000e+00 : f32
    %mul3A_332 = vector.broadcast %mul3A_331 : f32 to vector<1x5120xf32>
    %mul3A_333 = arith.mulf %logistic3A_330, %mul3A_332 : vector<1x5120xf32>
    %sub3A_334 = arith.constant 5.000000e-01 : f32
    %sub3A_335 = vector.broadcast %sub3A_334 : f32 to vector<1x5120xf32>
    %sub3A_336 = arith.subf %mul3A_333, %sub3A_335 : vector<1x5120xf32>
    %get3A_337 = arith.constant 1 : index
    %get3A_338 = arith.constant 1 : index
    %get3A_339 = arith.constant 0 : index
    %get3A_340 = vector.load %arg0[%get3A_337, %get3A_338, %get3A_339] : memref<3x88x5120xf32, #tpu.memory_space<vmem>>, vector<1x1x5120xf32>
    %get3A_341 = vector.shape_cast %get3A_340 : vector<1x1x5120xf32> to vector<1x5120xf32>
    %logistic3A_342 = arith.negf %get3A_341 : vector<1x5120xf32>
    %logistic3A_343 = math.exp %logistic3A_342 : vector<1x5120xf32>
    %logistic3A_344 = arith.constant 1.000000e+00 : f32
    %logistic3A_345 = vector.broadcast %logistic3A_344 : f32 to vector<1x5120xf32>
    %logistic3A_346 = arith.addf %logistic3A_345, %logistic3A_343 : vector<1x5120xf32>
    %logistic3A_347 = arith.divf %logistic3A_345, %logistic3A_346 : vector<1x5120xf32>
    %mul3A_348 = arith.constant 2.000000e+00 : f32
    %mul3A_349 = vector.broadcast %mul3A_348 : f32 to vector<1x5120xf32>
    %mul3A_350 = arith.mulf %logistic3A_347, %mul3A_349 : vector<1x5120xf32>
    %sub3A_351 = arith.constant 5.000000e-01 : f32
    %sub3A_352 = vector.broadcast %sub3A_351 : f32 to vector<1x5120xf32>
    %sub3A_353 = arith.subf %mul3A_350, %sub3A_352 : vector<1x5120xf32>
    %get3A_354 = arith.constant 1 : index
    %get3A_355 = arith.constant 2 : index
    %get3A_356 = arith.constant 0 : index
    %get3A_357 = vector.load %arg0[%get3A_354, %get3A_355, %get3A_356] : memref<3x88x5120xf32, #tpu.memory_space<vmem>>, vector<1x1x5120xf32>
    %get3A_358 = vector.shape_cast %get3A_357 : vector<1x1x5120xf32> to vector<1x5120xf32>
    %logistic3A_359 = arith.negf %get3A_358 : vector<1x5120xf32>
    %logistic3A_360 = math.exp %logistic3A_359 : vector<1x5120xf32>
    %logistic3A_361 = arith.constant 1.000000e+00 : f32
    %logistic3A_362 = vector.broadcast %logistic3A_361 : f32 to vector<1x5120xf32>
    %logistic3A_363 = arith.addf %logistic3A_362, %logistic3A_360 : vector<1x5120xf32>
    %logistic3A_364 = arith.divf %logistic3A_362, %logistic3A_363 : vector<1x5120xf32>
    %mul3A_365 = arith.constant 2.000000e+00 : f32
    %mul3A_366 = vector.broadcast %mul3A_365 : f32 to vector<1x5120xf32>
    %mul3A_367 = arith.mulf %logistic3A_364, %mul3A_366 : vector<1x5120xf32>
    %square3A_368 = arith.mulf %mul3A_367, %mul3A_367 : vector<1x5120xf32>
    %mul3A_369 = arith.mulf %square3A_368, %get3A_309 : vector<1x5120xf32>
    %get3A_370 = arith.constant 1 : index
    %get3A_371 = arith.constant 3 : index
    %get3A_372 = arith.constant 0 : index
    %get3A_373 = vector.load %arg0[%get3A_370, %get3A_371, %get3A_372] : memref<3x88x5120xf32, #tpu.memory_space<vmem>>, vector<1x1x5120xf32>
    %get3A_374 = vector.shape_cast %get3A_373 : vector<1x1x5120xf32> to vector<1x5120xf32>
    %logistic3A_375 = arith.negf %get3A_374 : vector<1x5120xf32>
    %logistic3A_376 = math.exp %logistic3A_375 : vector<1x5120xf32>
    %logistic3A_377 = arith.constant 1.000000e+00 : f32
    %logistic3A_378 = vector.broadcast %logistic3A_377 : f32 to vector<1x5120xf32>
    %logistic3A_379 = arith.addf %logistic3A_378, %logistic3A_376 : vector<1x5120xf32>
    %logistic3A_380 = arith.divf %logistic3A_378, %logistic3A_379 : vector<1x5120xf32>
    %mul3A_381 = arith.constant 2.000000e+00 : f32
    %mul3A_382 = vector.broadcast %mul3A_381 : f32 to vector<1x5120xf32>
    %mul3A_383 = arith.mulf %logistic3A_380, %mul3A_382 : vector<1x5120xf32>
    %square3A_384 = arith.mulf %mul3A_383, %mul3A_383 : vector<1x5120xf32>
    %mul3A_385 = arith.mulf %square3A_384, %get3A_314 : vector<1x5120xf32>
    %sub3A_386 = arith.constant 1.000000e+00 : f32
    %sub3A_387 = vector.broadcast %sub3A_386 : f32 to vector<1x5120xf32>
    %sub3A_388 = arith.subf %mul3A_369, %sub3A_387 : vector<1x5120xf32>
    %div3A_389 = arith.constant 2.000000e+00 : f32
    %div3A_390 = vector.broadcast %div3A_389 : f32 to vector<1x5120xf32>
    %div3A_391 = arith.divf %sub3A_388, %div3A_390 : vector<1x5120xf32>
    %sub3A_392 = arith.subf %sub3A_336, %div3A_391 : vector<1x5120xf32>
    %sub3A_393 = arith.constant 1.000000e+00 : f32
    %sub3A_394 = vector.broadcast %sub3A_393 : f32 to vector<1x5120xf32>
    %sub3A_395 = arith.subf %mul3A_369, %sub3A_394 : vector<1x5120xf32>
    %div3A_396 = arith.constant 2.000000e+00 : f32
    %div3A_397 = vector.broadcast %div3A_396 : f32 to vector<1x5120xf32>
    %div3A_398 = arith.divf %sub3A_395, %div3A_397 : vector<1x5120xf32>
    %add3A_399 = arith.addf %sub3A_336, %div3A_398 : vector<1x5120xf32>
    %sub3A_400 = arith.constant 1.000000e+00 : f32
    %sub3A_401 = vector.broadcast %sub3A_400 : f32 to vector<1x5120xf32>
    %sub3A_402 = arith.subf %mul3A_385, %sub3A_401 : vector<1x5120xf32>
    %div3A_403 = arith.constant 2.000000e+00 : f32
    %div3A_404 = vector.broadcast %div3A_403 : f32 to vector<1x5120xf32>
    %div3A_405 = arith.divf %sub3A_402, %div3A_404 : vector<1x5120xf32>
    %sub3A_406 = arith.subf %sub3A_353, %div3A_405 : vector<1x5120xf32>
    %sub3A_407 = arith.constant 1.000000e+00 : f32
    %sub3A_408 = vector.broadcast %sub3A_407 : f32 to vector<1x5120xf32>
    %sub3A_409 = arith.subf %mul3A_385, %sub3A_408 : vector<1x5120xf32>
    %div3A_410 = arith.constant 2.000000e+00 : f32
    %div3A_411 = vector.broadcast %div3A_410 : f32 to vector<1x5120xf32>
    %div3A_412 = arith.divf %sub3A_409, %div3A_411 : vector<1x5120xf32>
    %add3A_413 = arith.addf %sub3A_353, %div3A_412 : vector<1x5120xf32>
    %sub3A_414 = arith.constant 1.000000e+00 : f32
    %sub3A_415 = vector.broadcast %sub3A_414 : f32 to vector<1x5120xf32>
    %sub3A_416 = arith.subf %get3A_299, %sub3A_415 : vector<1x5120xf32>
    %div3A_417 = arith.constant 2.000000e+00 : f32
    %div3A_418 = vector.broadcast %div3A_417 : f32 to vector<1x5120xf32>
    %div3A_419 = arith.divf %sub3A_416, %div3A_418 : vector<1x5120xf32>
    %sub3A_420 = arith.subf %get3A_289, %div3A_419 : vector<1x5120xf32>
    %sub3A_421 = arith.constant 1.000000e+00 : f32
    %sub3A_422 = vector.broadcast %sub3A_421 : f32 to vector<1x5120xf32>
    %sub3A_423 = arith.subf %get3A_299, %sub3A_422 : vector<1x5120xf32>
    %div3A_424 = arith.constant 2.000000e+00 : f32
    %div3A_425 = vector.broadcast %div3A_424 : f32 to vector<1x5120xf32>
    %div3A_426 = arith.divf %sub3A_423, %div3A_425 : vector<1x5120xf32>
    %add3A_427 = arith.addf %get3A_289, %div3A_426 : vector<1x5120xf32>
    %sub3A_428 = arith.constant 1.000000e+00 : f32
    %sub3A_429 = vector.broadcast %sub3A_428 : f32 to vector<1x5120xf32>
    %sub3A_430 = arith.subf %get3A_304, %sub3A_429 : vector<1x5120xf32>
    %div3A_431 = arith.constant 2.000000e+00 : f32
    %div3A_432 = vector.broadcast %div3A_431 : f32 to vector<1x5120xf32>
    %div3A_433 = arith.divf %sub3A_430, %div3A_432 : vector<1x5120xf32>
    %sub3A_434 = arith.subf %get3A_294, %div3A_433 : vector<1x5120xf32>
    %sub3A_435 = arith.constant 1.000000e+00 : f32
    %sub3A_436 = vector.broadcast %sub3A_435 : f32 to vector<1x5120xf32>
    %sub3A_437 = arith.subf %get3A_304, %sub3A_436 : vector<1x5120xf32>
    %div3A_438 = arith.constant 2.000000e+00 : f32
    %div3A_439 = vector.broadcast %div3A_438 : f32 to vector<1x5120xf32>
    %div3A_440 = arith.divf %sub3A_437, %div3A_439 : vector<1x5120xf32>
    %add3A_441 = arith.addf %get3A_294, %div3A_440 : vector<1x5120xf32>
    %min3A_442 = arith.minimumf %add3A_399, %add3A_427 : vector<1x5120xf32>
    %max3A_443 = arith.maximumf %sub3A_392, %sub3A_420 : vector<1x5120xf32>
    %sub3A_444 = arith.subf %min3A_442, %max3A_443 : vector<1x5120xf32>
    %add3A_445 = arith.constant 1.000000e+00 : f32
    %add3A_446 = vector.broadcast %add3A_445 : f32 to vector<1x5120xf32>
    %add3A_447 = arith.addf %sub3A_444, %add3A_446 : vector<1x5120xf32>
    %jit3A_448 = arith.constant 0.000000e+00 : f32
    %max3A_449 = vector.broadcast %jit3A_448 : f32 to vector<1x5120xf32>
    %max3A_450 = arith.maximumf %max3A_449, %add3A_447 : vector<1x5120xf32>
    %min3A_451 = arith.minimumf %add3A_413, %add3A_441 : vector<1x5120xf32>
    %max3A_452 = arith.maximumf %sub3A_406, %sub3A_434 : vector<1x5120xf32>
    %sub3A_453 = arith.subf %min3A_451, %max3A_452 : vector<1x5120xf32>
    %add3A_454 = arith.constant 1.000000e+00 : f32
    %add3A_455 = vector.broadcast %add3A_454 : f32 to vector<1x5120xf32>
    %add3A_456 = arith.addf %sub3A_453, %add3A_455 : vector<1x5120xf32>
    %jit3A_457 = arith.constant 0.000000e+00 : f32
    %max3A_458 = vector.broadcast %jit3A_457 : f32 to vector<1x5120xf32>
    %max3A_459 = arith.maximumf %max3A_458, %add3A_456 : vector<1x5120xf32>
    %mul3A_460 = arith.mulf %max3A_450, %max3A_459 : vector<1x5120xf32>
    %mul3A_461 = arith.mulf %mul3A_369, %mul3A_385 : vector<1x5120xf32>
    %mul3A_462 = arith.mulf %get3A_299, %get3A_304 : vector<1x5120xf32>
    %add3A_463 = arith.addf %mul3A_461, %mul3A_462 : vector<1x5120xf32>
    %sub3A_464 = arith.subf %add3A_463, %mul3A_460 : vector<1x5120xf32>
    %div3A_465 = arith.divf %mul3A_460, %sub3A_464 : vector<1x5120xf32>
    %max3A_466 = arith.maximumf %add3A_399, %add3A_427 : vector<1x5120xf32>
    %min3A_467 = arith.minimumf %sub3A_392, %sub3A_420 : vector<1x5120xf32>
    %sub3A_468 = arith.subf %max3A_466, %min3A_467 : vector<1x5120xf32>
    %add3A_469 = arith.constant 1.000000e+00 : f32
    %add3A_470 = vector.broadcast %add3A_469 : f32 to vector<1x5120xf32>
    %add3A_471 = arith.addf %sub3A_468, %add3A_470 : vector<1x5120xf32>
    %max3A_472 = arith.maximumf %add3A_413, %add3A_441 : vector<1x5120xf32>
    %min3A_473 = arith.minimumf %sub3A_406, %sub3A_434 : vector<1x5120xf32>
    %sub3A_474 = arith.subf %max3A_472, %min3A_473 : vector<1x5120xf32>
    %add3A_475 = arith.constant 1.000000e+00 : f32
    %add3A_476 = vector.broadcast %add3A_475 : f32 to vector<1x5120xf32>
    %add3A_477 = arith.addf %sub3A_474, %add3A_476 : vector<1x5120xf32>
    %mul3A_478 = arith.mulf %add3A_471, %add3A_477 : vector<1x5120xf32>
    %sub3A_479 = arith.subf %mul3A_478, %sub3A_464 : vector<1x5120xf32>
    %div3A_480 = arith.divf %sub3A_479, %mul3A_478 : vector<1x5120xf32>
    %sub3A_481 = arith.subf %div3A_465, %div3A_480 : vector<1x5120xf32>
    %reduce_sum3A_482 = vector.shape_cast %get3A_284 : vector<1x5120xf32> to vector<1x1x5120xf32>
    %reduce_sum3A_483 = arith.constant dense<0.000000e+00> : vector<1xf32>
    %reduce_sum3A_484 = vector.multi_reduction <add>, %reduce_sum3A_482, %reduce_sum3A_483 [1, 2] : vector<1x1x5120xf32> to vector<1xf32>
    %reduce_sum3A_485 = vector.shape_cast %reduce_sum3A_484 : vector<1xf32> to vector<1x1x1xf32>
    %reduce_sum3A_486 = vector.extract %reduce_sum3A_485[0, 0, 0] : f32 from vector<1x1x1xf32>
    %sub3A_487 = arith.constant 1.000000e+00 : f32
    %sub3A_488 = vector.broadcast %sub3A_487 : f32 to vector<1x5120xf32>
    %sub3A_489 = arith.subf %sub3A_488, %sub3A_481 : vector<1x5120xf32>
    %mul3A_490 = arith.mulf %get3A_284, %sub3A_489 : vector<1x5120xf32>
    %reduce_sum3A_491 = vector.shape_cast %mul3A_490 : vector<1x5120xf32> to vector<1x1x5120xf32>
    %reduce_sum3A_492 = arith.constant dense<0.000000e+00> : vector<1xf32>
    %reduce_sum3A_493 = vector.multi_reduction <add>, %reduce_sum3A_491, %reduce_sum3A_492 [1, 2] : vector<1x1x5120xf32> to vector<1xf32>
    %reduce_sum3A_494 = vector.shape_cast %reduce_sum3A_493 : vector<1xf32> to vector<1x1x1xf32>
    %reduce_sum3A_495 = vector.extract %reduce_sum3A_494[0, 0, 0] : f32 from vector<1x1x1xf32>
    %gt3A_496 = arith.constant 0.000000e+00 : f32
    %gt3A_497 = arith.cmpf ogt, %reduce_sum3A_486, %gt3A_496 : f32
    %max3A_498 = arith.constant 1.000000e+00 : f32
    %max3A_499 = arith.maximumf %reduce_sum3A_486, %max3A_498 : f32
    %div3A_500 = arith.divf %reduce_sum3A_495, %max3A_499 : f32
    %jit3A_501 = arith.constant 0.000000e+00 : f32
    %select_n3A_502 = arith.select %gt3A_497, %div3A_500, %jit3A_501 : f32
    %add3A_503 = arith.addf %add3A_212, %select_n3A_502 : f32
    %get3A_504 = arith.constant 1 : index
    %get3A_505 = arith.constant 4 : index
    %get3A_506 = arith.constant 0 : index
    %get3A_507 = vector.load %arg0[%get3A_504, %get3A_505, %get3A_506] : memref<3x88x5120xf32, #tpu.memory_space<vmem>>, vector<1x1x5120xf32>
    %get3A_508 = vector.shape_cast %get3A_507 : vector<1x1x5120xf32> to vector<1x5120xf32>
    %get3A_509 = arith.constant 1 : index
    %get3A_510 = arith.constant 0 : index
    %get3A_511 = vector.load %arg2[%get3A_509, %get3A_510] : memref<3x5120xi32, #tpu.memory_space<vmem>>, vector<1x5120xi32>
    %eq3A_512 = arith.cmpi eq, %get3A_511, %iota3A : vector<1x5120xi32>
    %gt3A_513 = arith.constant 0.000000e+00 : f32
    %gt3A_514 = vector.broadcast %gt3A_513 : f32 to vector<1x5120xf32>
    %gt3A_515 = arith.cmpf ogt, %get3A_284, %gt3A_514 : vector<1x5120xf32>
    %and3A_516 = arith.andi %eq3A_512, %gt3A_515 : vector<1x5120xi1>
    %convert_element_type3A_517 = arith.extui %and3A_516 : vector<1x5120xi1> to vector<1x5120xi32>
    %convert_element_type3A_518 = arith.sitofp %convert_element_type3A_517 : vector<1x5120xi32> to vector<1x5120xf32>
    %mul3A_519 = arith.mulf %convert_element_type3A_518, %get3A_508 : vector<1x5120xf32>
    %jit3A_520 = arith.constant 0.000000e+00 : f32
    %max3A_521 = vector.broadcast %jit3A_520 : f32 to vector<1x5120xf32>
    %max3A_522 = arith.maximumf %max3A_521, %sub3A_481 : vector<1x5120xf32>
    %mul3A_523 = arith.mulf %mul3A_519, %max3A_522 : vector<1x5120xf32>
    %reduce_sum3A_524 = vector.shape_cast %mul3A_523 : vector<1x5120xf32> to vector<1x1x5120xf32>
    %reduce_sum3A_525 = arith.constant dense<0.000000e+00> : vector<1xf32>
    %reduce_sum3A_526 = vector.multi_reduction <add>, %reduce_sum3A_524, %reduce_sum3A_525 [1, 2] : vector<1x1x5120xf32> to vector<1xf32>
    %reduce_sum3A_527 = vector.shape_cast %reduce_sum3A_526 : vector<1xf32> to vector<1x1x1xf32>
    %reduce_sum3A_528 = vector.extract %reduce_sum3A_527[0, 0, 0] : f32 from vector<1x1x1xf32>
    %get3A_529 = arith.constant 1 : index
    %get3A_530 = memref.load %arg3[%get3A_529] : memref<3xf32, #tpu.memory_space<smem>>
    %sub3A_531 = arith.subf %get3A_530, %reduce_sum3A_528 : f32
    %div3A_532 = arith.constant 7.680000e+04 : f32
    %div3A_533 = arith.divf %sub3A_531, %div3A_532 : f32
    %mul3A_534 = arith.constant 1.000000e+00 : f32
    %mul3A_535 = arith.mulf %div3A_533, %mul3A_534 : f32
    %add3A_536 = arith.addf %add3A_243, %mul3A_535 : f32
    %get3A_537 = arith.constant 1 : index
    %get3A_538 = arith.constant 5 : index
    %get3A_539 = arith.constant 0 : index
    %get3A_540 = vector.load %arg0[%get3A_537, %get3A_538, %get3A_539] : memref<3x88x5120xf32, #tpu.memory_space<vmem>>, vector<1x80x5120xf32>
    %get3A_541 = vector.shape_cast %get3A_540 : vector<1x80x5120xf32> to vector<80x5120xf32>
    %convert_element_type3A_542 = arith.fptosi %get3A_319 : vector<1x5120xf32> to vector<1x5120xi32>
    %eq3A_543 = vector.broadcast %convert_element_type3A_542 : vector<1x5120xi32> to vector<80x5120xi32>
    %eq3A_544 = arith.cmpi eq, %iota3A_0, %eq3A_543 : vector<80x5120xi32>
    %convert_element_type3A_545 = arith.extui %eq3A_544 : vector<80x5120xi1> to vector<80x5120xi32>
    %convert_element_type3A_546 = arith.sitofp %convert_element_type3A_545 : vector<80x5120xi32> to vector<80x5120xf32>
    %max3A_547 = arith.constant 0.000000e+00 : f32
    %max3A_548 = vector.broadcast %max3A_547 : f32 to vector<80x5120xf32>
    %max3A_549 = arith.maximumf %get3A_541, %max3A_548 : vector<80x5120xf32>
    %mul3A_550 = arith.mulf %get3A_541, %convert_element_type3A_546 : vector<80x5120xf32>
    %sub3A_551 = arith.subf %max3A_549, %mul3A_550 : vector<80x5120xf32>
    %abs3A_552 = math.absf %get3A_541 : vector<80x5120xf32>
    %neg3A_553 = arith.constant 0.000000e+00 : f32
    %neg3A_554 = vector.broadcast %neg3A_553 : f32 to vector<80x5120xf32>
    %neg3A_555 = arith.subf %neg3A_554, %abs3A_552 : vector<80x5120xf32>
    %exp3A_556 = math.exp %neg3A_555 : vector<80x5120xf32>
    %log1p3A_557 = math.log1p %exp3A_556 : vector<80x5120xf32>
    %add3A_558 = arith.addf %sub3A_551, %log1p3A_557 : vector<80x5120xf32>
    %mul3A_559 = vector.broadcast %get3A_284 : vector<1x5120xf32> to vector<80x5120xf32>
    %mul3A_560 = arith.mulf %add3A_558, %mul3A_559 : vector<80x5120xf32>
    %reduce_sum3A_561 = vector.shape_cast %mul3A_560 : vector<80x5120xf32> to vector<1x80x5120xf32>
    %reduce_sum3A_562 = arith.constant dense<0.000000e+00> : vector<1xf32>
    %reduce_sum3A_563 = vector.multi_reduction <add>, %reduce_sum3A_561, %reduce_sum3A_562 [1, 2] : vector<1x80x5120xf32> to vector<1xf32>
    %reduce_sum3A_564 = vector.shape_cast %reduce_sum3A_563 : vector<1xf32> to vector<1x1x1xf32>
    %reduce_sum3A_565 = vector.extract %reduce_sum3A_564[0, 0, 0] : f32 from vector<1x1x1xf32>
    %gt3A_566 = arith.constant 0.000000e+00 : f32
    %gt3A_567 = arith.cmpf ogt, %reduce_sum3A_486, %gt3A_566 : f32
    %max3A_568 = arith.constant 1.000000e+00 : f32
    %max3A_569 = arith.maximumf %reduce_sum3A_486, %max3A_568 : f32
    %mul3A_570 = arith.constant 8.000000e+01 : f32
    %mul3A_571 = arith.mulf %max3A_569, %mul3A_570 : f32
    %div3A_572 = arith.divf %reduce_sum3A_565, %mul3A_571 : f32
    %jit3A_573 = arith.constant 0.000000e+00 : f32
    %select_n3A_574 = arith.select %gt3A_567, %div3A_572, %jit3A_573 : f32
    %add3A_575 = arith.addf %add3A_279, %select_n3A_574 : f32
    %get3A_576 = arith.constant 2 : index
    %get3A_577 = arith.constant 0 : index
    %get3A_578 = arith.constant 0 : index
    %get3A_579 = vector.load %arg1[%get3A_576, %get3A_577, %get3A_578] : memref<3x8x5120xf32, #tpu.memory_space<vmem>>, vector<1x1x5120xf32>
    %get3A_580 = vector.shape_cast %get3A_579 : vector<1x1x5120xf32> to vector<1x5120xf32>
    %get3A_581 = arith.constant 2 : index
    %get3A_582 = arith.constant 1 : index
    %get3A_583 = arith.constant 0 : index
    %get3A_584 = vector.load %arg1[%get3A_581, %get3A_582, %get3A_583] : memref<3x8x5120xf32, #tpu.memory_space<vmem>>, vector<1x1x5120xf32>
    %get3A_585 = vector.shape_cast %get3A_584 : vector<1x1x5120xf32> to vector<1x5120xf32>
    %get3A_586 = arith.constant 2 : index
    %get3A_587 = arith.constant 2 : index
    %get3A_588 = arith.constant 0 : index
    %get3A_589 = vector.load %arg1[%get3A_586, %get3A_587, %get3A_588] : memref<3x8x5120xf32, #tpu.memory_space<vmem>>, vector<1x1x5120xf32>
    %get3A_590 = vector.shape_cast %get3A_589 : vector<1x1x5120xf32> to vector<1x5120xf32>
    %get3A_591 = arith.constant 2 : index
    %get3A_592 = arith.constant 3 : index
    %get3A_593 = arith.constant 0 : index
    %get3A_594 = vector.load %arg1[%get3A_591, %get3A_592, %get3A_593] : memref<3x8x5120xf32, #tpu.memory_space<vmem>>, vector<1x1x5120xf32>
    %get3A_595 = vector.shape_cast %get3A_594 : vector<1x1x5120xf32> to vector<1x5120xf32>
    %get3A_596 = arith.constant 2 : index
    %get3A_597 = arith.constant 4 : index
    %get3A_598 = arith.constant 0 : index
    %get3A_599 = vector.load %arg1[%get3A_596, %get3A_597, %get3A_598] : memref<3x8x5120xf32, #tpu.memory_space<vmem>>, vector<1x1x5120xf32>
    %get3A_600 = vector.shape_cast %get3A_599 : vector<1x1x5120xf32> to vector<1x5120xf32>
    %get3A_601 = arith.constant 2 : index
    %get3A_602 = arith.constant 5 : index
    %get3A_603 = arith.constant 0 : index
    %get3A_604 = vector.load %arg1[%get3A_601, %get3A_602, %get3A_603] : memref<3x8x5120xf32, #tpu.memory_space<vmem>>, vector<1x1x5120xf32>
    %get3A_605 = vector.shape_cast %get3A_604 : vector<1x1x5120xf32> to vector<1x5120xf32>
    %get3A_606 = arith.constant 2 : index
    %get3A_607 = arith.constant 6 : index
    %get3A_608 = arith.constant 0 : index
    %get3A_609 = vector.load %arg1[%get3A_606, %get3A_607, %get3A_608] : memref<3x8x5120xf32, #tpu.memory_space<vmem>>, vector<1x1x5120xf32>
    %get3A_610 = vector.shape_cast %get3A_609 : vector<1x1x5120xf32> to vector<1x5120xf32>
    %get3A_611 = arith.constant 2 : index
    %get3A_612 = arith.constant 7 : index
    %get3A_613 = arith.constant 0 : index
    %get3A_614 = vector.load %arg1[%get3A_611, %get3A_612, %get3A_613] : memref<3x8x5120xf32, #tpu.memory_space<vmem>>, vector<1x1x5120xf32>
    %get3A_615 = vector.shape_cast %get3A_614 : vector<1x1x5120xf32> to vector<1x5120xf32>
    %get3A_616 = arith.constant 2 : index
    %get3A_617 = arith.constant 0 : index
    %get3A_618 = arith.constant 0 : index
    %get3A_619 = vector.load %arg0[%get3A_616, %get3A_617, %get3A_618] : memref<3x88x5120xf32, #tpu.memory_space<vmem>>, vector<1x1x5120xf32>
    %get3A_620 = vector.shape_cast %get3A_619 : vector<1x1x5120xf32> to vector<1x5120xf32>
    %logistic3A_621 = arith.negf %get3A_620 : vector<1x5120xf32>
    %logistic3A_622 = math.exp %logistic3A_621 : vector<1x5120xf32>
    %logistic3A_623 = arith.constant 1.000000e+00 : f32
    %logistic3A_624 = vector.broadcast %logistic3A_623 : f32 to vector<1x5120xf32>
    %logistic3A_625 = arith.addf %logistic3A_624, %logistic3A_622 : vector<1x5120xf32>
    %logistic3A_626 = arith.divf %logistic3A_624, %logistic3A_625 : vector<1x5120xf32>
    %mul3A_627 = arith.constant 2.000000e+00 : f32
    %mul3A_628 = vector.broadcast %mul3A_627 : f32 to vector<1x5120xf32>
    %mul3A_629 = arith.mulf %logistic3A_626, %mul3A_628 : vector<1x5120xf32>
    %sub3A_630 = arith.constant 5.000000e-01 : f32
    %sub3A_631 = vector.broadcast %sub3A_630 : f32 to vector<1x5120xf32>
    %sub3A_632 = arith.subf %mul3A_629, %sub3A_631 : vector<1x5120xf32>
    %get3A_633 = arith.constant 2 : index
    %get3A_634 = arith.constant 1 : index
    %get3A_635 = arith.constant 0 : index
    %get3A_636 = vector.load %arg0[%get3A_633, %get3A_634, %get3A_635] : memref<3x88x5120xf32, #tpu.memory_space<vmem>>, vector<1x1x5120xf32>
    %get3A_637 = vector.shape_cast %get3A_636 : vector<1x1x5120xf32> to vector<1x5120xf32>
    %logistic3A_638 = arith.negf %get3A_637 : vector<1x5120xf32>
    %logistic3A_639 = math.exp %logistic3A_638 : vector<1x5120xf32>
    %logistic3A_640 = arith.constant 1.000000e+00 : f32
    %logistic3A_641 = vector.broadcast %logistic3A_640 : f32 to vector<1x5120xf32>
    %logistic3A_642 = arith.addf %logistic3A_641, %logistic3A_639 : vector<1x5120xf32>
    %logistic3A_643 = arith.divf %logistic3A_641, %logistic3A_642 : vector<1x5120xf32>
    %mul3A_644 = arith.constant 2.000000e+00 : f32
    %mul3A_645 = vector.broadcast %mul3A_644 : f32 to vector<1x5120xf32>
    %mul3A_646 = arith.mulf %logistic3A_643, %mul3A_645 : vector<1x5120xf32>
    %sub3A_647 = arith.constant 5.000000e-01 : f32
    %sub3A_648 = vector.broadcast %sub3A_647 : f32 to vector<1x5120xf32>
    %sub3A_649 = arith.subf %mul3A_646, %sub3A_648 : vector<1x5120xf32>
    %get3A_650 = arith.constant 2 : index
    %get3A_651 = arith.constant 2 : index
    %get3A_652 = arith.constant 0 : index
    %get3A_653 = vector.load %arg0[%get3A_650, %get3A_651, %get3A_652] : memref<3x88x5120xf32, #tpu.memory_space<vmem>>, vector<1x1x5120xf32>
    %get3A_654 = vector.shape_cast %get3A_653 : vector<1x1x5120xf32> to vector<1x5120xf32>
    %logistic3A_655 = arith.negf %get3A_654 : vector<1x5120xf32>
    %logistic3A_656 = math.exp %logistic3A_655 : vector<1x5120xf32>
    %logistic3A_657 = arith.constant 1.000000e+00 : f32
    %logistic3A_658 = vector.broadcast %logistic3A_657 : f32 to vector<1x5120xf32>
    %logistic3A_659 = arith.addf %logistic3A_658, %logistic3A_656 : vector<1x5120xf32>
    %logistic3A_660 = arith.divf %logistic3A_658, %logistic3A_659 : vector<1x5120xf32>
    %mul3A_661 = arith.constant 2.000000e+00 : f32
    %mul3A_662 = vector.broadcast %mul3A_661 : f32 to vector<1x5120xf32>
    %mul3A_663 = arith.mulf %logistic3A_660, %mul3A_662 : vector<1x5120xf32>
    %square3A_664 = arith.mulf %mul3A_663, %mul3A_663 : vector<1x5120xf32>
    %mul3A_665 = arith.mulf %square3A_664, %get3A_605 : vector<1x5120xf32>
    %get3A_666 = arith.constant 2 : index
    %get3A_667 = arith.constant 3 : index
    %get3A_668 = arith.constant 0 : index
    %get3A_669 = vector.load %arg0[%get3A_666, %get3A_667, %get3A_668] : memref<3x88x5120xf32, #tpu.memory_space<vmem>>, vector<1x1x5120xf32>
    %get3A_670 = vector.shape_cast %get3A_669 : vector<1x1x5120xf32> to vector<1x5120xf32>
    %logistic3A_671 = arith.negf %get3A_670 : vector<1x5120xf32>
    %logistic3A_672 = math.exp %logistic3A_671 : vector<1x5120xf32>
    %logistic3A_673 = arith.constant 1.000000e+00 : f32
    %logistic3A_674 = vector.broadcast %logistic3A_673 : f32 to vector<1x5120xf32>
    %logistic3A_675 = arith.addf %logistic3A_674, %logistic3A_672 : vector<1x5120xf32>
    %logistic3A_676 = arith.divf %logistic3A_674, %logistic3A_675 : vector<1x5120xf32>
    %mul3A_677 = arith.constant 2.000000e+00 : f32
    %mul3A_678 = vector.broadcast %mul3A_677 : f32 to vector<1x5120xf32>
    %mul3A_679 = arith.mulf %logistic3A_676, %mul3A_678 : vector<1x5120xf32>
    %square3A_680 = arith.mulf %mul3A_679, %mul3A_679 : vector<1x5120xf32>
    %mul3A_681 = arith.mulf %square3A_680, %get3A_610 : vector<1x5120xf32>
    %sub3A_682 = arith.constant 1.000000e+00 : f32
    %sub3A_683 = vector.broadcast %sub3A_682 : f32 to vector<1x5120xf32>
    %sub3A_684 = arith.subf %mul3A_665, %sub3A_683 : vector<1x5120xf32>
    %div3A_685 = arith.constant 2.000000e+00 : f32
    %div3A_686 = vector.broadcast %div3A_685 : f32 to vector<1x5120xf32>
    %div3A_687 = arith.divf %sub3A_684, %div3A_686 : vector<1x5120xf32>
    %sub3A_688 = arith.subf %sub3A_632, %div3A_687 : vector<1x5120xf32>
    %sub3A_689 = arith.constant 1.000000e+00 : f32
    %sub3A_690 = vector.broadcast %sub3A_689 : f32 to vector<1x5120xf32>
    %sub3A_691 = arith.subf %mul3A_665, %sub3A_690 : vector<1x5120xf32>
    %div3A_692 = arith.constant 2.000000e+00 : f32
    %div3A_693 = vector.broadcast %div3A_692 : f32 to vector<1x5120xf32>
    %div3A_694 = arith.divf %sub3A_691, %div3A_693 : vector<1x5120xf32>
    %add3A_695 = arith.addf %sub3A_632, %div3A_694 : vector<1x5120xf32>
    %sub3A_696 = arith.constant 1.000000e+00 : f32
    %sub3A_697 = vector.broadcast %sub3A_696 : f32 to vector<1x5120xf32>
    %sub3A_698 = arith.subf %mul3A_681, %sub3A_697 : vector<1x5120xf32>
    %div3A_699 = arith.constant 2.000000e+00 : f32
    %div3A_700 = vector.broadcast %div3A_699 : f32 to vector<1x5120xf32>
    %div3A_701 = arith.divf %sub3A_698, %div3A_700 : vector<1x5120xf32>
    %sub3A_702 = arith.subf %sub3A_649, %div3A_701 : vector<1x5120xf32>
    %sub3A_703 = arith.constant 1.000000e+00 : f32
    %sub3A_704 = vector.broadcast %sub3A_703 : f32 to vector<1x5120xf32>
    %sub3A_705 = arith.subf %mul3A_681, %sub3A_704 : vector<1x5120xf32>
    %div3A_706 = arith.constant 2.000000e+00 : f32
    %div3A_707 = vector.broadcast %div3A_706 : f32 to vector<1x5120xf32>
    %div3A_708 = arith.divf %sub3A_705, %div3A_707 : vector<1x5120xf32>
    %add3A_709 = arith.addf %sub3A_649, %div3A_708 : vector<1x5120xf32>
    %sub3A_710 = arith.constant 1.000000e+00 : f32
    %sub3A_711 = vector.broadcast %sub3A_710 : f32 to vector<1x5120xf32>
    %sub3A_712 = arith.subf %get3A_595, %sub3A_711 : vector<1x5120xf32>
    %div3A_713 = arith.constant 2.000000e+00 : f32
    %div3A_714 = vector.broadcast %div3A_713 : f32 to vector<1x5120xf32>
    %div3A_715 = arith.divf %sub3A_712, %div3A_714 : vector<1x5120xf32>
    %sub3A_716 = arith.subf %get3A_585, %div3A_715 : vector<1x5120xf32>
    %sub3A_717 = arith.constant 1.000000e+00 : f32
    %sub3A_718 = vector.broadcast %sub3A_717 : f32 to vector<1x5120xf32>
    %sub3A_719 = arith.subf %get3A_595, %sub3A_718 : vector<1x5120xf32>
    %div3A_720 = arith.constant 2.000000e+00 : f32
    %div3A_721 = vector.broadcast %div3A_720 : f32 to vector<1x5120xf32>
    %div3A_722 = arith.divf %sub3A_719, %div3A_721 : vector<1x5120xf32>
    %add3A_723 = arith.addf %get3A_585, %div3A_722 : vector<1x5120xf32>
    %sub3A_724 = arith.constant 1.000000e+00 : f32
    %sub3A_725 = vector.broadcast %sub3A_724 : f32 to vector<1x5120xf32>
    %sub3A_726 = arith.subf %get3A_600, %sub3A_725 : vector<1x5120xf32>
    %div3A_727 = arith.constant 2.000000e+00 : f32
    %div3A_728 = vector.broadcast %div3A_727 : f32 to vector<1x5120xf32>
    %div3A_729 = arith.divf %sub3A_726, %div3A_728 : vector<1x5120xf32>
    %sub3A_730 = arith.subf %get3A_590, %div3A_729 : vector<1x5120xf32>
    %sub3A_731 = arith.constant 1.000000e+00 : f32
    %sub3A_732 = vector.broadcast %sub3A_731 : f32 to vector<1x5120xf32>
    %sub3A_733 = arith.subf %get3A_600, %sub3A_732 : vector<1x5120xf32>
    %div3A_734 = arith.constant 2.000000e+00 : f32
    %div3A_735 = vector.broadcast %div3A_734 : f32 to vector<1x5120xf32>
    %div3A_736 = arith.divf %sub3A_733, %div3A_735 : vector<1x5120xf32>
    %add3A_737 = arith.addf %get3A_590, %div3A_736 : vector<1x5120xf32>
    %min3A_738 = arith.minimumf %add3A_695, %add3A_723 : vector<1x5120xf32>
    %max3A_739 = arith.maximumf %sub3A_688, %sub3A_716 : vector<1x5120xf32>
    %sub3A_740 = arith.subf %min3A_738, %max3A_739 : vector<1x5120xf32>
    %add3A_741 = arith.constant 1.000000e+00 : f32
    %add3A_742 = vector.broadcast %add3A_741 : f32 to vector<1x5120xf32>
    %add3A_743 = arith.addf %sub3A_740, %add3A_742 : vector<1x5120xf32>
    %jit3A_744 = arith.constant 0.000000e+00 : f32
    %max3A_745 = vector.broadcast %jit3A_744 : f32 to vector<1x5120xf32>
    %max3A_746 = arith.maximumf %max3A_745, %add3A_743 : vector<1x5120xf32>
    %min3A_747 = arith.minimumf %add3A_709, %add3A_737 : vector<1x5120xf32>
    %max3A_748 = arith.maximumf %sub3A_702, %sub3A_730 : vector<1x5120xf32>
    %sub3A_749 = arith.subf %min3A_747, %max3A_748 : vector<1x5120xf32>
    %add3A_750 = arith.constant 1.000000e+00 : f32
    %add3A_751 = vector.broadcast %add3A_750 : f32 to vector<1x5120xf32>
    %add3A_752 = arith.addf %sub3A_749, %add3A_751 : vector<1x5120xf32>
    %jit3A_753 = arith.constant 0.000000e+00 : f32
    %max3A_754 = vector.broadcast %jit3A_753 : f32 to vector<1x5120xf32>
    %max3A_755 = arith.maximumf %max3A_754, %add3A_752 : vector<1x5120xf32>
    %mul3A_756 = arith.mulf %max3A_746, %max3A_755 : vector<1x5120xf32>
    %mul3A_757 = arith.mulf %mul3A_665, %mul3A_681 : vector<1x5120xf32>
    %mul3A_758 = arith.mulf %get3A_595, %get3A_600 : vector<1x5120xf32>
    %add3A_759 = arith.addf %mul3A_757, %mul3A_758 : vector<1x5120xf32>
    %sub3A_760 = arith.subf %add3A_759, %mul3A_756 : vector<1x5120xf32>
    %div3A_761 = arith.divf %mul3A_756, %sub3A_760 : vector<1x5120xf32>
    %max3A_762 = arith.maximumf %add3A_695, %add3A_723 : vector<1x5120xf32>
    %min3A_763 = arith.minimumf %sub3A_688, %sub3A_716 : vector<1x5120xf32>
    %sub3A_764 = arith.subf %max3A_762, %min3A_763 : vector<1x5120xf32>
    %add3A_765 = arith.constant 1.000000e+00 : f32
    %add3A_766 = vector.broadcast %add3A_765 : f32 to vector<1x5120xf32>
    %add3A_767 = arith.addf %sub3A_764, %add3A_766 : vector<1x5120xf32>
    %max3A_768 = arith.maximumf %add3A_709, %add3A_737 : vector<1x5120xf32>
    %min3A_769 = arith.minimumf %sub3A_702, %sub3A_730 : vector<1x5120xf32>
    %sub3A_770 = arith.subf %max3A_768, %min3A_769 : vector<1x5120xf32>
    %add3A_771 = arith.constant 1.000000e+00 : f32
    %add3A_772 = vector.broadcast %add3A_771 : f32 to vector<1x5120xf32>
    %add3A_773 = arith.addf %sub3A_770, %add3A_772 : vector<1x5120xf32>
    %mul3A_774 = arith.mulf %add3A_767, %add3A_773 : vector<1x5120xf32>
    %sub3A_775 = arith.subf %mul3A_774, %sub3A_760 : vector<1x5120xf32>
    %div3A_776 = arith.divf %sub3A_775, %mul3A_774 : vector<1x5120xf32>
    %sub3A_777 = arith.subf %div3A_761, %div3A_776 : vector<1x5120xf32>
    %reduce_sum3A_778 = vector.shape_cast %get3A_580 : vector<1x5120xf32> to vector<1x1x5120xf32>
    %reduce_sum3A_779 = arith.constant dense<0.000000e+00> : vector<1xf32>
    %reduce_sum3A_780 = vector.multi_reduction <add>, %reduce_sum3A_778, %reduce_sum3A_779 [1, 2] : vector<1x1x5120xf32> to vector<1xf32>
    %reduce_sum3A_781 = vector.shape_cast %reduce_sum3A_780 : vector<1xf32> to vector<1x1x1xf32>
    %reduce_sum3A_782 = vector.extract %reduce_sum3A_781[0, 0, 0] : f32 from vector<1x1x1xf32>
    %sub3A_783 = arith.constant 1.000000e+00 : f32
    %sub3A_784 = vector.broadcast %sub3A_783 : f32 to vector<1x5120xf32>
    %sub3A_785 = arith.subf %sub3A_784, %sub3A_777 : vector<1x5120xf32>
    %mul3A_786 = arith.mulf %get3A_580, %sub3A_785 : vector<1x5120xf32>
    %reduce_sum3A_787 = vector.shape_cast %mul3A_786 : vector<1x5120xf32> to vector<1x1x5120xf32>
    %reduce_sum3A_788 = arith.constant dense<0.000000e+00> : vector<1xf32>
    %reduce_sum3A_789 = vector.multi_reduction <add>, %reduce_sum3A_787, %reduce_sum3A_788 [1, 2] : vector<1x1x5120xf32> to vector<1xf32>
    %reduce_sum3A_790 = vector.shape_cast %reduce_sum3A_789 : vector<1xf32> to vector<1x1x1xf32>
    %reduce_sum3A_791 = vector.extract %reduce_sum3A_790[0, 0, 0] : f32 from vector<1x1x1xf32>
    %gt3A_792 = arith.constant 0.000000e+00 : f32
    %gt3A_793 = arith.cmpf ogt, %reduce_sum3A_782, %gt3A_792 : f32
    %max3A_794 = arith.constant 1.000000e+00 : f32
    %max3A_795 = arith.maximumf %reduce_sum3A_782, %max3A_794 : f32
    %div3A_796 = arith.divf %reduce_sum3A_791, %max3A_795 : f32
    %jit3A_797 = arith.constant 0.000000e+00 : f32
    %select_n3A_798 = arith.select %gt3A_793, %div3A_796, %jit3A_797 : f32
    %add3A_799 = arith.addf %add3A_503, %select_n3A_798 : f32
    %get3A_800 = arith.constant 2 : index
    %get3A_801 = arith.constant 4 : index
    %get3A_802 = arith.constant 0 : index
    %get3A_803 = vector.load %arg0[%get3A_800, %get3A_801, %get3A_802] : memref<3x88x5120xf32, #tpu.memory_space<vmem>>, vector<1x1x5120xf32>
    %get3A_804 = vector.shape_cast %get3A_803 : vector<1x1x5120xf32> to vector<1x5120xf32>
    %get3A_805 = arith.constant 2 : index
    %get3A_806 = arith.constant 0 : index
    %get3A_807 = vector.load %arg2[%get3A_805, %get3A_806] : memref<3x5120xi32, #tpu.memory_space<vmem>>, vector<1x5120xi32>
    %eq3A_808 = arith.cmpi eq, %get3A_807, %iota3A : vector<1x5120xi32>
    %gt3A_809 = arith.constant 0.000000e+00 : f32
    %gt3A_810 = vector.broadcast %gt3A_809 : f32 to vector<1x5120xf32>
    %gt3A_811 = arith.cmpf ogt, %get3A_580, %gt3A_810 : vector<1x5120xf32>
    %and3A_812 = arith.andi %eq3A_808, %gt3A_811 : vector<1x5120xi1>
    %convert_element_type3A_813 = arith.extui %and3A_812 : vector<1x5120xi1> to vector<1x5120xi32>
    %convert_element_type3A_814 = arith.sitofp %convert_element_type3A_813 : vector<1x5120xi32> to vector<1x5120xf32>
    %mul3A_815 = arith.mulf %convert_element_type3A_814, %get3A_804 : vector<1x5120xf32>
    %jit3A_816 = arith.constant 0.000000e+00 : f32
    %max3A_817 = vector.broadcast %jit3A_816 : f32 to vector<1x5120xf32>
    %max3A_818 = arith.maximumf %max3A_817, %sub3A_777 : vector<1x5120xf32>
    %mul3A_819 = arith.mulf %mul3A_815, %max3A_818 : vector<1x5120xf32>
    %reduce_sum3A_820 = vector.shape_cast %mul3A_819 : vector<1x5120xf32> to vector<1x1x5120xf32>
    %reduce_sum3A_821 = arith.constant dense<0.000000e+00> : vector<1xf32>
    %reduce_sum3A_822 = vector.multi_reduction <add>, %reduce_sum3A_820, %reduce_sum3A_821 [1, 2] : vector<1x1x5120xf32> to vector<1xf32>
    %reduce_sum3A_823 = vector.shape_cast %reduce_sum3A_822 : vector<1xf32> to vector<1x1x1xf32>
    %reduce_sum3A_824 = vector.extract %reduce_sum3A_823[0, 0, 0] : f32 from vector<1x1x1xf32>
    %get3A_825 = arith.constant 2 : index
    %get3A_826 = memref.load %arg3[%get3A_825] : memref<3xf32, #tpu.memory_space<smem>>
    %sub3A_827 = arith.subf %get3A_826, %reduce_sum3A_824 : f32
    %div3A_828 = arith.constant 1.920000e+04 : f32
    %div3A_829 = arith.divf %sub3A_827, %div3A_828 : f32
    %mul3A_830 = arith.constant 4.000000e-01 : f32
    %mul3A_831 = arith.mulf %div3A_829, %mul3A_830 : f32
    %add3A_832 = arith.addf %add3A_536, %mul3A_831 : f32
    %get3A_833 = arith.constant 2 : index
    %get3A_834 = arith.constant 5 : index
    %get3A_835 = arith.constant 0 : index
    %get3A_836 = vector.load %arg0[%get3A_833, %get3A_834, %get3A_835] : memref<3x88x5120xf32, #tpu.memory_space<vmem>>, vector<1x80x5120xf32>
    %get3A_837 = vector.shape_cast %get3A_836 : vector<1x80x5120xf32> to vector<80x5120xf32>
    %convert_element_type3A_838 = arith.fptosi %get3A_615 : vector<1x5120xf32> to vector<1x5120xi32>
    %eq3A_839 = vector.broadcast %convert_element_type3A_838 : vector<1x5120xi32> to vector<80x5120xi32>
    %eq3A_840 = arith.cmpi eq, %iota3A_0, %eq3A_839 : vector<80x5120xi32>
    %convert_element_type3A_841 = arith.extui %eq3A_840 : vector<80x5120xi1> to vector<80x5120xi32>
    %convert_element_type3A_842 = arith.sitofp %convert_element_type3A_841 : vector<80x5120xi32> to vector<80x5120xf32>
    %max3A_843 = arith.constant 0.000000e+00 : f32
    %max3A_844 = vector.broadcast %max3A_843 : f32 to vector<80x5120xf32>
    %max3A_845 = arith.maximumf %get3A_837, %max3A_844 : vector<80x5120xf32>
    %mul3A_846 = arith.mulf %get3A_837, %convert_element_type3A_842 : vector<80x5120xf32>
    %sub3A_847 = arith.subf %max3A_845, %mul3A_846 : vector<80x5120xf32>
    %abs3A_848 = math.absf %get3A_837 : vector<80x5120xf32>
    %neg3A_849 = arith.constant 0.000000e+00 : f32
    %neg3A_850 = vector.broadcast %neg3A_849 : f32 to vector<80x5120xf32>
    %neg3A_851 = arith.subf %neg3A_850, %abs3A_848 : vector<80x5120xf32>
    %exp3A_852 = math.exp %neg3A_851 : vector<80x5120xf32>
    %log1p3A_853 = math.log1p %exp3A_852 : vector<80x5120xf32>
    %add3A_854 = arith.addf %sub3A_847, %log1p3A_853 : vector<80x5120xf32>
    %mul3A_855 = vector.broadcast %get3A_580 : vector<1x5120xf32> to vector<80x5120xf32>
    %mul3A_856 = arith.mulf %add3A_854, %mul3A_855 : vector<80x5120xf32>
    %reduce_sum3A_857 = vector.shape_cast %mul3A_856 : vector<80x5120xf32> to vector<1x80x5120xf32>
    %reduce_sum3A_858 = arith.constant dense<0.000000e+00> : vector<1xf32>
    %reduce_sum3A_859 = vector.multi_reduction <add>, %reduce_sum3A_857, %reduce_sum3A_858 [1, 2] : vector<1x80x5120xf32> to vector<1xf32>
    %reduce_sum3A_860 = vector.shape_cast %reduce_sum3A_859 : vector<1xf32> to vector<1x1x1xf32>
    %reduce_sum3A_861 = vector.extract %reduce_sum3A_860[0, 0, 0] : f32 from vector<1x1x1xf32>
    %gt3A_862 = arith.constant 0.000000e+00 : f32
    %gt3A_863 = arith.cmpf ogt, %reduce_sum3A_782, %gt3A_862 : f32
    %max3A_864 = arith.constant 1.000000e+00 : f32
    %max3A_865 = arith.maximumf %reduce_sum3A_782, %max3A_864 : f32
    %mul3A_866 = arith.constant 8.000000e+01 : f32
    %mul3A_867 = arith.mulf %max3A_865, %mul3A_866 : f32
    %div3A_868 = arith.divf %reduce_sum3A_861, %mul3A_867 : f32
    %jit3A_869 = arith.constant 0.000000e+00 : f32
    %select_n3A_870 = arith.select %gt3A_863, %div3A_868, %jit3A_869 : f32
    %add3A_871 = arith.addf %add3A_575, %select_n3A_870 : f32
    %mul3A_872 = arith.constant 5.000000e-02 : f32
    %mul3A_873 = arith.mulf %add3A_799, %mul3A_872 : f32
    %mul3A_874 = arith.constant 1.000000e+00 : f32
    %mul3A_875 = arith.mulf %add3A_832, %mul3A_874 : f32
    %add3A_876 = arith.addf %mul3A_873, %mul3A_875 : f32
    %mul3A_877 = arith.constant 5.000000e-01 : f32
    %mul3A_878 = arith.mulf %add3A_871, %mul3A_877 : f32
    %add3A_879 = arith.addf %add3A_876, %mul3A_878 : f32
    %mul3A_880 = arith.constant 1.600000e+01 : f32
    %mul3A_881 = arith.mulf %add3A_879, %mul3A_880 : f32
    %swap3A = arith.constant 0 : index
    %swap3A_882 = memref.load %arg4[%swap3A] : memref<1xf32, #tpu.memory_space<smem>>
    memref.store %mul3A_881, %arg4[%swap3A] : memref<1xf32, #tpu.memory_space<smem>>
    return
  }
}

</mosaic_0001>

<sc_bundles>
// kernel: kernel.6.cloned.1.call-start
scs
__scs_entry_jumppad:
0x0: {  	(pc) =	sbr.rel $0x88, $3  }
0x1: {  	(tag) =	ssettag $0x0;
	lr =	simm.s32 $0x1  }
0x2: {  	[smem:$0x3F9D] =	sst lr;
	_ =	strace $0xD0000000  }
0x3: {  	_ = 	snop  }
0x4: {  	_ = 	snop  }
0x5: {  	_ = 	snop  }
0x6: {  	_ = 	snop  }
0x7: {  	_ = 	snop  }
__scs_overlays_trampoline_lowered:
0x8: {  	[smem:$0x3FAC] =	sst s0  }
0x9: {  	[smem:$0x3FAD] =	sst s1  }
0xa: {  	[smem:$0x3FAE] =	sst s2  }
0xb: {  	[smem:$0x3FAF] =	sst s3  }
0xc: {  	[smem:$0x3FB0] =	sst s4  }
0xd: {  	[smem:$0x3FB1] =	sst s5  }
0xe: {  	[smem:$0x3FB2] =	sst s6  }
0xf: {  	[smem:$0x3FB3] =	sst s7  }
0x10: {  	[smem:$0x3FB4] =	sst s8  }
0x11: {  	[smem:$0x3FB5] =	sst s9;
	s0 =	simm.s32 @!p0 $0x0  }
0x12: {  	s1 =	sld [smem:$0x3F9B];
	s0 =	simm.s32 @p0 $0x1  }
0x13: {  	[smem:$0x3FB6] =	sst s0;
	s0 =	simm.s32 @!p1 $0x0  }
0x14: {  	s2 =	sld [smem:$0x3F9A];
	s0 =	simm.s32 @p1 $0x1  }
0x15: {  	[smem:$0x3FB7] =	sst s0;
	s0 =	simm.s32 @!p2 $0x0  }
0x16: {  	s3 =	sld [smem:$0x3FDB];
	s0 =	simm.s32 @p2 $0x1  }
0x17: {  	s4 =	simm.s32 $0x1BF5;
	[smem:$0x3FB9] =	sst s0  }
0x18: {  	s0 =	sld [smem:$0x3F9C];
	_ =	swait.ge [sflag:s4], $0x0  }
0x19: {  	s7 =	sld [smem:$0x3F9D]  }
0x1a: {  	s8 =	sadd.s32 $0xFFFFE003, lr  }
0x1b: {  	s9 =	sadd.s32 $0xFFFFFEF7, lr;
	s5 =	simm.s32 $0xFFFFFFFF;
	p2 =	slt.u32 s8, $0xFFFFF086  }
0x1c: {  	p1 =	slt.u32 s9, $0xF7A;
	s5 =	simm.s32 @!p2 $0x0  }
0x1d: {  	s5 =	simm.s32 @p1 $0x1;
	p0 =	seq.s32 s7, s2  }
0x1e: {  	s7 =	smul.u32 @!p0 $0xF7A, s2;
	p2 =	seq.s32 @!p0 s5, $0x0  }
0x1f: {  	s9 =	smul.u32 $0xF7A, s1;
	s8 =	simm.s32 @!p0 $0x1BF5;
	p2 =	por !p2, p0  }
0x20: {  	[sflag:s8] =	ssyncset.s32 @!p0 $0xFFFFF086;
	s6 =	sadd.s32 @!p0 s3, s7;
	s7 =	simm.s32 @!p0 $0x108  }
0x21: {  	s3 =	sadd.s32 s3, s9;
	s6 =	sadd.s32 @!p0 $0x88, s6;
	s7 =	simm.s32 @p2 $0x1082  }
0x22: {  	[simem:s7], [sflag:s8] =	dma.local @!p0 [hbm:s6], $0xF7A  }
0x23: {  	s9 =	sor.u32 $0xD0000000, s2;
	s6 =	simm.s32 $0x108;
	_ =	swait.ge @!p0 [sflag:s8], $0x0  }
0x24: {  	s3 =	sadd.s32 $0x88, s3;
	s6 =	simm.s32 @!p1 $0x1082;
	[sflag:s4] =	ssyncset.s32 $0xFFFFF086  }
0x25: {  	[simem:s6], [sflag:s4] =	dma.local [hbm:s3], $0xF7A  }
0x26: {  	[smem:$0x3F9D] =	sst s1;
	(tag) =	ssettag s2;
	_ =	strace s9  }
0x27: {  	s1 =	sld [smem:$0x3FAD]  }
0x28: {  	s2 =	sld [smem:$0x3FAE]  }
0x29: {  	s4 =	sld [smem:$0x3FB0]  }
0x2a: {  	p0 =	seq.s32 s5, $0x0;
	s5 =	sld [smem:$0x3FB1]  }
0x2b: {  	s6 =	sld [smem:$0x3FB2]  }
0x2c: {  	s7 =	sld [smem:$0x3FB3]  }
0x2d: {  	s3 =	simm.s32 $0x108;
	s8 =	sld [smem:$0x3FB4]  }
0x2e: {  	s3 =	simm.s32 @!p0 $0x1082;
	s9 =	sld [smem:$0x3FB5]  }
0x2f: {  	lr =	sadd.s32 s0, s3;
	s0 =	sld [smem:$0x3FAC]  }
0x30: {  	s3 =	sld [smem:$0x3FAF]  }
0x31: {  	[smem:$0x3FB8] =	sst s10  }
0x32: {  	s10 =	sld [smem:$0x3FB6];
	_ =	sdelay $0x3  }
0x33: {  	p0 =	seq.s32 s10, $0x1;
	s10 =	sld [smem:$0x3FB8];
	_ =	sdelay $0x3  }
0x34: {  	[smem:$0x3FB8] =	sst s10  }
0x35: {  	s10 =	sld [smem:$0x3FB7];
	_ =	sdelay $0x3  }
0x36: {  	p1 =	seq.s32 s10, $0x1;
	s10 =	sld [smem:$0x3FB8];
	_ =	sdelay $0x3  }
0x37: {  	[smem:$0x3FB8] =	sst s10  }
0x38: {  	s10 =	sld [smem:$0x3FB9]  }
0x39: {  	_ = 	snop;
	(pc) =	sbr.ind lr, $3  }
0x3a: {  	_ = 	snop  }
0x3b: {  	_ = 	snop  }
0x3c: {  	p2 =	seq.s32 s10, $0x1;
	s10 =	sld [smem:$0x3FB8]  }
0x3d: {  	_ =	shalt  }
0x3e: {  	_ =	shalt  }
0x3f: {  	_ =	shalt  }
0x40: {  	_ =	shalt  }
0x41: {  	_ =	shalt  }
0x42: {  	_ =	shalt  }
0x43: {  	_ =	shalt  }
0x44: {  	_ =	shalt  }
0x45: {  	_ =	shalt  }
0x46: {  	_ =	shalt  }
0x47: {  	_ =	shalt  }
0x48: {  	_ =	shalt  }
0x49: {  	_ =	shalt  }
0x4a: {  	_ =	shalt  }
0x4b: {  	_ =	shalt  }
0x4c: {  	_ =	shalt  }
0x4d: {  	_ =	shalt  }
0x4e: {  	_ =	shalt  }
0x4f: {  	_ =	shalt  }
0x50: {  	_ =	shalt  }
0x51: {  	_ =	shalt  }
0x52: {  	_ =	shalt  }
0x53: {  	_ =	shalt  }
0x54: {  	_ =	shalt  }
0x55: {  	_ =	shalt  }
0x56: {  	_ =	shalt  }
0x57: {  	_ =	shalt  }
0x58: {  	_ =	shalt  }
0x59: {  	_ =	shalt  }
0x5a: {  	_ =	shalt  }
0x5b: {  	_ =	shalt  }
0x5c: {  	_ =	shalt  }
0x5d: {  	_ =	shalt  }
0x5e: {  	_ =	shalt  }
0x5f: {  	_ =	shalt  }
0x60: {  	_ =	shalt  }
0x61: {  	_ =	shalt  }
0x62: {  	_ =	shalt  }
0x63: {  	_ =	shalt  }
0x64: {  	_ =	shalt  }
0x65: {  	_ =	shalt  }
0x66: {  	_ =	shalt  }
0x67: {  	_ =	shalt  }
0x68: {  	_ =	shalt  }
0x69: {  	_ =	shalt  }
0x6a: {  	_ =	shalt  }
0x6b: {  	_ =	shalt  }
0x6c: {  	_ =	shalt  }
0x6d: {  	_ =	shalt  }
0x6e: {  	_ =	shalt  }
0x6f: {  	_ =	shalt  }
0x70: {  	_ =	shalt  }
0x71: {  	_ =	shalt  }
0x72: {  	_ =	shalt  }
0x73: {  	_ =	shalt  }
0x74: {  	_ =	shalt  }
0x75: {  	_ =	shalt  }
0x76: {  	_ =	shalt  }
0x77: {  	_ =	shalt  }
0x78: {  	_ =	shalt  }
0x79: {  	_ =	shalt  }
0x7a: {  	_ =	shalt  }
0x7b: {  	_ =	shalt  }
0x7c: {  	_ =	shalt  }
0x7d: {  	_ =	shalt  }
0x7e: {  	_ =	shalt  }
0x7f: {  	_ =	shalt  }
0x80: {  	_ =	shalt  }
0x81: {  	_ =	shalt  }
0x82: {  	_ =	shalt  }
0x83: {  	_ =	shalt  }
0x84: {  	_ =	shalt  }
0x85: {  	_ =	shalt  }
0x86: {  	_ =	shalt  }
0x87: {  	_ =	shalt  }
.Lfunc_end0:
.L_simem_size_0:
called_computation_lowered:
.L_overlay_start_0:
0x88: {  	s2 =	sld [smem:$0x3FD9]  }
0x89: {  	s3 =	sld [smem:$0x3FFE];
	_ =	sdelay $0x1  }
0x8a: {  	s1 =	srdreg.scid  }
0x8b: {  	s0 =	sand.u32 $0x1, s1  }
0x8c: {  	s16 =	sshll.u32 s0, $0xA;
	s2 =	sadd.s32 s3, s2  }
0x8d: {  	s2 =	sadd.s32 s2, s16  }
0x8e: {  	[smem:$0x3FC4] =	sst s2  }
0x8f: {  	_ = 	snop  }
0x90: {  	(tm) =	ssettm $0x1  }
0x91: {  	s17 =	sld [smem:$0x3FFB];
	_ =	sdelay $0x3  }
0x92: {  	_ =	strace s17  }
0x93: {  	s2 =	sld [smem:$0x3FFC];
	_ =	sdelay $0x3  }
0x94: {  	_ =	strace s2  }
0x95: {  	s2 =	sld [smem:$0x3FFD];
	_ =	sdelay $0x3  }
0x96: {  	_ =	strace s2  }
0x97: {  	_ =	strace $0x8FFFFFFF  }
0x98: {  	s18 =	sld [smem:$0x3FDB];
	_ =	sdelay $0x1  }
0x99: {  	s19 =	simm.s32 $_scs_section_size  }
0x9a: {  	s4 =	simm.s32 $_size__tile_overlayer_lowered;
	s5 =	simm.s32 $_tile_overlayer_lowered  }
0x9b: {  	s22 =	simm.s32 $0x1BFF;
	s21 =	sshll.u32 s5, $0x1;
	s2 =	sadd.s32 s19, s18  }
0x9c: {  	s6 =	simm.s32 $0x0;
	s20 =	sshll.u32 s4, $0x1;
	s4 =	sadd.s32 s21, s2  }
0x9d: {  	[timem:s6], [sflag:s22] =	dma.local [hbm:s4], s20  }
0x9e: {  	_ =	swait.ge [sflag:s22], s20  }
0x9f: {  	s3 =	ssub.s32 $0x0, s20;
	[sflag:s22] =	ssyncset.done $0x0  }
0xa0: {  	[sflag:s22] =	ssyncadd.s32 s3;
	_ =	sdelay $0x1  }
0xa1: {  	s23 =	simm.s32 $0x1B8B  }
0xa2: {  	_ =	swait.ge [sflag:s23], $0x1  }
0xa3: {  	[sflag:s23] =	ssyncset.done $0x0  }
0xa4: {  	s25 =	simm.s32 $0x1B8E;
	s24 =	sld [smem:$0x3FFE];
	[sflag:s23] =	ssyncadd.s32 $0xFFFFFFFF  }
0xa5: {  	s26 =	simm.s32 $execute0_lowered;
	[smem:$0x3FD2] =	sst s25  }
0xa6: {  	s4 =	sshll.u32 s26, $0x1;
	_ =	strace $0x80000046;
	[dreg:$0x1] =	wrdreg $0xFFFFFFFF  }
0xa7: {  	s28 =	simm.s32 $_size_execute0_lowered;
	s2 =	sadd.s32 s2, s4;
	[dreg:$0x0] =	wrdreg $0x0  }
0xa8: {  	s4 =	sshll.u32 s28, $0x1;
	[dreg:$0x2] =	wrdreg s2  }
0xa9: {  	[dreg:$0x3] =	wrdreg s4  }
0xaa: {  	[dreg:$0x4] =	wrdreg $0xC0  }
0xab: {  	_ =	task [dreg:s6], $0x5FFFF  }
0xac: {  	[dreg:$0x1] =	wrdreg $0xFFFFFFFF  }
0xad: {  	[dreg:$0x0] =	wrdreg $0x60  }
0xae: {  	[dreg:$0x2] =	wrdreg s24  }
0xaf: {  	[dreg:$0x3] =	wrdreg $0x74000  }
0xb0: {  	[dreg:$0x4] =	wrdreg $0x9  }
0xb1: {  	_ =	task.clear_ibuf [dreg:s6], $0x5FFFF;
	_ =	strace $0x90000046  }
0xb2: {  	s29 =	simm.s32 $0x9;
	_ =	strace $0x80000048  }
0xb3: {  	_ =	swait.ge [sflag:s29], $0x1  }
0xb4: {  	[sflag:s29] =	ssyncadd.s32 $0xFFFFFFFF  }
0xb5: {  	_ =	strace $0x90000048  }
0xb6: {  	_ =	sfence  }
0xb7: {  	s30 =	sld [smem:$0x0];
	_ =	sdelay $0x2  }
0xb8: {  	s31 =	sshll.u32 s1, $0xD;
	s1 =	sshrl.u32 s1, $0x2  }
0xb9: {  	s3 =	sand.u32 $0x4000, s31;
	s1 =	sadd.s32 s1, s30  }
0xba: {  	s0 =	sor.u32 s3, s0;
	s1 =	sshll.u32 s1, $0x11  }
0xbb: {  	s0 =	sor.u32 s1, s0  }
0xbc: {  	s0 =	sadd.s32 $0x8F2B, s0  }
0xbd: {  	[sflag:s0] =	ssyncadd.remote.s32 $0x1  }
0xbe: {  	_ =	sfence.sel $0xFFFF  }
0xbf: {  	[dreg:$0x0] =	wrdreg $0xFFFFFFFF;
	(pc) =	sbr.abs _section_cstart, $3  }
0xc0: {  	[dreg:$0x1] =	wrdreg $0xFFFFFFFF  }
0xc1: {  	_ =	task.clear_ibuf [dreg:s6], $0x2FFFF;
	_ =	strace $0x9FFFFFFF  }
0xc2: {  	(tm) =	ssettm $0x7FFFFFFF  }
0xc3: {  	_ =	shalt  }
tec
execute0_lowered:
.L_overlay_start_1:
0x0: {  	(tag) =	ssettag $0x1  }
0x1: {  	s0 =	rddreg [dreg:$0x0]  }
0x2: {  	s1 =	rddreg [dreg:$0x1]  }
0x3: {  	s3 =	simm.s32 $0x0;
	s2 =	srdreg.scid;
	s11 =	stileid.u32  }
0x4: {  	s28 =	simm.s32 $0x3700;
	[smem:$0x7FF] =	sst s3;
	s5 =	sand.u32 $0x1, s2  }
0x5: {  	s21 =	sshll.u32 s11, $0x1;
	s4 =	sadd.s32 $0x165400, s0;
	s22 =	sadd.s32 $0x9E000, s0  }
0x6: {  	s23 =	sadd.s32 $0x6C200, s0;
	s6 =	sadd.s32 $0x6600, s0;
	s2 =	sor.u32 s5, s21  }
0x7: {  	_ =	strace $0x80000047;
	[dreg:$0x3] =	wrdreg s4;
	s24 =	smul.u32 $0x3700, s2  }
0x8: {  	s8 =	sadd.s32 $0x482200, s0;
	[dreg:$0x4] =	wrdreg s22;
	s9 =	ssub.s32 $0x2, s5  }
0x9: {  	[dreg:$0x5] =	wrdreg s23;
	s25 =	sshrl.u32 s9, $0x1;
	s10 =	sshrl.u32 s24, $0x3  }
0xa: {  	s4 =	ssub.s32 s9, s25;
	s9 =	smul.u32 $0x140, s11;
	s29 =	sadd.s32 s6, s10  }
0xb: {  	s7 =	sadd.s32 $0x4AB600, s0;
	s30 =	sadd.s32 s8, s10;
	[dreg:$0x6] =	wrdreg s29  }
0xc: {  	p0 =	sne.s32 s5, $0x0;
	s23 =	sadd.s32 $0x100, s9;
	[dreg:$0x7] =	wrdreg s30  }
0xd: {  	s2 =	sadd.s32 $0x2FA00, s0;
	s25 =	sadd.s32 $0x110, s9;
	[smem:$0x7FA] =	sst s23  }
0xe: {  	s26 =	sadd.s32 $0xDC00, s10;
	s20 =	sshrl.u32 s9, $0x3;
	[smem:$0x7FB] =	sst s25  }
0xf: {  	s10 =	sadd.s32 $0x1B800, s10;
	s31 =	sadd.s32 s6, s26;
	[dreg:$0xa] =	wrdreg s20  }
0x10: {  	s5 =	sor.u32 $0x10, s9;
	s0 =	sadd.s32 s8, s26;
	[dreg:$0x8] =	wrdreg s31  }
0x11: {  	s24 =	sadd.s32 $0xB0, s9;
	s6 =	sadd.s32 s6, s10;
	[dreg:$0x9] =	wrdreg s0  }
0x12: {  	s11 =	sadd.s32 $0x280, s20;
	s26 =	sadd.s32 $0x500, s20;
	[dreg:$0xb] =	wrdreg s6  }
0x13: {  	s13 =	sadd.s32 $0x28A, s20;
	s23 =	sadd.s32 $0x514, s20;
	[dreg:$0x15] =	wrdreg s26  }
0x14: {  	v19 =	vlaneseq.u32;
	s14 =	sadd.s32 $0x294, s20;
	s17 =	sadd.s32 $0x29E, s20;
	[dreg:$0x18] =	wrdreg s23  }
0x15: {  	s29 =	sadd.s32 $0xC0, s9;
	s30 =	sadd.s32 $0xD0, s9;
	v11 =	vor.u32 s24, v19;
	s24 =	sld [smem:$0x7FA]  }
0x16: {  	v1 =	vor.u32 s5, v19;
	s5 =	simm.s32 $0x50;
	s0 =	sadd.s32 s8, s10;
	v12 =	vor.u32 s29, v19;
	s29 =	sld [smem:$0x7FB]  }
0x17: {  	s12 =	sadd.s32 s2, s11;
	s15 =	sadd.s32 s2, s13;
	[dreg:$0xc] =	wrdreg s0  }
0x18: {  	s16 =	sadd.s32 s2, s14;
	s18 =	sadd.s32 s2, s17;
	[dreg:$0xd] =	wrdreg s12  }
0x19: {  	s19 =	sadd.s32 s7, s13;
	s21 =	sadd.s32 s7, s14;
	[dreg:$0xe] =	wrdreg s15  }
0x1a: {  	s22 =	sadd.s32 s7, s17;
	s6 =	sor.u32 $0x20, s9;
	[dreg:$0xf] =	wrdreg s16  }
0x1b: {  	s8 =	sor.u32 $0x30, s9;
	s10 =	sadd.s32 $0x40, s9;
	[dreg:$0x10] =	wrdreg s18  }
0x1c: {  	s14 =	sadd.s32 $0x80, s9;
	s31 =	sadd.s32 $0xE0, s9;
	[dreg:$0x12] =	wrdreg s19  }
0x1d: {  	s13 =	sadd.s32 $0xF0, s9;
	s17 =	sadd.s32 $0x130, s9;
	[dreg:$0x13] =	wrdreg s21  }
0x1e: {  	s25 =	sadd.s32 s2, s23;
	s0 =	sadd.s32 s7, s11;
	[dreg:$0x14] =	wrdreg s22  }
0x1f: {  	s11 =	sadd.s32 $0x50, s9;
	s12 =	sadd.s32 $0x60, s9;
	[smem:$0x7FD] =	sst s17  }
0x20: {  	s19 =	sadd.s32 $0x70, s9;
	s15 =	sadd.s32 $0x90, s9;
	[dreg:$0x1e] =	wrdreg s25  }
0x21: {  	s22 =	sadd.s32 $0xA0, s9;
	s16 =	sadd.s32 $0x120, s9;
	[dreg:$0x11] =	wrdreg s0  }
0x22: {  	s18 =	sadd.s32 $0x50A, s20;
	s21 =	sadd.s32 $0x51E, s20;
	[smem:$0x7FC] =	sst s16  }
0x23: {  	s23 =	sshrl.u32 s13, $0x3;
	s25 =	smax.u32 s4, $0x1;
	[dreg:$0x17] =	wrdreg s18  }
0x24: {  	v2 =	vor.u32 s6, v19;
	s4 =	simm.s32 $0x6F80;
	s6 =	simm.s32 $0x7200;
	[dreg:$0x19] =	wrdreg s21  }
0x25: {  	v0 =	vor.u32 s9, v19;
	v3 =	vor.u32 s8, v19;
	s8 =	simm.s32 $0x7280;
	s9 =	simm.s32 $0x7300;
	[dreg:$0x1c] =	wrdreg s23  }
0x26: {  	v4 =	vor.u32 s10, v19;
	v14 =	vor.u32 s31, v19;
	s10 =	simm.s32 $0x7380;
	s0 =	sadd.s32 s2, s26;
	s31 =	sld [smem:$0x7FD]  }
0x27: {  	s26 =	sadd.s32 s2, s21;
	s16 =	sadd.s32 s2, s20;
	[dreg:$0x16] =	wrdreg s0  }
0x28: {  	s17 =	sshrl.u32 s11, $0x3;
	s23 =	sadd.s32 s2, s23;
	[dreg:$0x1f] =	wrdreg s26  }
0x29: {  	v6 =	vor.u32 s12, v19;
	v7 =	vor.u32 s19, v19;
	s19 =	simm.s32 $0x6E00;
	s12 =	simm.s32 $0x6F00;
	[smem:$0x7F8] =	sst s16  }
0x2a: {  	s0 =	sadd.s32 s2, s18;
	s18 =	sshrl.u32 s22, $0x3;
	[dreg:$0x1a] =	wrdreg s17  }
.Ltmp0:
0x2b: {  	v13 =	vor.u32 s30, v19;
	s20 =	sadd.s32 s2, s17;
	s30 =	sld [smem:$0x7FC];
	(pc) =	sbr.rel .LBB2_1-.Ltmp0, $4  }
0x2c: {  	v10 =	vor.u32 s22, v19;
	s26 =	simm.s32 $0x2;
	s22 =	simm.s32 $0x6E80;
	[dreg:$0x1d] =	wrdreg s0  }
0x2d: {  	v8 =	vor.u32 s14, v19;
	v15 =	vor.u32 s13, v19;
	s17 =	simm.s32 $0x7080;
	s16 =	simm.s32 $0x7100;
	[smem:$0x7F9] =	sst s20  }
0x2e: {  	v5 =	vor.u32 s11, v19;
	v9 =	vor.u32 s15, v19;
	v16 =	vor.u32 s24, v19;
	[dreg:$0x1b] =	wrdreg s18;
	s21 =	sadd.s32 s2, s18;
	s2 =	simm.s32 $0x1  }
0x2f: {  	v17 =	vor.u32 s29, v19;
	s18 =	simm.s32 $0x7000;
	s0 =	simm.s32 $0x7180;
	s20 =	simm.s32 $0x7180;
	v18 =	vor.u32 s30, v19;
	v19 =	vor.u32 s31, v19  }
.LBB2_3:
0x30: {  	s11 =	rddreg [dreg:$0xd]  }
0x31: {  	[tilespmem:s19], [sflag:$0x2] =	stream.linear.gather [hbm4b:s11+s3], $0x50, $0x38;
	[tilespmem:$0xC040] =	vst v63  }
0x32: {  	_ =	swait.ge [sflag:s26], $0x50  }
0x33: {  	[sflag:s26] =	ssyncset.done $0x0  }
0x34: {  	s13 =	rddreg [dreg:$0xe];
	[sflag:s26] =	ssyncadd.s32 $0xFFFFFFB0  }
0x35: {  	[tilespmem:s22], [sflag:$0x2] =	stream.linear.gather [hbm4b:s13+s3], $0x50, $0x38;
	[tilespmem:$0xC040] =	vst v63  }
0x36: {  	_ =	swait.ge [sflag:s26], $0x50  }
0x37: {  	[sflag:s26] =	ssyncset.done $0x0  }
0x38: {  	s14 =	rddreg [dreg:$0xf];
	[sflag:s26] =	ssyncadd.s32 $0xFFFFFFB0  }
0x39: {  	[tilespmem:s12], [sflag:$0x2] =	stream.linear.gather [hbm4b:s14+s3], $0x50, $0x38;
	[tilespmem:$0xC040] =	vst v63  }
0x3a: {  	_ =	swait.ge [sflag:s26], $0x50  }
0x3b: {  	[sflag:s26] =	ssyncset.done $0x0  }
0x3c: {  	s15 =	rddreg [dreg:$0x10];
	[sflag:s26] =	ssyncadd.s32 $0xFFFFFFB0  }
0x3d: {  	[tilespmem:s4], [sflag:$0x2] =	stream.linear.gather [hbm4b:s15+s3], $0x50, $0x38;
	[tilespmem:$0xC040] =	vst v63  }
0x3e: {  	_ =	swait.ge [sflag:s26], $0x50  }
0x3f: {  	[sflag:s26] =	ssyncset.done $0x0  }
0x40: {  	s17 =	simm.s32 $0x7000;
	[sflag:s26] =	ssyncadd.s32 $0xFFFFFFB0  }
0x41: {  	[spmem:s1] =	stream.indirect.scatter [tilespmem:s17], [sflag:$0x2], $0x1, s19, s5, $0xb8;
	[tilespmem:$0xC040] =	vst v63  }
0x42: {  	_ =	swait.ge [sflag:s26], $0x50  }
0x43: {  	[sflag:s26] =	ssyncset.done $0x0  }
0x44: {  	s16 =	simm.s32 $0x7080;
	[sflag:s26] =	ssyncadd.s32 $0xFFFFFFB0  }
0x45: {  	[spmem:s1] =	stream.indirect.scatter [tilespmem:s16], [sflag:$0x2], $0x1, s22, s5, $0xb8;
	[tilespmem:$0xC040] =	vst v63  }
0x46: {  	_ =	swait.ge [sflag:s26], $0x50  }
0x47: {  	[sflag:s26] =	ssyncset.done $0x0  }
0x48: {  	s0 =	simm.s32 $0x7100;
	[sflag:s26] =	ssyncadd.s32 $0xFFFFFFB0  }
0x49: {  	[spmem:s1] =	stream.indirect.scatter [tilespmem:s0], [sflag:$0x2], $0x1, s12, s5, $0xb8;
	[tilespmem:$0xC040] =	vst v63  }
0x4a: {  	_ =	swait.ge [sflag:s26], $0x50  }
0x4b: {  	[sflag:s26] =	ssyncset.done $0x0  }
0x4c: {  	[sflag:s26] =	ssyncadd.s32 $0xFFFFFFB0  }
0x4d: {  	[spmem:s1] =	stream.indirect.scatter [tilespmem:s20], [sflag:$0x2], $0x1, s4, s5, $0xb8;
	[tilespmem:$0xC040] =	vst v63  }
0x4e: {  	_ =	swait.ge [sflag:s26], $0x50  }
0x4f: {  	[sflag:s26] =	ssyncset.done $0x0  }
0x50: {  	s24 =	rddreg [dreg:$0x16];
	[sflag:s26] =	ssyncadd.s32 $0xFFFFFFB0  }
0x51: {  	[tilespmem:s19], [sflag:$0x2] =	stream.linear.gather [hbm4b:s24+s3], $0x50, $0x38;
	[tilespmem:$0xC040] =	vst v63  }
0x52: {  	_ =	swait.ge [sflag:s26], $0x50  }
0x53: {  	[sflag:s26] =	ssyncset.done $0x0  }
0x54: {  	s29 =	rddreg [dreg:$0x1d];
	[sflag:s26] =	ssyncadd.s32 $0xFFFFFFB0  }
0x55: {  	[tilespmem:s22], [sflag:$0x2] =	stream.linear.gather [hbm4b:s29+s3], $0x50, $0x38;
	[tilespmem:$0xC040] =	vst v63  }
0x56: {  	_ =	swait.ge [sflag:s26], $0x50  }
0x57: {  	[sflag:s26] =	ssyncset.done $0x0  }
0x58: {  	s30 =	rddreg [dreg:$0x1e];
	[sflag:s26] =	ssyncadd.s32 $0xFFFFFFB0  }
0x59: {  	[tilespmem:s12], [sflag:$0x2] =	stream.linear.gather [hbm4b:s30+s3], $0x50, $0x38;
	[tilespmem:$0xC040] =	vst v63  }
0x5a: {  	_ =	swait.ge [sflag:s26], $0x50  }
0x5b: {  	[sflag:s26] =	ssyncset.done $0x0  }
0x5c: {  	s31 =	rddreg [dreg:$0x1f];
	[sflag:s26] =	ssyncadd.s32 $0xFFFFFFB0  }
0x5d: {  	[tilespmem:s4], [sflag:$0x2] =	stream.linear.gather [hbm4b:s31+s3], $0x50, $0x38;
	[tilespmem:$0xC040] =	vst v63  }
0x5e: {  	_ =	swait.ge [sflag:s26], $0x50  }
0x5f: {  	[sflag:s26] =	ssyncset.done $0x0  }
0x60: {  	[sflag:s26] =	ssyncadd.s32 $0xFFFFFFB0  }
0x61: {  	[spmem:s1] =	stream.indirect.scatter [tilespmem:s17], [sflag:$0x2], $0x1, s19, s5, $0xb8;
	[tilespmem:$0xC040] =	vst v63  }
0x62: {  	_ =	swait.ge [sflag:s26], $0x50  }
0x63: {  	[sflag:s26] =	ssyncset.done $0x0  }
0x64: {  	[sflag:s26] =	ssyncadd.s32 $0xFFFFFFB0  }
0x65: {  	[spmem:s1] =	stream.indirect.scatter [tilespmem:s16], [sflag:$0x2], $0x1, s22, s5, $0xb8;
	[tilespmem:$0xC040] =	vst v63  }
0x66: {  	_ =	swait.ge [sflag:s26], $0x50  }
0x67: {  	[sflag:s26] =	ssyncset.done $0x0  }
0x68: {  	[sflag:s26] =	ssyncadd.s32 $0xFFFFFFB0  }
0x69: {  	[spmem:s1] =	stream.indirect.scatter [tilespmem:s0], [sflag:$0x2], $0x1, s12, s5, $0xb8;
	[tilespmem:$0xC040] =	vst v63  }
0x6a: {  	_ =	swait.ge [sflag:s26], $0x50  }
0x6b: {  	[sflag:s26] =	ssyncset.done $0x0  }
0x6c: {  	[sflag:s26] =	ssyncadd.s32 $0xFFFFFFB0  }
0x6d: {  	[spmem:s1] =	stream.indirect.scatter [tilespmem:s20], [sflag:$0x2], $0x1, s4, s5, $0xb8;
	[tilespmem:$0xC040] =	vst v63  }
0x6e: {  	_ =	swait.ge [sflag:s26], $0x50  }
0x6f: {  	[sflag:s26] =	ssyncset.done $0x0  }
0x70: {  	[sflag:s26] =	ssyncadd.s32 $0xFFFFFFB0  }
0x71: {  	[bflag:$0x0] =	sbarrier.arrive $0xFFFF  }
0x72: {  	[tilespmem:s19], [sflag:$0x2] =	stream.linear.gather [hbm4b:s11+s3], $0x50, $0x38;
	[tilespmem:$0xC040] =	vst v63  }
0x73: {  	_ =	swait.ge [sflag:s26], $0x50  }
0x74: {  	[sflag:s26] =	ssyncset.done $0x0  }
0x75: {  	[sflag:s26] =	ssyncadd.s32 $0xFFFFFFB0  }
0x76: {  	[tilespmem:s22], [sflag:$0x2] =	stream.linear.gather [hbm4b:s13+s3], $0x50, $0x38;
	[tilespmem:$0xC040] =	vst v63  }
0x77: {  	_ =	swait.ge [sflag:s26], $0x50  }
0x78: {  	[sflag:s26] =	ssyncset.done $0x0  }
0x79: {  	[sflag:s26] =	ssyncadd.s32 $0xFFFFFFB0  }
0x7a: {  	[tilespmem:s12], [sflag:$0x2] =	stream.linear.gather [hbm4b:s14+s3], $0x50, $0x38;
	[tilespmem:$0xC040] =	vst v63  }
0x7b: {  	_ =	swait.ge [sflag:s26], $0x50  }
0x7c: {  	[sflag:s26] =	ssyncset.done $0x0  }
0x7d: {  	[sflag:s26] =	ssyncadd.s32 $0xFFFFFFB0  }
0x7e: {  	[tilespmem:s4], [sflag:$0x2] =	stream.linear.gather [hbm4b:s15+s3], $0x50, $0x38;
	[tilespmem:$0xC040] =	vst v63  }
0x7f: {  	_ =	swait.ge [sflag:s26], $0x50  }
0x80: {  	[sflag:s26] =	ssyncset.done $0x0  }
0x81: {  	[sflag:s26] =	ssyncadd.s32 $0xFFFFFFB0  }
0x82: {  	[tilespmem:s6], [sflag:$0x2] =	stream.indirect.gather [spmem:s1], $0x1, s19, s5, $0xb8;
	[tilespmem:$0xC040] =	vst v63  }
0x83: {  	_ =	swait.ge [sflag:s26], $0x50  }
0x84: {  	[sflag:s26] =	ssyncset.done $0x0  }
0x85: {  	[sflag:s26] =	ssyncadd.s32 $0xFFFFFFB0  }
0x86: {  	[tilespmem:s8], [sflag:$0x2] =	stream.indirect.gather [spmem:s1], $0x1, s22, s5, $0xb8;
	[tilespmem:$0xC040] =	vst v63  }
0x87: {  	_ =	swait.ge [sflag:s26], $0x50  }
0x88: {  	[sflag:s26] =	ssyncset.done $0x0  }
0x89: {  	[sflag:s26] =	ssyncadd.s32 $0xFFFFFFB0  }
0x8a: {  	[tilespmem:s9], [sflag:$0x2] =	stream.indirect.gather [spmem:s1], $0x1, s12, s5, $0xb8;
	[tilespmem:$0xC040] =	vst v63  }
0x8b: {  	_ =	swait.ge [sflag:s26], $0x50  }
0x8c: {  	[sflag:s26] =	ssyncset.done $0x0  }
0x8d: {  	[sflag:s26] =	ssyncadd.s32 $0xFFFFFFB0  }
0x8e: {  	[tilespmem:s10], [sflag:$0x2] =	stream.indirect.gather [spmem:s1], $0x1, s4, s5, $0xb8;
	[tilespmem:$0xC040] =	vst v63  }
0x8f: {  	_ =	swait.ge [sflag:s26], $0x50  }
0x90: {  	[sflag:s26] =	ssyncset.done $0x0  }
0x91: {  	s15 =	rddreg [dreg:$0x11];
	[sflag:s26] =	ssyncadd.s32 $0xFFFFFFB0  }
0x92: {  	[hbm4b:s15+s3] =	stream.linear.scatter [tilespmem:s6], [sflag:$0x2], $0x50, $0x38;
	[tilespmem:$0xC040] =	vst v63  }
0x93: {  	_ =	swait.ge [sflag:s26], $0x50  }
0x94: {  	[sflag:s26] =	ssyncset.done $0x0  }
0x95: {  	s13 =	rddreg [dreg:$0x12];
	[sflag:s26] =	ssyncadd.s32 $0xFFFFFFB0  }
0x96: {  	[hbm4b:s13+s3] =	stream.linear.scatter [tilespmem:s8], [sflag:$0x2], $0x50, $0x38;
	[tilespmem:$0xC040] =	vst v63  }
0x97: {  	_ =	swait.ge [sflag:s26], $0x50  }
0x98: {  	[sflag:s26] =	ssyncset.done $0x0  }
0x99: {  	s14 =	rddreg [dreg:$0x13];
	[sflag:s26] =	ssyncadd.s32 $0xFFFFFFB0  }
0x9a: {  	[hbm4b:s14+s3] =	stream.linear.scatter [tilespmem:s9], [sflag:$0x2], $0x50, $0x38;
	[tilespmem:$0xC040] =	vst v63  }
0x9b: {  	_ =	swait.ge [sflag:s26], $0x50  }
0x9c: {  	[sflag:s26] =	ssyncset.done $0x0  }
0x9d: {  	s15 =	rddreg [dreg:$0x14];
	[sflag:s26] =	ssyncadd.s32 $0xFFFFFFB0  }
0x9e: {  	[hbm4b:s15+s3] =	stream.linear.scatter [tilespmem:s10], [sflag:$0x2], $0x50, $0x38;
	[tilespmem:$0xC040] =	vst v63  }
0x9f: {  	_ =	swait.ge [sflag:s26], $0x50  }
0xa0: {  	s15 =	rddreg [dreg:$0x15]  }
0xa1: {  	s18 =	simm.s32 $0x7000;
	s17 =	simm.s32 $0x7080;
	s14 =	rddreg [dreg:$0x17]  }
0xa2: {  	s16 =	simm.s32 $0x7100;
	[sflag:s26] =	ssyncset.done $0x0;
	s13 =	rddreg [dreg:$0x18]  }
0xa3: {  	s0 =	simm.s32 $0x7180;
	s11 =	rddreg [dreg:$0x19];
	[sflag:s26] =	ssyncadd.s32 $0xFFFFFFB0  }
.LBB2_4:
0xa4: {  	[tilespmem:s19], [sflag:$0x2] =	stream.linear.gather [hbm4b:s24+s3], $0x50, $0x38;
	[tilespmem:$0xC040] =	vst v63  }
0xa5: {  	_ =	swait.ge [sflag:s26], $0x50  }
0xa6: {  	[sflag:s26] =	ssyncset.done $0x0  }
0xa7: {  	[sflag:s26] =	ssyncadd.s32 $0xFFFFFFB0  }
0xa8: {  	[tilespmem:s22], [sflag:$0x2] =	stream.linear.gather [hbm4b:s29+s3], $0x50, $0x38;
	[tilespmem:$0xC040] =	vst v63  }
0xa9: {  	_ =	swait.ge [sflag:s26], $0x50  }
0xaa: {  	[sflag:s26] =	ssyncset.done $0x0  }
0xab: {  	[sflag:s26] =	ssyncadd.s32 $0xFFFFFFB0  }
0xac: {  	[tilespmem:s12], [sflag:$0x2] =	stream.linear.gather [hbm4b:s30+s3], $0x50, $0x38;
	[tilespmem:$0xC040] =	vst v63  }
0xad: {  	_ =	swait.ge [sflag:s26], $0x50  }
0xae: {  	[sflag:s26] =	ssyncset.done $0x0  }
0xaf: {  	[sflag:s26] =	ssyncadd.s32 $0xFFFFFFB0  }
0xb0: {  	[tilespmem:s4], [sflag:$0x2] =	stream.linear.gather [hbm4b:s31+s3], $0x50, $0x38;
	[tilespmem:$0xC040] =	vst v63  }
0xb1: {  	_ =	swait.ge [sflag:s26], $0x50  }
0xb2: {  	[sflag:s26] =	ssyncset.done $0x0  }
0xb3: {  	[sflag:s26] =	ssyncadd.s32 $0xFFFFFFB0  }
0xb4: {  	[tilespmem:s6], [sflag:$0x2] =	stream.indirect.gather [spmem:s1], $0x1, s19, s5, $0xb8;
	[tilespmem:$0xC040] =	vst v63  }
0xb5: {  	_ =	swait.ge [sflag:s26], $0x50  }
0xb6: {  	[sflag:s26] =	ssyncset.done $0x0  }
0xb7: {  	[sflag:s26] =	ssyncadd.s32 $0xFFFFFFB0  }
0xb8: {  	[tilespmem:s8], [sflag:$0x2] =	stream.indirect.gather [spmem:s1], $0x1, s22, s5, $0xb8;
	[tilespmem:$0xC040] =	vst v63  }
0xb9: {  	_ =	swait.ge [sflag:s26], $0x50  }
0xba: {  	[sflag:s26] =	ssyncset.done $0x0  }
0xbb: {  	[sflag:s26] =	ssyncadd.s32 $0xFFFFFFB0  }
0xbc: {  	[tilespmem:s9], [sflag:$0x2] =	stream.indirect.gather [spmem:s1], $0x1, s12, s5, $0xb8;
	[tilespmem:$0xC040] =	vst v63  }
0xbd: {  	_ =	swait.ge [sflag:s26], $0x50  }
0xbe: {  	[sflag:s26] =	ssyncset.done $0x0  }
0xbf: {  	[sflag:s26] =	ssyncadd.s32 $0xFFFFFFB0  }
0xc0: {  	[tilespmem:s10], [sflag:$0x2] =	stream.indirect.gather [spmem:s1], $0x1, s4, s5, $0xb8;
	[tilespmem:$0xC040] =	vst v63  }
0xc1: {  	_ =	swait.ge [sflag:s26], $0x50  }
0xc2: {  	[sflag:s26] =	ssyncset.done $0x0  }
0xc3: {  	s15 =	sadd.s32 s7, s15;
	[sflag:s26] =	ssyncadd.s32 $0xFFFFFFB0  }
0xc4: {  	[hbm4b:s15+s3] =	stream.linear.scatter [tilespmem:s6], [sflag:$0x2], $0x50, $0x38;
	[tilespmem:$0xC040] =	vst v63  }
0xc5: {  	_ =	swait.ge [sflag:s26], $0x50  }
0xc6: {  	[sflag:s26] =	ssyncset.done $0x0  }
0xc7: {  	s14 =	sadd.s32 s7, s14;
	[sflag:s26] =	ssyncadd.s32 $0xFFFFFFB0  }
0xc8: {  	[hbm4b:s14+s3] =	stream.linear.scatter [tilespmem:s8], [sflag:$0x2], $0x50, $0x38;
	[tilespmem:$0xC040] =	vst v63  }
0xc9: {  	_ =	swait.ge [sflag:s26], $0x50  }
0xca: {  	[sflag:s26] =	ssyncset.done $0x0  }
0xcb: {  	s13 =	sadd.s32 s7, s13;
	[sflag:s26] =	ssyncadd.s32 $0xFFFFFFB0  }
0xcc: {  	[hbm4b:s13+s3] =	stream.linear.scatter [tilespmem:s9], [sflag:$0x2], $0x50, $0x38;
	[tilespmem:$0xC040] =	vst v63  }
0xcd: {  	s25 =	sadd.s32 $0xFFFFFFFF, s25;
	_ =	swait.ge [sflag:s26], $0x50  }
0xce: {  	p1 =	sne.s32 s25, $0x0;
	[sflag:s26] =	ssyncset.done $0x0  }
.Ltmp1:
0xcf: {  	s11 =	sadd.s32 s7, s11;
	[sflag:s26] =	ssyncadd.s32 $0xFFFFFFB0;
	(pc) =	sbr.rel @!p1 .LBB2_5-.Ltmp1, $4  }
0xd0: {  	[hbm4b:s11+s3] =	stream.linear.scatter [tilespmem:s10], [sflag:$0x2], $0x50, $0x38;
	[tilespmem:$0xC040] =	vst v63  }
0xd1: {  	_ =	swait.ge [sflag:s26], $0x50  }
0xd2: {  	[sflag:s26] =	ssyncset.done $0x0  }
0xd3: {  	[sflag:s26] =	ssyncadd.s32 $0xFFFFFFB0  }
.LBB2_1:
0xd4: {  	s11 =	rddreg [dreg:$0x6]  }
0xd5: {  	[tilespmem:s3], [sflag:$0x2] =	stream.linear.gather [hbm4b:s11+s3], $0x3700, $0x38;
	[tilespmem:$0xC040] =	vst v63  }
0xd6: {  	_ =	swait.ge [sflag:s26], $0x3700  }
0xd7: {  	[sflag:s26] =	ssyncset.done $0x0  }
0xd8: {  	s31 =	rddreg [dreg:$0x3];
	[sflag:s26] =	ssyncadd.s32 $0xFFFFC900  }
0xd9: {  	[tilespmem:s28], [sflag:$0x1] =	stream.indirect.gather [hbm4b:s31+s28], $0x1, s3, s28, $0xb8;
	[tilespmem:$0xC040] =	vst v63  }
0xda: {  	_ =	swait.ge [sflag:s2], $0x3700  }
0xdb: {  	[sflag:s2] =	ssyncset.done $0x0  }
0xdc: {  	s13 =	rddreg [dreg:$0x7];
	[sflag:s2] =	ssyncadd.s32 $0xFFFFC900  }
0xdd: {  	[hbm4b:s13+s3] =	stream.linear.scatter [tilespmem:s28], [sflag:$0x2], $0x3700, $0x38;
	[tilespmem:$0xC040] =	vst v63  }
0xde: {  	_ =	swait.ge [sflag:s26], $0x3700  }
0xdf: {  	[sflag:s26] =	ssyncset.done $0x0  }
0xe0: {  	s14 =	rddreg [dreg:$0x8];
	[sflag:s26] =	ssyncadd.s32 $0xFFFFC900  }
0xe1: {  	[tilespmem:s3], [sflag:$0x2] =	stream.linear.gather [hbm4b:s14+s3], $0x3700, $0x38;
	[tilespmem:$0xC040] =	vst v63  }
0xe2: {  	_ =	swait.ge [sflag:s26], $0x3700  }
0xe3: {  	[sflag:s26] =	ssyncset.done $0x0  }
0xe4: {  	s15 =	rddreg [dreg:$0x4];
	[sflag:s26] =	ssyncadd.s32 $0xFFFFC900  }
0xe5: {  	[tilespmem:s28], [sflag:$0x1] =	stream.indirect.gather [hbm4b:s15+s28], $0x1, s3, s28, $0xb8;
	[tilespmem:$0xC040] =	vst v63  }
0xe6: {  	_ =	swait.ge [sflag:s2], $0x3700  }
0xe7: {  	[sflag:s2] =	ssyncset.done $0x0  }
0xe8: {  	s24 =	rddreg [dreg:$0x9];
	[sflag:s2] =	ssyncadd.s32 $0xFFFFC900  }
0xe9: {  	[hbm4b:s24+s3] =	stream.linear.scatter [tilespmem:s28], [sflag:$0x2], $0x3700, $0x38;
	[tilespmem:$0xC040] =	vst v63  }
0xea: {  	_ =	swait.ge [sflag:s26], $0x3700  }
0xeb: {  	[sflag:s26] =	ssyncset.done $0x0  }
0xec: {  	s29 =	rddreg [dreg:$0xb];
	[sflag:s26] =	ssyncadd.s32 $0xFFFFC900  }
0xed: {  	[tilespmem:s3], [sflag:$0x2] =	stream.linear.gather [hbm4b:s29+s3], $0x3700, $0x38;
	[tilespmem:$0xC040] =	vst v63  }
0xee: {  	_ =	swait.ge [sflag:s26], $0x3700  }
0xef: {  	[sflag:s26] =	ssyncset.done $0x0  }
0xf0: {  	s30 =	rddreg [dreg:$0x5];
	[sflag:s26] =	ssyncadd.s32 $0xFFFFC900  }
0xf1: {  	[tilespmem:s28], [sflag:$0x1] =	stream.indirect.gather [hbm4b:s30+s28], $0x1, s3, s28, $0xb8;
	[tilespmem:$0xC040] =	vst v63  }
0xf2: {  	_ =	swait.ge [sflag:s2], $0x3700  }
0xf3: {  	[sflag:s2] =	ssyncset.done $0x0  }
0xf4: {  	s31 =	rddreg [dreg:$0xc];
	[sflag:s2] =	ssyncadd.s32 $0xFFFFC900  }
0xf5: {  	[hbm4b:s31+s3] =	stream.linear.scatter [tilespmem:s28], [sflag:$0x2], $0x3700, $0x38;
	[tilespmem:$0xC040] =	vst v63  }
0xf6: {  	_ =	swait.ge [sflag:s26], $0x3700  }
0xf7: {  	[sflag:s26] =	ssyncset.done $0x0  }
0xf8: {  	[sflag:s26] =	ssyncadd.s32 $0xFFFFC900  }
0xf9: {  	[tilespmem:$0x7000] =	vst v0  }
0xfa: {  	[tilespmem:$0x7010] =	vst v1  }
0xfb: {  	[tilespmem:$0x7020] =	vst v2  }
0xfc: {  	[tilespmem:$0x7030] =	vst v3  }
0xfd: {  	[tilespmem:$0x7040] =	vst v4  }
0xfe: {  	[tilespmem:$0x7080] =	vst v5  }
0xff: {  	[tilespmem:$0x7090] =	vst v6  }
0x100: {  	[tilespmem:$0x70A0] =	vst v7  }
0x101: {  	[tilespmem:$0x70B0] =	vst v8  }
0x102: {  	[tilespmem:$0x70C0] =	vst v9  }
0x103: {  	[tilespmem:$0x7100] =	vst v10  }
0x104: {  	[tilespmem:$0x7110] =	vst v11  }
0x105: {  	[tilespmem:$0x7120] =	vst v12  }
0x106: {  	[tilespmem:$0x7130] =	vst v13  }
0x107: {  	[tilespmem:$0x7140] =	vst v14  }
.Ltmp2:
0x108: {  	[tilespmem:$0x7180] =	vst v15;
	(pc) =	sbr.rel @p0 .LBB2_3-.Ltmp2, $4  }
0x109: {  	[tilespmem:$0x7190] =	vst v16  }
0x10a: {  	[tilespmem:$0x71A0] =	vst v17  }
0x10b: {  	[tilespmem:$0x71B0] =	vst v18  }
0x10c: {  	[tilespmem:$0x71C0] =	vst v19  }
0x10d: {  	s24 =	sld [smem:$0x7F8];
	_ =	sdelay $0x2  }
0x10e: {  	[tilespmem:s19], [sflag:$0x2] =	stream.linear.gather [hbm4b:s24+s3], $0x50, $0x38;
	[tilespmem:$0xC040] =	vst v63  }
0x10f: {  	_ =	swait.ge [sflag:s26], $0x50  }
0x110: {  	s29 =	sld [smem:$0x7F9]  }
0x111: {  	[sflag:s26] =	ssyncset.done $0x0  }
0x112: {  	[sflag:s26] =	ssyncadd.s32 $0xFFFFFFB0  }
0x113: {  	[tilespmem:s22], [sflag:$0x2] =	stream.linear.gather [hbm4b:s29+s3], $0x50, $0x38;
	[tilespmem:$0xC040] =	vst v63  }
0x114: {  	_ =	swait.ge [sflag:s26], $0x50  }
0x115: {  	[sflag:s26] =	ssyncset.done $0x0  }
0x116: {  	[sflag:s26] =	ssyncadd.s32 $0xFFFFFFB0  }
0x117: {  	[tilespmem:s12], [sflag:$0x2] =	stream.linear.gather [hbm4b:s21+s3], $0x50, $0x38;
	[tilespmem:$0xC040] =	vst v63  }
0x118: {  	_ =	swait.ge [sflag:s26], $0x50  }
0x119: {  	[sflag:s26] =	ssyncset.done $0x0  }
0x11a: {  	[sflag:s26] =	ssyncadd.s32 $0xFFFFFFB0  }
0x11b: {  	[tilespmem:s4], [sflag:$0x2] =	stream.linear.gather [hbm4b:s23+s3], $0x50, $0x38;
	[tilespmem:$0xC040] =	vst v63  }
0x11c: {  	_ =	swait.ge [sflag:s26], $0x50  }
0x11d: {  	[sflag:s26] =	ssyncset.done $0x0  }
0x11e: {  	[sflag:s26] =	ssyncadd.s32 $0xFFFFFFB0  }
0x11f: {  	[spmem:s1] =	stream.indirect.scatter [tilespmem:s18], [sflag:$0x2], $0x1, s19, s5, $0xb8;
	[tilespmem:$0xC040] =	vst v63  }
0x120: {  	_ =	swait.ge [sflag:s26], $0x50  }
0x121: {  	[sflag:s26] =	ssyncset.done $0x0  }
0x122: {  	[sflag:s26] =	ssyncadd.s32 $0xFFFFFFB0  }
0x123: {  	[spmem:s1] =	stream.indirect.scatter [tilespmem:s17], [sflag:$0x2], $0x1, s22, s5, $0xb8;
	[tilespmem:$0xC040] =	vst v63  }
0x124: {  	_ =	swait.ge [sflag:s26], $0x50  }
0x125: {  	[sflag:s26] =	ssyncset.done $0x0  }
0x126: {  	[sflag:s26] =	ssyncadd.s32 $0xFFFFFFB0  }
0x127: {  	[spmem:s1] =	stream.indirect.scatter [tilespmem:s16], [sflag:$0x2], $0x1, s12, s5, $0xb8;
	[tilespmem:$0xC040] =	vst v63  }
0x128: {  	_ =	swait.ge [sflag:s26], $0x50  }
0x129: {  	[sflag:s26] =	ssyncset.done $0x0  }
0x12a: {  	[sflag:s26] =	ssyncadd.s32 $0xFFFFFFB0  }
0x12b: {  	[spmem:s1] =	stream.indirect.scatter [tilespmem:s0], [sflag:$0x2], $0x1, s4, s5, $0xb8;
	[tilespmem:$0xC040] =	vst v63  }
0x12c: {  	_ =	swait.ge [sflag:s26], $0x50  }
0x12d: {  	[sflag:s26] =	ssyncset.done $0x0  }
0x12e: {  	[sflag:s26] =	ssyncadd.s32 $0xFFFFFFB0  }
.Ltmp3:
0x12f: {  	[bflag:$0x0] =	sbarrier.arrive $0xFFFF;
	(pc) =	sbr.rel .LBB2_4-.Ltmp3, $4  }
0x130: {  	s15 =	rddreg [dreg:$0xa]  }
0x131: {  	s14 =	rddreg [dreg:$0x1a]  }
0x132: {  	s13 =	rddreg [dreg:$0x1b]  }
0x133: {  	s30 =	smov.u32 s21;
	s31 =	smov.u32 s23;
	s11 =	rddreg [dreg:$0x1c]  }
.LBB2_5:
0x134: {  	_ =	sfence.sel $0x180000  }
0x135: {  	[bflag:$0x0] =	sbarrier.arrive $0xFFFF  }
0x136: {  	_ =	strace $0x90000047  }
0x137: {  	s0 =	stileid.u32;
	[bflag:$0x2] =	sbarrier.arrive $0xFFFF  }
0x138: {  	p0 =	sne.s32 s0, $0x0;
	s0 =	rddreg [dreg:$0x2]  }
0x139: {  	s0 =	sadd.s32 @!p0 $0x100000, s0  }
0x13a: {  	[sflag:s0] =	ssyncadd.tile.s32 @!p0 $0x1;
	_ =	shalt  }
.Lfunc_end2:
_tile_overlayer_lowered:
.L_overlay_start_2:
0x13b: {  	(tag) =	ssettag $0x2  }
0x13c: {  	s0 =	rddreg [dreg:$0x0];
	s2 =	stileid.u32  }
0x13d: {  	s1 =	rddreg [dreg:$0x1];
	p0 =	sne.s32 s2, $0x0  }
0x13e: {  	s3 =	rddreg [dreg:$0x2];
	[bflag:$0x3] =	sbarrier.arrive $0xFFFF;
	s2 =	simm.s32 @!p0 $0x1C02  }
0x13f: {  	[timem:s3], [sflag:s2] =	dma.local @!p0 [hbm:s0], s1  }
0x140: {  	s0 =	simm.s32 @!p0 $0x2  }
0x141: {  	_ =	swait.ge @!p0 [sflag:s0], s1  }
0x142: {  	s1 =	ssub.s32 @!p0 $0x0, s1;
	[sflag:s0] =	ssyncset.done @!p0 $0x0  }
0x143: {  	[sflag:s0] =	ssyncadd.s32 @!p0 s1  }
0x144: {  	[bflag:$0x3] =	sbarrier.arrive $0xFFFF  }
0x145: {  	_ =	shalt  }

</sc_bundles>
